<compile_context>
chip_gen: v7x
topology: tpu7x:2x2x1
jax: 0.10.2.dev20260603
libtpu: 0.0.44.dev20260713+nightly
codegen_flags: <defaults>
</compile_context>

<pallas_src>
import functools

import jax
import jax.numpy as jnp
from jax import lax
from jax.experimental import pallas as pl
from jax.experimental.pallas import tpu as pltpu
from jax.experimental.pallas import tpu_sc as plsc

F32 = jnp.float32
I32 = jnp.int32

L = 16
ROWE = 128
NC = 2
NS = 16
NW = NC * NS
BLK = 2000


def _ceil_to(a, m):
    return -(-a // m) * m



CH = 8


def _lane():
    return lax.iota(I32, L)


def _bitrev(lane):
    return (((lane & 1) << 3) | ((lane & 2) << 1)
            | ((lane & 4) >> 1) | ((lane & 8) >> 3))


def _packsum(qs, lane, bitrev):
    vecs = list(qs)
    w = L
    while len(vecs) > 1:
        h = w // 2
        perm = lane ^ h
        mask = (lane & h) == 0
        nxt = []
        for i in range(len(vecs) // 2):
            a, b = vecs[2 * i], vecs[2 * i + 1]
            a2 = a + jnp.take(a, perm, axis=0)
            b2 = b + jnp.take(b, perm, axis=0)
            nxt.append(jnp.where(mask, a2, b2))
        vecs = nxt
        w = h
    return jnp.take(vecs[0], bitrev, axis=0)


def _load_table(src_ref, tab, s, tile_rows):
    def _tl(t, _):
        off = s * tile_rows + t * 784
        pltpu.sync_copy(src_ref.at[pl.ds(off, 784)],
                        tab.at[pl.ds(off, 784)])
        return 0
    lax.fori_loop(0, tile_rows // 784, _tl, 0)


def _make_sc_passa1(r_pad, npad):
    e_pad = r_pad * ROWE
    mesh = plsc.VectorSubcoreMesh(core_axis_name="c", subcore_axis_name="s")
    tile_rows = npad // NS

    @functools.partial(
        pl.kernel,
        out_type=jax.ShapeDtypeStruct((e_pad * L,), F32),
        mesh=mesh,
        scratch_types=[
            pltpu.VMEM((CH, ROWE), I32),
            pltpu.VMEM((ROWE, L), F32),
            pltpu.VMEM((CH // 2 * ROWE * L,), F32),
            pltpu.VMEM_SHARED((npad, L), F32),
            pltpu.SemaphoreType.DMA,
        ],
    )
    def passa1(src_ref, xlp_ref, mrows_ref, srcv, rows2d, fbuf, xl_tab, gsem):
        c = lax.axis_index("c")
        s = lax.axis_index("s")
        wid = c * NS + s
        rows_per_tile = r_pad // NW
        chunks = rows_per_tile // CH

        _load_table(xlp_ref, xl_tab, s, tile_rows)
        plsc.subcore_barrier()

        base_row = wid * rows_per_tile

        def chunk_body(k, _):
            row = base_row + k * CH
            pltpu.sync_copy(src_ref.at[pl.ds(row, CH)], srcv)
            for half in range(2):
                for jj in range(CH // 2):
                    j = half * (CH // 2) + jj
                    pltpu.async_copy(
                        xl_tab.at[srcv.at[j]], rows2d, gsem).wait()
                    for r in range(ROWE):
                        fbuf[pl.ds((jj * ROWE + r) * L, L)] = rows2d[r, :]
                pltpu.sync_copy(
                    fbuf,
                    mrows_ref.at[pl.ds(
                        (row + half * (CH // 2)) * ROWE * L,
                        CH // 2 * ROWE * L)])
            return 0

        lax.fori_loop(0, chunks, chunk_body, 0)

    return passa1


def _make_sc_passa2(r_pad, npad):
    e_pad = r_pad * ROWE
    sl = npad // NS
    mesh = plsc.VectorSubcoreMesh(core_axis_name="c", subcore_axis_name="s")
    tile_rows = npad // NS

    @functools.partial(
        pl.kernel,
        out_type=[
            jax.ShapeDtypeStruct((e_pad,), F32),
            jax.ShapeDtypeStruct((NC, npad), F32),
        ],
        mesh=mesh,
        scratch_types=[
            pltpu.VMEM((CH, ROWE), I32),
            pltpu.VMEM((CH * ROWE,), F32),
            pltpu.VMEM((ROWE * L,), F32),
            pltpu.VMEM((ROWE, L), F32),
            pltpu.VMEM((CH * ROWE,), F32),
            pltpu.VMEM((L,), F32),
            pltpu.VMEM((L,), F32),
            pltpu.VMEM_SHARED((npad, L), F32),
            pltpu.VMEM_SHARED((npad,), F32),
            pltpu.SemaphoreType.DMA,
        ],
    )
    def passa2(dst_ref, ea_ref, mrows_ref, xrp_ref, wvec_ref, avec_ref,
               zeros1_ref, ealpha_ref, denomp_ref,
               dstv, eav, mbuf, xrr, ebuf, wv, av, xr_tab, denom_sh, gsem):
        c = lax.axis_index("c")
        s = lax.axis_index("s")
        wid = c * NS + s
        rows_per_tile = r_pad // NW
        chunks = rows_per_tile // CH

        _load_table(xrp_ref, xr_tab, s, tile_rows)
        pltpu.sync_copy(zeros1_ref.at[pl.ds(s * sl, sl)],
                        denom_sh.at[pl.ds(s * sl, sl)])
        pltpu.sync_copy(wvec_ref, wv)
        pltpu.sync_copy(avec_ref, av)
        plsc.subcore_barrier()

        lane = _lane()
        bitrev = _bitrev(lane)
        we_v = wv[...]
        at_v = av[...]
        base_row = wid * rows_per_tile

        def chunk_body(k, _):
            row = base_row + k * CH
            pltpu.sync_copy(dst_ref.at[pl.ds(row, CH)], dstv)
            pltpu.sync_copy(ea_ref.at[pl.ds(row * ROWE, CH * ROWE)], eav)

            def j_body(j, _):
                pltpu.sync_copy(
                    mrows_ref.at[pl.ds((row + j) * ROWE * L, ROWE * L)],
                    mbuf)
                pltpu.async_copy(xr_tab.at[dstv.at[j]], xrr, gsem).wait()

                for g in range(8):
                    goff = j * ROWE + g * L
                    ea16 = eav[pl.ds(goff, L)]
                    qs = []
                    for i in range(L):
                        rs = g * L + i
                        m = (mbuf[pl.ds(rs * L, L)] + xrr[rs, :])
                        eai = jnp.take(ea16, jnp.full((L,), i, I32), axis=0)
                        m = m + eai * we_v
                        m = jnp.maximum(m, 0.2 * m)
                        qs.append(m * at_v)
                    alpha16 = _packsum(qs, lane, bitrev)
                    ebuf[pl.ds(goff, L)] = jnp.exp(alpha16)

                pltpu.sync_copy(ebuf.at[pl.ds(j * ROWE, ROWE)],
                                denom_sh.at[dstv.at[j]], add=True)
                return 0

            lax.fori_loop(0, CH, j_body, 0)
            pltpu.sync_copy(ebuf,
                            ealpha_ref.at[pl.ds(row * ROWE, CH * ROWE)])
            return 0

        lax.fori_loop(0, chunks, chunk_body, 0)
        plsc.subcore_barrier()
        pltpu.sync_copy(denom_sh.at[pl.ds(s * sl, sl)],
                        denomp_ref.at[c, pl.ds(s * sl, sl)])

    return passa2


def _make_sc_passc(r_pad, npad):
    e_pad = r_pad * ROWE
    sl = npad // NS
    mesh = plsc.VectorSubcoreMesh(core_axis_name="c", subcore_axis_name="s")

    @functools.partial(
        pl.kernel,
        out_type=[
            jax.ShapeDtypeStruct((e_pad,), F32),
            jax.ShapeDtypeStruct((NC, npad, L), F32),
        ],
        mesh=mesh,
        scratch_types=[
            pltpu.VMEM((CH, ROWE), I32),
            pltpu.VMEM((CH * ROWE,), F32),
            pltpu.VMEM((CH * ROWE,), F32),
            pltpu.VMEM((CH * ROWE,), F32),
            pltpu.VMEM((ROWE * L,), F32),
            pltpu.VMEM((ROWE, L), F32),
            pltpu.VMEM_SHARED((npad,), F32),
            pltpu.VMEM_SHARED((npad, L), F32),
            pltpu.SemaphoreType.DMA,
        ],
    )
    def passc(dst_ref, ealpha_ref, mrows_ref, denom_ref, zeros2_ref,
              alphan_ref, outp_ref,
              dstv, ebuf, dbuf, abuf, mbuf, wbuf, den_tab, out_sh, gsem):
        c = lax.axis_index("c")
        s = lax.axis_index("s")
        wid = c * NS + s
        rows_per_tile = r_pad // NW
        chunks = rows_per_tile // CH

        pltpu.sync_copy(denom_ref.at[pl.ds(s * sl, sl)],
                        den_tab.at[pl.ds(s * sl, sl)])

        def _zc(t, _):
            off = s * sl + t * 784
            pltpu.sync_copy(zeros2_ref.at[pl.ds(off, 784)],
                            out_sh.at[pl.ds(off, 784)])
            return 0
        lax.fori_loop(0, sl // 784, _zc, 0)
        plsc.subcore_barrier()

        base_row = wid * rows_per_tile

        def chunk_body(k, _):
            row = base_row + k * CH
            pltpu.sync_copy(dst_ref.at[pl.ds(row, CH)], dstv)
            pltpu.sync_copy(ealpha_ref.at[pl.ds(row * ROWE, CH * ROWE)],
                            ebuf)
            descs = []
            for j in range(CH):
                descs.append(pltpu.async_copy(
                    den_tab.at[dstv.at[j]],
                    dbuf.at[pl.ds(j * ROWE, ROWE)], gsem))
            for d in descs:
                d.wait()

            def j_body(j, _):
                pltpu.sync_copy(
                    mrows_ref.at[pl.ds((row + j) * ROWE * L, ROWE * L)],
                    mbuf)
                for g in range(8):
                    goff = j * ROWE + g * L
                    an16 = (ebuf[pl.ds(goff, L)]
                            / (dbuf[pl.ds(goff, L)] + 1e-16))
                    abuf[pl.ds(goff, L)] = an16
                    for i in range(L):
                        rs = g * L + i
                        ani = jnp.take(an16, jnp.full((L,), i, I32), axis=0)
                        wbuf[rs, :] = mbuf[pl.ds(rs * L, L)] * ani
                pltpu.sync_copy(wbuf, out_sh.at[dstv.at[j]], add=True)
                return 0

            lax.fori_loop(0, CH, j_body, 0)
            pltpu.sync_copy(abuf,
                            alphan_ref.at[pl.ds(row * ROWE, CH * ROWE)])
            return 0

        lax.fori_loop(0, chunks, chunk_body, 0)
        plsc.subcore_barrier()

        def _ep(t, _):
            off = s * sl + t * 784
            pltpu.sync_copy(out_sh.at[pl.ds(off, 784)],
                            outp_ref.at[c, pl.ds(off, 784), :])
            return 0
        lax.fori_loop(0, sl // 784, _ep, 0)

    return passc



def _tc_proj1(x, wcat, bcat, n):
    grid = n // BLK

    def body(x_ref, w_ref, b_ref, xl_ref, xr_ref, sk_ref):
        y = jnp.dot(x_ref[...], w_ref[...],
                    preferred_element_type=F32) + b_ref[...]
        xl_ref[...] = y[:, 0:L]
        xr_ref[...] = y[:, L:2 * L]
        sk_ref[...] = y[:, 2 * L:3 * L]

    return pl.pallas_call(
        body,
        grid=(grid,),
        in_specs=[
            pl.BlockSpec((BLK, x.shape[1]), lambda i: (i, 0)),
            pl.BlockSpec(wcat.shape, lambda i: (0, 0)),
            pl.BlockSpec(bcat.shape, lambda i: (0, 0)),
        ],
        out_specs=[
            pl.BlockSpec((BLK, L), lambda i: (i, 0)),
            pl.BlockSpec((BLK, L), lambda i: (i, 0)),
            pl.BlockSpec((BLK, L), lambda i: (i, 0)),
        ],
        out_shape=[
            jax.ShapeDtypeStruct((n, L), F32),
            jax.ShapeDtypeStruct((n, L), F32),
            jax.ShapeDtypeStruct((n, L), F32),
        ],
    )(x, wcat, bcat)


def _tc_combine(xl, xr, d0, d1, we_row, att_row, mean_ea, n):
    grid = n // BLK

    def body(xl_ref, xr_ref, d0_ref, d1_ref, we_ref, at_ref, me_ref,
             df_ref, ans_ref, os_ref):
        m = xl_ref[...] + xr_ref[...] + me_ref[0, 0] * we_ref[...]
        m = jnp.maximum(m, 0.2 * m)
        a = jnp.sum(m * at_ref[...], axis=1, keepdims=True)
        es = jnp.exp(a)
        df = d0_ref[...] + d1_ref[...] + es
        ans = es / (df + 1e-16)
        df_ref[...] = df
        ans_ref[...] = ans
        os_ref[...] = xl_ref[...] * ans

    return pl.pallas_call(
        body,
        grid=(grid,),
        in_specs=[
            pl.BlockSpec((BLK, L), lambda i: (i, 0)),
            pl.BlockSpec((BLK, L), lambda i: (i, 0)),
            pl.BlockSpec((BLK, 1), lambda i: (i, 0)),
            pl.BlockSpec((BLK, 1), lambda i: (i, 0)),
            pl.BlockSpec((1, L), lambda i: (0, 0)),
            pl.BlockSpec((1, L), lambda i: (0, 0)),
            pl.BlockSpec((1, 1), lambda i: (0, 0)),
        ],
        out_specs=[
            pl.BlockSpec((BLK, 1), lambda i: (i, 0)),
            pl.BlockSpec((BLK, 1), lambda i: (i, 0)),
            pl.BlockSpec((BLK, L), lambda i: (i, 0)),
        ],
        out_shape=[
            jax.ShapeDtypeStruct((n, 1), F32),
            jax.ShapeDtypeStruct((n, 1), F32),
            jax.ShapeDtypeStruct((n, L), F32),
        ],
    )(xl, xr, d0, d1, we_row, att_row, mean_ea)


def _tc_post1(outp, oself, skip, badd, n):
    grid = n // BLK

    def body(o0_ref, o1_ref, os_ref, sk_ref, b_ref, hp_ref, s1_ref, s2_ref):
        hp = (o0_ref[0] + o1_ref[0] + os_ref[...] + sk_ref[...] + b_ref[...])
        hp_ref[...] = hp
        s1_ref[...] = jnp.sum(hp, axis=0, keepdims=True)[None]
        s2_ref[...] = jnp.sum(hp * hp, axis=0, keepdims=True)[None]

    return pl.pallas_call(
        body,
        grid=(grid,),
        in_specs=[
            pl.BlockSpec((1, BLK, L), lambda i: (0, i, 0)),
            pl.BlockSpec((1, BLK, L), lambda i: (1, i, 0)),
            pl.BlockSpec((BLK, L), lambda i: (i, 0)),
            pl.BlockSpec((BLK, L), lambda i: (i, 0)),
            pl.BlockSpec((1, L), lambda i: (0, 0)),
        ],
        out_specs=[
            pl.BlockSpec((BLK, L), lambda i: (i, 0)),
            pl.BlockSpec((1, 1, L), lambda i: (i, 0, 0)),
            pl.BlockSpec((1, 1, L), lambda i: (i, 0, 0)),
        ],
        out_shape=[
            jax.ShapeDtypeStruct((n, L), F32),
            jax.ShapeDtypeStruct((grid, 1, L), F32),
            jax.ShapeDtypeStruct((grid, 1, L), F32),
        ],
    )(outp, outp, oself, skip, badd)


def _tc_norm_proj2(hp, scale, shift, wcat2, bcat2, n):
    grid = n // BLK

    def body(hp_ref, sc_ref, sh_ref, w_ref, b_ref, xl_ref, xr_ref):
        hn = hp_ref[...] * sc_ref[...] + sh_ref[...]
        h = jnp.where(hn > 0, hn, jnp.exp(hn) - 1.0)
        y = jnp.dot(h, w_ref[...], preferred_element_type=F32) + b_ref[...]
        xl_ref[...] = y[:, 0:L]
        xr_ref[...] = y[:, L:2 * L]

    return pl.pallas_call(
        body,
        grid=(grid,),
        in_specs=[
            pl.BlockSpec((BLK, L), lambda i: (i, 0)),
            pl.BlockSpec((1, L), lambda i: (0, 0)),
            pl.BlockSpec((1, L), lambda i: (0, 0)),
            pl.BlockSpec((L, 2 * L), lambda i: (0, 0)),
            pl.BlockSpec((1, 2 * L), lambda i: (0, 0)),
        ],
        out_specs=[
            pl.BlockSpec((BLK, L), lambda i: (i, 0)),
            pl.BlockSpec((BLK, L), lambda i: (i, 0)),
        ],
        out_shape=[
            jax.ShapeDtypeStruct((n, L), F32),
            jax.ShapeDtypeStruct((n, L), F32),
        ],
    )(hp, scale, shift, wcat2, bcat2)


def _tc_final(outp2, oself2, b2, wfc, bfc, wc, bc, wt, bt, n, dc, dt):
    grid = n // BLK

    def body(o0_ref, o1_ref, os_ref, b2_ref, wfc_ref, bfc_ref, wc_ref,
             bc_ref, wt_ref, bt_ref, out_ref):
        h2 = o0_ref[0] + o1_ref[0] + os_ref[...] + b2_ref[...]
        h = jnp.where(h2 > 0, h2, jnp.exp(h2) - 1.0)
        hl = jnp.dot(h, wfc_ref[...], preferred_element_type=F32) + bfc_ref[...]
        hl = jnp.maximum(hl, 0.0)
        lc = jnp.dot(hl, wc_ref[...], preferred_element_type=F32) + bc_ref[...]
        lt = jnp.dot(hl, wt_ref[...], preferred_element_type=F32) + bt_ref[...]

        def lsm(z):
            zm = jnp.max(z, axis=1, keepdims=True)
            e = z - zm
            return e - jnp.log(jnp.sum(jnp.exp(e), axis=1, keepdims=True))

        out_ref[...] = jnp.concatenate([lsm(lc), lsm(lt)], axis=1)

    return pl.pallas_call(
        body,
        grid=(grid,),
        in_specs=[
            pl.BlockSpec((1, BLK, L), lambda i: (0, i, 0)),
            pl.BlockSpec((1, BLK, L), lambda i: (1, i, 0)),
            pl.BlockSpec((BLK, L), lambda i: (i, 0)),
            pl.BlockSpec((1, L), lambda i: (0, 0)),
            pl.BlockSpec((L, L), lambda i: (0, 0)),
            pl.BlockSpec((1, L), lambda i: (0, 0)),
            pl.BlockSpec((L, dc), lambda i: (0, 0)),
            pl.BlockSpec((1, dc), lambda i: (0, 0)),
            pl.BlockSpec((L, dt), lambda i: (0, 0)),
            pl.BlockSpec((1, dt), lambda i: (0, 0)),
        ],
        out_specs=pl.BlockSpec((BLK, dc + dt), lambda i: (i, 0)),
        out_shape=jax.ShapeDtypeStruct((n, dc + dt), F32),
    )(outp2, outp2, oself2, b2, wfc, bfc, wc, bc, wt, bt)




def _tc_edge_alpha(mrows, xrows, ea2, we_row, att_row, epad):
    blk = 6400
    grid = epad // blk

    def body(m_ref, x_ref, e_ref, w_ref, a_ref, o_ref):
        m = m_ref[...] + x_ref[...] + e_ref[...] * w_ref[...]
        m = jnp.maximum(m, 0.2 * m)
        o_ref[...] = jnp.exp(
            jnp.sum(m * a_ref[...], axis=1, keepdims=True))

    return pl.pallas_call(
        body,
        grid=(grid,),
        in_specs=[
            pl.BlockSpec((blk, L), lambda i: (i, 0)),
            pl.BlockSpec((blk, L), lambda i: (i, 0)),
            pl.BlockSpec((blk, 1), lambda i: (i, 0)),
            pl.BlockSpec((1, L), lambda i: (0, 0)),
            pl.BlockSpec((1, L), lambda i: (0, 0)),
        ],
        out_specs=pl.BlockSpec((blk, 1), lambda i: (i, 0)),
        out_shape=jax.ShapeDtypeStruct((epad, 1), F32),
    )(mrows, xrows, ea2, we_row, att_row)


def _tc_edge_norm(mrows, ealpha, dfe, epad):
    blk = 6400
    grid = epad // blk

    def body(m_ref, e_ref, d_ref, an_ref, w_ref):
        an = e_ref[...] / (d_ref[...] + 1e-16)
        an_ref[...] = an
        w_ref[...] = m_ref[...] * an

    return pl.pallas_call(
        body,
        grid=(grid,),
        in_specs=[
            pl.BlockSpec((blk, L), lambda i: (i, 0)),
            pl.BlockSpec((blk, 1), lambda i: (i, 0)),
            pl.BlockSpec((blk, 1), lambda i: (i, 0)),
        ],
        out_specs=[
            pl.BlockSpec((blk, 1), lambda i: (i, 0)),
            pl.BlockSpec((blk, L), lambda i: (i, 0)),
        ],
        out_shape=[
            jax.ShapeDtypeStruct((epad, 1), F32),
            jax.ShapeDtypeStruct((epad, L), F32),
        ],
    )(mrows, ealpha, dfe)



def kernel(x, edge_index, edge_attr, Wl1, bl1, Wr1, br1, We1, att1, b1,
           Wskip, bskip, gamma, beta, Wl2, bl2, Wr2, br2, We2, att2, b2,
           Wfc, bfc, Wc, bc, Wt, bt):
    n, f_in = x.shape
    e = edge_index.shape[1]
    dc = Wc.shape[1]
    dt = Wt.shape[1]

    r_pad = _ceil_to(_ceil_to(e, ROWE) // ROWE, NW * CH)
    e_pad = r_pad * ROWE
    pad_e = e_pad - e
    sl = _ceil_to(-(-(n + 1) // NS), 448)
    npad = NS * sl

    src = edge_index[0]
    dst = edge_index[1]
    ea = edge_attr[:, 0]
    mean_ea = jnp.mean(ea)

    mean_ea_arr = mean_ea.reshape(1, 1)
    e_blk = _ceil_to(e, 6400)
    srcf = jnp.concatenate([src, jnp.zeros((e_blk - e,), I32)])
    dstf = jnp.concatenate([dst, jnp.full((e_blk - e,), n - 1, I32)])
    eaf = jnp.concatenate([ea, jnp.zeros((e_blk - e,), F32)]).reshape(e_blk, 1)

    def gat_layer(xl, xr, we_row, att_row):
        mrows = xl[srcf]
        xrows = xr[dstf]
        ealpha = _tc_edge_alpha(mrows, xrows, eaf, we_row.reshape(1, L),
                                att_row.reshape(1, L), e_blk)
        emask = (jnp.arange(e_blk) < e)[:, None]
        denom = jax.ops.segment_sum(
            jnp.where(emask, ealpha, 0.0), dstf, num_segments=n)
        dfull, ans_self, oself = _tc_combine(
            xl, xr, denom, jnp.zeros_like(denom),
            we_row.reshape(1, L), att_row.reshape(1, L), mean_ea_arr, n)
        dfe = dfull[dstf]
        alphan, wrows = _tc_edge_norm(mrows, ealpha, dfe, e_blk)
        oedge = jax.ops.segment_sum(
            jnp.where(emask, wrows, 0.0), dstf, num_segments=n)
        outp = jnp.stack([oedge, jnp.zeros_like(oedge)])
        return outp, oself, alphan, ans_self

    wcat1 = jnp.concatenate([Wl1, Wr1, Wskip], axis=1)
    bcat1 = jnp.concatenate([bl1, br1, bskip]).reshape(1, 3 * L)
    xl1, xr1, skip = _tc_proj1(x, wcat1, bcat1, n)

    outp1, oself1, _, _ = gat_layer(xl1, xr1, We1[0], att1.reshape(L))

    badd1 = b1.reshape(1, L)
    hp, s1, s2 = _tc_post1(outp1, oself1, skip, badd1, n)
    mu = jnp.sum(s1[:, 0, :], axis=0) / n
    var = jnp.sum(s2[:, 0, :], axis=0) / n - mu * mu
    scale = gamma / jnp.sqrt(var + 1e-5)
    shift = beta - mu * scale

    wcat2 = jnp.concatenate([Wl2, Wr2], axis=1)
    bcat2 = jnp.concatenate([bl2, br2]).reshape(1, 2 * L)
    xl2, xr2 = _tc_norm_proj2(hp, scale.reshape(1, L), shift.reshape(1, L),
                              wcat2, bcat2, n)

    outp2, oself2, alphan2, ans_self2 = gat_layer(
        xl2, xr2, We2[0], att2.reshape(L))

    out = _tc_final(outp2, oself2, b2.reshape(1, L), Wfc, bfc.reshape(1, L),
                    Wc, bc.reshape(1, dc), Wt, bt.reshape(1, dt), n, dc, dt)

    alpha2 = jnp.concatenate([alphan2[:e], ans_self2], axis=0)
    return (out, alpha2)

# --- scband reference (transcript-rebuilt; emitter-appended) ---
"""Pipeline reference for scband-gat2-26465588478554 (READ-ONLY COPY).

The authoritative reference and input builder live on the scoring server;
editing this copy changes nothing except your own understanding.
"""

import jax, jax.numpy as jnp
import numpy as np

N = 100000
E = 3200000
F_IN = 128
DH = 16
H1 = 1
D_CLONE = 9
D_TYPE = 4


def _glorot(key, shape):
    fan_in, fan_out = shape[0], shape[-1]
    s = np.sqrt(6.0 / (fan_in + fan_out))
    return jax.random.uniform(key, shape, minval=-s, maxval=s, dtype=jnp.float32)


def setup_inputs(seed: int = 0):
    key = jax.random.key(seed)
    ks = jax.random.split(key, 30)
    inp = {}
    inp['x'] = jax.random.normal(ks[0], (N, F_IN), dtype=jnp.float32)
    inp['edge_index'] = jax.random.randint(ks[1], (2, E), 0, N, dtype=jnp.int32)
    inp['edge_attr'] = jax.random.normal(ks[2], (E, 1), dtype=jnp.float32)
    # gat1: GATv2Conv(128 -> 16, heads=1, edge_dim=1)
    inp['Wl1'] = _glorot(ks[3], (F_IN, H1 * DH)); inp['bl1'] = jnp.zeros((H1 * DH,), jnp.float32)
    inp['Wr1'] = _glorot(ks[4], (F_IN, H1 * DH)); inp['br1'] = jnp.zeros((H1 * DH,), jnp.float32)
    inp['We1'] = _glorot(ks[5], (1, H1 * DH))
    inp['att1'] = _glorot(ks[6], (1, H1, DH))
    inp['b1'] = jnp.zeros((H1 * DH,), jnp.float32)
    # skip: Linear(128 -> 16)
    inp['Wskip'] = _glorot(ks[7], (F_IN, H1 * DH)); inp['bskip'] = jnp.zeros((H1 * DH,), jnp.float32)
    # batchnorm1
    inp['gamma'] = jnp.ones((H1 * DH,), jnp.float32); inp['beta'] = jnp.zeros((H1 * DH,), jnp.float32)
    # gat2: GATv2Conv(16 -> 16, heads=1, edge_dim=1)
    inp['Wl2'] = _glorot(ks[8], (H1 * DH, DH)); inp['bl2'] = jnp.zeros((DH,), jnp.float32)
    inp['Wr2'] = _glorot(ks[9], (H1 * DH, DH)); inp['br2'] = jnp.zeros((DH,), jnp.float32)
    inp['We2'] = _glorot(ks[10], (1, DH))
    inp['att2'] = _glorot(ks[11], (1, 1, DH))
    inp['b2'] = jnp.zeros((DH,), jnp.float32)
    # fc1 and classifiers
    inp['Wfc'] = _glorot(ks[12], (DH, DH)); inp['bfc'] = jnp.zeros((DH,), jnp.float32)
    inp['Wc'] = _glorot(ks[13], (DH, D_CLONE)); inp['bc'] = jnp.zeros((D_CLONE,), jnp.float32)
    inp['Wt'] = _glorot(ks[14], (DH, D_TYPE)); inp['bt'] = jnp.zeros((D_TYPE,), jnp.float32)
    return inp


def _gatv2(x, edge_index, edge_attr, Wl, bl, Wr, br, We, att, b_out, H, C):
    n = x.shape[0]
    loop = jnp.arange(n, dtype=edge_index.dtype)
    ei = jnp.concatenate([edge_index, jnp.stack([loop, loop])], axis=1)
    ea_mean = jnp.mean(edge_attr, axis=0, keepdims=True)
    ea = jnp.concatenate([edge_attr, jnp.broadcast_to(ea_mean, (n, edge_attr.shape[1]))], axis=0)
    src = ei[0]
    dst = ei[1]
    xl = (x @ Wl + bl).reshape(n, H, C)
    xr = (x @ Wr + br).reshape(n, H, C)
    eemb = (ea @ We).reshape(-1, H, C)
    m = xl[src] + xr[dst] + eemb
    m = jax.nn.leaky_relu(m, negative_slope=0.2)
    alpha = jnp.sum(m * att, axis=-1)  # [E+n, H]
    amax = jax.ops.segment_max(alpha, dst, num_segments=n)
    amax = jnp.where(jnp.isfinite(amax), amax, 0.0)
    ealpha = jnp.exp(alpha - amax[dst])
    denom = jax.ops.segment_sum(ealpha, dst, num_segments=n)
    alpha_n = ealpha / (denom[dst] + 1e-16)
    out = jax.ops.segment_sum(xl[src] * alpha_n[:, :, None], dst, num_segments=n)
    out = out.reshape(n, H * C) + b_out
    return out, alpha_n


def reference(x, edge_index, edge_attr, Wl1, bl1, Wr1, br1, We1, att1, b1, Wskip, bskip, gamma, beta, Wl2, bl2, Wr2, br2, We2, att2, b2, Wfc, bfc, Wc, bc, Wt, bt):
    h1, _ = _gatv2(x, edge_index, edge_attr, Wl1, bl1, Wr1, br1, We1, att1, b1, H1, DH)
    h = h1 + x @ Wskip + bskip
    mu = jnp.mean(h, axis=0)
    var = jnp.var(h, axis=0)
    h = (h - mu) / jnp.sqrt(var + 1e-5) * gamma + beta
    h = jax.nn.elu(h)
    h2, alpha2 = _gatv2(h, edge_index, edge_attr, Wl2, bl2, Wr2, br2, We2, att2, b2, 1, DH)
    h = jax.nn.elu(h2)
    h_last = jax.nn.relu(h @ Wfc + bfc)
    h_type = jax.nn.log_softmax(h_last @ Wt + bt, axis=1)
    h_clone = jax.nn.log_softmax(h_last @ Wc + bc, axis=1)
    out = jnp.concatenate([h_clone, h_type], axis=1)
    return (out, alpha2)

if __name__ == "__main__":
    import jax
    _d = setup_inputs()
    print(jax.jit(kernel)(*tuple(_d.values())))

</pallas_src>

<mosaic_0001>
module attributes {stable_mosaic.version = 14 : i64} {
  func.func @body(%arg0: i32, %arg1: memref<2000x128xf32, #tpu.memory_space<vmem>>, %arg2: memref<128x48xf32, #tpu.memory_space<vmem>>, %arg3: memref<1x48xf32, #tpu.memory_space<vmem>>, %arg4: memref<2000x16xf32, #tpu.memory_space<vmem>>, %arg5: memref<2000x16xf32, #tpu.memory_space<vmem>>, %arg6: memref<2000x16xf32, #tpu.memory_space<vmem>>) attributes {dimension_semantics = [#tpu.dimension_semantics<arbitrary>], iteration_bounds = array<i64: 50>, scalar_prefetch = 0 : i64, scratch_operands = 0 : i64, tpu.core_type = #tpu.core_type<tc>, window_params = [{transform_indices = @transform_0, window_bounds = array<i64: 2000, 128>}, {pipeline_mode = #tpu.pipeline_mode<synchronous>, transform_indices = @transform_1, window_bounds = array<i64: 128, 48>}, {pipeline_mode = #tpu.pipeline_mode<synchronous>, transform_indices = @transform_2, window_bounds = array<i64: 1, 48>}, {transform_indices = @transform_3, window_bounds = array<i64: 2000, 16>}, {transform_indices = @transform_4, window_bounds = array<i64: 2000, 16>}, {transform_indices = @transform_5, window_bounds = array<i64: 2000, 16>}]} {
    %get3A = arith.constant 0 : index
    %get3A_0 = arith.constant 0 : index
    %get3A_1 = vector.load %arg1[%get3A, %get3A_0] : memref<2000x128xf32, #tpu.memory_space<vmem>>, vector<2000x128xf32>
    %get3A_2 = arith.constant 0 : index
    %get3A_3 = arith.constant 0 : index
    %get3A_4 = vector.load %arg2[%get3A_2, %get3A_3] : memref<128x48xf32, #tpu.memory_space<vmem>>, vector<128x48xf32>
    %dot_general3A = arith.constant dense<0.000000e+00> : vector<2000x48xf32>
    %dot_general3A_5 = tpu.matmul %get3A_1, %get3A_4, %dot_general3A {dimension_numbers = #tpu.dot_dimension_numbers<[1], [0], [0], [1], [0, 0, 1, 1], [], []>, transpose_lhs_hint = false} : vector<2000x128xf32>, vector<128x48xf32>, vector<2000x48xf32> -> vector<2000x48xf32>
    %get3A_6 = arith.constant 0 : index
    %get3A_7 = arith.constant 0 : index
    %get3A_8 = vector.load %arg3[%get3A_6, %get3A_7] : memref<1x48xf32, #tpu.memory_space<vmem>>, vector<1x48xf32>
    %add3A = vector.broadcast %get3A_8 : vector<1x48xf32> to vector<2000x48xf32>
    %add3A_9 = arith.addf %dot_general3A_5, %add3A : vector<2000x48xf32>
    %slice3A = vector.extract_strided_slice %add3A_9 {offsets = [0, 0], sizes = [2000, 16], strides = [1, 1]} : vector<2000x48xf32> to vector<2000x16xf32>
    %swap3A = arith.constant 0 : index
    %swap3A_10 = arith.constant 0 : index
    %swap3A_11 = vector.load %arg4[%swap3A, %swap3A_10] : memref<2000x16xf32, #tpu.memory_space<vmem>>, vector<2000x16xf32>
    tpu.vector_store %arg4[%swap3A, %swap3A_10], %slice3A {strides = array<i32>} : memref<2000x16xf32, #tpu.memory_space<vmem>>, vector<2000x16xf32>,
    %slice3A_12 = vector.extract_strided_slice %add3A_9 {offsets = [0, 16], sizes = [2000, 16], strides = [1, 1]} : vector<2000x48xf32> to vector<2000x16xf32>
    %swap3A_13 = arith.constant 0 : index
    %swap3A_14 = arith.constant 0 : index
    %swap3A_15 = vector.load %arg5[%swap3A_13, %swap3A_14] : memref<2000x16xf32, #tpu.memory_space<vmem>>, vector<2000x16xf32>
    tpu.vector_store %arg5[%swap3A_13, %swap3A_14], %slice3A_12 {strides = array<i32>} : memref<2000x16xf32, #tpu.memory_space<vmem>>, vector<2000x16xf32>,
    %slice3A_16 = vector.extract_strided_slice %add3A_9 {offsets = [0, 32], sizes = [2000, 16], strides = [1, 1]} : vector<2000x48xf32> to vector<2000x16xf32>
    %swap3A_17 = arith.constant 0 : index
    %swap3A_18 = arith.constant 0 : index
    %swap3A_19 = vector.load %arg6[%swap3A_17, %swap3A_18] : memref<2000x16xf32, #tpu.memory_space<vmem>>, vector<2000x16xf32>
    tpu.vector_store %arg6[%swap3A_17, %swap3A_18], %slice3A_16 {strides = array<i32>} : memref<2000x16xf32, #tpu.memory_space<vmem>>, vector<2000x16xf32>,
    return
  }
  func.func @transform_0(%arg0: i32) -> (i32, i32) {
    %c0_i32 = arith.constant 0 : i32
    %c0_i32_0 = arith.constant 0 : i32
    return %arg0, %c0_i32 : i32, i32
  }
  func.func @transform_1(%arg0: i32) -> (i32, i32) {
    %c0_i32 = arith.constant 0 : i32
    %c0_i32_0 = arith.constant 0 : i32
    %c0_i32_1 = arith.constant 0 : i32
    return %c0_i32, %c0_i32_0 : i32, i32
  }
  func.func @transform_2(%arg0: i32) -> (i32, i32) {
    %c0_i32 = arith.constant 0 : i32
    %c0_i32_0 = arith.constant 0 : i32
    %c0_i32_1 = arith.constant 0 : i32
    return %c0_i32, %c0_i32_0 : i32, i32
  }
  func.func @transform_3(%arg0: i32) -> (i32, i32) {
    %c0_i32 = arith.constant 0 : i32
    %c0_i32_0 = arith.constant 0 : i32
    return %arg0, %c0_i32 : i32, i32
  }
  func.func @transform_4(%arg0: i32) -> (i32, i32) {
    %c0_i32 = arith.constant 0 : i32
    %c0_i32_0 = arith.constant 0 : i32
    return %arg0, %c0_i32 : i32, i32
  }
  func.func @transform_5(%arg0: i32) -> (i32, i32) {
    %c0_i32 = arith.constant 0 : i32
    %c0_i32_0 = arith.constant 0 : i32
    return %arg0, %c0_i32 : i32, i32
  }
}

module attributes {stable_mosaic.version = 14 : i64} {
  func.func @body(%arg0: i32, %arg1: memref<6400x16xf32, #tpu.memory_space<vmem>>, %arg2: memref<6400x16xf32, #tpu.memory_space<vmem>>, %arg3: memref<6400x1xf32, #tpu.memory_space<vmem>>, %arg4: memref<1x16xf32, #tpu.memory_space<vmem>>, %arg5: memref<1x16xf32, #tpu.memory_space<vmem>>, %arg6: memref<6400x1xf32, #tpu.memory_space<vmem>>) attributes {dimension_semantics = [#tpu.dimension_semantics<arbitrary>], iteration_bounds = array<i64: 500>, scalar_prefetch = 0 : i64, scratch_operands = 0 : i64, tpu.core_type = #tpu.core_type<tc>, window_params = [{transform_indices = @transform_0, window_bounds = array<i64: 6400, 16>}, {transform_indices = @transform_1, window_bounds = array<i64: 6400, 16>}, {transform_indices = @transform_2, window_bounds = array<i64: 6400, 1>}, {pipeline_mode = #tpu.pipeline_mode<synchronous>, transform_indices = @transform_3, window_bounds = array<i64: 1, 16>}, {pipeline_mode = #tpu.pipeline_mode<synchronous>, transform_indices = @transform_4, window_bounds = array<i64: 1, 16>}, {transform_indices = @transform_5, window_bounds = array<i64: 6400, 1>}]} {
    %get3A = arith.constant 0 : index
    %get3A_0 = arith.constant 0 : index
    %get3A_1 = vector.load %arg1[%get3A, %get3A_0] : memref<6400x16xf32, #tpu.memory_space<vmem>>, vector<6400x16xf32>
    %get3A_2 = arith.constant 0 : index
    %get3A_3 = arith.constant 0 : index
    %get3A_4 = vector.load %arg2[%get3A_2, %get3A_3] : memref<6400x16xf32, #tpu.memory_space<vmem>>, vector<6400x16xf32>
    %add3A = arith.addf %get3A_1, %get3A_4 : vector<6400x16xf32>
    %get3A_5 = arith.constant 0 : index
    %get3A_6 = arith.constant 0 : index
    %get3A_7 = vector.load %arg3[%get3A_5, %get3A_6] : memref<6400x1xf32, #tpu.memory_space<vmem>>, vector<6400x1xf32>
    %get3A_8 = arith.constant 0 : index
    %get3A_9 = arith.constant 0 : index
    %get3A_10 = vector.load %arg4[%get3A_8, %get3A_9] : memref<1x16xf32, #tpu.memory_space<vmem>>, vector<1x16xf32>
    %mul3A = vector.broadcast %get3A_7 : vector<6400x1xf32> to vector<6400x16xf32>
    %mul3A_11 = vector.broadcast %get3A_10 : vector<1x16xf32> to vector<6400x16xf32>
    %mul3A_12 = arith.mulf %mul3A, %mul3A_11 : vector<6400x16xf32>
    %add3A_13 = arith.addf %add3A, %mul3A_12 : vector<6400x16xf32>
    %mul3A_14 = arith.constant 2.000000e-01 : f32
    %mul3A_15 = vector.broadcast %mul3A_14 : f32 to vector<6400x16xf32>
    %mul3A_16 = arith.mulf %mul3A_15, %add3A_13 : vector<6400x16xf32>
    %max3A = arith.maximumf %add3A_13, %mul3A_16 : vector<6400x16xf32>
    %get3A_17 = arith.constant 0 : index
    %get3A_18 = arith.constant 0 : index
    %get3A_19 = vector.load %arg5[%get3A_17, %get3A_18] : memref<1x16xf32, #tpu.memory_space<vmem>>, vector<1x16xf32>
    %mul3A_20 = vector.broadcast %get3A_19 : vector<1x16xf32> to vector<6400x16xf32>
    %mul3A_21 = arith.mulf %max3A, %mul3A_20 : vector<6400x16xf32>
    %reduce_sum3A = arith.constant dense<0.000000e+00> : vector<6400xf32>
    %reduce_sum3A_22 = vector.multi_reduction <add>, %mul3A_21, %reduce_sum3A [1] : vector<6400x16xf32> to vector<6400xf32>
    %broadcast_in_dim3A = vector.shape_cast %reduce_sum3A_22 : vector<6400xf32> to vector<6400x1xf32>
    %exp3A = math.exp %broadcast_in_dim3A : vector<6400x1xf32>
    %swap3A = arith.constant 0 : index
    %swap3A_23 = arith.constant 0 : index
    %swap3A_24 = vector.load %arg6[%swap3A, %swap3A_23] : memref<6400x1xf32, #tpu.memory_space<vmem>>, vector<6400x1xf32>
    tpu.vector_store %arg6[%swap3A, %swap3A_23], %exp3A {strides = array<i32>} : memref<6400x1xf32, #tpu.memory_space<vmem>>, vector<6400x1xf32>,
    return
  }
  func.func @transform_0(%arg0: i32) -> (i32, i32) {
    %c0_i32 = arith.constant 0 : i32
    %c0_i32_0 = arith.constant 0 : i32
    return %arg0, %c0_i32 : i32, i32
  }
  func.func @transform_1(%arg0: i32) -> (i32, i32) {
    %c0_i32 = arith.constant 0 : i32
    %c0_i32_0 = arith.constant 0 : i32
    return %arg0, %c0_i32 : i32, i32
  }
  func.func @transform_2(%arg0: i32) -> (i32, i32) {
    %c0_i32 = arith.constant 0 : i32
    %c0_i32_0 = arith.constant 0 : i32
    return %arg0, %c0_i32 : i32, i32
  }
  func.func @transform_3(%arg0: i32) -> (i32, i32) {
    %c0_i32 = arith.constant 0 : i32
    %c0_i32_0 = arith.constant 0 : i32
    %c0_i32_1 = arith.constant 0 : i32
    return %c0_i32, %c0_i32_0 : i32, i32
  }
  func.func @transform_4(%arg0: i32) -> (i32, i32) {
    %c0_i32 = arith.constant 0 : i32
    %c0_i32_0 = arith.constant 0 : i32
    %c0_i32_1 = arith.constant 0 : i32
    return %c0_i32, %c0_i32_0 : i32, i32
  }
  func.func @transform_5(%arg0: i32) -> (i32, i32) {
    %c0_i32 = arith.constant 0 : i32
    %c0_i32_0 = arith.constant 0 : i32
    return %arg0, %c0_i32 : i32, i32
  }
}

module attributes {stable_mosaic.version = 14 : i64} {
  func.func @body(%arg0: i32, %arg1: memref<2000x16xf32, #tpu.memory_space<vmem>>, %arg2: memref<2000x16xf32, #tpu.memory_space<vmem>>, %arg3: memref<2000x1xf32, #tpu.memory_space<vmem>>, %arg4: memref<2000x1xf32, #tpu.memory_space<vmem>>, %arg5: memref<1x16xf32, #tpu.memory_space<vmem>>, %arg6: memref<1x16xf32, #tpu.memory_space<vmem>>, %arg7: memref<1x1xf32, #tpu.memory_space<vmem>>, %arg8: memref<2000x1xf32, #tpu.memory_space<vmem>>, %arg9: memref<2000x1xf32, #tpu.memory_space<vmem>>, %arg10: memref<2000x16xf32, #tpu.memory_space<vmem>>) attributes {dimension_semantics = [#tpu.dimension_semantics<arbitrary>], iteration_bounds = array<i64: 50>, scalar_prefetch = 0 : i64, scratch_operands = 0 : i64, tpu.core_type = #tpu.core_type<tc>, window_params = [{transform_indices = @transform_0, window_bounds = array<i64: 2000, 16>}, {transform_indices = @transform_1, window_bounds = array<i64: 2000, 16>}, {transform_indices = @transform_2, window_bounds = array<i64: 2000, 1>}, {transform_indices = @transform_3, window_bounds = array<i64: 2000, 1>}, {pipeline_mode = #tpu.pipeline_mode<synchronous>, transform_indices = @transform_4, window_bounds = array<i64: 1, 16>}, {pipeline_mode = #tpu.pipeline_mode<synchronous>, transform_indices = @transform_5, window_bounds = array<i64: 1, 16>}, {pipeline_mode = #tpu.pipeline_mode<synchronous>, transform_indices = @transform_6, window_bounds = array<i64: 1, 1>}, {transform_indices = @transform_7, window_bounds = array<i64: 2000, 1>}, {transform_indices = @transform_8, window_bounds = array<i64: 2000, 1>}, {transform_indices = @transform_9, window_bounds = array<i64: 2000, 16>}]} {
    %get3A = arith.constant 0 : index
    %get3A_0 = arith.constant 0 : index
    %get3A_1 = vector.load %arg1[%get3A, %get3A_0] : memref<2000x16xf32, #tpu.memory_space<vmem>>, vector<2000x16xf32>
    %get3A_2 = arith.constant 0 : index
    %get3A_3 = arith.constant 0 : index
    %get3A_4 = vector.load %arg2[%get3A_2, %get3A_3] : memref<2000x16xf32, #tpu.memory_space<vmem>>, vector<2000x16xf32>
    %add3A = arith.addf %get3A_1, %get3A_4 : vector<2000x16xf32>
    %get3A_5 = arith.constant 0 : index
    %get3A_6 = arith.constant 0 : index
    %get3A_7 = vector.load %arg7[%get3A_5, %get3A_6] : memref<1x1xf32, #tpu.memory_space<vmem>>, vector<1x1xf32>
    %get3A_8 = vector.extract %get3A_7[0, 0] : f32 from vector<1x1xf32>
    %get3A_9 = arith.constant 0 : index
    %get3A_10 = arith.constant 0 : index
    %get3A_11 = vector.load %arg5[%get3A_9, %get3A_10] : memref<1x16xf32, #tpu.memory_space<vmem>>, vector<1x16xf32>
    %mul3A = vector.broadcast %get3A_8 : f32 to vector<1x16xf32>
    %mul3A_12 = arith.mulf %mul3A, %get3A_11 : vector<1x16xf32>
    %add3A_13 = vector.broadcast %mul3A_12 : vector<1x16xf32> to vector<2000x16xf32>
    %add3A_14 = arith.addf %add3A, %add3A_13 : vector<2000x16xf32>
    %mul3A_15 = arith.constant 2.000000e-01 : f32
    %mul3A_16 = vector.broadcast %mul3A_15 : f32 to vector<2000x16xf32>
    %mul3A_17 = arith.mulf %mul3A_16, %add3A_14 : vector<2000x16xf32>
    %max3A = arith.maximumf %add3A_14, %mul3A_17 : vector<2000x16xf32>
    %get3A_18 = arith.constant 0 : index
    %get3A_19 = arith.constant 0 : index
    %get3A_20 = vector.load %arg6[%get3A_18, %get3A_19] : memref<1x16xf32, #tpu.memory_space<vmem>>, vector<1x16xf32>
    %mul3A_21 = vector.broadcast %get3A_20 : vector<1x16xf32> to vector<2000x16xf32>
    %mul3A_22 = arith.mulf %max3A, %mul3A_21 : vector<2000x16xf32>
    %reduce_sum3A = arith.constant dense<0.000000e+00> : vector<2000xf32>
    %reduce_sum3A_23 = vector.multi_reduction <add>, %mul3A_22, %reduce_sum3A [1] : vector<2000x16xf32> to vector<2000xf32>
    %broadcast_in_dim3A = vector.shape_cast %reduce_sum3A_23 : vector<2000xf32> to vector<2000x1xf32>
    %exp3A = math.exp %broadcast_in_dim3A : vector<2000x1xf32>
    %get3A_24 = arith.constant 0 : index
    %get3A_25 = arith.constant 0 : index
    %get3A_26 = vector.load %arg3[%get3A_24, %get3A_25] : memref<2000x1xf32, #tpu.memory_space<vmem>>, vector<2000x1xf32>
    %get3A_27 = arith.constant 0 : index
    %get3A_28 = arith.constant 0 : index
    %get3A_29 = vector.load %arg4[%get3A_27, %get3A_28] : memref<2000x1xf32, #tpu.memory_space<vmem>>, vector<2000x1xf32>
    %add3A_30 = arith.addf %get3A_26, %get3A_29 : vector<2000x1xf32>
    %add3A_31 = arith.addf %add3A_30, %exp3A : vector<2000x1xf32>
    %add3A_32 = arith.constant 1.000000e-16 : f32
    %add3A_33 = vector.broadcast %add3A_32 : f32 to vector<2000x1xf32>
    %add3A_34 = arith.addf %add3A_31, %add3A_33 : vector<2000x1xf32>
    %div3A = arith.divf %exp3A, %add3A_34 : vector<2000x1xf32>
    %swap3A = arith.constant 0 : index
    %swap3A_35 = arith.constant 0 : index
    %swap3A_36 = vector.load %arg8[%swap3A, %swap3A_35] : memref<2000x1xf32, #tpu.memory_space<vmem>>, vector<2000x1xf32>
    tpu.vector_store %arg8[%swap3A, %swap3A_35], %add3A_31 {strides = array<i32>} : memref<2000x1xf32, #tpu.memory_space<vmem>>, vector<2000x1xf32>,
    %swap3A_37 = arith.constant 0 : index
    %swap3A_38 = arith.constant 0 : index
    %swap3A_39 = vector.load %arg9[%swap3A_37, %swap3A_38] : memref<2000x1xf32, #tpu.memory_space<vmem>>, vector<2000x1xf32>
    tpu.vector_store %arg9[%swap3A_37, %swap3A_38], %div3A {strides = array<i32>} : memref<2000x1xf32, #tpu.memory_space<vmem>>, vector<2000x1xf32>,
    %get3A_40 = arith.constant 0 : index
    %get3A_41 = arith.constant 0 : index
    %get3A_42 = vector.load %arg1[%get3A_40, %get3A_41] : memref<2000x16xf32, #tpu.memory_space<vmem>>, vector<2000x16xf32>
    %mul3A_43 = vector.broadcast %div3A : vector<2000x1xf32> to vector<2000x16xf32>
    %mul3A_44 = arith.mulf %get3A_42, %mul3A_43 : vector<2000x16xf32>
    %swap3A_45 = arith.constant 0 : index
    %swap3A_46 = arith.constant 0 : index
    %swap3A_47 = vector.load %arg10[%swap3A_45, %swap3A_46] : memref<2000x16xf32, #tpu.memory_space<vmem>>, vector<2000x16xf32>
    tpu.vector_store %arg10[%swap3A_45, %swap3A_46], %mul3A_44 {strides = array<i32>} : memref<2000x16xf32, #tpu.memory_space<vmem>>, vector<2000x16xf32>,
    return
  }
  func.func @transform_0(%arg0: i32) -> (i32, i32) {
    %c0_i32 = arith.constant 0 : i32
    %c0_i32_0 = arith.constant 0 : i32
    return %arg0, %c0_i32 : i32, i32
  }
  func.func @transform_1(%arg0: i32) -> (i32, i32) {
    %c0_i32 = arith.constant 0 : i32
    %c0_i32_0 = arith.constant 0 : i32
    return %arg0, %c0_i32 : i32, i32
  }
  func.func @transform_2(%arg0: i32) -> (i32, i32) {
    %c0_i32 = arith.constant 0 : i32
    %c0_i32_0 = arith.constant 0 : i32
    return %arg0, %c0_i32 : i32, i32
  }
  func.func @transform_3(%arg0: i32) -> (i32, i32) {
    %c0_i32 = arith.constant 0 : i32
    %c0_i32_0 = arith.constant 0 : i32
    return %arg0, %c0_i32 : i32, i32
  }
  func.func @transform_4(%arg0: i32) -> (i32, i32) {
    %c0_i32 = arith.constant 0 : i32
    %c0_i32_0 = arith.constant 0 : i32
    %c0_i32_1 = arith.constant 0 : i32
    return %c0_i32, %c0_i32_0 : i32, i32
  }
  func.func @transform_5(%arg0: i32) -> (i32, i32) {
    %c0_i32 = arith.constant 0 : i32
    %c0_i32_0 = arith.constant 0 : i32
    %c0_i32_1 = arith.constant 0 : i32
    return %c0_i32, %c0_i32_0 : i32, i32
  }
  func.func @transform_6(%arg0: i32) -> (i32, i32) {
    %c0_i32 = arith.constant 0 : i32
    %c0_i32_0 = arith.constant 0 : i32
    %c0_i32_1 = arith.constant 0 : i32
    return %c0_i32, %c0_i32_0 : i32, i32
  }
  func.func @transform_7(%arg0: i32) -> (i32, i32) {
    %c0_i32 = arith.constant 0 : i32
    %c0_i32_0 = arith.constant 0 : i32
    return %arg0, %c0_i32 : i32, i32
  }
  func.func @transform_8(%arg0: i32) -> (i32, i32) {
    %c0_i32 = arith.constant 0 : i32
    %c0_i32_0 = arith.constant 0 : i32
    return %arg0, %c0_i32 : i32, i32
  }
  func.func @transform_9(%arg0: i32) -> (i32, i32) {
    %c0_i32 = arith.constant 0 : i32
    %c0_i32_0 = arith.constant 0 : i32
    return %arg0, %c0_i32 : i32, i32
  }
}

module attributes {stable_mosaic.version = 14 : i64} {
  func.func @body(%arg0: i32, %arg1: memref<6400x16xf32, #tpu.memory_space<vmem>>, %arg2: memref<6400x1xf32, #tpu.memory_space<vmem>>, %arg3: memref<6400x1xf32, #tpu.memory_space<vmem>>, %arg4: memref<6400x1xf32, #tpu.memory_space<vmem>>, %arg5: memref<6400x16xf32, #tpu.memory_space<vmem>>) attributes {dimension_semantics = [#tpu.dimension_semantics<arbitrary>], iteration_bounds = array<i64: 500>, scalar_prefetch = 0 : i64, scratch_operands = 0 : i64, tpu.core_type = #tpu.core_type<tc>, window_params = [{transform_indices = @transform_0, window_bounds = array<i64: 6400, 16>}, {transform_indices = @transform_1, window_bounds = array<i64: 6400, 1>}, {transform_indices = @transform_2, window_bounds = array<i64: 6400, 1>}, {transform_indices = @transform_3, window_bounds = array<i64: 6400, 1>}, {transform_indices = @transform_4, window_bounds = array<i64: 6400, 16>}]} {
    %get3A = arith.constant 0 : index
    %get3A_0 = arith.constant 0 : index
    %get3A_1 = vector.load %arg2[%get3A, %get3A_0] : memref<6400x1xf32, #tpu.memory_space<vmem>>, vector<6400x1xf32>
    %get3A_2 = arith.constant 0 : index
    %get3A_3 = arith.constant 0 : index
    %get3A_4 = vector.load %arg3[%get3A_2, %get3A_3] : memref<6400x1xf32, #tpu.memory_space<vmem>>, vector<6400x1xf32>
    %add3A = arith.constant 1.000000e-16 : f32
    %add3A_5 = vector.broadcast %add3A : f32 to vector<6400x1xf32>
    %add3A_6 = arith.addf %get3A_4, %add3A_5 : vector<6400x1xf32>
    %div3A = arith.divf %get3A_1, %add3A_6 : vector<6400x1xf32>
    %swap3A = arith.constant 0 : index
    %swap3A_7 = arith.constant 0 : index
    %swap3A_8 = vector.load %arg4[%swap3A, %swap3A_7] : memref<6400x1xf32, #tpu.memory_space<vmem>>, vector<6400x1xf32>
    tpu.vector_store %arg4[%swap3A, %swap3A_7], %div3A {strides = array<i32>} : memref<6400x1xf32, #tpu.memory_space<vmem>>, vector<6400x1xf32>,
    %get3A_9 = arith.constant 0 : index
    %get3A_10 = arith.constant 0 : index
    %get3A_11 = vector.load %arg1[%get3A_9, %get3A_10] : memref<6400x16xf32, #tpu.memory_space<vmem>>, vector<6400x16xf32>
    %mul3A = vector.broadcast %div3A : vector<6400x1xf32> to vector<6400x16xf32>
    %mul3A_12 = arith.mulf %get3A_11, %mul3A : vector<6400x16xf32>
    %swap3A_13 = arith.constant 0 : index
    %swap3A_14 = arith.constant 0 : index
    %swap3A_15 = vector.load %arg5[%swap3A_13, %swap3A_14] : memref<6400x16xf32, #tpu.memory_space<vmem>>, vector<6400x16xf32>
    tpu.vector_store %arg5[%swap3A_13, %swap3A_14], %mul3A_12 {strides = array<i32>} : memref<6400x16xf32, #tpu.memory_space<vmem>>, vector<6400x16xf32>,
    return
  }
  func.func @transform_0(%arg0: i32) -> (i32, i32) {
    %c0_i32 = arith.constant 0 : i32
    %c0_i32_0 = arith.constant 0 : i32
    return %arg0, %c0_i32 : i32, i32
  }
  func.func @transform_1(%arg0: i32) -> (i32, i32) {
    %c0_i32 = arith.constant 0 : i32
    %c0_i32_0 = arith.constant 0 : i32
    return %arg0, %c0_i32 : i32, i32
  }
  func.func @transform_2(%arg0: i32) -> (i32, i32) {
    %c0_i32 = arith.constant 0 : i32
    %c0_i32_0 = arith.constant 0 : i32
    return %arg0, %c0_i32 : i32, i32
  }
  func.func @transform_3(%arg0: i32) -> (i32, i32) {
    %c0_i32 = arith.constant 0 : i32
    %c0_i32_0 = arith.constant 0 : i32
    return %arg0, %c0_i32 : i32, i32
  }
  func.func @transform_4(%arg0: i32) -> (i32, i32) {
    %c0_i32 = arith.constant 0 : i32
    %c0_i32_0 = arith.constant 0 : i32
    return %arg0, %c0_i32 : i32, i32
  }
}

module attributes {stable_mosaic.version = 14 : i64} {
  func.func @body(%arg0: i32, %arg1: memref<1x2000x16xf32, #tpu.memory_space<vmem>>, %arg2: memref<1x2000x16xf32, #tpu.memory_space<vmem>>, %arg3: memref<2000x16xf32, #tpu.memory_space<vmem>>, %arg4: memref<2000x16xf32, #tpu.memory_space<vmem>>, %arg5: memref<1x16xf32, #tpu.memory_space<vmem>>, %arg6: memref<2000x16xf32, #tpu.memory_space<vmem>>, %arg7: memref<1x1x16xf32, #tpu.memory_space<vmem>>, %arg8: memref<1x1x16xf32, #tpu.memory_space<vmem>>) attributes {dimension_semantics = [#tpu.dimension_semantics<arbitrary>], iteration_bounds = array<i64: 50>, scalar_prefetch = 0 : i64, scratch_operands = 0 : i64, tpu.core_type = #tpu.core_type<tc>, window_params = [{transform_indices = @transform_0, window_bounds = array<i64: 1, 2000, 16>}, {transform_indices = @transform_1, window_bounds = array<i64: 1, 2000, 16>}, {transform_indices = @transform_2, window_bounds = array<i64: 2000, 16>}, {transform_indices = @transform_3, window_bounds = array<i64: 2000, 16>}, {pipeline_mode = #tpu.pipeline_mode<synchronous>, transform_indices = @transform_4, window_bounds = array<i64: 1, 16>}, {transform_indices = @transform_5, window_bounds = array<i64: 2000, 16>}, {transform_indices = @transform_6, window_bounds = array<i64: 1, 1, 16>}, {transform_indices = @transform_7, window_bounds = array<i64: 1, 1, 16>}]} {
    %get3A = arith.constant 0 : index
    %get3A_0 = arith.constant 0 : index
    %get3A_1 = arith.constant 0 : index
    %get3A_2 = vector.load %arg1[%get3A, %get3A_0, %get3A_1] : memref<1x2000x16xf32, #tpu.memory_space<vmem>>, vector<1x2000x16xf32>
    %get3A_3 = vector.shape_cast %get3A_2 : vector<1x2000x16xf32> to vector<2000x16xf32>
    %get3A_4 = arith.constant 0 : index
    %get3A_5 = arith.constant 0 : index
    %get3A_6 = arith.constant 0 : index
    %get3A_7 = vector.load %arg2[%get3A_4, %get3A_5, %get3A_6] : memref<1x2000x16xf32, #tpu.memory_space<vmem>>, vector<1x2000x16xf32>
    %get3A_8 = vector.shape_cast %get3A_7 : vector<1x2000x16xf32> to vector<2000x16xf32>
    %add3A = arith.addf %get3A_3, %get3A_8 : vector<2000x16xf32>
    %get3A_9 = arith.constant 0 : index
    %get3A_10 = arith.constant 0 : index
    %get3A_11 = vector.load %arg3[%get3A_9, %get3A_10] : memref<2000x16xf32, #tpu.memory_space<vmem>>, vector<2000x16xf32>
    %add3A_12 = arith.addf %add3A, %get3A_11 : vector<2000x16xf32>
    %get3A_13 = arith.constant 0 : index
    %get3A_14 = arith.constant 0 : index
    %get3A_15 = vector.load %arg4[%get3A_13, %get3A_14] : memref<2000x16xf32, #tpu.memory_space<vmem>>, vector<2000x16xf32>
    %add3A_16 = arith.addf %add3A_12, %get3A_15 : vector<2000x16xf32>
    %get3A_17 = arith.constant 0 : index
    %get3A_18 = arith.constant 0 : index
    %get3A_19 = vector.load %arg5[%get3A_17, %get3A_18] : memref<1x16xf32, #tpu.memory_space<vmem>>, vector<1x16xf32>
    %add3A_20 = vector.broadcast %get3A_19 : vector<1x16xf32> to vector<2000x16xf32>
    %add3A_21 = arith.addf %add3A_16, %add3A_20 : vector<2000x16xf32>
    %swap3A = arith.constant 0 : index
    %swap3A_22 = arith.constant 0 : index
    %swap3A_23 = vector.load %arg6[%swap3A, %swap3A_22] : memref<2000x16xf32, #tpu.memory_space<vmem>>, vector<2000x16xf32>
    tpu.vector_store %arg6[%swap3A, %swap3A_22], %add3A_21 {strides = array<i32>} : memref<2000x16xf32, #tpu.memory_space<vmem>>, vector<2000x16xf32>,
    %reduce_sum3A = arith.constant dense<0.000000e+00> : vector<16xf32>
    %reduce_sum3A_24 = vector.multi_reduction <add>, %add3A_21, %reduce_sum3A [0] : vector<2000x16xf32> to vector<16xf32>
    %broadcast_in_dim3A = vector.shape_cast %reduce_sum3A_24 : vector<16xf32> to vector<1x16xf32>
    %broadcast_in_dim3A_25 = vector.shape_cast %broadcast_in_dim3A : vector<1x16xf32> to vector<1x1x16xf32>
    %swap3A_26 = arith.constant 0 : index
    %swap3A_27 = arith.constant 0 : index
    %swap3A_28 = arith.constant 0 : index
    %swap3A_29 = vector.load %arg7[%swap3A_26, %swap3A_27, %swap3A_28] : memref<1x1x16xf32, #tpu.memory_space<vmem>>, vector<1x1x16xf32>
    tpu.vector_store %arg7[%swap3A_26, %swap3A_27, %swap3A_28], %broadcast_in_dim3A_25 {strides = array<i32>} : memref<1x1x16xf32, #tpu.memory_space<vmem>>, vector<1x1x16xf32>,
    %mul3A = arith.mulf %add3A_21, %add3A_21 : vector<2000x16xf32>
    %reduce_sum3A_30 = arith.constant dense<0.000000e+00> : vector<16xf32>
    %reduce_sum3A_31 = vector.multi_reduction <add>, %mul3A, %reduce_sum3A_30 [0] : vector<2000x16xf32> to vector<16xf32>
    %broadcast_in_dim3A_32 = vector.shape_cast %reduce_sum3A_31 : vector<16xf32> to vector<1x16xf32>
    %broadcast_in_dim3A_33 = vector.shape_cast %broadcast_in_dim3A_32 : vector<1x16xf32> to vector<1x1x16xf32>
    %swap3A_34 = arith.constant 0 : index
    %swap3A_35 = arith.constant 0 : index
    %swap3A_36 = arith.constant 0 : index
    %swap3A_37 = vector.load %arg8[%swap3A_34, %swap3A_35, %swap3A_36] : memref<1x1x16xf32, #tpu.memory_space<vmem>>, vector<1x1x16xf32>
    tpu.vector_store %arg8[%swap3A_34, %swap3A_35, %swap3A_36], %broadcast_in_dim3A_33 {strides = array<i32>} : memref<1x1x16xf32, #tpu.memory_space<vmem>>, vector<1x1x16xf32>,
    return
  }
  func.func @transform_0(%arg0: i32) -> (i32, i32, i32) {
    %c0_i32 = arith.constant 0 : i32
    %c0_i32_0 = arith.constant 0 : i32
    %c0_i32_1 = arith.constant 0 : i32
    return %c0_i32, %arg0, %c0_i32_0 : i32, i32, i32
  }
  func.func @transform_1(%arg0: i32) -> (i32, i32, i32) {
    %c1_i32 = arith.constant 1 : i32
    %c0_i32 = arith.constant 0 : i32
    %c0_i32_0 = arith.constant 0 : i32
    return %c1_i32, %arg0, %c0_i32 : i32, i32, i32
  }
  func.func @transform_2(%arg0: i32) -> (i32, i32) {
    %c0_i32 = arith.constant 0 : i32
    %c0_i32_0 = arith.constant 0 : i32
    return %arg0, %c0_i32 : i32, i32
  }
  func.func @transform_3(%arg0: i32) -> (i32, i32) {
    %c0_i32 = arith.constant 0 : i32
    %c0_i32_0 = arith.constant 0 : i32
    return %arg0, %c0_i32 : i32, i32
  }
  func.func @transform_4(%arg0: i32) -> (i32, i32) {
    %c0_i32 = arith.constant 0 : i32
    %c0_i32_0 = arith.constant 0 : i32
    %c0_i32_1 = arith.constant 0 : i32
    return %c0_i32, %c0_i32_0 : i32, i32
  }
  func.func @transform_5(%arg0: i32) -> (i32, i32) {
    %c0_i32 = arith.constant 0 : i32
    %c0_i32_0 = arith.constant 0 : i32
    return %arg0, %c0_i32 : i32, i32
  }
  func.func @transform_6(%arg0: i32) -> (i32, i32, i32) {
    %c0_i32 = arith.constant 0 : i32
    %c0_i32_0 = arith.constant 0 : i32
    %c0_i32_1 = arith.constant 0 : i32
    return %arg0, %c0_i32, %c0_i32_0 : i32, i32, i32
  }
  func.func @transform_7(%arg0: i32) -> (i32, i32, i32) {
    %c0_i32 = arith.constant 0 : i32
    %c0_i32_0 = arith.constant 0 : i32
    %c0_i32_1 = arith.constant 0 : i32
    return %arg0, %c0_i32, %c0_i32_0 : i32, i32, i32
  }
}

module attributes {stable_mosaic.version = 14 : i64} {
  func.func @body(%arg0: i32, %arg1: memref<2000x16xf32, #tpu.memory_space<vmem>>, %arg2: memref<1x16xf32, #tpu.memory_space<vmem>>, %arg3: memref<1x16xf32, #tpu.memory_space<vmem>>, %arg4: memref<16x32xf32, #tpu.memory_space<vmem>>, %arg5: memref<1x32xf32, #tpu.memory_space<vmem>>, %arg6: memref<2000x16xf32, #tpu.memory_space<vmem>>, %arg7: memref<2000x16xf32, #tpu.memory_space<vmem>>) attributes {dimension_semantics = [#tpu.dimension_semantics<arbitrary>], iteration_bounds = array<i64: 50>, scalar_prefetch = 0 : i64, scratch_operands = 0 : i64, tpu.core_type = #tpu.core_type<tc>, window_params = [{transform_indices = @transform_0, window_bounds = array<i64: 2000, 16>}, {pipeline_mode = #tpu.pipeline_mode<synchronous>, transform_indices = @transform_1, window_bounds = array<i64: 1, 16>}, {pipeline_mode = #tpu.pipeline_mode<synchronous>, transform_indices = @transform_2, window_bounds = array<i64: 1, 16>}, {pipeline_mode = #tpu.pipeline_mode<synchronous>, transform_indices = @transform_3, window_bounds = array<i64: 16, 32>}, {pipeline_mode = #tpu.pipeline_mode<synchronous>, transform_indices = @transform_4, window_bounds = array<i64: 1, 32>}, {transform_indices = @transform_5, window_bounds = array<i64: 2000, 16>}, {transform_indices = @transform_6, window_bounds = array<i64: 2000, 16>}]} {
    %get3A = arith.constant 0 : index
    %get3A_0 = arith.constant 0 : index
    %get3A_1 = vector.load %arg1[%get3A, %get3A_0] : memref<2000x16xf32, #tpu.memory_space<vmem>>, vector<2000x16xf32>
    %get3A_2 = arith.constant 0 : index
    %get3A_3 = arith.constant 0 : index
    %get3A_4 = vector.load %arg2[%get3A_2, %get3A_3] : memref<1x16xf32, #tpu.memory_space<vmem>>, vector<1x16xf32>
    %mul3A = vector.broadcast %get3A_4 : vector<1x16xf32> to vector<2000x16xf32>
    %mul3A_5 = arith.mulf %get3A_1, %mul3A : vector<2000x16xf32>
    %get3A_6 = arith.constant 0 : index
    %get3A_7 = arith.constant 0 : index
    %get3A_8 = vector.load %arg3[%get3A_6, %get3A_7] : memref<1x16xf32, #tpu.memory_space<vmem>>, vector<1x16xf32>
    %add3A = vector.broadcast %get3A_8 : vector<1x16xf32> to vector<2000x16xf32>
    %add3A_9 = arith.addf %mul3A_5, %add3A : vector<2000x16xf32>
    %gt3A = arith.constant 0.000000e+00 : f32
    %gt3A_10 = vector.broadcast %gt3A : f32 to vector<2000x16xf32>
    %gt3A_11 = arith.cmpf ogt, %add3A_9, %gt3A_10 : vector<2000x16xf32>
    %exp3A = math.exp %add3A_9 : vector<2000x16xf32>
    %sub3A = arith.constant 1.000000e+00 : f32
    %sub3A_12 = vector.broadcast %sub3A : f32 to vector<2000x16xf32>
    %sub3A_13 = arith.subf %exp3A, %sub3A_12 : vector<2000x16xf32>
    %select_n3A = arith.select %gt3A_11, %add3A_9, %sub3A_13 : vector<2000x16xi1>, vector<2000x16xf32>
    %get3A_14 = arith.constant 0 : index
    %get3A_15 = arith.constant 0 : index
    %get3A_16 = vector.load %arg4[%get3A_14, %get3A_15] : memref<16x32xf32, #tpu.memory_space<vmem>>, vector<16x32xf32>
    %dot_general3A = arith.constant dense<0.000000e+00> : vector<2000x32xf32>
    %dot_general3A_17 = tpu.matmul %select_n3A, %get3A_16, %dot_general3A {dimension_numbers = #tpu.dot_dimension_numbers<[1], [0], [0], [1], [0, 0, 1, 1], [], []>, transpose_lhs_hint = false} : vector<2000x16xf32>, vector<16x32xf32>, vector<2000x32xf32> -> vector<2000x32xf32>
    %get3A_18 = arith.constant 0 : index
    %get3A_19 = arith.constant 0 : index
    %get3A_20 = vector.load %arg5[%get3A_18, %get3A_19] : memref<1x32xf32, #tpu.memory_space<vmem>>, vector<1x32xf32>
    %add3A_21 = vector.broadcast %get3A_20 : vector<1x32xf32> to vector<2000x32xf32>
    %add3A_22 = arith.addf %dot_general3A_17, %add3A_21 : vector<2000x32xf32>
    %slice3A = vector.extract_strided_slice %add3A_22 {offsets = [0, 0], sizes = [2000, 16], strides = [1, 1]} : vector<2000x32xf32> to vector<2000x16xf32>
    %swap3A = arith.constant 0 : index
    %swap3A_23 = arith.constant 0 : index
    %swap3A_24 = vector.load %arg6[%swap3A, %swap3A_23] : memref<2000x16xf32, #tpu.memory_space<vmem>>, vector<2000x16xf32>
    tpu.vector_store %arg6[%swap3A, %swap3A_23], %slice3A {strides = array<i32>} : memref<2000x16xf32, #tpu.memory_space<vmem>>, vector<2000x16xf32>,
    %slice3A_25 = vector.extract_strided_slice %add3A_22 {offsets = [0, 16], sizes = [2000, 16], strides = [1, 1]} : vector<2000x32xf32> to vector<2000x16xf32>
    %swap3A_26 = arith.constant 0 : index
    %swap3A_27 = arith.constant 0 : index
    %swap3A_28 = vector.load %arg7[%swap3A_26, %swap3A_27] : memref<2000x16xf32, #tpu.memory_space<vmem>>, vector<2000x16xf32>
    tpu.vector_store %arg7[%swap3A_26, %swap3A_27], %slice3A_25 {strides = array<i32>} : memref<2000x16xf32, #tpu.memory_space<vmem>>, vector<2000x16xf32>,
    return
  }
  func.func @transform_0(%arg0: i32) -> (i32, i32) {
    %c0_i32 = arith.constant 0 : i32
    %c0_i32_0 = arith.constant 0 : i32
    return %arg0, %c0_i32 : i32, i32
  }
  func.func @transform_1(%arg0: i32) -> (i32, i32) {
    %c0_i32 = arith.constant 0 : i32
    %c0_i32_0 = arith.constant 0 : i32
    %c0_i32_1 = arith.constant 0 : i32
    return %c0_i32, %c0_i32_0 : i32, i32
  }
  func.func @transform_2(%arg0: i32) -> (i32, i32) {
    %c0_i32 = arith.constant 0 : i32
    %c0_i32_0 = arith.constant 0 : i32
    %c0_i32_1 = arith.constant 0 : i32
    return %c0_i32, %c0_i32_0 : i32, i32
  }
  func.func @transform_3(%arg0: i32) -> (i32, i32) {
    %c0_i32 = arith.constant 0 : i32
    %c0_i32_0 = arith.constant 0 : i32
    %c0_i32_1 = arith.constant 0 : i32
    return %c0_i32, %c0_i32_0 : i32, i32
  }
  func.func @transform_4(%arg0: i32) -> (i32, i32) {
    %c0_i32 = arith.constant 0 : i32
    %c0_i32_0 = arith.constant 0 : i32
    %c0_i32_1 = arith.constant 0 : i32
    return %c0_i32, %c0_i32_0 : i32, i32
  }
  func.func @transform_5(%arg0: i32) -> (i32, i32) {
    %c0_i32 = arith.constant 0 : i32
    %c0_i32_0 = arith.constant 0 : i32
    return %arg0, %c0_i32 : i32, i32
  }
  func.func @transform_6(%arg0: i32) -> (i32, i32) {
    %c0_i32 = arith.constant 0 : i32
    %c0_i32_0 = arith.constant 0 : i32
    return %arg0, %c0_i32 : i32, i32
  }
}

module attributes {stable_mosaic.version = 14 : i64} {
  func.func @body(%arg0: i32, %arg1: memref<1x2000x16xf32, #tpu.memory_space<vmem>>, %arg2: memref<1x2000x16xf32, #tpu.memory_space<vmem>>, %arg3: memref<2000x16xf32, #tpu.memory_space<vmem>>, %arg4: memref<1x16xf32, #tpu.memory_space<vmem>>, %arg5: memref<16x16xf32, #tpu.memory_space<vmem>>, %arg6: memref<1x16xf32, #tpu.memory_space<vmem>>, %arg7: memref<16x9xf32, #tpu.memory_space<vmem>>, %arg8: memref<1x9xf32, #tpu.memory_space<vmem>>, %arg9: memref<16x4xf32, #tpu.memory_space<vmem>>, %arg10: memref<1x4xf32, #tpu.memory_space<vmem>>, %arg11: memref<2000x13xf32, #tpu.memory_space<vmem>>) attributes {dimension_semantics = [#tpu.dimension_semantics<arbitrary>], iteration_bounds = array<i64: 50>, scalar_prefetch = 0 : i64, scratch_operands = 0 : i64, tpu.core_type = #tpu.core_type<tc>, window_params = [{transform_indices = @transform_0, window_bounds = array<i64: 1, 2000, 16>}, {transform_indices = @transform_1, window_bounds = array<i64: 1, 2000, 16>}, {transform_indices = @transform_2, window_bounds = array<i64: 2000, 16>}, {pipeline_mode = #tpu.pipeline_mode<synchronous>, transform_indices = @transform_3, window_bounds = array<i64: 1, 16>}, {pipeline_mode = #tpu.pipeline_mode<synchronous>, transform_indices = @transform_4, window_bounds = array<i64: 16, 16>}, {pipeline_mode = #tpu.pipeline_mode<synchronous>, transform_indices = @transform_5, window_bounds = array<i64: 1, 16>}, {pipeline_mode = #tpu.pipeline_mode<synchronous>, transform_indices = @transform_6, window_bounds = array<i64: 16, 9>}, {pipeline_mode = #tpu.pipeline_mode<synchronous>, transform_indices = @transform_7, window_bounds = array<i64: 1, 9>}, {pipeline_mode = #tpu.pipeline_mode<synchronous>, transform_indices = @transform_8, window_bounds = array<i64: 16, 4>}, {pipeline_mode = #tpu.pipeline_mode<synchronous>, transform_indices = @transform_9, window_bounds = array<i64: 1, 4>}, {transform_indices = @transform_10, window_bounds = array<i64: 2000, 13>}]} {
    %get3A = arith.constant 0 : index
    %get3A_0 = arith.constant 0 : index
    %get3A_1 = arith.constant 0 : index
    %get3A_2 = vector.load %arg1[%get3A, %get3A_0, %get3A_1] : memref<1x2000x16xf32, #tpu.memory_space<vmem>>, vector<1x2000x16xf32>
    %get3A_3 = vector.shape_cast %get3A_2 : vector<1x2000x16xf32> to vector<2000x16xf32>
    %get3A_4 = arith.constant 0 : index
    %get3A_5 = arith.constant 0 : index
    %get3A_6 = arith.constant 0 : index
    %get3A_7 = vector.load %arg2[%get3A_4, %get3A_5, %get3A_6] : memref<1x2000x16xf32, #tpu.memory_space<vmem>>, vector<1x2000x16xf32>
    %get3A_8 = vector.shape_cast %get3A_7 : vector<1x2000x16xf32> to vector<2000x16xf32>
    %add3A = arith.addf %get3A_3, %get3A_8 : vector<2000x16xf32>
    %get3A_9 = arith.constant 0 : index
    %get3A_10 = arith.constant 0 : index
    %get3A_11 = vector.load %arg3[%get3A_9, %get3A_10] : memref<2000x16xf32, #tpu.memory_space<vmem>>, vector<2000x16xf32>
    %add3A_12 = arith.addf %add3A, %get3A_11 : vector<2000x16xf32>
    %get3A_13 = arith.constant 0 : index
    %get3A_14 = arith.constant 0 : index
    %get3A_15 = vector.load %arg4[%get3A_13, %get3A_14] : memref<1x16xf32, #tpu.memory_space<vmem>>, vector<1x16xf32>
    %add3A_16 = vector.broadcast %get3A_15 : vector<1x16xf32> to vector<2000x16xf32>
    %add3A_17 = arith.addf %add3A_12, %add3A_16 : vector<2000x16xf32>
    %gt3A = arith.constant 0.000000e+00 : f32
    %gt3A_18 = vector.broadcast %gt3A : f32 to vector<2000x16xf32>
    %gt3A_19 = arith.cmpf ogt, %add3A_17, %gt3A_18 : vector<2000x16xf32>
    %exp3A = math.exp %add3A_17 : vector<2000x16xf32>
    %sub3A = arith.constant 1.000000e+00 : f32
    %sub3A_20 = vector.broadcast %sub3A : f32 to vector<2000x16xf32>
    %sub3A_21 = arith.subf %exp3A, %sub3A_20 : vector<2000x16xf32>
    %select_n3A = arith.select %gt3A_19, %add3A_17, %sub3A_21 : vector<2000x16xi1>, vector<2000x16xf32>
    %get3A_22 = arith.constant 0 : index
    %get3A_23 = arith.constant 0 : index
    %get3A_24 = vector.load %arg5[%get3A_22, %get3A_23] : memref<16x16xf32, #tpu.memory_space<vmem>>, vector<16x16xf32>
    %dot_general3A = arith.constant dense<0.000000e+00> : vector<2000x16xf32>
    %dot_general3A_25 = tpu.matmul %select_n3A, %get3A_24, %dot_general3A {dimension_numbers = #tpu.dot_dimension_numbers<[1], [0], [0], [1], [0, 0, 1, 1], [], []>, transpose_lhs_hint = false} : vector<2000x16xf32>, vector<16x16xf32>, vector<2000x16xf32> -> vector<2000x16xf32>
    %get3A_26 = arith.constant 0 : index
    %get3A_27 = arith.constant 0 : index
    %get3A_28 = vector.load %arg6[%get3A_26, %get3A_27] : memref<1x16xf32, #tpu.memory_space<vmem>>, vector<1x16xf32>
    %add3A_29 = vector.broadcast %get3A_28 : vector<1x16xf32> to vector<2000x16xf32>
    %add3A_30 = arith.addf %dot_general3A_25, %add3A_29 : vector<2000x16xf32>
    %max3A = arith.constant 0.000000e+00 : f32
    %max3A_31 = vector.broadcast %max3A : f32 to vector<2000x16xf32>
    %max3A_32 = arith.maximumf %add3A_30, %max3A_31 : vector<2000x16xf32>
    %get3A_33 = arith.constant 0 : index
    %get3A_34 = arith.constant 0 : index
    %get3A_35 = vector.load %arg7[%get3A_33, %get3A_34] : memref<16x9xf32, #tpu.memory_space<vmem>>, vector<16x9xf32>
    %dot_general3A_36 = arith.constant dense<0.000000e+00> : vector<2000x9xf32>
    %dot_general3A_37 = tpu.matmul %max3A_32, %get3A_35, %dot_general3A_36 {dimension_numbers = #tpu.dot_dimension_numbers<[1], [0], [0], [1], [0, 0, 1, 1], [], []>, transpose_lhs_hint = false} : vector<2000x16xf32>, vector<16x9xf32>, vector<2000x9xf32> -> vector<2000x9xf32>
    %get3A_38 = arith.constant 0 : index
    %get3A_39 = arith.constant 0 : index
    %get3A_40 = vector.load %arg8[%get3A_38, %get3A_39] : memref<1x9xf32, #tpu.memory_space<vmem>>, vector<1x9xf32>
    %add3A_41 = vector.broadcast %get3A_40 : vector<1x9xf32> to vector<2000x9xf32>
    %add3A_42 = arith.addf %dot_general3A_37, %add3A_41 : vector<2000x9xf32>
    %get3A_43 = arith.constant 0 : index
    %get3A_44 = arith.constant 0 : index
    %get3A_45 = vector.load %arg9[%get3A_43, %get3A_44] : memref<16x4xf32, #tpu.memory_space<vmem>>, vector<16x4xf32>
    %dot_general3A_46 = arith.constant dense<0.000000e+00> : vector<2000x4xf32>
    %dot_general3A_47 = tpu.matmul %max3A_32, %get3A_45, %dot_general3A_46 {dimension_numbers = #tpu.dot_dimension_numbers<[1], [0], [0], [1], [0, 0, 1, 1], [], []>, transpose_lhs_hint = false} : vector<2000x16xf32>, vector<16x4xf32>, vector<2000x4xf32> -> vector<2000x4xf32>
    %get3A_48 = arith.constant 0 : index
    %get3A_49 = arith.constant 0 : index
    %get3A_50 = vector.load %arg10[%get3A_48, %get3A_49] : memref<1x4xf32, #tpu.memory_space<vmem>>, vector<1x4xf32>
    %add3A_51 = vector.broadcast %get3A_50 : vector<1x4xf32> to vector<2000x4xf32>
    %add3A_52 = arith.addf %dot_general3A_47, %add3A_51 : vector<2000x4xf32>
    %reduce_max3A = arith.constant dense<0xFF800000> : vector<2000xf32>
    %reduce_max3A_53 = vector.multi_reduction <maximumf>, %add3A_42, %reduce_max3A [1] : vector<2000x9xf32> to vector<2000xf32>
    %broadcast_in_dim3A = vector.shape_cast %reduce_max3A_53 : vector<2000xf32> to vector<2000x1xf32>
    %sub3A_54 = vector.broadcast %broadcast_in_dim3A : vector<2000x1xf32> to vector<2000x9xf32>
    %sub3A_55 = arith.subf %add3A_42, %sub3A_54 : vector<2000x9xf32>
    %exp3A_56 = math.exp %sub3A_55 : vector<2000x9xf32>
    %reduce_sum3A = arith.constant dense<0.000000e+00> : vector<2000xf32>
    %reduce_sum3A_57 = vector.multi_reduction <add>, %exp3A_56, %reduce_sum3A [1] : vector<2000x9xf32> to vector<2000xf32>
    %broadcast_in_dim3A_58 = vector.shape_cast %reduce_sum3A_57 : vector<2000xf32> to vector<2000x1xf32>
    %log3A = math.log %broadcast_in_dim3A_58 : vector<2000x1xf32>
    %sub3A_59 = vector.broadcast %log3A : vector<2000x1xf32> to vector<2000x9xf32>
    %sub3A_60 = arith.subf %sub3A_55, %sub3A_59 : vector<2000x9xf32>
    %reduce_max3A_61 = arith.constant dense<0xFF800000> : vector<2000xf32>
    %reduce_max3A_62 = vector.multi_reduction <maximumf>, %add3A_52, %reduce_max3A_61 [1] : vector<2000x4xf32> to vector<2000xf32>
    %broadcast_in_dim3A_63 = vector.shape_cast %reduce_max3A_62 : vector<2000xf32> to vector<2000x1xf32>
    %sub3A_64 = vector.broadcast %broadcast_in_dim3A_63 : vector<2000x1xf32> to vector<2000x4xf32>
    %sub3A_65 = arith.subf %add3A_52, %sub3A_64 : vector<2000x4xf32>
    %exp3A_66 = math.exp %sub3A_65 : vector<2000x4xf32>
    %reduce_sum3A_67 = arith.constant dense<0.000000e+00> : vector<2000xf32>
    %reduce_sum3A_68 = vector.multi_reduction <add>, %exp3A_66, %reduce_sum3A_67 [1] : vector<2000x4xf32> to vector<2000xf32>
    %broadcast_in_dim3A_69 = vector.shape_cast %reduce_sum3A_68 : vector<2000xf32> to vector<2000x1xf32>
    %log3A_70 = math.log %broadcast_in_dim3A_69 : vector<2000x1xf32>
    %sub3A_71 = vector.broadcast %log3A_70 : vector<2000x1xf32> to vector<2000x4xf32>
    %sub3A_72 = arith.subf %sub3A_65, %sub3A_71 : vector<2000x4xf32>
    %concatenate3A = tpu.concatenate %sub3A_60, %sub3A_72 in 1 : vector<2000x9xf32>, vector<2000x4xf32> -> vector<2000x13xf32>
    %swap3A = arith.constant 0 : index
    %swap3A_73 = arith.constant 0 : index
    %swap3A_74 = vector.load %arg11[%swap3A, %swap3A_73] : memref<2000x13xf32, #tpu.memory_space<vmem>>, vector<2000x13xf32>
    tpu.vector_store %arg11[%swap3A, %swap3A_73], %concatenate3A {strides = array<i32>} : memref<2000x13xf32, #tpu.memory_space<vmem>>, vector<2000x13xf32>,
    return
  }
  func.func @transform_0(%arg0: i32) -> (i32, i32, i32) {
    %c0_i32 = arith.constant 0 : i32
    %c0_i32_0 = arith.constant 0 : i32
    %c0_i32_1 = arith.constant 0 : i32
    return %c0_i32, %arg0, %c0_i32_0 : i32, i32, i32
  }
  func.func @transform_1(%arg0: i32) -> (i32, i32, i32) {
    %c1_i32 = arith.constant 1 : i32
    %c0_i32 = arith.constant 0 : i32
    %c0_i32_0 = arith.constant 0 : i32
    return %c1_i32, %arg0, %c0_i32 : i32, i32, i32
  }
  func.func @transform_2(%arg0: i32) -> (i32, i32) {
    %c0_i32 = arith.constant 0 : i32
    %c0_i32_0 = arith.constant 0 : i32
    return %arg0, %c0_i32 : i32, i32
  }
  func.func @transform_3(%arg0: i32) -> (i32, i32) {
    %c0_i32 = arith.constant 0 : i32
    %c0_i32_0 = arith.constant 0 : i32
    %c0_i32_1 = arith.constant 0 : i32
    return %c0_i32, %c0_i32_0 : i32, i32
  }
  func.func @transform_4(%arg0: i32) -> (i32, i32) {
    %c0_i32 = arith.constant 0 : i32
    %c0_i32_0 = arith.constant 0 : i32
    %c0_i32_1 = arith.constant 0 : i32
    return %c0_i32, %c0_i32_0 : i32, i32
  }
  func.func @transform_5(%arg0: i32) -> (i32, i32) {
    %c0_i32 = arith.constant 0 : i32
    %c0_i32_0 = arith.constant 0 : i32
    %c0_i32_1 = arith.constant 0 : i32
    return %c0_i32, %c0_i32_0 : i32, i32
  }
  func.func @transform_6(%arg0: i32) -> (i32, i32) {
    %c0_i32 = arith.constant 0 : i32
    %c0_i32_0 = arith.constant 0 : i32
    %c0_i32_1 = arith.constant 0 : i32
    return %c0_i32, %c0_i32_0 : i32, i32
  }
  func.func @transform_7(%arg0: i32) -> (i32, i32) {
    %c0_i32 = arith.constant 0 : i32
    %c0_i32_0 = arith.constant 0 : i32
    %c0_i32_1 = arith.constant 0 : i32
    return %c0_i32, %c0_i32_0 : i32, i32
  }
  func.func @transform_8(%arg0: i32) -> (i32, i32) {
    %c0_i32 = arith.constant 0 : i32
    %c0_i32_0 = arith.constant 0 : i32
    %c0_i32_1 = arith.constant 0 : i32
    return %c0_i32, %c0_i32_0 : i32, i32
  }
  func.func @transform_9(%arg0: i32) -> (i32, i32) {
    %c0_i32 = arith.constant 0 : i32
    %c0_i32_0 = arith.constant 0 : i32
    %c0_i32_1 = arith.constant 0 : i32
    return %c0_i32, %c0_i32_0 : i32, i32
  }
  func.func @transform_10(%arg0: i32) -> (i32, i32) {
    %c0_i32 = arith.constant 0 : i32
    %c0_i32_0 = arith.constant 0 : i32
    return %arg0, %c0_i32 : i32, i32
  }
}

</mosaic_0001>

<sc_bundles>
// kernel: scatter_offload_async_start.1
scs
__scs_entry_jumppad:
0x0: {  	(pc) =	sbr.rel $0x88, $3  }
0x1: {  	(tag) =	ssettag $0x0;
	lr =	simm.s32 $0x1  }
0x2: {  	[smem:$0x3F86] =	sst lr;
	_ =	strace $0xD0000000  }
0x3: {  	_ = 	snop  }
0x4: {  	_ = 	snop  }
0x5: {  	_ = 	snop  }
0x6: {  	_ = 	snop  }
0x7: {  	_ = 	snop  }
__scs_overlays_trampoline_lowered:
0x8: {  	[smem:$0x3F95] =	sst s0  }
0x9: {  	[smem:$0x3F96] =	sst s1  }
0xa: {  	[smem:$0x3F97] =	sst s2  }
0xb: {  	[smem:$0x3F98] =	sst s3  }
0xc: {  	[smem:$0x3F99] =	sst s4  }
0xd: {  	[smem:$0x3F9A] =	sst s5  }
0xe: {  	[smem:$0x3F9B] =	sst s6  }
0xf: {  	[smem:$0x3F9C] =	sst s7  }
0x10: {  	[smem:$0x3F9D] =	sst s8  }
0x11: {  	[smem:$0x3F9E] =	sst s9;
	s0 =	simm.s32 @!p0 $0x0  }
0x12: {  	s1 =	sld [smem:$0x3F84];
	s0 =	simm.s32 @p0 $0x1  }
0x13: {  	[smem:$0x3F9F] =	sst s0;
	s0 =	simm.s32 @!p1 $0x0  }
0x14: {  	s2 =	sld [smem:$0x3F83];
	s0 =	simm.s32 @p1 $0x1  }
0x15: {  	[smem:$0x3FA0] =	sst s0;
	s0 =	simm.s32 @!p2 $0x0  }
0x16: {  	s3 =	sld [smem:$0x3FDB];
	s0 =	simm.s32 @p2 $0x1  }
0x17: {  	s4 =	simm.s32 $0x1BF5;
	[smem:$0x3FA2] =	sst s0  }
0x18: {  	s0 =	sld [smem:$0x3F85];
	_ =	swait.ge [sflag:s4], $0x0  }
0x19: {  	s7 =	sld [smem:$0x3F86]  }
0x1a: {  	s8 =	sadd.s32 $0xFFFFE003, lr  }
0x1b: {  	s9 =	sadd.s32 $0xFFFFFEF7, lr;
	s5 =	simm.s32 $0xFFFFFFFF;
	p2 =	slt.u32 s8, $0xFFFFF086  }
0x1c: {  	p1 =	slt.u32 s9, $0xF7A;
	s5 =	simm.s32 @!p2 $0x0  }
0x1d: {  	s5 =	simm.s32 @p1 $0x1;
	p0 =	seq.s32 s7, s2  }
0x1e: {  	s7 =	smul.u32 @!p0 $0xF7A, s2;
	p2 =	seq.s32 @!p0 s5, $0x0  }
0x1f: {  	s9 =	smul.u32 $0xF7A, s1;
	s8 =	simm.s32 @!p0 $0x1BF5;
	p2 =	por !p2, p0  }
0x20: {  	[sflag:s8] =	ssyncset.s32 @!p0 $0xFFFFF086;
	s6 =	sadd.s32 @!p0 s3, s7;
	s7 =	simm.s32 @!p0 $0x108  }
0x21: {  	s3 =	sadd.s32 s3, s9;
	s6 =	sadd.s32 @!p0 $0x88, s6;
	s7 =	simm.s32 @p2 $0x1082  }
0x22: {  	[simem:s7], [sflag:s8] =	dma.local @!p0 [hbm:s6], $0xF7A  }
0x23: {  	s9 =	sor.u32 $0xD0000000, s2;
	s6 =	simm.s32 $0x108;
	_ =	swait.ge @!p0 [sflag:s8], $0x0  }
0x24: {  	s3 =	sadd.s32 $0x88, s3;
	s6 =	simm.s32 @!p1 $0x1082;
	[sflag:s4] =	ssyncset.s32 $0xFFFFF086  }
0x25: {  	[simem:s6], [sflag:s4] =	dma.local [hbm:s3], $0xF7A  }
0x26: {  	[smem:$0x3F86] =	sst s1;
	(tag) =	ssettag s2;
	_ =	strace s9  }
0x27: {  	s1 =	sld [smem:$0x3F96]  }
0x28: {  	s2 =	sld [smem:$0x3F97]  }
0x29: {  	s4 =	sld [smem:$0x3F99]  }
0x2a: {  	p0 =	seq.s32 s5, $0x0;
	s5 =	sld [smem:$0x3F9A]  }
0x2b: {  	s6 =	sld [smem:$0x3F9B]  }
0x2c: {  	s7 =	sld [smem:$0x3F9C]  }
0x2d: {  	s3 =	simm.s32 $0x108;
	s8 =	sld [smem:$0x3F9D]  }
0x2e: {  	s3 =	simm.s32 @!p0 $0x1082;
	s9 =	sld [smem:$0x3F9E]  }
0x2f: {  	lr =	sadd.s32 s0, s3;
	s0 =	sld [smem:$0x3F95]  }
0x30: {  	s3 =	sld [smem:$0x3F98]  }
0x31: {  	[smem:$0x3FA1] =	sst s10  }
0x32: {  	s10 =	sld [smem:$0x3F9F];
	_ =	sdelay $0x3  }
0x33: {  	p0 =	seq.s32 s10, $0x1;
	s10 =	sld [smem:$0x3FA1];
	_ =	sdelay $0x3  }
0x34: {  	[smem:$0x3FA1] =	sst s10  }
0x35: {  	s10 =	sld [smem:$0x3FA0];
	_ =	sdelay $0x3  }
0x36: {  	p1 =	seq.s32 s10, $0x1;
	s10 =	sld [smem:$0x3FA1];
	_ =	sdelay $0x3  }
0x37: {  	[smem:$0x3FA1] =	sst s10  }
0x38: {  	s10 =	sld [smem:$0x3FA2]  }
0x39: {  	_ = 	snop;
	(pc) =	sbr.ind lr, $3  }
0x3a: {  	_ = 	snop  }
0x3b: {  	_ = 	snop  }
0x3c: {  	p2 =	seq.s32 s10, $0x1;
	s10 =	sld [smem:$0x3FA1]  }
0x3d: {  	_ =	shalt  }
0x3e: {  	_ =	shalt  }
0x3f: {  	_ =	shalt  }
0x40: {  	_ =	shalt  }
0x41: {  	_ =	shalt  }
0x42: {  	_ =	shalt  }
0x43: {  	_ =	shalt  }
0x44: {  	_ =	shalt  }
0x45: {  	_ =	shalt  }
0x46: {  	_ =	shalt  }
0x47: {  	_ =	shalt  }
0x48: {  	_ =	shalt  }
0x49: {  	_ =	shalt  }
0x4a: {  	_ =	shalt  }
0x4b: {  	_ =	shalt  }
0x4c: {  	_ =	shalt  }
0x4d: {  	_ =	shalt  }
0x4e: {  	_ =	shalt  }
0x4f: {  	_ =	shalt  }
0x50: {  	_ =	shalt  }
0x51: {  	_ =	shalt  }
0x52: {  	_ =	shalt  }
0x53: {  	_ =	shalt  }
0x54: {  	_ =	shalt  }
0x55: {  	_ =	shalt  }
0x56: {  	_ =	shalt  }
0x57: {  	_ =	shalt  }
0x58: {  	_ =	shalt  }
0x59: {  	_ =	shalt  }
0x5a: {  	_ =	shalt  }
0x5b: {  	_ =	shalt  }
0x5c: {  	_ =	shalt  }
0x5d: {  	_ =	shalt  }
0x5e: {  	_ =	shalt  }
0x5f: {  	_ =	shalt  }
0x60: {  	_ =	shalt  }
0x61: {  	_ =	shalt  }
0x62: {  	_ =	shalt  }
0x63: {  	_ =	shalt  }
0x64: {  	_ =	shalt  }
0x65: {  	_ =	shalt  }
0x66: {  	_ =	shalt  }
0x67: {  	_ =	shalt  }
0x68: {  	_ =	shalt  }
0x69: {  	_ =	shalt  }
0x6a: {  	_ =	shalt  }
0x6b: {  	_ =	shalt  }
0x6c: {  	_ =	shalt  }
0x6d: {  	_ =	shalt  }
0x6e: {  	_ =	shalt  }
0x6f: {  	_ =	shalt  }
0x70: {  	_ =	shalt  }
0x71: {  	_ =	shalt  }
0x72: {  	_ =	shalt  }
0x73: {  	_ =	shalt  }
0x74: {  	_ =	shalt  }
0x75: {  	_ =	shalt  }
0x76: {  	_ =	shalt  }
0x77: {  	_ =	shalt  }
0x78: {  	_ =	shalt  }
0x79: {  	_ =	shalt  }
0x7a: {  	_ =	shalt  }
0x7b: {  	_ =	shalt  }
0x7c: {  	_ =	shalt  }
0x7d: {  	_ =	shalt  }
0x7e: {  	_ =	shalt  }
0x7f: {  	_ =	shalt  }
0x80: {  	_ =	shalt  }
0x81: {  	_ =	shalt  }
0x82: {  	_ =	shalt  }
0x83: {  	_ =	shalt  }
0x84: {  	_ =	shalt  }
0x85: {  	_ =	shalt  }
0x86: {  	_ =	shalt  }
0x87: {  	_ =	shalt  }
.Lfunc_end0:
.L_simem_size_0:
called_computation.1_lowered:
.L_overlay_start_0:
0x88: {  	s2 =	sld [smem:$0x3FD9]  }
0x89: {  	s3 =	sld [smem:$0x3FFE];
	_ =	sdelay $0x1  }
0x8a: {  	s1 =	srdreg.scid  }
0x8b: {  	s0 =	sand.u32 $0x1, s1  }
0x8c: {  	s15 =	sshll.u32 s0, $0xA;
	s2 =	sadd.s32 s3, s2  }
0x8d: {  	s2 =	sadd.s32 s2, s15  }
0x8e: {  	[smem:$0x3FAD] =	sst s2  }
0x8f: {  	_ = 	snop  }
0x90: {  	(tm) =	ssettm $0x1  }
0x91: {  	s16 =	sld [smem:$0x3FFB];
	_ =	sdelay $0x3  }
0x92: {  	_ =	strace s16  }
0x93: {  	s2 =	sld [smem:$0x3FFC];
	_ =	sdelay $0x3  }
0x94: {  	_ =	strace s2  }
0x95: {  	s2 =	sld [smem:$0x3FFD];
	_ =	sdelay $0x3  }
0x96: {  	_ =	strace s2  }
0x97: {  	_ =	strace $0x8FFFFFFF  }
0x98: {  	s17 =	sld [smem:$0x3FDB];
	_ =	sdelay $0x1  }
0x99: {  	s18 =	simm.s32 $_scs_section_size  }
0x9a: {  	s4 =	simm.s32 $_size__tile_overlayer_lowered;
	s5 =	simm.s32 $_tile_overlayer_lowered  }
0x9b: {  	s6 =	simm.s32 $0x1BFF;
	s19 =	sshll.u32 s5, $0x1;
	s3 =	sadd.s32 s18, s17  }
0x9c: {  	s20 =	simm.s32 $0x0;
	s4 =	sshll.u32 s4, $0x1;
	s5 =	sadd.s32 s19, s3  }
0x9d: {  	[timem:s20], [sflag:s6] =	dma.local [hbm:s5], s4  }
0x9e: {  	_ =	swait.ge [sflag:s6], s4  }
0x9f: {  	s4 =	ssub.s32 $0x0, s4;
	[sflag:s6] =	ssyncset.done $0x0  }
0xa0: {  	[sflag:s6] =	ssyncadd.s32 s4;
	_ =	sdelay $0x1  }
0xa1: {  	s21 =	simm.s32 $0x1B8B  }
0xa2: {  	_ =	swait.ge [sflag:s21], $0x1  }
0xa3: {  	[sflag:s21] =	ssyncset.done $0x0  }
0xa4: {  	s22 =	sld [smem:$0x3FFE];
	[sflag:s21] =	ssyncadd.s32 $0xFFFFFFFF  }
0xa5: {  	s24 =	simm.s32 $0x1B8E;
	s23 =	sld [smem:$0x0]  }
0xa6: {  	s25 =	simm.s32 $execute0_lowered;
	[smem:$0x3FD2] =	sst s24  }
0xa7: {  	s6 =	sshll.u32 s25, $0x1;
	_ =	strace $0x8000004C;
	[dreg:$0x1] =	wrdreg $0xFFFFFFFF  }
0xa8: {  	s7 =	simm.s32 $_size_execute0_lowered;
	s6 =	sadd.s32 s3, s6;
	[dreg:$0x0] =	wrdreg $0x0  }
0xa9: {  	s7 =	sshll.u32 s7, $0x1;
	[dreg:$0x2] =	wrdreg s6  }
0xaa: {  	[dreg:$0x3] =	wrdreg s7  }
0xab: {  	[dreg:$0x4] =	wrdreg $0xC0  }
0xac: {  	s26 =	simm.s32 $execute1_lowered;
	_ =	task [dreg:s20], $0x5FFFF  }
0xad: {  	s6 =	sshll.u32 s26, $0x1;
	[dreg:$0x1] =	wrdreg $0xFFFFFFFF  }
0xae: {  	s3 =	sadd.s32 s3, s6;
	[dreg:$0x0] =	wrdreg $0x60  }
0xaf: {  	[dreg:$0x2] =	wrdreg s3  }
0xb0: {  	[dreg:$0x3] =	wrdreg s22  }
0xb1: {  	[dreg:$0x4] =	wrdreg $0x9  }
0xb2: {  	_ =	task.clear_ibuf [dreg:s20], $0x5FFFF;
	_ =	strace $0x9000004C  }
0xb3: {  	s28 =	simm.s32 $0x9;
	_ =	strace $0x8000004E  }
0xb4: {  	_ =	swait.ge [sflag:s28], $0x1  }
0xb5: {  	[sflag:s28] =	ssyncadd.s32 $0xFFFFFFFF  }
0xb6: {  	_ =	strace $0x9000004E  }
0xb7: {  	s3 =	sld [smem:$0x0]  }
0xb8: {  	s6 =	sand.u32 $0xFFFFFFFE, s1  }
0xb9: {  	p0 =	sne.s32 s1, s6  }
0xba: {  	s6 =	sshll.u32 @p0 s6, $0xE  }
0xbb: {  	s6 =	sadd.s32 @p0 $0x11BF3, s6;
	s7 =	sshll.u32 @p0 s3, $0x11  }
0xbc: {  	s6 =	sor.u32 @p0 s7, s6  }
0xbd: {  	[sflag:s6] =	ssyncadd.remote.s32 @p0 $0x1;
	_ =	sdelay $0x1  }
0xbe: {  	s6 =	simm.s32 @p0 $0x1BF3  }
0xbf: {  	_ =	swait.eq @p0 [sflag:s6], $0x1  }
0xc0: {  	[sflag:s6] =	ssyncadd.s32 @p0 $0xFFFFFFFF  }
0xc1: {  	s7 =	sshll.u32 @!p0 s1, $0xE  }
0xc2: {  	s7 =	sor.u32 @!p0 $0x4000, s7;
	s6 =	simm.s32 @!p0 $0x1BF3  }
0xc3: {  	s3 =	sshll.u32 @!p0 s3, $0x11;
	s7 =	sadd.s32 @!p0 $0x11BF3, s7;
	_ =	swait.eq @!p0 [sflag:s6], $0x1  }
0xc4: {  	s3 =	sor.u32 @!p0 s3, s7;
	[sflag:s6] =	ssyncadd.s32 @!p0 $0xFFFFFFFF  }
0xc5: {  	[sflag:s3] =	ssyncadd.remote.s32 @!p0 $0x1  }
0xc6: {  	_ =	strace $0x8000004F;
	[dreg:$0x1] =	wrdreg $0xFFFFFFFF  }
0xc7: {  	[dreg:$0x0] =	wrdreg $0x2030  }
0xc8: {  	[dreg:$0x2] =	wrdreg s22  }
0xc9: {  	[dreg:$0x3] =	wrdreg s1  }
0xca: {  	[dreg:$0x4] =	wrdreg s23  }
0xcb: {  	[dreg:$0x5] =	wrdreg $0xA  }
0xcc: {  	_ =	task.clear_ibuf [dreg:s20], $0x6FFFF;
	_ =	strace $0x9000004F  }
0xcd: {  	s29 =	simm.s32 $0xA;
	_ =	strace $0x80000051  }
0xce: {  	_ =	swait.ge [sflag:s29], $0x1  }
0xcf: {  	[sflag:s29] =	ssyncadd.s32 $0xFFFFFFFF  }
0xd0: {  	_ =	strace $0x90000051  }
0xd1: {  	_ =	sfence  }
0xd2: {  	s30 =	sld [smem:$0x0];
	_ =	sdelay $0x2  }
0xd3: {  	s31 =	sshll.u32 s1, $0xD;
	s1 =	sshrl.u32 s1, $0x2  }
0xd4: {  	s4 =	sand.u32 $0x4000, s31;
	s1 =	sadd.s32 s1, s30  }
0xd5: {  	s0 =	sor.u32 s4, s0;
	s1 =	sshll.u32 s1, $0x11  }
0xd6: {  	s0 =	sor.u32 s1, s0  }
0xd7: {  	s0 =	sadd.s32 $0x8F2B, s0  }
0xd8: {  	[sflag:s0] =	ssyncadd.remote.s32 $0x1  }
0xd9: {  	_ =	sfence.sel $0xFFFF  }
0xda: {  	[dreg:$0x0] =	wrdreg $0xFFFFFFFF;
	(pc) =	sbr.abs _section_cstart, $3  }
0xdb: {  	[dreg:$0x1] =	wrdreg $0xFFFFFFFF  }
0xdc: {  	_ =	task.clear_ibuf [dreg:s20], $0x2FFFF;
	_ =	strace $0x9FFFFFFF  }
0xdd: {  	(tm) =	ssettm $0x7FFFFFFF  }
tec
execute0_lowered:
.L_overlay_start_1:
0x0: {  	(tag) =	ssettag $0x1  }
0x1: {  	s2 =	rddreg [dreg:$0x0]  }
0x2: {  	s5 =	rddreg [dreg:$0x1]  }
0x3: {  	s0 =	rddreg [dreg:$0x2];
	s3 =	stileid.u32;
	[bflag:$0x3] =	sbarrier.arrive $0xFFFF  }
0x4: {  	s1 =	simm.s32 $_size_execute1_lowered;
	s29 =	srdreg.scid;
	s31 =	simm.s32 $0x2  }
0x5: {  	s13 =	simm.s32 $0x0;
	s8 =	simm.s32 $0x20;
	p0 =	sne.s32 s3, $0x0  }
0x6: {  	s1 =	sshll.u32 s1, $0x1;
	s4 =	simm.s32 @!p0 $0x1C3F;
	s6 =	simm.s32 @!p0 $0x4060  }
0x7: {  	[timem:s6], [sflag:s4] =	dma.local @!p0 [hbm:s2], s1  }
0x8: {  	s9 =	simm.s32 $0x80;
	s11 =	simm.s32 $0x0;
	s2 =	sshll.u32 s29, $0x9  }
.Ltmp0:
0x9: {  	s3 =	sshll.u32 s3, $0xA;
	s30 =	sand.u32 $0x200, s2;
	(pc) =	sbr.rel .LBB2_1-.Ltmp0, $4  }
0xa: {  	s12 =	simm.s32 $0x0;
	s4 =	simm.s32 $0x1;
	s3 =	sor.u32 s3, s30  }
0xb: {  	_ =	strace $0x8000004D;
	s2 =	sadd.s32 $0x37BF000, s5;
	s7 =	ssub.s32 $0x18600, s3  }
0xc: {  	s5 =	sadd.s32 $0x31FF800, s5;
	[sflag:s4] =	ssyncpa.u1 $0x0;
	s6 =	sshrl.u32 s7, $0xE  }
0xd: {  	[sflag:s31] =	ssyncpa.u1 $0x0;
	s10 =	smov.u32 s3;
	s7 =	sadd.s32 $0x2, s6  }
.LBB2_5:
0xe: {  	_ =	sdelay $0x3  }
0xf: {  	[tilespmem:v1+s16+$0x0 ss:$0x1] =	vst.idx.msk $0xffff, v2  }
.LBB2_6:
0x10: {  	s16 =	sand.u32 $0x1FFFFFF, s11  }
0x11: {  	s17 =	smulhi.u32 $0x14F8B59, s16;
	_ =	sdelay $0x1  }
0x12: {  	s17 =	sshrl.u32 s17, $0x9  }
0x13: {  	s17 =	smul.u32 $0x186A0, s17;
	_ =	sdelay $0x1  }
0x14: {  	s16 =	ssub.s32 s16, s17  }
0x15: {  	s16 =	sshll.u32 s16, $0x4  }
0x16: {  	s16 =	sadd.s32 s5, s16  }
0x17: {  	[hbm4b:s16+s8] =	stream.strided.scatter [tilespmem:s15], [sflag:$0x2], s14, s9, s8, $0x38;
	[tilespmem:$0x10000] =	vst v63  }
.LBB2_7:
0x18: {  	p1 =	slt.u32 s12, $0x2  }
0x19: {  	p2 =	sgt.s32 @!p1 s13, $0x184A0  }
0x1a: {  	s14 =	smov.u32 s13;
	s15 =	sshra.s32 @!p1 s13, $0x1F;
	p2 =	por !p2, p1  }
0x1b: {  	s13 =	sand.u32 @!p1 s15, s13;
	s14 =	simm.s32 @p2 $0x184A0  }
0x1c: {  	s13 =	ssub.s32 @!p1 s14, s13  }
0x1d: {  	s13 =	sadd.s32 @!p1 $0xFFFE7B60, s13  }
0x1e: {  	s14 =	sshll.u32 @!p1 s13, $0x7  }
0x1f: {  	p2 =	sgt.s32 @!p1 s13, $0x1FF;
	s13 =	ssub.s32 @!p1 $0x10000, s14  }
0x20: {  	s15 =	sadd.s32 $0x4000, s10;
	p2 =	por !p2, p1;
	s13 =	sshrl.u32 @!p1 s13, $0x2  }
0x21: {  	s13 =	simm.s32 @!p2 $0x0;
	p2 =	sgt.s32 s15, $0x1869F  }
0x22: {  	s15 =	smov.u32 @p2 s3;
	p2 =	sne.s32 s12, s7  }
.Ltmp1:
0x23: {  	_ = 	snop;
	(pc) =	sbr.rel @!p2 .LBB2_8-.Ltmp1, $4  }
0x24: {  	s14 =	simm.s32 @!p1 $0x2  }
0x25: {  	_ =	swait.ge @!p1 [sflag:s14], s13;
	s16 =	ssub.s32 @!p1 $0x0, s13  }
0x26: {  	s13 =	smov.u32 s11;
	s12 =	sadd.s32 $0x1, s12;
	[sflag:s14] =	ssyncset.done @!p1 $0x0  }
0x27: {  	s11 =	smov.u32 s10;
	s10 =	smov.u32 s15;
	[sflag:s14] =	ssyncadd.s32 @!p1 s16  }
.LBB2_1:
0x28: {  	p1 =	sgt.u32 s12, s6  }
0x29: {  	s15 =	smov.u32 s10;
	p2 =	sgt.s32 @!p1 s10, $0x184A0  }
0x2a: {  	s14 =	sand.u32 @!p1 $0x1FFFFFF, s10;
	s16 =	sshra.s32 @!p1 s10, $0x1F;
	p2 =	por !p2, p1  }
0x2b: {  	s17 =	smulhi.u32 @!p1 $0x14F8B59, s14;
	s16 =	sand.u32 @!p1 s16, s10;
	s15 =	simm.s32 @p2 $0x184A0  }
0x2c: {  	s15 =	ssub.s32 @!p1 s15, s16  }
0x2d: {  	s16 =	sshrl.u32 @!p1 s17, $0x9;
	s15 =	sadd.s32 @!p1 $0xFFFE7B60, s15  }
0x2e: {  	s17 =	sxor.u32 @!p1 $0xFFFFFFFF, s12;
	s16 =	smul.u32 @!p1 $0x186A0, s16;
	s18 =	sshll.u32 @!p1 s15, $0x7  }
0x2f: {  	s17 =	sshll.u32 @!p1 s17, $0xE;
	p2 =	sgt.s32 @!p1 s15, $0x1FF;
	s15 =	ssub.s32 @!p1 $0x10000, s18  }
0x30: {  	s14 =	ssub.s32 @!p1 s14, s16;
	p2 =	por !p2, p1;
	s16 =	sand.u32 @!p1 $0x4000, s17  }
0x31: {  	s17 =	simm.s32 @!p1 $0x20;
	s15 =	sshrl.u32 @!p1 s15, $0x2;
	s14 =	sshll.u32 @!p1 s14, $0x4  }
0x32: {  	s18 =	simm.s32 @!p1 $0x80;
	s15 =	simm.s32 @!p2 $0x0;
	s14 =	sadd.s32 @!p1 s2, s14  }
0x33: {  	[tilespmem:s16], [sflag:$0x1] =	stream.strided.gather @!p1 [hbm4b:s14+s17], s15, s18, s17, $0x38;
	[tilespmem:$0x10000] =	vst v63  }
0x34: {  	p1 =	seq.s32 s12, $0x0  }
0x35: {  	p2 =	sge.u32 @!p1 s12, s7  }
0x36: {  	p1 =	por p1, p2  }
.Ltmp2:
0x37: {  	_ = 	snop;
	(pc) =	sbr.rel @p1 .LBB2_7-.Ltmp2, $1  }
0x38: {  	_ =	sdelay $0x3  }
0x39: {  	p1 =	sgt.s32 s11, $0x184A0;
	s14 =	smov.u32 s11;
	s15 =	sshra.s32 s11, $0x1F  }
0x3a: {  	s14 =	simm.s32 @!p1 $0x184A0;
	s15 =	sand.u32 s15, s11  }
0x3b: {  	s14 =	ssub.s32 s14, s15  }
0x3c: {  	s14 =	sadd.s32 $0xFFFE7B60, s14  }
0x3d: {  	s31 =	sshll.u32 s14, $0x7  }
0x3e: {  	s15 =	ssub.s32 $0x10000, s31  }
0x3f: {  	p1 =	sgt.s32 s14, $0x1FF;
	s14 =	sshrl.u32 s15, $0x2;
	s15 =	sadd.s32 $0x200, s11  }
0x40: {  	s14 =	simm.s32 @p1 $0x0;
	p1 =	slt.s32 s15, $0x186A0  }
0x41: {  	s15 =	simm.s32 @!p1 $0x186A0  }
0x42: {  	s17 =	ssub.s32 s15, s11  }
0x43: {  	p1 =	slt.s32 s17, $0x1  }
.Ltmp3:
0x44: {  	_ = 	snop;
	(pc) =	sbr.rel @p1 .LBB2_6-.Ltmp3, $4  }
0x45: {  	_ = 	snop  }
0x46: {  	s16 =	sshll.u32 s12, $0xE;
	_ =	swait.ge [sflag:s4], s14  }
0x47: {  	s16 =	sand.u32 $0x4000, s16;
	s18 =	ssub.s32 $0x0, s14;
	[sflag:s4] =	ssyncset.done $0x0  }
0x48: {  	s15 =	sor.u32 $0x8000, s16;
	[sflag:s4] =	ssyncadd.s32 s18  }
0x49: {  	v0 =	vmov s16;
	_ =	sdelay $0x2  }
0x4a: {  	s31 =	simm.s32 $0x0;
	p1 =	sne.s32 s17, $0x1  }
.Ltmp4:
0x4b: {  	s16 =	sand.u32 $0x3FE0, s31;
	(pc) =	sbr.rel @!p1 .LBB2_5-.Ltmp4, $2  }
0x4c: {  	v1 =	vmov s15;
	v2 =	vld.idx.msk [tilespmem:v0+s16+$0x0 ss:$0x1], $0xffff;
	_ =	sdelay $0x2  }
0x4d: {  	s17 =	sadd.s32 $0xFFFFFFFF, s17;
	s18 =	simm.s32 $0x20  }
.LBB2_4:
0x4e: {  	s19 =	sand.u32 $0x3FE0, s18;
	p1 =	sne.s32 s17, $0x1;
	s17 =	sadd.s32 $0xFFFFFFFF, s17  }
.Ltmp5:
0x4f: {  	[tilespmem:v1+s16+$0x0 ss:$0x1] =	vst.idx.msk $0xffff, v2;
	v2 =	vld.idx.msk [tilespmem:v0+s19+$0x0 ss:$0x1], $0xffff;
	s16 =	smov.u32 s19;
	(pc) =	sbr.rel @p1 .LBB2_4-.Ltmp5, $2  }
0x50: {  	_ =	sdelay $0x2  }
0x51: {  	s18 =	sadd.s32 $0x20, s18  }
.Ltmp6:
0x52: {  	_ = 	snop;
	(pc) =	sbr.rel .LBB2_5-.Ltmp6, $1  }
0x53: {  	_ =	sdelay $0x3  }
.LBB2_8:
0x54: {  	_ =	sfence.sel $0x180000  }
0x55: {  	s2 =	simm.s32 $0x1;
	[bflag:$0x0] =	sbarrier.arrive $0xFFFF  }
0x56: {  	s31 =	simm.s32 $0x2;
	[sflag:s2] =	ssyncpa.u1 $0x1  }
0x57: {  	[sflag:s31] =	ssyncpa.u1 $0x1  }
0x58: {  	_ =	strace $0x9000004D  }
0x59: {  	s0 =	sadd.s32 @!p0 $0x100000, s0;
	[bflag:$0x2] =	sbarrier.arrive $0xFFFF  }
0x5a: {  	[sflag:s0] =	ssyncadd.tile.s32 @!p0 $0x1;
	s0 =	simm.s32 @!p0 $0x3F  }
0x5b: {  	_ =	swait.ge @!p0 [sflag:s0], s1  }
0x5c: {  	s1 =	ssub.s32 @!p0 $0x0, s1;
	[sflag:s0] =	ssyncset.done @!p0 $0x0  }
0x5d: {  	[sflag:s0] =	ssyncadd.s32 @!p0 s1  }
0x5e: {  	[bflag:$0x3] =	sbarrier.arrive $0xFFFF  }
0x5f: {  	_ =	shalt  }
.Lfunc_end2:
execute1_lowered:
.L_overlay_start_2:
0x60: {  	(tag) =	ssettag $0x2  }
0x61: {  	s11 =	rddreg [dreg:$0x0]  }
0x62: {  	s2 =	rddreg [dreg:$0x1];
	_ =	strace $0x80000050;
	s12 =	simm.s32 $0x1  }
0x63: {  	v0 =	vimm.s32 $0x0;
	[sflag:s12] =	ssyncpa.u1 $0x0  }
0x64: {  	[tilespmem:$0x28] =	vst v0  }
0x65: {  	[tilespmem:$0x38] =	vst v0  }
0x66: {  	[tilespmem:$0x48] =	vst v0  }
0x67: {  	[tilespmem:$0x58] =	vst v0  }
0x68: {  	[tilespmem:$0x68] =	vst v0  }
0x69: {  	[tilespmem:$0x78] =	vst v0  }
0x6a: {  	[tilespmem:$0x88] =	vst v0  }
0x6b: {  	[tilespmem:$0x98] =	vst v0  }
0x6c: {  	[tilespmem:$0xA8] =	vst v0  }
0x6d: {  	[tilespmem:$0xB8] =	vst v0  }
0x6e: {  	[tilespmem:$0xC8] =	vst v0  }
0x6f: {  	[tilespmem:$0xD8] =	vst v0  }
0x70: {  	[tilespmem:$0xE8] =	vst v0  }
0x71: {  	[tilespmem:$0xF8] =	vst v0  }
0x72: {  	[tilespmem:$0x108] =	vst v0  }
0x73: {  	[tilespmem:$0x118] =	vst v0  }
0x74: {  	[tilespmem:$0x128] =	vst v0  }
0x75: {  	[tilespmem:$0x138] =	vst v0  }
0x76: {  	[tilespmem:$0x148] =	vst v0  }
0x77: {  	[tilespmem:$0x158] =	vst v0  }
0x78: {  	[tilespmem:$0x168] =	vst v0  }
0x79: {  	[tilespmem:$0x178] =	vst v0  }
0x7a: {  	[tilespmem:$0x188] =	vst v0  }
0x7b: {  	[tilespmem:$0x198] =	vst v0  }
0x7c: {  	[tilespmem:$0x1A8] =	vst v0  }
0x7d: {  	[tilespmem:$0x1B8] =	vst v0  }
0x7e: {  	[tilespmem:$0x1C8] =	vst v0  }
0x7f: {  	[tilespmem:$0x1D8] =	vst v0  }
0x80: {  	[tilespmem:$0x1E8] =	vst v0  }
0x81: {  	[tilespmem:$0x1F8] =	vst v0  }
0x82: {  	[tilespmem:$0x208] =	vst v0  }
0x83: {  	[tilespmem:$0x218] =	vst v0  }
0x84: {  	[tilespmem:$0x228] =	vst v0  }
0x85: {  	[tilespmem:$0x238] =	vst v0  }
0x86: {  	[tilespmem:$0x248] =	vst v0  }
0x87: {  	[tilespmem:$0x258] =	vst v0  }
0x88: {  	[tilespmem:$0x268] =	vst v0  }
0x89: {  	[tilespmem:$0x278] =	vst v0  }
0x8a: {  	[tilespmem:$0x288] =	vst v0  }
0x8b: {  	[tilespmem:$0x298] =	vst v0  }
0x8c: {  	[tilespmem:$0x2A8] =	vst v0  }
0x8d: {  	[tilespmem:$0x2B8] =	vst v0  }
0x8e: {  	[tilespmem:$0x2C8] =	vst v0  }
0x8f: {  	[tilespmem:$0x2D8] =	vst v0  }
0x90: {  	[tilespmem:$0x2E8] =	vst v0  }
0x91: {  	[tilespmem:$0x2F8] =	vst v0  }
0x92: {  	[tilespmem:$0x308] =	vst v0  }
0x93: {  	[tilespmem:$0x318] =	vst v0  }
0x94: {  	[tilespmem:$0x328] =	vst v0  }
0x95: {  	[tilespmem:$0x338] =	vst v0  }
0x96: {  	[tilespmem:$0x348] =	vst v0  }
0x97: {  	[tilespmem:$0x358] =	vst v0  }
0x98: {  	[tilespmem:$0x368] =	vst v0  }
0x99: {  	[tilespmem:$0x378] =	vst v0  }
0x9a: {  	[tilespmem:$0x388] =	vst v0  }
0x9b: {  	[tilespmem:$0x398] =	vst v0  }
0x9c: {  	[tilespmem:$0x3A8] =	vst v0  }
0x9d: {  	[tilespmem:$0x3B8] =	vst v0  }
0x9e: {  	[tilespmem:$0x3C8] =	vst v0  }
0x9f: {  	[tilespmem:$0x3D8] =	vst v0  }
0xa0: {  	[tilespmem:$0x3E8] =	vst v0  }
0xa1: {  	[tilespmem:$0x3F8] =	vst v0  }
0xa2: {  	[tilespmem:$0x408] =	vst v0  }
0xa3: {  	[tilespmem:$0x418] =	vst v0  }
0xa4: {  	[tilespmem:$0x428] =	vst v0  }
0xa5: {  	[tilespmem:$0x438] =	vst v0  }
0xa6: {  	[tilespmem:$0x448] =	vst v0  }
0xa7: {  	[tilespmem:$0x458] =	vst v0  }
0xa8: {  	[tilespmem:$0x468] =	vst v0  }
0xa9: {  	[tilespmem:$0x478] =	vst v0  }
0xaa: {  	[tilespmem:$0x488] =	vst v0  }
0xab: {  	[tilespmem:$0x498] =	vst v0  }
0xac: {  	[tilespmem:$0x4A8] =	vst v0  }
0xad: {  	[tilespmem:$0x4B8] =	vst v0  }
0xae: {  	[tilespmem:$0x4C8] =	vst v0  }
0xaf: {  	[tilespmem:$0x4D8] =	vst v0  }
0xb0: {  	[tilespmem:$0x4E8] =	vst v0  }
0xb1: {  	[tilespmem:$0x4F8] =	vst v0  }
0xb2: {  	[tilespmem:$0x508] =	vst v0  }
0xb3: {  	[tilespmem:$0x518] =	vst v0  }
0xb4: {  	[tilespmem:$0x528] =	vst v0  }
0xb5: {  	[tilespmem:$0x538] =	vst v0  }
0xb6: {  	[tilespmem:$0x548] =	vst v0  }
0xb7: {  	[tilespmem:$0x558] =	vst v0  }
0xb8: {  	[tilespmem:$0x568] =	vst v0  }
0xb9: {  	[tilespmem:$0x578] =	vst v0  }
0xba: {  	[tilespmem:$0x588] =	vst v0  }
0xbb: {  	[tilespmem:$0x598] =	vst v0  }
0xbc: {  	[tilespmem:$0x5A8] =	vst v0  }
0xbd: {  	[tilespmem:$0x5B8] =	vst v0  }
0xbe: {  	[tilespmem:$0x5C8] =	vst v0  }
0xbf: {  	[tilespmem:$0x5D8] =	vst v0  }
0xc0: {  	[tilespmem:$0x5E8] =	vst v0  }
0xc1: {  	[tilespmem:$0x5F8] =	vst v0  }
0xc2: {  	[tilespmem:$0x608] =	vst v0  }
0xc3: {  	[tilespmem:$0x618] =	vst v0  }
0xc4: {  	[tilespmem:$0x628] =	vst v0  }
0xc5: {  	[tilespmem:$0x638] =	vst v0  }
0xc6: {  	[tilespmem:$0x648] =	vst v0  }
0xc7: {  	[tilespmem:$0x658] =	vst v0  }
0xc8: {  	[tilespmem:$0x668] =	vst v0  }
0xc9: {  	[tilespmem:$0x678] =	vst v0  }
0xca: {  	[tilespmem:$0x688] =	vst v0  }
0xcb: {  	[tilespmem:$0x698] =	vst v0  }
0xcc: {  	[tilespmem:$0x6A8] =	vst v0  }
0xcd: {  	[tilespmem:$0x6B8] =	vst v0  }
0xce: {  	[tilespmem:$0x6C8] =	vst v0  }
0xcf: {  	[tilespmem:$0x6D8] =	vst v0  }
0xd0: {  	[tilespmem:$0x6E8] =	vst v0  }
0xd1: {  	[tilespmem:$0x6F8] =	vst v0  }
0xd2: {  	[tilespmem:$0x708] =	vst v0  }
0xd3: {  	[tilespmem:$0x718] =	vst v0  }
0xd4: {  	[tilespmem:$0x728] =	vst v0  }
0xd5: {  	[tilespmem:$0x738] =	vst v0  }
0xd6: {  	[tilespmem:$0x748] =	vst v0  }
0xd7: {  	[tilespmem:$0x758] =	vst v0  }
0xd8: {  	[tilespmem:$0x768] =	vst v0  }
0xd9: {  	[tilespmem:$0x778] =	vst v0  }
0xda: {  	[tilespmem:$0x788] =	vst v0  }
0xdb: {  	[tilespmem:$0x798] =	vst v0  }
0xdc: {  	[tilespmem:$0x7A8] =	vst v0  }
0xdd: {  	[tilespmem:$0x7B8] =	vst v0  }
0xde: {  	[tilespmem:$0x7C8] =	vst v0  }
0xdf: {  	[tilespmem:$0x7D8] =	vst v0  }
0xe0: {  	[tilespmem:$0x7E8] =	vst v0  }
0xe1: {  	[tilespmem:$0x7F8] =	vst v0  }
0xe2: {  	[tilespmem:$0x808] =	vst v0  }
0xe3: {  	[tilespmem:$0x818] =	vst v0  }
0xe4: {  	[tilespmem:$0x828] =	vst v0  }
0xe5: {  	[tilespmem:$0x838] =	vst v0  }
0xe6: {  	[tilespmem:$0x848] =	vst v0  }
0xe7: {  	[tilespmem:$0x858] =	vst v0  }
0xe8: {  	[tilespmem:$0x868] =	vst v0  }
0xe9: {  	[tilespmem:$0x878] =	vst v0  }
0xea: {  	[tilespmem:$0x888] =	vst v0  }
0xeb: {  	[tilespmem:$0x898] =	vst v0  }
0xec: {  	[tilespmem:$0x8A8] =	vst v0  }
0xed: {  	[tilespmem:$0x8B8] =	vst v0  }
0xee: {  	[tilespmem:$0x8C8] =	vst v0  }
0xef: {  	[tilespmem:$0x8D8] =	vst v0  }
0xf0: {  	[tilespmem:$0x8E8] =	vst v0  }
0xf1: {  	[tilespmem:$0x8F8] =	vst v0  }
0xf2: {  	[tilespmem:$0x908] =	vst v0  }
0xf3: {  	[tilespmem:$0x918] =	vst v0  }
0xf4: {  	[tilespmem:$0x928] =	vst v0  }
0xf5: {  	[tilespmem:$0x938] =	vst v0  }
0xf6: {  	[tilespmem:$0x948] =	vst v0  }
0xf7: {  	[tilespmem:$0x958] =	vst v0  }
0xf8: {  	[tilespmem:$0x968] =	vst v0  }
0xf9: {  	[tilespmem:$0x978] =	vst v0  }
0xfa: {  	[tilespmem:$0x988] =	vst v0  }
0xfb: {  	[tilespmem:$0x998] =	vst v0  }
0xfc: {  	[tilespmem:$0x9A8] =	vst v0  }
0xfd: {  	[tilespmem:$0x9B8] =	vst v0  }
0xfe: {  	[tilespmem:$0x9C8] =	vst v0  }
0xff: {  	[tilespmem:$0x9D8] =	vst v0  }
0x100: {  	[tilespmem:$0x9E8] =	vst v0  }
0x101: {  	[tilespmem:$0x9F8] =	vst v0  }
0x102: {  	[tilespmem:$0xA08] =	vst v0  }
0x103: {  	[tilespmem:$0xA18] =	vst v0  }
0x104: {  	[tilespmem:$0xA28] =	vst v0  }
0x105: {  	[tilespmem:$0xA38] =	vst v0  }
0x106: {  	[tilespmem:$0xA48] =	vst v0  }
0x107: {  	[tilespmem:$0xA58] =	vst v0  }
0x108: {  	[tilespmem:$0xA68] =	vst v0  }
0x109: {  	[tilespmem:$0xA78] =	vst v0  }
0x10a: {  	[tilespmem:$0xA88] =	vst v0  }
0x10b: {  	[tilespmem:$0xA98] =	vst v0  }
0x10c: {  	[tilespmem:$0xAA8] =	vst v0  }
0x10d: {  	[tilespmem:$0xAB8] =	vst v0  }
0x10e: {  	[tilespmem:$0xAC8] =	vst v0  }
0x10f: {  	[tilespmem:$0xAD8] =	vst v0  }
0x110: {  	[tilespmem:$0xAE8] =	vst v0  }
0x111: {  	[tilespmem:$0xAF8] =	vst v0  }
0x112: {  	[tilespmem:$0xB08] =	vst v0  }
0x113: {  	[tilespmem:$0xB18] =	vst v0  }
0x114: {  	[tilespmem:$0xB28] =	vst v0  }
0x115: {  	[tilespmem:$0xB38] =	vst v0  }
0x116: {  	[tilespmem:$0xB48] =	vst v0  }
0x117: {  	[tilespmem:$0xB58] =	vst v0  }
0x118: {  	[tilespmem:$0xB68] =	vst v0  }
0x119: {  	[tilespmem:$0xB78] =	vst v0  }
0x11a: {  	[tilespmem:$0xB88] =	vst v0  }
0x11b: {  	[tilespmem:$0xB98] =	vst v0  }
0x11c: {  	[tilespmem:$0xBA8] =	vst v0  }
0x11d: {  	[tilespmem:$0xBB8] =	vst v0  }
0x11e: {  	[tilespmem:$0xBC8] =	vst v0  }
0x11f: {  	[tilespmem:$0xBD8] =	vst v0  }
0x120: {  	[tilespmem:$0xBE8] =	vst v0  }
0x121: {  	[tilespmem:$0xBF8] =	vst v0  }
0x122: {  	[tilespmem:$0xC08] =	vst v0  }
0x123: {  	[tilespmem:$0xC18] =	vst v0  }
0x124: {  	[tilespmem:$0xC28] =	vst v0  }
0x125: {  	[tilespmem:$0xC38] =	vst v0  }
0x126: {  	[tilespmem:$0xC48] =	vst v0  }
0x127: {  	[tilespmem:$0xC58] =	vst v0  }
0x128: {  	[tilespmem:$0xC68] =	vst v0  }
0x129: {  	[tilespmem:$0xC78] =	vst v0  }
0x12a: {  	[tilespmem:$0xC88] =	vst v0  }
0x12b: {  	[tilespmem:$0xC98] =	vst v0  }
0x12c: {  	[tilespmem:$0xCA8] =	vst v0  }
0x12d: {  	[tilespmem:$0xCB8] =	vst v0  }
0x12e: {  	[tilespmem:$0xCC8] =	vst v0  }
0x12f: {  	[tilespmem:$0xCD8] =	vst v0  }
0x130: {  	[tilespmem:$0xCE8] =	vst v0  }
0x131: {  	[tilespmem:$0xCF8] =	vst v0  }
0x132: {  	[tilespmem:$0xD08] =	vst v0  }
0x133: {  	[tilespmem:$0xD18] =	vst v0  }
0x134: {  	[tilespmem:$0xD28] =	vst v0  }
0x135: {  	[tilespmem:$0xD38] =	vst v0  }
0x136: {  	[tilespmem:$0xD48] =	vst v0  }
0x137: {  	[tilespmem:$0xD58] =	vst v0  }
0x138: {  	[tilespmem:$0xD68] =	vst v0  }
0x139: {  	[tilespmem:$0xD78] =	vst v0  }
0x13a: {  	[tilespmem:$0xD88] =	vst v0  }
0x13b: {  	[tilespmem:$0xD98] =	vst v0  }
0x13c: {  	[tilespmem:$0xDA8] =	vst v0  }
0x13d: {  	[tilespmem:$0xDB8] =	vst v0  }
0x13e: {  	[tilespmem:$0xDC8] =	vst v0  }
0x13f: {  	[tilespmem:$0xDD8] =	vst v0  }
0x140: {  	[tilespmem:$0xDE8] =	vst v0  }
0x141: {  	[tilespmem:$0xDF8] =	vst v0  }
0x142: {  	[tilespmem:$0xE08] =	vst v0  }
0x143: {  	[tilespmem:$0xE18] =	vst v0  }
0x144: {  	[tilespmem:$0xE28] =	vst v0  }
0x145: {  	[tilespmem:$0xE38] =	vst v0  }
0x146: {  	[tilespmem:$0xE48] =	vst v0  }
0x147: {  	[tilespmem:$0xE58] =	vst v0  }
0x148: {  	[tilespmem:$0xE68] =	vst v0  }
0x149: {  	[tilespmem:$0xE78] =	vst v0  }
0x14a: {  	[tilespmem:$0xE88] =	vst v0  }
0x14b: {  	[tilespmem:$0xE98] =	vst v0  }
0x14c: {  	[tilespmem:$0xEA8] =	vst v0  }
0x14d: {  	[tilespmem:$0xEB8] =	vst v0  }
0x14e: {  	[tilespmem:$0xEC8] =	vst v0  }
0x14f: {  	[tilespmem:$0xED8] =	vst v0  }
0x150: {  	[tilespmem:$0xEE8] =	vst v0  }
0x151: {  	[tilespmem:$0xEF8] =	vst v0  }
0x152: {  	[tilespmem:$0xF08] =	vst v0  }
0x153: {  	[tilespmem:$0xF18] =	vst v0  }
0x154: {  	[tilespmem:$0xF28] =	vst v0  }
0x155: {  	[tilespmem:$0xF38] =	vst v0  }
0x156: {  	[tilespmem:$0xF48] =	vst v0  }
0x157: {  	[tilespmem:$0xF58] =	vst v0  }
0x158: {  	[tilespmem:$0xF68] =	vst v0  }
0x159: {  	[tilespmem:$0xF78] =	vst v0  }
0x15a: {  	[tilespmem:$0xF88] =	vst v0  }
0x15b: {  	[tilespmem:$0xF98] =	vst v0  }
0x15c: {  	[tilespmem:$0xFA8] =	vst v0  }
0x15d: {  	[tilespmem:$0xFB8] =	vst v0  }
0x15e: {  	[tilespmem:$0xFC8] =	vst v0  }
0x15f: {  	[tilespmem:$0xFD8] =	vst v0  }
0x160: {  	[tilespmem:$0xFE8] =	vst v0  }
0x161: {  	[tilespmem:$0xFF8] =	vst v0  }
0x162: {  	[tilespmem:$0x1028] =	vst v0  }
0x163: {  	[tilespmem:$0x10E8] =	vst v0  }
0x164: {  	[tilespmem:$0x1068] =	vst v0  }
0x165: {  	[tilespmem:$0x1B28] =	vst v0  }
0x166: {  	[tilespmem:$0x1B18] =	vst v0  }
0x167: {  	[tilespmem:$0x1B08] =	vst v0  }
0x168: {  	[tilespmem:$0x1AF8] =	vst v0  }
0x169: {  	[tilespmem:$0x1AE8] =	vst v0  }
0x16a: {  	[tilespmem:$0x1AD8] =	vst v0  }
0x16b: {  	[tilespmem:$0x1AC8] =	vst v0  }
0x16c: {  	[tilespmem:$0x1AB8] =	vst v0  }
0x16d: {  	[tilespmem:$0x1AA8] =	vst v0  }
0x16e: {  	[tilespmem:$0x1A98] =	vst v0  }
0x16f: {  	[tilespmem:$0x1A88] =	vst v0  }
0x170: {  	[tilespmem:$0x1A78] =	vst v0  }
0x171: {  	[tilespmem:$0x1A68] =	vst v0  }
0x172: {  	[tilespmem:$0x1A58] =	vst v0  }
0x173: {  	[tilespmem:$0x1A48] =	vst v0  }
0x174: {  	[tilespmem:$0x1A38] =	vst v0  }
0x175: {  	[tilespmem:$0x1A28] =	vst v0  }
0x176: {  	[tilespmem:$0x1A18] =	vst v0  }
0x177: {  	[tilespmem:$0x1A08] =	vst v0  }
0x178: {  	[tilespmem:$0x19F8] =	vst v0  }
0x179: {  	[tilespmem:$0x19E8] =	vst v0  }
0x17a: {  	[tilespmem:$0x19D8] =	vst v0  }
0x17b: {  	[tilespmem:$0x19C8] =	vst v0  }
0x17c: {  	[tilespmem:$0x19B8] =	vst v0  }
0x17d: {  	[tilespmem:$0x19A8] =	vst v0  }
0x17e: {  	[tilespmem:$0x1998] =	vst v0  }
0x17f: {  	[tilespmem:$0x1988] =	vst v0  }
0x180: {  	[tilespmem:$0x1978] =	vst v0  }
0x181: {  	[tilespmem:$0x1968] =	vst v0  }
0x182: {  	[tilespmem:$0x1958] =	vst v0  }
0x183: {  	[tilespmem:$0x1948] =	vst v0  }
0x184: {  	[tilespmem:$0x1938] =	vst v0  }
0x185: {  	[tilespmem:$0x1928] =	vst v0  }
0x186: {  	[tilespmem:$0x1918] =	vst v0  }
0x187: {  	[tilespmem:$0x1908] =	vst v0  }
0x188: {  	[tilespmem:$0x18F8] =	vst v0  }
0x189: {  	[tilespmem:$0x18E8] =	vst v0  }
0x18a: {  	[tilespmem:$0x18D8] =	vst v0  }
0x18b: {  	[tilespmem:$0x18C8] =	vst v0  }
0x18c: {  	[tilespmem:$0x18B8] =	vst v0  }
0x18d: {  	[tilespmem:$0x18A8] =	vst v0  }
0x18e: {  	[tilespmem:$0x1898] =	vst v0  }
0x18f: {  	[tilespmem:$0x1888] =	vst v0  }
0x190: {  	[tilespmem:$0x1878] =	vst v0  }
0x191: {  	[tilespmem:$0x1868] =	vst v0  }
0x192: {  	[tilespmem:$0x1858] =	vst v0  }
0x193: {  	[tilespmem:$0x1848] =	vst v0  }
0x194: {  	[tilespmem:$0x1838] =	vst v0  }
0x195: {  	[tilespmem:$0x1828] =	vst v0  }
0x196: {  	[tilespmem:$0x1818] =	vst v0  }
0x197: {  	[tilespmem:$0x1808] =	vst v0  }
0x198: {  	[tilespmem:$0x17F8] =	vst v0  }
0x199: {  	[tilespmem:$0x17E8] =	vst v0  }
0x19a: {  	[tilespmem:$0x17D8] =	vst v0  }
0x19b: {  	[tilespmem:$0x17C8] =	vst v0  }
0x19c: {  	[tilespmem:$0x17B8] =	vst v0  }
0x19d: {  	[tilespmem:$0x17A8] =	vst v0  }
0x19e: {  	[tilespmem:$0x1798] =	vst v0  }
0x19f: {  	[tilespmem:$0x1788] =	vst v0  }
0x1a0: {  	[tilespmem:$0x1778] =	vst v0  }
0x1a1: {  	[tilespmem:$0x1768] =	vst v0  }
0x1a2: {  	[tilespmem:$0x1758] =	vst v0  }
0x1a3: {  	[tilespmem:$0x1748] =	vst v0  }
0x1a4: {  	[tilespmem:$0x1738] =	vst v0  }
0x1a5: {  	[tilespmem:$0x1728] =	vst v0  }
0x1a6: {  	[tilespmem:$0x1718] =	vst v0  }
0x1a7: {  	[tilespmem:$0x1708] =	vst v0  }
0x1a8: {  	[tilespmem:$0x16F8] =	vst v0  }
0x1a9: {  	[tilespmem:$0x16E8] =	vst v0  }
0x1aa: {  	[tilespmem:$0x16D8] =	vst v0  }
0x1ab: {  	[tilespmem:$0x16C8] =	vst v0  }
0x1ac: {  	[tilespmem:$0x16B8] =	vst v0  }
0x1ad: {  	[tilespmem:$0x16A8] =	vst v0  }
0x1ae: {  	[tilespmem:$0x1698] =	vst v0  }
0x1af: {  	[tilespmem:$0x1688] =	vst v0  }
0x1b0: {  	[tilespmem:$0x1678] =	vst v0  }
0x1b1: {  	[tilespmem:$0x1668] =	vst v0  }
0x1b2: {  	[tilespmem:$0x1658] =	vst v0  }
0x1b3: {  	[tilespmem:$0x1648] =	vst v0  }
0x1b4: {  	[tilespmem:$0x1638] =	vst v0  }
0x1b5: {  	[tilespmem:$0x1628] =	vst v0  }
0x1b6: {  	[tilespmem:$0x1618] =	vst v0  }
0x1b7: {  	[tilespmem:$0x1608] =	vst v0  }
0x1b8: {  	[tilespmem:$0x15F8] =	vst v0  }
0x1b9: {  	[tilespmem:$0x15E8] =	vst v0  }
0x1ba: {  	[tilespmem:$0x15D8] =	vst v0  }
0x1bb: {  	[tilespmem:$0x15C8] =	vst v0  }
0x1bc: {  	[tilespmem:$0x15B8] =	vst v0  }
0x1bd: {  	[tilespmem:$0x15A8] =	vst v0  }
0x1be: {  	[tilespmem:$0x1598] =	vst v0  }
0x1bf: {  	[tilespmem:$0x1588] =	vst v0  }
0x1c0: {  	[tilespmem:$0x1578] =	vst v0  }
0x1c1: {  	[tilespmem:$0x1568] =	vst v0  }
0x1c2: {  	[tilespmem:$0x1558] =	vst v0  }
0x1c3: {  	[tilespmem:$0x1548] =	vst v0  }
0x1c4: {  	[tilespmem:$0x1538] =	vst v0  }
0x1c5: {  	[tilespmem:$0x1528] =	vst v0  }
0x1c6: {  	[tilespmem:$0x1518] =	vst v0  }
0x1c7: {  	[tilespmem:$0x1508] =	vst v0  }
0x1c8: {  	[tilespmem:$0x14F8] =	vst v0  }
0x1c9: {  	[tilespmem:$0x14E8] =	vst v0  }
0x1ca: {  	[tilespmem:$0x14D8] =	vst v0  }
0x1cb: {  	[tilespmem:$0x14C8] =	vst v0  }
0x1cc: {  	[tilespmem:$0x14B8] =	vst v0  }
0x1cd: {  	[tilespmem:$0x14A8] =	vst v0  }
0x1ce: {  	[tilespmem:$0x1498] =	vst v0  }
0x1cf: {  	[tilespmem:$0x1488] =	vst v0  }
0x1d0: {  	[tilespmem:$0x1478] =	vst v0  }
0x1d1: {  	[tilespmem:$0x1468] =	vst v0  }
0x1d2: {  	[tilespmem:$0x1458] =	vst v0  }
0x1d3: {  	[tilespmem:$0x1448] =	vst v0  }
0x1d4: {  	[tilespmem:$0x1438] =	vst v0  }
0x1d5: {  	[tilespmem:$0x1428] =	vst v0  }
0x1d6: {  	[tilespmem:$0x1418] =	vst v0  }
0x1d7: {  	[tilespmem:$0x1408] =	vst v0  }
0x1d8: {  	[tilespmem:$0x13F8] =	vst v0  }
0x1d9: {  	[tilespmem:$0x13E8] =	vst v0  }
0x1da: {  	[tilespmem:$0x13D8] =	vst v0  }
0x1db: {  	[tilespmem:$0x13C8] =	vst v0  }
0x1dc: {  	[tilespmem:$0x13B8] =	vst v0  }
0x1dd: {  	[tilespmem:$0x13A8] =	vst v0  }
0x1de: {  	[tilespmem:$0x1398] =	vst v0  }
0x1df: {  	[tilespmem:$0x1388] =	vst v0  }
0x1e0: {  	[tilespmem:$0x1378] =	vst v0  }
0x1e1: {  	[tilespmem:$0x1368] =	vst v0  }
0x1e2: {  	[tilespmem:$0x1358] =	vst v0  }
0x1e3: {  	[tilespmem:$0x1348] =	vst v0  }
0x1e4: {  	[tilespmem:$0x1338] =	vst v0  }
0x1e5: {  	[tilespmem:$0x1328] =	vst v0  }
0x1e6: {  	[tilespmem:$0x1318] =	vst v0  }
0x1e7: {  	[tilespmem:$0x1308] =	vst v0  }
0x1e8: {  	[tilespmem:$0x12F8] =	vst v0  }
0x1e9: {  	[tilespmem:$0x12E8] =	vst v0  }
0x1ea: {  	[tilespmem:$0x12D8] =	vst v0  }
0x1eb: {  	[tilespmem:$0x12C8] =	vst v0  }
0x1ec: {  	[tilespmem:$0x12B8] =	vst v0  }
0x1ed: {  	[tilespmem:$0x12A8] =	vst v0  }
0x1ee: {  	[tilespmem:$0x1298] =	vst v0  }
0x1ef: {  	[tilespmem:$0x1288] =	vst v0  }
0x1f0: {  	[tilespmem:$0x1278] =	vst v0  }
0x1f1: {  	[tilespmem:$0x1268] =	vst v0  }
0x1f2: {  	[tilespmem:$0x1258] =	vst v0  }
0x1f3: {  	[tilespmem:$0x1248] =	vst v0  }
0x1f4: {  	[tilespmem:$0x1238] =	vst v0  }
0x1f5: {  	[tilespmem:$0x1228] =	vst v0  }
0x1f6: {  	[tilespmem:$0x1218] =	vst v0  }
0x1f7: {  	[tilespmem:$0x1208] =	vst v0  }
0x1f8: {  	[tilespmem:$0x11F8] =	vst v0  }
0x1f9: {  	[tilespmem:$0x11E8] =	vst v0  }
0x1fa: {  	[tilespmem:$0x11D8] =	vst v0  }
0x1fb: {  	[tilespmem:$0x11C8] =	vst v0  }
0x1fc: {  	[tilespmem:$0x11B8] =	vst v0  }
0x1fd: {  	[tilespmem:$0x11A8] =	vst v0  }
0x1fe: {  	[tilespmem:$0x1198] =	vst v0  }
0x1ff: {  	[tilespmem:$0x1188] =	vst v0  }
0x200: {  	[tilespmem:$0x1178] =	vst v0  }
0x201: {  	[tilespmem:$0x1168] =	vst v0  }
0x202: {  	[tilespmem:$0x1158] =	vst v0  }
0x203: {  	[tilespmem:$0x1148] =	vst v0  }
0x204: {  	[tilespmem:$0x1138] =	vst v0  }
0x205: {  	[tilespmem:$0x1128] =	vst v0  }
0x206: {  	[tilespmem:$0x1118] =	vst v0  }
0x207: {  	s4 =	stileid.u32;
	[tilespmem:$0x1108] =	vst v0  }
0x208: {  	s0 =	smul.u32 $0xE7, s4;
	[tilespmem:$0x10F8] =	vst v0  }
0x209: {  	s1 =	smin.u32 s4, $0x8;
	[tilespmem:$0x10C8] =	vst v0  }
0x20a: {  	[tilespmem:$0x10D8] =	vst v0;
	s0 =	sadd.s32 s1, s0  }
0x20b: {  	p0 =	slt.u32 s4, $0x8;
	[tilespmem:$0x10B8] =	vst v0;
	s1 =	simm.s32 $0x18780;
	s6 =	smul.u32 $0x1B0, s0  }
0x20c: {  	s1 =	simm.s32 @!p0 $0x185D0;
	[tilespmem:$0x1038] =	vst v0  }
0x20d: {  	[tilespmem:$0x10A8] =	vst v0;
	s0 =	sadd.s32 s1, s6  }
0x20e: {  	s3 =	simm.s32 $0x2;
	s8 =	simm.s32 $0x9;
	[tilespmem:$0x1098] =	vst v0;
	s7 =	smin.u32 s0, $0x186A00  }
0x20f: {  	s10 =	simm.s32 $0xA;
	s30 =	simm.s32 $0xB;
	[tilespmem:$0x1088] =	vst v0;
	s0 =	ssub.s32 s7, s6  }
0x210: {  	s16 =	simm.s32 $0x0;
	p4 =	por $0x0, $0x0;
	[tilespmem:$0x1078] =	vst v0;
	p0 =	sgt.s32 s0, $0x0  }
0x211: {  	s17 =	simm.s32 $0xC;
	s21 =	simm.s32 $0x0;
	[tilespmem:$0x1058] =	vst v0;
	s0 =	simm.s32 @!p0 $0x0  }
0x212: {  	s18 =	simm.s32 $0x0;
	s2 =	sand.u32 $0x1, s2;
	[tilespmem:$0x1048] =	vst v0;
	s29 =	smulhi.u32 $0x4BDA12F7, s0  }
0x213: {  	s20 =	simm.s32 $0x0;
	s31 =	sshll.u32 s4, $0x5;
	[tilespmem:$0x1018] =	vst v0;
	[dreg:$0x5] =	wrdreg s2  }
0x214: {  	s2 =	smul.u32 $0x30D40, s2;
	[tilespmem:$0x1008] =	vst v0;
	[sflag:s3] =	ssyncpa.u1 $0x0;
	s1 =	sshrl.u32 s29, $0x7  }
0x215: {  	v0 =	vimm.s32 $0xFFFFFFFF;
	s3 =	sadd.s32 $0x31FF800, s11;
	[dreg:$0x4] =	wrdreg s31;
	s5 =	smul.u32 $0x1B0, s1  }
.Ltmp7:
0x216: {  	[tilespmem:$0x3648] =	vst v0;
	[sflag:s8] =	ssyncpa.u1 $0x0;
	s2 =	sadd.s32 s2, s11;
	(pc) =	sbr.rel .LBB3_1-.Ltmp7, $4  }
0x217: {  	[sflag:s10] =	ssyncpa.u1 $0x0;
	s11 =	sadd.s32 $0x3F60200, s11;
	p0 =	sne.s32 s0, s5  }
0x218: {  	[sflag:s30] =	ssyncpa.u1 $0x0;
	s14 =	sadd.s32 $0x375D400, s2;
	s12 =	simm.s32 @!p0 $0x0  }
0x219: {  	s15 =	sadd.s32 $0x36FB800, s2;
	s19 =	smov.u32 s6;
	s12 =	sadd.s32 s12, s1  }
0x21a: {  	v0 =	vlaneseq.u32;
	[dreg:$0x6] =	wrdreg s6;
	p0 =	por $0x1, $0x1;
	s4 =	sadd.s32 $0x1, s12  }
.LBB3_18:
0x21b: {  	s0 =	simm.s32 $0x2  }
0x21c: {  	_ =	swait.ge [sflag:s0], $0x0  }
0x21d: {  	[sflag:s0] =	ssyncset.done $0x0;
	s0 =	simm.s32 $0x0  }
.LBB3_19:
0x21e: {  	_ =	swait.ge [sflag:s17], s0  }
0x21f: {  	s31 =	ssub.s32 $0x0, s0;
	v1 =	vmov s23;
	vm0 =	veq.s32 v0, $0x0;
	[sflag:s17] =	ssyncset.done $0x0  }
0x220: {  	vm15 =	veq.s32 v0, $0x2;
	v1 =	vsel vm0, s28, v1;
	[sflag:s17] =	ssyncadd.s32 s31  }
0x221: {  	v1 =	vsel vm15, s21, v1;
	[sflag:s17] =	ssyncpa.u1 $0x1  }
0x222: {  	[tilespmem:$0x3648] =	vst v1  }
.LBB3_20:
0x223: {  	s0 =	sadd.s32 $0x1B0, s19  }
0x224: {  	s1 =	smov.u32 s6;
	p1 =	slt.s32 s0, s7  }
0x225: {  	s1 =	smov.u32 @p1 s0;
	p1 =	sne.s32 s20, s4  }
.Ltmp8:
0x226: {  	_ = 	snop;
	(pc) =	sbr.rel @!p1 .LBB3_21-.Ltmp8, $4  }
0x227: {  	_ = 	snop  }
0x228: {  	s21 =	smov.u32 s18  }
0x229: {  	s31 =	sadd.s32 $0x1, s20;
	s18 =	smov.u32 s19;
	p0 =	por !p0, !p0  }
0x22a: {  	p4 =	por !p4, !p4;
	s20 =	smov.u32 s31;
	s19 =	smov.u32 s1  }
.LBB3_1:
0x22b: {  	p2 =	sge.u32 s20, s12  }
0x22c: {  	s0 =	smulhi.u32 @!p2 $0xAAAAAAAB, s20  }
0x22d: {  	s1 =	smov.u32 s19;
	p3 =	sgt.s32 @!p2 s19, $0x186850  }
0x22e: {  	s2 =	sshra.s32 @!p2 s19, $0x1F;
	p3 =	por !p3, p2;
	s0 =	sshrl.u32 @!p2 s0, $0x1  }
0x22f: {  	s2 =	sand.u32 @!p2 s2, s19;
	s1 =	simm.s32 @p3 $0x186850;
	s0 =	smul.u32 @!p2 $0x3, s0  }
0x230: {  	s1 =	ssub.s32 @!p2 s1, s2  }
0x231: {  	s23 =	sadd.s32 $0xFFFFFFFF, s20;
	s1 =	sadd.s32 @!p2 $0xFFE797B0, s1;
	s0 =	ssub.s32 @!p2 s20, s0  }
0x232: {  	s2 =	sshll.u32 @!p2 s1, $0x2;
	p3 =	sgt.s32 @!p2 s1, $0x1AF;
	s0 =	smul.u32 @!p2 $0x6C0, s0  }
0x233: {  	s5 =	sand.u32 @!p2 $0x7, s19;
	s1 =	ssub.s32 @!p2 $0x6C0, s2;
	p3 =	por !p3, p2  }
0x234: {  	s2 =	sshrl.u32 @!p2 s19, $0x3;
	s1 =	sshrl.u32 @!p2 s1, $0x2;
	s0 =	sshrl.u32 @!p2 s0, $0x2  }
0x235: {  	s2 =	sadd.s32 @!p2 s2, s14;
	s1 =	simm.s32 @!p3 $0x0;
	s0 =	sadd.s32 @!p2 $0x3888, s0  }
0x236: {  	[tilespmem:s0], [sflag:$0xA] =	stream.linear.gather @!p2 [hbm4b:s2+s5], s1, $0x38;
	[tilespmem:$0x1F0F8] =	vst v63  }
0x237: {  	p2 =	sge.u32 s23, s12  }
0x238: {  	p3 =	sgt.s32 @!p2 s18, $0x186850  }
0x239: {  	s0 =	smov.u32 s18;
	s1 =	sshra.s32 @!p2 s18, $0x1F;
	p3 =	por !p3, p2  }
0x23a: {  	s1 =	sand.u32 @!p2 s1, s18;
	s0 =	simm.s32 @p3 $0x186850  }
0x23b: {  	s0 =	ssub.s32 @!p2 s0, s1  }
0x23c: {  	s0 =	sadd.s32 @!p2 $0xFFE797B0, s0  }
0x23d: {  	s1 =	sshll.u32 @!p2 s0, $0x2  }
0x23e: {  	p3 =	sgt.s32 @!p2 s0, $0x1AF;
	s0 =	ssub.s32 @!p2 $0x6C0, s1  }
0x23f: {  	s22 =	ssub.s32 @!p2 $0x186A00, s18;
	p3 =	por !p3, p2;
	s0 =	sshrl.u32 @!p2 s0, $0x2  }
0x240: {  	s1 =	sand.u32 @!p2 $0x1, s23;
	s0 =	simm.s32 @!p3 $0x0;
	p3 =	slt.s32 @!p2 s22, $0x1  }
0x241: {  	s2 =	simm.s32 @!p2 $0xA;
	s1 =	smul.u32 @!p2 $0x6C0, s1;
	p3 =	por p2, p3  }
.Ltmp9:
0x242: {  	_ =	swait.ge @!p2 [sflag:s2], s0;
	(pc) =	sbr.rel @p3 .LBB3_7-.Ltmp9, $4  }
0x243: {  	s5 =	ssub.s32 @!p2 $0x0, s0;
	[sflag:s2] =	ssyncset.done @!p2 $0x0  }
0x244: {  	s1 =	sshrl.u32 @!p2 s1, $0x2;
	[sflag:s2] =	ssyncadd.s32 @!p2 s5;
	s2 =	sshrl.u32 @!p2 s18, $0x3  }
0x245: {  	s1 =	sadd.s32 @!p2 $0x3D98, s1;
	s5 =	sand.u32 @!p2 $0x7, s18;
	s2 =	sadd.s32 @!p2 s2, s15  }
0x246: {  	[tilespmem:s1], [sflag:$0xB] =	stream.linear.gather @!p2 [hbm4b:s2+s5], s0, $0x38;
	[tilespmem:$0x1F0F8] =	vst v63  }
0x247: {  	s0 =	smulhi.u32 $0xAAAAAAAB, s23;
	_ =	sdelay $0x1  }
0x248: {  	s0 =	sshrl.u32 s0, $0x1  }
0x249: {  	s0 =	smul.u32 $0x3, s0;
	_ =	sdelay $0x1  }
0x24a: {  	s0 =	ssub.s32 s23, s0  }
0x24b: {  	s1 =	simm.s32 $0x1;
	s0 =	smul.u32 $0x6C0, s0  }
.Ltmp10:
0x24c: {  	s1 =	simm.s32 @!p0 $0x0;
	(pc) =	sbr.rel .LBB3_4-.Ltmp10, $4  }
0x24d: {  	s1 =	smul.u32 $0x36000, s1  }
0x24e: {  	p3 =	slt.s32 @!p2 s22, $0x1B0;
	s0 =	sshrl.u32 s0, $0x2  }
0x24f: {  	p2 =	por !p3, p2;
	s1 =	sshrl.u32 s1, $0x2;
	s0 =	sadd.s32 $0x3888, s0  }
0x250: {  	s24 =	simm.s32 $0x0;
	s22 =	simm.s32 @p2 $0x1B0;
	s23 =	sadd.s32 $0x40F8, s1;
	v1 =	vmov s0  }
.LBB3_3:
0x251: {  	p2 =	sge.s32 s24, s22  }
.Ltmp11:
0x252: {  	_ = 	snop;
	(pc) =	sbr.rel @p2 .LBB3_7-.Ltmp11, $2  }
0x253: {  	_ =	sdelay $0x2  }
0x254: {  	s23 =	sadd.s32 $0x800, s23  }
.LBB3_4:
0x255: {  	p2 =	sle.s32 s22, s24  }
.Ltmp12:
0x256: {  	_ = 	snop;
	(pc) =	sbr.rel @p2 .LBB3_3-.Ltmp12, $2  }
0x257: {  	_ =	sdelay $0x2  }
0x258: {  	s0 =	smov.u32 s24;
	s24 =	sadd.s32 $0x10, s24  }
0x259: {  	s1 =	ssub.s32 s22, s0  }
0x25a: {  	p2 =	slt.s32 s1, $0x10  }
0x25b: {  	s1 =	simm.s32 @!p2 $0x10  }
0x25c: {  	v2 =	vmov s1  }
0x25d: {  	vm0 =	vgt.s32 v2, v0;
	_ =	sdelay $0x5  }
0x25e: {  	v2 =	vld.idx.msk [tilespmem:v1+s0+$0x0 ss:$0x1], vm0;
	_ =	sdelay $0x2  }
0x25f: {  	p2 =	slt.s32 s24, s22;
	s1 =	smov.u32 s22  }
0x260: {  	s2 =	smov.u32 s23;
	s25 =	simm.s32 $0x0;
	s1 =	smov.u32 @p2 s24  }
.LBB3_6:
0x261: {  	(v2sf) =	vpush v2, s25;
	_ =	sdelay $0xc  }
0x262: {  	s25 =	sadd.s32 $0x1, s25  }
0x263: {  	s31 =	sadd.s32 s25, s0  }
0x264: {  	p2 =	slt.s32 s31, s1;
	s5 =	spop (v2sf)  }
.Ltmp13:
0x265: {  	s5 =	sshll.u32 s5, $0x4;
	(pc) =	sbr.rel @p2 .LBB3_6-.Ltmp13, $4  }
0x266: {  	s5 =	sand.u32 $0x1FFFFFF0, s5  }
0x267: {  	s5 =	sadd.s32 s11, s5  }
0x268: {  	[tilespmem:s2], [sflag:$0x9] =	stream.linear.gather [hbm4b:s5+s16], $0x10, $0x38;
	[tilespmem:$0x1F0F8] =	vst v63  }
0x269: {  	s2 =	sadd.s32 $0x80, s2  }
.Ltmp14:
0x26a: {  	_ = 	snop;
	(pc) =	sbr.rel .LBB3_3-.Ltmp14, $1  }
0x26b: {  	_ =	sdelay $0x3  }
.LBB3_7:
0x26c: {  	p2 =	slt.u32 s20, $0x2  }
.Ltmp15:
0x26d: {  	_ = 	snop;
	(pc) =	sbr.rel @p2 .LBB3_20-.Ltmp15, $1  }
0x26e: {  	_ =	sdelay $0x3  }
0x26f: {  	p2 =	sgt.s32 s21, $0x186850  }
0x270: {  	s0 =	smov.u32 s21;
	s1 =	sshra.s32 s21, $0x1F;
	s2 =	ssub.s32 $0x186A00, s21  }
0x271: {  	s0 =	simm.s32 @!p2 $0x186850;
	s1 =	sand.u32 s1, s21;
	p2 =	slt.s32 s2, $0x1B0  }
0x272: {  	s0 =	ssub.s32 s0, s1;
	s2 =	simm.s32 @!p2 $0x1B0  }
0x273: {  	s0 =	sadd.s32 $0xFFE797B0, s0;
	s24 =	sshll.u32 s2, $0x4  }
0x274: {  	s28 =	simm.s32 $0x9;
	s25 =	sshll.u32 s0, $0x2;
	s1 =	sand.u32 $0x3FFFFFF0, s24  }
0x275: {  	p2 =	sgt.s32 s0, $0x1AF;
	s26 =	ssub.s32 $0x6C0, s25;
	_ =	swait.ge [sflag:s28], s1  }
0x276: {  	s1 =	ssub.s32 $0x0, s1;
	[sflag:s28] =	ssyncset.done $0x0;
	s0 =	sshrl.u32 s26, $0x2  }
0x277: {  	s30 =	simm.s32 $0xB;
	[sflag:s28] =	ssyncadd.s32 s1;
	s0 =	simm.s32 @p2 $0x0  }
0x278: {  	_ =	swait.ge [sflag:s30], s0  }
0x279: {  	s0 =	ssub.s32 $0x0, s0;
	[sflag:s30] =	ssyncset.done $0x0  }
0x27a: {  	[sflag:s30] =	ssyncadd.s32 s0  }
0x27b: {  	v1 =	vld [tilespmem:$0x3648];
	_ =	sdelay $0x4  }
0x27c: {  	(v2sf) =	vpush v1, $0x0  }
0x27d: {  	(v2sf) =	vpush v1, $0x1  }
0x27e: {  	(v2sf) =	vpush v1, $0x2;
	_ =	sdelay $0x3  }
0x27f: {  	s0 =	sadd.s32 $0x1B0, s21  }
0x280: {  	s1 =	ssub.s32 $0x30D400, s21;
	p2 =	slt.s32 s7, s0  }
0x281: {  	s0 =	smov.u32 @p2 s7;
	p2 =	sgt.s32 s1, $0x0  }
0x282: {  	s25 =	ssub.s32 s0, s21;
	s1 =	simm.s32 @!p2 $0x0  }
0x283: {  	p2 =	slt.s32 s1, s25  }
0x284: {  	s25 =	smov.u32 @p2 s1  }
0x285: {  	s24 =	simm.s32 $0x1;
	p2 =	slt.s32 s25, $0x1  }
.Ltmp16:
0x286: {  	s24 =	simm.s32 @!p4 $0x0;
	(pc) =	sbr.rel @p2 .LBB3_12-.Ltmp16, $4  }
0x287: {  	s31 =	smul.u32 $0x6C0, s24  }
0x288: {  	s26 =	spop (v2sf)  }
0x289: {  	s0 =	sshrl.u32 s31, $0x2;
	s29 =	spop (v2sf)  }
0x28a: {  	s22 =	sadd.s32 $0x3D98, s0;
	s21 =	spop (v2sf)  }
0x28b: {  	s0 =	smin.u32 s25, $0x10  }
0x28c: {  	v1 =	vmov s0  }
0x28d: {  	p3 =	sgt.s32 s25, $0x10;
	vm1 =	vgt.u32 v1, v0  }
.Ltmp17:
0x28e: {  	_ = 	snop;
	(pc) =	sbr.rel @!p3 .LBB3_11-.Ltmp17, $2  }
0x28f: {  	_ =	sdelay $0x2  }
0x290: {  	s23 =	simm.s32 $0x10;
	s28 =	sadd.s32 $0xFFFFFFF0, s25;
	s0 =	smov.u32 s22;
	vm0 =	vmmov vm1  }
.LBB3_10:
0x291: {  	s1 =	smin.u32 s28, $0x10;
	s23 =	sadd.s32 $0x10, s23;
	v1 =	vld.msk [tilespmem:s0+$0x0 ss:$0x1], vm1  }
0x292: {  	v2 =	vmov s1;
	p3 =	slt.s32 s23, s25  }
0x293: {  	vm1 =	vgt.u32 v2, v0  }
.Ltmp18:
0x294: {  	(pc) =	sbr.rel @p3 .LBB3_10-.Ltmp18, $3  }
0x295: {  	_ =	sdelay $0x1  }
0x296: {  	v1 =	vshll.u32 v1, $0x4  }
0x297: {  	s28 =	sadd.s32 $0xFFFFFFF0, s28;
	[tilespmem:s0+$0x0] =	vst.msk vm0, v1;
	s0 =	sadd.s32 $0x10, s0;
	vm0 =	vmmov vm1  }
.LBB3_11:
0x298: {  	_ =	sdelay $0x4  }
0x299: {  	v1 =	vld.msk [tilespmem:s0+$0x0 ss:$0x1], vm1;
	_ =	sdelay $0x4  }
0x29a: {  	v1 =	vshll.u32 v1, $0x4  }
0x29b: {  	[tilespmem:s0+$0x0] =	vst.msk vm0, v1  }
.LBB3_12:
0x29c: {  	s0 =	sand.u32 $0x1, s20  }
0x29d: {  	s0 =	smul.u32 $0x1B0, s0  }
0x29e: {  	p3 =	sne.s32 s29, $0xFFFFFFFF  }
0x29f: {  	v1 =	vld.msk @!p3 [tilespmem:s0+$0x3D98], $0x1;
	_ =	sdelay $0x4  }
0x2a0: {  	(v2sf) =	vpush @!p3 v1, $0x0;
	_ =	sdelay $0xc  }
.Ltmp19:
0x2a1: {  	_ = 	snop;
	(pc) =	sbr.rel @p2 .LBB3_18-.Ltmp19, $4  }
0x2a2: {  	_ = 	snop  }
0x2a3: {  	s28 =	spop @!p3 (v2sf)  }
0x2a4: {  	s21 =	simm.s32 @!p3 $0x0;
	s23 =	smov.u32 s28  }
0x2a5: {  	[sflag:s17] =	ssyncpa.u1 $0x0;
	s28 =	smov.u32 @p3 s26;
	s23 =	smov.u32 @p3 s29  }
0x2a6: {  	v1 =	vld.msk [tilespmem:s22+$0x0], $0x1;
	_ =	sdelay $0x4  }
0x2a7: {  	(v2sf) =	vpush v1, $0x0;
	_ =	sdelay $0xe  }
0x2a8: {  	s0 =	simm.s32 @!p4 $0x0;
	s26 =	smul.u32 $0x36000, s24;
	s31 =	spop (v2sf)  }
0x2a9: {  	s29 =	ssub.s32 $0x0, s25;
	s0 =	simm.s32 @p4 $0x1;
	p2 =	seq.s32 s28, s31  }
0x2aa: {  	s1 =	smov.u32 s28;
	[smem:$0x7FD] =	sst s0;
	p3 =	sgt.s32 @!p2 s28, $0x0  }
0x2ab: {  	s0 =	sshrl.u32 s26, $0x2;
	s26 =	sadd.s32 $0x1, s29;
	p3 =	por !p3, p2  }
0x2ac: {  	s1 =	simm.s32 @p3 $0x0;
	p3 =	seq.s32 s26, $0x0  }
.Ltmp20:
0x2ad: {  	_ = 	snop;
	(pc) =	sbr.rel @p3 .LBB3_15-.Ltmp20, $4  }
0x2ae: {  	s6 =	smov.u32 s4;
	s25 =	simm.s32 $0x0  }
0x2af: {  	s24 =	sadd.s32 $0x40F8, s0;
	s0 =	simm.s32 @!p2 $0x1;
	s2 =	smin.u32 @!p2 s1, $0x1869FE  }
0x2b0: {  	s30 =	sadd.s32 $0x1, s22;
	s0 =	smov.u32 @p2 s25;
	s5 =	sand.u32 @!p2 $0x1FFFF8, s2  }
0x2b1: {  	s1 =	simm.s32 @!p2 $0x1B38;
	s2 =	sand.u32 @!p2 $0x7, s2;
	s5 =	sadd.s32 @!p2 s3, s5  }
.LBB3_14:
0x2b2: {  	s4 =	smov.u32 s0  }
0x2b3: {  	[tilespmem:s1], [sflag:$0x2] =	stream.linear.gather @!p2 [hbm4b:s5+s2], $0x10, $0x38;
	[tilespmem:$0x1F0F8] =	vst v63  }
0x2b4: {  	s26 =	sadd.s32 $0x1, s26;
	s2 =	smov.u32 s31;
	v1 =	vld.msk [tilespmem:s30+$0x0], $0x1  }
0x2b5: {  	p3 =	seq.s32 s26, $0x0;
	_ =	sdelay $0x3  }
0x2b6: {  	(v2sf) =	vpush v1, $0x0;
	_ =	sdelay $0xe  }
0x2b7: {  	s31 =	spop (v2sf)  }
0x2b8: {  	p2 =	seq.s32 s2, s31  }
0x2b9: {  	p4 =	sgt.s32 @!p2 s2, $0x0;
	s1 =	sshll.u32 @!p2 s0, $0x6;
	s0 =	sadd.s32 @!p2 $0x1, s0  }
.Ltmp21:
0x2ba: {  	p4 =	por !p4, p2;
	s1 =	sshra.s32 @!p2 s1, $0x2;
	(pc) =	sbr.rel @!p3 .LBB3_14-.Ltmp21, $4  }
0x2bb: {  	s0 =	smov.u32 @p2 s4;
	s2 =	simm.s32 @p4 $0x0;
	s1 =	sadd.s32 @!p2 $0x1B38, s1  }
0x2bc: {  	s2 =	smin.u32 @!p2 s2, $0x1869FE  }
0x2bd: {  	s4 =	sand.u32 @!p2 $0x1FFFF8, s2;
	s2 =	sand.u32 @!p2 $0x7, s2  }
0x2be: {  	s30 =	sadd.s32 $0x1, s30;
	s5 =	sadd.s32 @!p2 s3, s4  }
.LBB3_15:
0x2bf: {  	[tilespmem:s1], [sflag:$0x2] =	stream.linear.gather @!p2 [hbm4b:s5+s2], $0x10, $0x38;
	[tilespmem:$0x1F0F8] =	vst v63  }
0x2c0: {  	s0 =	sshll.u32 s0, $0x4  }
0x2c1: {  	s31 =	simm.s32 $0x2;
	s0 =	sand.u32 $0x3FFFFFF0, s0  }
0x2c2: {  	_ =	swait.ge [sflag:s31], s0  }
0x2c3: {  	s0 =	ssub.s32 $0x0, s0;
	[sflag:s31] =	ssyncset.done $0x0  }
0x2c4: {  	[sflag:s31] =	ssyncadd.s32 s0  }
0x2c5: {  	v1 =	vld.msk [tilespmem:s22+$0x0], $0x1;
	_ =	sdelay $0x4  }
0x2c6: {  	(v2sf) =	vpush v1, $0x0;
	_ =	sdelay $0xe  }
0x2c7: {  	s26 =	spop (v2sf)  }
0x2c8: {  	p2 =	sne.s32 s28, s26  }
0x2c9: {  	p4 =	sne.s32 @p2 s28, s23  }
0x2ca: {  	p3 =	por !p4, !p2  }
0x2cb: {  	s0 =	simm.s32 @!p3 $0x0  }
0x2cc: {  	v1 =	vld @!p3 [tilespmem:s0+$0x1B38]  }
0x2cd: {  	p5 =	sgt.u32 @!p3 s28, $0x1869FE  }
0x2ce: {  	s1 =	sshll.u32 @!p3 s21, $0x6;
	p6 =	por @p2 p5, !p4  }
0x2cf: {  	s1 =	sshra.s32 @!p3 s1, $0x2;
	p1 =	por p6, !p2;
	p6 =	por p4, !p2  }
0x2d0: {  	s2 =	sadd.s32 @!p3 $0x28, s1;
	s4 =	sand.u32 @!p1 $0x1FFFF8, s28;
	s5 =	sshll.u32 @!p6 s21, $0x6  }
0x2d1: {  	s28 =	sand.u32 @!p1 $0x7, s28;
	[tilespmem:s1+$0x28] =	vst.add.f32.msk @!p3 $0xffff, v1;
	s1 =	sadd.s32 @!p1 s3, s4;
	s4 =	sshra.s32 @!p6 s5, $0x2  }
0x2d2: {  	[hbm4b:s1+s28] =	stream.linear.scatter @!p1 [tilespmem:s2], [sflag:$0xC], $0x10, $0x38;
	[tilespmem:$0x1F0F8] =	vst v63  }
0x2d3: {  	s0 =	rddreg [dreg:$0x4];
	s1 =	sadd.s32 @!p6 $0x28, s4;
	s2 =	simm.s32 @!p6 $0x1  }
0x2d4: {  	[spmem:s0] =	stream.linear.scatter @!p6 [tilespmem:s1], [sflag:$0x1], $0x10, $0x38;
	[tilespmem:$0x1F0F8] =	vst v63  }
0x2d5: {  	s0 =	sadd.s32 @p2 $0x1, s21;
	_ =	swait.ge @!p6 [sflag:s2], $0x10  }
0x2d6: {  	s1 =	sshrl.u32 @p2 s0, $0x4;
	[sflag:s2] =	ssyncset.done @!p6 $0x0  }
0x2d7: {  	s1 =	smulhi.u32 @p2 $0x97B425F, s1;
	[sflag:s2] =	ssyncadd.s32 @!p6 $0xFFFFFFF0  }
0x2d8: {  	s28 =	sadd.s32 $0x1, s29;
	v1 =	vld @p2 [tilespmem:s24+$0x0]  }
0x2d9: {  	p1 =	por @p2 !p5, !p4;
	p4 =	seq.s32 s28, $0x0;
	s1 =	smul.u32 @p2 $0x1B0, s1  }
.Ltmp22:
0x2da: {  	p1 =	por !p1, !p2;
	s2 =	simm.s32 @!p3 $0x0;
	(pc) =	sbr.rel @p4 .LBB3_17-.Ltmp22, $4  }
0x2db: {  	s4 =	sshll.u32 @!p2 s21, $0x6;
	s2 =	simm.s32 @!p1 $0x40;
	s0 =	ssub.s32 @p2 s0, s1  }
0x2dc: {  	s29 =	simm.s32 $0x0;
	s2 =	sadd.s32 @!p3 $0x0, s2;
	s5 =	sshll.u32 @p2 s0, $0x4  }
0x2dd: {  	s30 =	sshra.s32 @!p2 s4, $0x2;
	s1 =	simm.s32 @p2 $0x1;
	s2 =	smov.u32 @p3 s25;
	[tilespmem:s5+$0x28] =	vst @p2 v1  }
0x2de: {  	s21 =	smov.u32 @p2 s0;
	s29 =	smov.u32 @p2 s2;
	s25 =	smov.u32 @p2 s1;
	v1 =	vld @!p2 [tilespmem:s24+$0x0]  }
.LBB3_16:
0x2df: {  	_ =	sdelay $0x3  }
0x2e0: {  	s22 =	sadd.s32 $0x1, s22;
	[tilespmem:s30+$0x28] =	vst.add.f32.msk @!p2 $0xffff, v1  }
0x2e1: {  	v1 =	vld.msk [tilespmem:s22+$0x0], $0x1;
	_ =	sdelay $0x4  }
0x2e2: {  	(v2sf) =	vpush v1, $0x0;
	_ =	sdelay $0xe  }
0x2e3: {  	s0 =	smov.u32 s26;
	s26 =	spop (v2sf)  }
0x2e4: {  	p2 =	sne.s32 s0, s26  }
0x2e5: {  	p5 =	sne.s32 @p2 s0, s23  }
0x2e6: {  	s4 =	sshll.u32 @!p2 s21, $0x6;
	p4 =	por !p5, !p2  }
0x2e7: {  	s30 =	sshra.s32 @!p2 s4, $0x2;
	s4 =	sshll.u32 @!p4 s25, $0x6  }
0x2e8: {  	s4 =	sshra.s32 @!p4 s4, $0x2  }
0x2e9: {  	p1 =	sgt.u32 @!p4 s0, $0x1869FE;
	v1 =	vld @!p4 [tilespmem:s4+$0x1B38]  }
0x2ea: {  	s31 =	sshll.u32 @!p4 s21, $0x6;
	p6 =	por @p2 p1, !p5;
	p1 =	por @p2 !p1, !p5  }
0x2eb: {  	s8 =	simm.s32 @!p4 $0x0;
	s31 =	sshra.s32 @!p4 s31, $0x2;
	p1 =	por !p1, !p2  }
0x2ec: {  	p5 =	por p5, !p2;
	s8 =	simm.s32 @!p1 $0x40;
	p1 =	por p6, !p2  }
0x2ed: {  	s4 =	sadd.s32 @!p4 $0x28, s31;
	s13 =	sshll.u32 @!p5 s21, $0x6;
	s10 =	sand.u32 @!p1 $0x1FFFF8, s0  }
0x2ee: {  	s13 =	sshra.s32 @!p5 s13, $0x2;
	s0 =	sand.u32 @!p1 $0x7, s0;
	s10 =	sadd.s32 @!p1 s3, s10;
	[tilespmem:s31+$0x28] =	vst.add.f32.msk @!p4 $0xffff, v1  }
0x2ef: {  	[hbm4b:s10+s0] =	stream.linear.scatter @!p1 [tilespmem:s4], [sflag:$0xC], $0x10, $0x38;
	[tilespmem:$0x1F0F8] =	vst v63  }
0x2f0: {  	s1 =	rddreg [dreg:$0x4];
	s0 =	sadd.s32 @!p5 $0x28, s13;
	s4 =	simm.s32 @!p5 $0x1  }
0x2f1: {  	[spmem:s1] =	stream.linear.scatter @!p5 [tilespmem:s0], [sflag:$0x1], $0x10, $0x38;
	[tilespmem:$0x1F0F8] =	vst v63  }
0x2f2: {  	s2 =	sadd.s32 @p2 $0x1, s21;
	_ =	swait.ge @!p5 [sflag:s4], $0x10  }
0x2f3: {  	s5 =	sshrl.u32 @p2 s2, $0x4;
	[sflag:s4] =	ssyncset.done @!p5 $0x0  }
0x2f4: {  	s24 =	sadd.s32 $0x80, s24;
	s5 =	smulhi.u32 @p2 $0x97B425F, s5;
	[sflag:s4] =	ssyncadd.s32 @!p5 $0xFFFFFFF0  }
0x2f5: {  	s28 =	sadd.s32 $0x1, s28;
	v1 =	vld @p2 [tilespmem:s24+$0x0]  }
0x2f6: {  	p3 =	seq.s32 s28, $0x0;
	s5 =	smul.u32 @p2 $0x1B0, s5  }
.Ltmp23:
0x2f7: {  	_ = 	snop;
	(pc) =	sbr.rel @!p3 .LBB3_16-.Ltmp23, $4  }
0x2f8: {  	s2 =	ssub.s32 @p2 s2, s5  }
0x2f9: {  	s8 =	sadd.s32 @!p4 s8, s29;
	s5 =	sshll.u32 @p2 s2, $0x4  }
0x2fa: {  	s9 =	sadd.s32 @p2 $0x1, s25;
	s8 =	smov.u32 @p4 s29;
	[tilespmem:s5+$0x28] =	vst @p2 v1  }
0x2fb: {  	s25 =	smov.u32 @p2 s9;
	s21 =	smov.u32 @p2 s2;
	s29 =	smov.u32 @p2 s8;
	v1 =	vld @!p2 [tilespmem:s24+$0x0]  }
.LBB3_17:
.Ltmp24:
0x2fc: {  	_ = 	snop;
	(pc) =	sbr.rel .LBB3_19-.Ltmp24, $3  }
0x2fd: {  	s1 =	sld [smem:$0x7FD];
	_ =	sdelay $0x1  }
0x2fe: {  	s0 =	sshrl.u32 s29, $0x2;
	s28 =	smov.u32 s26  }
0x2ff: {  	s4 =	smov.u32 s6;
	s6 =	rddreg [dreg:$0x6];
	p4 =	seq.s32 s1, $0x1;
	[tilespmem:s30+$0x28] =	vst.add.f32.msk @!p2 $0xffff, v1  }
.LBB3_21:
0x300: {  	_ =	sfence.sel $0x180000  }
0x301: {  	s0 =	simm.s32 $0x9;
	[bflag:$0x0] =	sbarrier.arrive $0xFFFF  }
0x302: {  	s24 =	simm.s32 $0xA;
	[sflag:s0] =	ssyncpa.u1 $0x1  }
0x303: {  	s25 =	simm.s32 $0xB;
	[sflag:s24] =	ssyncpa.u1 $0x1  }
0x304: {  	s26 =	simm.s32 $0x2;
	[sflag:s25] =	ssyncpa.u1 $0x1  }
0x305: {  	[sflag:s26] =	ssyncpa.u1 $0x1  }
0x306: {  	v0 =	vld [tilespmem:$0x3648];
	_ =	sdelay $0x4  }
0x307: {  	(v2sf) =	vpush v0, $0x0  }
0x308: {  	(v2sf) =	vpush v0, $0x1;
	_ =	sdelay $0x1  }
0x309: {  	(v2sf) =	vpush v0, $0x2;
	_ =	sdelay $0xb  }
0x30a: {  	s0 =	spop (v2sf)  }
0x30b: {  	s1 =	spop (v2sf)  }
0x30c: {  	s2 =	smov.u32 s0;
	p0 =	sne.s32 s0, s1  }
0x30d: {  	s4 =	spop (v2sf);
	s2 =	simm.s32 @!p0 $0xFFFFFFFF  }
0x30e: {  	v2 =	vimm.s32 $0x1;
	v3 =	vlaneseq.u32;
	p0 =	seq.s32 s4, $0xFFFFFFFF;
	v1 =	vmov s2  }
0x30f: {  	s16 =	stileid.u32;
	v0 =	vperm.xlane v0, v2;
	p1 =	sne.s32 @!p0 s0, s1;
	v1 =	vperm.xlane v1, v3  }
0x310: {  	vm0 =	vcmask $0x3F04;
	s6 =	simm.s32 $0x3648;
	s0 =	simm.s32 @!p0 $0x1;
	p1 =	por !p1, p0  }
0x311: {  	s2 =	sshll.u32 s16, $0x1;
	s1 =	sshll.u32 @!p0 s4, $0x6;
	s0 =	simm.s32 @p1 $0x0;
	v0 =	vsel vm0, v1, v0  }
0x312: {  	s5 =	sor.u32 $0x200, s2;
	s1 =	sshra.s32 @!p0 s1, $0x2;
	s0 =	sor.u32 @!p0 s0, s2;
	[tilespmem:$0x3648] =	vst v0  }
0x313: {  	[spmem:s5] =	stream.linear.scatter [tilespmem:s6], [sflag:$0x1], $0x2, $0x38;
	[tilespmem:$0x1F0F8] =	vst v63  }
0x314: {  	s1 =	sadd.s32 @!p0 $0x28, s1;
	s0 =	sshll.u32 @!p0 s0, $0x4  }
0x315: {  	[spmem:s0] =	stream.linear.scatter @!p0 [tilespmem:s1], [sflag:$0x1], $0x10, $0x38;
	[tilespmem:$0x1F0F8] =	vst v63  }
0x316: {  	s0 =	simm.s32 @!p0 $0x12  }
0x317: {  	s28 =	simm.s32 $0x1;
	s0 =	simm.s32 @p0 $0x2  }
0x318: {  	_ =	swait.ge [sflag:s28], s0  }
0x319: {  	s0 =	ssub.s32 $0x0, s0;
	[sflag:s28] =	ssyncset.done $0x0  }
0x31a: {  	p0 =	sne.s32 s16, $0x0;
	[sflag:s28] =	ssyncadd.s32 s0  }
.Ltmp25:
0x31b: {  	_ =	sfence.stream.spmem;
	(pc) =	sbr.rel @p0 .LBB3_38-.Ltmp25, $4  }
0x31c: {  	s29 =	simm.s32 $0x3;
	[bflag:$0x0] =	sbarrier.arrive $0xFFFF  }
0x31d: {  	s30 =	simm.s32 $0x4;
	[sflag:s29] =	ssyncpa.u1 $0x1  }
0x31e: {  	s31 =	simm.s32 $0x3C;
	[sflag:s30] =	ssyncpa.u1 $0x1  }
0x31f: {  	s17 =	rddreg [dreg:$0x5];
	[sflag:s31] =	ssyncpa.u1 $0x1  }
0x320: {  	_ =	sfence.stream.spmem;
	s0 =	simm.s32 $0x5  }
0x321: {  	s1 =	simm.s32 $0x200;
	s2 =	simm.s32 $0x3658;
	[sflag:s0] =	ssyncpa.u1 $0x0  }
0x322: {  	[tilespmem:s2], [sflag:$0x5] =	stream.linear.gather [spmem:s1], $0x20, $0x38;
	[tilespmem:$0x1F0F8] =	vst v63  }
0x323: {  	s26 =	simm.s32 $0x0;
	s28 =	simm.s32 $0x3678  }
0x324: {  	[tilespmem:s28], [sflag:$0x5] =	stream.linear.gather [spmem:s26], $0x200, $0x38;
	[tilespmem:$0x1F0F8] =	vst v63  }
0x325: {  	_ =	swait.ge [sflag:s0], $0x220  }
0x326: {  	[sflag:s0] =	ssyncset.done $0x0  }
0x327: {  	s29 =	simm.s32 $0x0;
	[sflag:s0] =	ssyncadd.s32 $0xFFFFFDE0  }
0x328: {  	v0 =	vld.msk [tilespmem:s29+$0x3658], $0x1;
	_ =	sdelay $0x1  }
0x329: {  	s30 =	simm.s32 $0x1  }
0x32a: {  	v1 =	vld.msk [tilespmem:s30+$0x3658], $0x1;
	_ =	sdelay $0x1  }
0x32b: {  	(v2sf) =	vpush v0, $0x0;
	_ =	sdelay $0x2  }
0x32c: {  	(v2sf) =	vpush v1, $0x0;
	_ =	sdelay $0x2  }
0x32d: {  	s31 =	simm.s32 $0x2  }
0x32e: {  	v0 =	vld.msk [tilespmem:s31+$0x3658], $0x1;
	_ =	sdelay $0x2  }
0x32f: {  	s6 =	simm.s32 $0xFFFFFFFF;
	s1 =	simm.s32 $0xFFFFFFFF;
	s0 =	simm.s32 $0xC  }
.LBB3_23:
0x330: {  	s2 =	smov.u32 s6;
	s4 =	smov.u32 s1  }
0x331: {  	s1 =	sshra.s32 s0, $0x2;
	p1 =	sne.s32 s0, $0x7C;
	s0 =	sadd.s32 $0x4, s0;
	(v2sf) =	vpush v0, $0x0  }
0x332: {  	v0 =	vld.msk [tilespmem:s1+$0x3658], $0x1  }
.Ltmp26:
0x333: {  	(pc) =	sbr.rel @p1 .LBB3_23-.Ltmp26, $4  }
0x334: {  	s6 =	spop (v2sf)  }
0x335: {  	p2 =	sne.s32 s4, $0xFFFFFFFF;
	s1 =	smov.u32 s6  }
0x336: {  	p3 =	seq.s32 s6, $0xFFFFFFFF;
	s1 =	smov.u32 @p2 s4  }
0x337: {  	s6 =	smov.u32 @p3 s2;
	s1 =	smov.u32 @p3 s4  }
0x338: {  	(v2sf) =	vpush v0, $0x0;
	_ =	sdelay $0x8  }
0x339: {  	s0 =	spop (v2sf)  }
0x33a: {  	p1 =	sne.s32 s1, $0xFFFFFFFF;
	s2 =	smov.u32 s0  }
0x33b: {  	s9 =	simm.s32 $0x6;
	p2 =	seq.s32 s0, $0xFFFFFFFF;
	s2 =	smov.u32 @p1 s1  }
0x33c: {  	s10 =	simm.s32 $0x3638;
	s2 =	smov.u32 @p2 s1;
	s1 =	spop (v2sf)  }
0x33d: {  	s0 =	smov.u32 @p2 s6;
	p1 =	sne.s32 s2, $0xFFFFFFFF;
	s4 =	smov.u32 s1  }
.Ltmp27:
0x33e: {  	p2 =	seq.s32 s1, $0xFFFFFFFF;
	s4 =	smov.u32 @p1 s2;
	(pc) =	sbr.rel .LBB3_25-.Ltmp27, $4  }
0x33f: {  	s11 =	simm.s32 $0x0;
	s4 =	smov.u32 @p2 s2;
	s7 =	spop (v2sf)  }
0x340: {  	[sflag:s9] =	ssyncpa.u1 $0x0;
	p1 =	sne.s32 s4, $0xFFFFFFFF;
	s8 =	smov.u32 s7  }
0x341: {  	s1 =	smov.u32 @p2 s0;
	p2 =	seq.s32 s7, $0xFFFFFFFF;
	s8 =	smov.u32 @p1 s4  }
0x342: {  	s6 =	simm.s32 $0x0;
	s7 =	smov.u32 @p2 s1;
	s8 =	smov.u32 @p2 s4  }
.LBB3_30:
0x343: {  	p1 =	sgt.u32 s12, $0x1869FE  }
0x344: {  	p2 =	seq.s32 @!p1 s12, s8  }
0x345: {  	p1 =	por p1, p2  }
0x346: {  	p2 =	sne.s32 @!p1 s12, s7  }
0x347: {  	p1 =	por p1, !p2  }
0x348: {  	s0 =	sshll.u32 @p1 s11, $0x6  }
0x349: {  	s0 =	sand.u32 @!p1 $0x1FFFF8, s12  }
0x34a: {  	s1 =	sand.u32 @!p1 $0x7, s12;
	s0 =	sadd.s32 @!p1 s3, s0  }
0x34b: {  	[tilespmem:s10], [sflag:$0x6] =	stream.linear.gather @!p1 [hbm4b:s0+s1], $0x10, $0x38;
	[tilespmem:$0x1F0F8] =	vst v63  }
0x34c: {  	_ =	swait.ge @!p1 [sflag:s9], $0x10  }
0x34d: {  	[sflag:s9] =	ssyncset.done @!p1 $0x0  }
0x34e: {  	[sflag:s9] =	ssyncadd.s32 @!p1 $0xFFFFFFF0  }
0x34f: {  	v1 =	vld @!p1 [tilespmem:$0x3638];
	_ =	sdelay $0x2  }
0x350: {  	s0 =	sshll.u32 @!p1 s11, $0x6  }
0x351: {  	s1 =	sshrl.u32 @!p1 s0, $0x2  }
0x352: {  	[tilespmem:s1+$0x3678] =	vst.add.f32.msk @!p1 $0xffff, v1  }
0x353: {  	s0 =	sshrl.u32 s0, $0x2;
	[tilespmem:s6+$0x3658] =	vst.msk $0x1, v0  }
0x354: {  	v0 =	vld [tilespmem:s0+$0x3678];
	_ =	sdelay $0x2  }
0x355: {  	s31 =	sshll.u32 s6, $0x6  }
0x356: {  	s0 =	sshra.s32 s31, $0x2  }
0x357: {  	s6 =	sadd.s32 $0x1, s6;
	[tilespmem:s0+$0x3678] =	vst v0  }
.LBB3_32:
0x358: {  	s11 =	sadd.s32 $0x1, s11  }
0x359: {  	p1 =	sne.s32 s11, $0x20  }
.Ltmp28:
0x35a: {  	_ = 	snop;
	(pc) =	sbr.rel @!p1 .LBB3_33-.Ltmp28, $1  }
0x35b: {  	_ =	sdelay $0x3  }
.LBB3_25:
0x35c: {  	v0 =	vld.msk [tilespmem:s11+$0x3658], $0x1;
	_ =	sdelay $0x4  }
0x35d: {  	(v2sf) =	vpush v0, $0x0;
	_ =	sdelay $0xe  }
0x35e: {  	s12 =	spop (v2sf)  }
0x35f: {  	p1 =	seq.s32 s12, $0xFFFFFFFF  }
.Ltmp29:
0x360: {  	_ = 	snop;
	(pc) =	sbr.rel @p1 .LBB3_32-.Ltmp29, $1  }
0x361: {  	_ =	sdelay $0x3  }
0x362: {  	p1 =	slt.s32 s6, $0x1  }
.Ltmp30:
0x363: {  	_ = 	snop;
	(pc) =	sbr.rel @p1 .LBB3_30-.Ltmp30, $1  }
0x364: {  	_ =	sdelay $0x3  }
0x365: {  	s13 =	simm.s32 $0x3658;
	p1 =	por $0x0, $0x0  }
0x366: {  	v1 =	vld.msk @!p1 [tilespmem:s13+$0x0], $0x1;
	_ =	sdelay $0x4  }
0x367: {  	(v2sf) =	vpush @!p1 v1, $0x0;
	_ =	sdelay $0xd  }
0x368: {  	p3 =	sne.s32 s6, $0x1  }
.Ltmp31:
0x369: {  	s0 =	spop @!p1 (v2sf);
	(pc) =	sbr.rel @!p3 .LBB3_29-.Ltmp31, $4  }
0x36a: {  	p2 =	seq.s32 @!p1 s12, s0  }
0x36b: {  	s14 =	simm.s32 $0x0;
	p2 =	por !p2, p1  }
0x36c: {  	s0 =	simm.s32 $0xFFFFFFFF;
	s14 =	simm.s32 @p2 $0xFFFFFFFF  }
0x36d: {  	s15 =	simm.s32 $0x1;
	s14 =	smov.u32 @p1 s0  }
.LBB3_28:
0x36e: {  	s0 =	smov.u32 s14;
	p1 =	sne.s32 s14, $0xFFFFFFFF  }
0x36f: {  	s13 =	sadd.s32 $0x1, s13;
	s14 =	smov.u32 s15;
	s15 =	sadd.s32 $0x1, s15  }
0x370: {  	p2 =	sne.s32 s6, s15;
	v1 =	vld.msk @!p1 [tilespmem:s13+$0x0], $0x1;
	_ =	sdelay $0x4  }
0x371: {  	(v2sf) =	vpush @!p1 v1, $0x0;
	_ =	sdelay $0xe  }
.Ltmp32:
0x372: {  	s1 =	spop @!p1 (v2sf);
	(pc) =	sbr.rel @p2 .LBB3_28-.Ltmp32, $4  }
0x373: {  	p3 =	seq.s32 @!p1 s12, s1  }
0x374: {  	p3 =	por !p3, p1  }
0x375: {  	s14 =	simm.s32 @p3 $0xFFFFFFFF  }
0x376: {  	s14 =	smov.u32 @p1 s0  }
.LBB3_29:
0x377: {  	p1 =	sne.s32 s14, $0xFFFFFFFF  }
.Ltmp33:
0x378: {  	_ = 	snop;
	(pc) =	sbr.rel @!p1 .LBB3_30-.Ltmp33, $1  }
0x379: {  	_ =	sdelay $0x3  }
0x37a: {  	s0 =	sshll.u32 s11, $0x4  }
0x37b: {  	s0 =	sand.u32 $0x3FFFFFF0, s0  }
0x37c: {  	v0 =	vld [tilespmem:s0+$0x3678]  }
.Ltmp34:
0x37d: {  	_ = 	snop;
	(pc) =	sbr.rel .LBB3_32-.Ltmp34, $4  }
0x37e: {  	_ = 	snop  }
0x37f: {  	s31 =	sshll.u32 s14, $0x6  }
0x380: {  	s0 =	sshra.s32 s31, $0x2  }
0x381: {  	[tilespmem:s0+$0x3678] =	vst.add.f32.msk $0xffff, v0  }
.LBB3_33:
0x382: {  	s0 =	simm.s32 $0x6;
	p1 =	seq.s32 s6, $0x0  }
0x383: {  	[sflag:s0] =	ssyncpa.u1 $0x1;
	v0 =	vimm.s32 @p1 $0xFFFFFFFF  }
0x384: {  	s9 =	sadd.s32 $0xFFFFFFFF, s6;
	[tilespmem:$0x3878] =	vst @p1 v0  }
0x385: {  	v0 =	vld.msk @!p1 [tilespmem:s9+$0x3658], $0x1;
	_ =	sdelay $0x1  }
0x386: {  	v1 =	vld.msk @!p1 [tilespmem:$0x3658], $0x1;
	_ =	sdelay $0x2  }
0x387: {  	p2 =	seq.s32 @!p1 s9, $0x0;
	v0 =	vbroadcast @!p1 v0, $0x0  }
0x388: {  	vm0 =	vmmov @!p1 $0x1;
	p2 =	por !p2, p1  }
0x389: {  	v1 =	vnsel @!p1 vm0, $0xFFFFFFFF, v1;
	vm0 =	vcmask @!p1 $0x308;
	v0 =	vpsel !p2, $0xFFFFFFFF, v0  }
0x38a: {  	p2 =	sne.s32 @!p1 s8, s7;
	v0 =	vsel @!p1 vm0, v1, v0  }
0x38b: {  	s0 =	simm.s32 @!p1 $0x3678;
	s1 =	simm.s32 @!p1 $0x0;
	p3 =	por !p2, p1;
	[tilespmem:$0x3878] =	vst @!p1 v0  }
0x38c: {  	[spmem:s1] =	stream.linear.scatter @!p1 [tilespmem:s0], [sflag:$0x1], $0x10, $0x38;
	[tilespmem:$0x1F0F8] =	vst v63  }
0x38d: {  	s0 =	sshll.u32 @!p3 s9, $0x6  }
0x38e: {  	s0 =	sshra.s32 @!p3 s0, $0x2  }
0x38f: {  	s1 =	simm.s32 @!p3 $0x10;
	s0 =	sadd.s32 @!p3 $0x3678, s0  }
0x390: {  	[spmem:s1] =	stream.linear.scatter @!p3 [tilespmem:s0], [sflag:$0x1], $0x10, $0x38;
	[tilespmem:$0x1F0F8] =	vst v63  }
0x391: {  	s0 =	simm.s32 @!p3 $0x1  }
0x392: {  	_ =	swait.ge @!p3 [sflag:s0], $0x20  }
0x393: {  	p1 =	por p2, p1;
	[sflag:s0] =	ssyncset.done @!p3 $0x0  }
0x394: {  	[sflag:s0] =	ssyncadd.s32 @!p3 $0xFFFFFFE0;
	s0 =	simm.s32 @!p1 $0x1  }
0x395: {  	_ =	swait.ge @!p1 [sflag:s0], $0x10  }
0x396: {  	s29 =	simm.s32 $0x3878;
	[sflag:s0] =	ssyncset.done @!p1 $0x0  }
0x397: {  	s30 =	simm.s32 $0x200;
	s31 =	simm.s32 $0x1;
	[sflag:s0] =	ssyncadd.s32 @!p1 $0xFFFFFFF0  }
0x398: {  	[spmem:s30] =	stream.linear.scatter [tilespmem:s29], [sflag:$0x1], $0x10, $0x38;
	[tilespmem:$0x1F0F8] =	vst v63  }
0x399: {  	_ =	swait.ge [sflag:s31], $0x10  }
0x39a: {  	[sflag:s31] =	ssyncset.done $0x0  }
0x39b: {  	p1 =	seq.s32 s17, $0x0;
	s8 =	rddreg [dreg:$0x1];
	[sflag:s31] =	ssyncadd.s32 $0xFFFFFFF0  }
0x39c: {  	s1 =	sshll.u32 @p1 s8, $0xE;
	s7 =	rddreg [dreg:$0x2]  }
0x39d: {  	s0 =	sadd.s32 @p1 $0x15C3C, s1;
	s1 =	sshll.u32 @p1 s7, $0x11  }
0x39e: {  	_ =	sfence.stream.spmem;
	s0 =	sor.u32 @p1 s1, s0  }
0x39f: {  	[sflag:s0] =	ssyncadd.remote.s32 @p1 $0x1;
	s0 =	simm.s32 @p1 $0x4  }
0x3a0: {  	s2 =	simm.s32 @!p1 $0x3C;
	s1 =	sand.u32 $0xFFFFFFFE, s8;
	_ =	swait.ge @p1 [sflag:s0], $0x6  }
0x3a1: {  	s4 =	simm.s32 @!p1 $0x0;
	s1 =	sadd.s32 @!p1 $0x4, s1;
	[sflag:s0] =	ssyncset.done @p1 $0x0  }
0x3a2: {  	s5 =	simm.s32 @!p1 $0x20;
	[sflag:s0] =	ssyncadd.s32 @p1 $0xFFFFFFFA;
	s0 =	sshll.u32 @!p1 s1, $0x1A  }
0x3a3: {  	s1 =	sshll.u32 @!p1 s1, $0xD;
	s0 =	sor.u32 @!p1 s0, s7;
	_ =	swait.eq @!p1 [sflag:s2], $0x1  }
0x3a4: {  	s1 =	sor.u32 @!p1 $0x1C04, s1;
	s2 =	simm.s32 @!p1 $0x1C03;
	s0 =	sor.u32 @!p1 $0x80004000, s0  }
0x3a5: {  	[spmem:s5], [sflag:s1] =	dma.general @!p1 [spmem:s4], [sflag:s2], length:$0x4, [dreg:$0x0], stride_count:$0x0, ici_dest:s0, dma_misc:DstOpCode:WRITE  }
0x3a6: {  	p2 =	slt.s32 s9, $0x2;
	s4 =	simm.s32 @!p1 $0x40;
	s5 =	simm.s32 @!p1 $0x42  }
0x3a7: {  	[spmem:s5], [sflag:s1] =	dma.general @!p1 [spmem:s4], [sflag:s2], length:$0x2, [dreg:$0x0], stride_count:$0x0, ici_dest:s0, dma_misc:DstOpCode:WRITE  }
.Ltmp35:
0x3a8: {  	s0 =	simm.s32 @!p1 $0x3;
	(pc) =	sbr.rel @p2 .LBB3_37-.Ltmp35, $4  }
0x3a9: {  	s1 =	sshll.u32 @!p1 s8, $0xE;
	_ =	swait.ge @!p1 [sflag:s0], $0x6  }
0x3aa: {  	s2 =	sshll.u32 @!p1 s7, $0x11;
	s1 =	sadd.s32 @!p1 $0x11C3C, s1;
	[sflag:s0] =	ssyncset.done @!p1 $0x0  }
0x3ab: {  	[sflag:s0] =	ssyncadd.s32 @!p1 $0xFFFFFFFA;
	s0 =	sor.u32 @!p1 s2, s1  }
0x3ac: {  	[sflag:s0] =	ssyncadd.remote.s32 @!p1 $0xFFFFFFFF;
	s0 =	simm.s32 $0x0  }
0x3ad: {  	s0 =	simm.s32 $0x3659  }
0x3ae: {  	v0 =	vld.msk [tilespmem:s0+$0x0], $0x1;
	_ =	sdelay $0x4  }
0x3af: {  	(v2sf) =	vpush v0, $0x0;
	_ =	sdelay $0xd  }
0x3b0: {  	s2 =	sadd.s32 $0xFFFFFFFE, s6  }
0x3b1: {  	s2 =	sadd.s32 $0xFFFFFFFF, s2;
	s0 =	spop (v2sf)  }
0x3b2: {  	p2 =	sne.s32 s2, $0x0;
	p1 =	sgt.u32 s0, $0x1869FE  }
.Ltmp36:
0x3b3: {  	s4 =	sand.u32 @!p1 $0x1FFFF8, s0;
	(pc) =	sbr.rel @!p2 .LBB3_36-.Ltmp36, $4  }
0x3b4: {  	s1 =	simm.s32 $0x3688;
	s0 =	sand.u32 @!p1 $0x7, s0;
	s4 =	sadd.s32 @!p1 s3, s4  }
0x3b5: {  	[hbm4b:s4+s0] =	stream.linear.scatter @!p1 [tilespmem:s1], [sflag:$0x5], $0x10, $0x38;
	[tilespmem:$0x1F0F8] =	vst v63  }
0x3b6: {  	s0 =	simm.s32 $0x0  }
0x3b7: {  	s6 =	simm.s32 $0x0;
	s7 =	simm.s32 $0x365A;
	s0 =	simm.s32 @!p1 $0x40  }
.LBB3_35:
0x3b8: {  	v0 =	vld.msk [tilespmem:s7+$0x0], $0x1;
	s2 =	sadd.s32 $0xFFFFFFFF, s2;
	s6 =	sadd.s32 s6, s0  }
0x3b9: {  	p1 =	sne.s32 s2, $0x0;
	_ =	sdelay $0x3  }
0x3ba: {  	(v2sf) =	vpush v0, $0x0;
	_ =	sdelay $0xe  }
.Ltmp37:
0x3bb: {  	s4 =	spop (v2sf);
	(pc) =	sbr.rel @p1 .LBB3_35-.Ltmp37, $4  }
0x3bc: {  	s0 =	simm.s32 $0x0;
	p2 =	sgt.u32 s4, $0x1869FE  }
0x3bd: {  	s1 =	sadd.s32 $0x10, s1;
	s0 =	simm.s32 @!p2 $0x40;
	s5 =	sand.u32 @!p2 $0x1FFFF8, s4  }
0x3be: {  	s7 =	sadd.s32 $0x1, s7;
	s4 =	sand.u32 @!p2 $0x7, s4;
	s5 =	sadd.s32 @!p2 s3, s5  }
0x3bf: {  	[hbm4b:s5+s4] =	stream.linear.scatter @!p2 [tilespmem:s1], [sflag:$0x5], $0x10, $0x38;
	[tilespmem:$0x1F0F8] =	vst v63  }
.LBB3_36:
0x3c0: {  	s0 =	sadd.s32 s6, s0  }
0x3c1: {  	s0 =	sshrl.u32 s0, $0x2  }
.LBB3_37:
0x3c2: {  	s1 =	simm.s32 $0x5  }
0x3c3: {  	_ =	swait.ge [sflag:s1], s0  }
0x3c4: {  	s31 =	ssub.s32 $0x0, s0;
	[sflag:s1] =	ssyncset.done $0x0  }
0x3c5: {  	[sflag:s1] =	ssyncadd.s32 s31  }
0x3c6: {  	[sflag:s1] =	ssyncpa.u1 $0x1  }
.LBB3_38:
0x3c7: {  	s0 =	sor.u32 s17, s16  }
0x3c8: {  	p1 =	sne.s32 s0, $0x0  }
.Ltmp38:
0x3c9: {  	_ = 	snop;
	(pc) =	sbr.rel @p1 .LBB3_53-.Ltmp38, $3  }
0x3ca: {  	_ =	sdelay $0x1  }
0x3cb: {  	[bflag:$0x0] =	sbarrier.arrive $0xFFFF  }
0x3cc: {  	_ =	sfence  }
0x3cd: {  	s0 =	simm.s32 $0x7  }
0x3ce: {  	s1 =	simm.s32 $0x200;
	s2 =	simm.s32 $0x3658;
	[sflag:s0] =	ssyncpa.u1 $0x0  }
0x3cf: {  	[tilespmem:s2], [sflag:$0x7] =	stream.linear.gather [spmem:s1], $0x20, $0x38;
	[tilespmem:$0x1F0F8] =	vst v63  }
0x3d0: {  	s30 =	simm.s32 $0x3678;
	s1 =	simm.s32 $0x0  }
0x3d1: {  	[tilespmem:s30], [sflag:$0x7] =	stream.linear.gather [spmem:s1], $0x200, $0x38;
	[tilespmem:$0x1F0F8] =	vst v63  }
.Ltmp39:
0x3d2: {  	_ = 	snop;
	(pc) =	sbr.rel .LBB3_40-.Ltmp39, $4  }
0x3d3: {  	_ =	swait.ge [sflag:s0], $0x220  }
0x3d4: {  	[sflag:s0] =	ssyncset.done $0x0  }
0x3d5: {  	s31 =	simm.s32 $0x8;
	[sflag:s0] =	ssyncadd.s32 $0xFFFFFDE0  }
0x3d6: {  	s2 =	simm.s32 $0x0;
	[sflag:s31] =	ssyncpa.u1 $0x0  }
.LBB3_45:
0x3d7: {  	p1 =	slt.u32 s4, $0x1869FF  }
0x3d8: {  	s0 =	sand.u32 @p1 $0x1FFFF8, s4  }
0x3d9: {  	s4 =	sand.u32 @p1 $0x7, s4;
	s5 =	simm.s32 @p1 $0x3638;
	s0 =	sadd.s32 @p1 s3, s0  }
0x3da: {  	[tilespmem:s5], [sflag:$0x8] =	stream.linear.gather @p1 [hbm4b:s0+s4], $0x10, $0x38;
	[tilespmem:$0x1F0F8] =	vst v63  }
0x3db: {  	s0 =	simm.s32 @p1 $0x8  }
0x3dc: {  	_ =	swait.ge @p1 [sflag:s0], $0x10  }
0x3dd: {  	[sflag:s0] =	ssyncset.done @p1 $0x0  }
0x3de: {  	[sflag:s0] =	ssyncadd.s32 @p1 $0xFFFFFFF0  }
0x3df: {  	v1 =	vld @p1 [tilespmem:$0x3638];
	_ =	sdelay $0x2  }
0x3e0: {  	s0 =	sshll.u32 @p1 s2, $0x6  }
0x3e1: {  	s5 =	sshll.u32 @!p1 s2, $0x6;
	s4 =	sshrl.u32 @p1 s0, $0x2  }
0x3e2: {  	s5 =	smov.u32 @p1 s0;
	[tilespmem:s4+$0x3678] =	vst.add.f32.msk @p1 $0xffff, v1  }
0x3e3: {  	s0 =	sshrl.u32 s5, $0x2;
	[tilespmem:s1+$0x3658] =	vst.msk $0x1, v0  }
0x3e4: {  	v0 =	vld [tilespmem:s0+$0x3678];
	_ =	sdelay $0x2  }
0x3e5: {  	s31 =	sshll.u32 s1, $0x6  }
0x3e6: {  	s0 =	sshra.s32 s31, $0x2  }
0x3e7: {  	s1 =	sadd.s32 $0x1, s1;
	[tilespmem:s0+$0x3678] =	vst v0  }
.LBB3_47:
0x3e8: {  	s2 =	sadd.s32 $0x1, s2  }
0x3e9: {  	p1 =	sne.s32 s2, $0x20  }
.Ltmp40:
0x3ea: {  	_ = 	snop;
	(pc) =	sbr.rel @!p1 .LBB3_48-.Ltmp40, $1  }
0x3eb: {  	_ =	sdelay $0x3  }
.LBB3_40:
0x3ec: {  	v0 =	vld.msk [tilespmem:s2+$0x3658], $0x1;
	_ =	sdelay $0x4  }
0x3ed: {  	(v2sf) =	vpush v0, $0x0;
	_ =	sdelay $0xe  }
0x3ee: {  	s4 =	spop (v2sf)  }
0x3ef: {  	p1 =	seq.s32 s4, $0xFFFFFFFF  }
.Ltmp41:
0x3f0: {  	_ = 	snop;
	(pc) =	sbr.rel @p1 .LBB3_47-.Ltmp41, $1  }
0x3f1: {  	_ =	sdelay $0x3  }
0x3f2: {  	p1 =	slt.s32 s1, $0x1  }
.Ltmp42:
0x3f3: {  	_ = 	snop;
	(pc) =	sbr.rel @p1 .LBB3_45-.Ltmp42, $1  }
0x3f4: {  	_ =	sdelay $0x3  }
0x3f5: {  	s5 =	simm.s32 $0x3658;
	p1 =	por $0x0, $0x0  }
0x3f6: {  	v1 =	vld.msk @!p1 [tilespmem:s5+$0x0], $0x1;
	_ =	sdelay $0x4  }
0x3f7: {  	(v2sf) =	vpush @!p1 v1, $0x0;
	_ =	sdelay $0xd  }
0x3f8: {  	p3 =	sne.s32 s1, $0x1  }
.Ltmp43:
0x3f9: {  	s0 =	spop @!p1 (v2sf);
	(pc) =	sbr.rel @!p3 .LBB3_44-.Ltmp43, $4  }
0x3fa: {  	p2 =	seq.s32 @!p1 s4, s0  }
0x3fb: {  	s6 =	simm.s32 $0x0;
	p2 =	por !p2, p1  }
0x3fc: {  	s0 =	simm.s32 $0xFFFFFFFF;
	s6 =	simm.s32 @p2 $0xFFFFFFFF  }
0x3fd: {  	s7 =	simm.s32 $0x1;
	s6 =	smov.u32 @p1 s0  }
.LBB3_43:
0x3fe: {  	s0 =	smov.u32 s6;
	p1 =	sne.s32 s6, $0xFFFFFFFF  }
0x3ff: {  	s5 =	sadd.s32 $0x1, s5;
	s6 =	smov.u32 s7;
	s7 =	sadd.s32 $0x1, s7  }
0x400: {  	p2 =	sne.s32 s1, s7;
	v1 =	vld.msk @!p1 [tilespmem:s5+$0x0], $0x1;
	_ =	sdelay $0x4  }
0x401: {  	(v2sf) =	vpush @!p1 v1, $0x0;
	_ =	sdelay $0xe  }
.Ltmp44:
0x402: {  	s8 =	spop @!p1 (v2sf);
	(pc) =	sbr.rel @p2 .LBB3_43-.Ltmp44, $4  }
0x403: {  	p3 =	seq.s32 @!p1 s4, s8  }
0x404: {  	p3 =	por !p3, p1  }
0x405: {  	s6 =	simm.s32 @p3 $0xFFFFFFFF  }
0x406: {  	s6 =	smov.u32 @p1 s0  }
.LBB3_44:
0x407: {  	p1 =	sne.s32 s6, $0xFFFFFFFF  }
.Ltmp45:
0x408: {  	_ = 	snop;
	(pc) =	sbr.rel @!p1 .LBB3_45-.Ltmp45, $1  }
0x409: {  	_ =	sdelay $0x3  }
0x40a: {  	s0 =	sshll.u32 s2, $0x4  }
0x40b: {  	s0 =	sand.u32 $0x3FFFFFF0, s0  }
0x40c: {  	v0 =	vld [tilespmem:s0+$0x3678]  }
.Ltmp46:
0x40d: {  	_ = 	snop;
	(pc) =	sbr.rel .LBB3_47-.Ltmp46, $4  }
0x40e: {  	_ = 	snop  }
0x40f: {  	s31 =	sshll.u32 s6, $0x6  }
0x410: {  	s0 =	sshra.s32 s31, $0x2  }
0x411: {  	[tilespmem:s0+$0x3678] =	vst.add.f32.msk $0xffff, v0  }
.LBB3_48:
0x412: {  	p1 =	slt.s32 s1, $0x1  }
.Ltmp47:
0x413: {  	_ = 	snop;
	(pc) =	sbr.rel @p1 .LBB3_52-.Ltmp47, $3  }
0x414: {  	_ =	sdelay $0x1  }
0x415: {  	s0 =	simm.s32 $0x8  }
0x416: {  	s2 =	simm.s32 $0x0;
	[sflag:s0] =	ssyncpa.u1 $0x1  }
0x417: {  	s0 =	simm.s32 $0x3658  }
0x418: {  	v0 =	vld.msk [tilespmem:s0+$0x0], $0x1;
	_ =	sdelay $0x4  }
0x419: {  	(v2sf) =	vpush v0, $0x0;
	_ =	sdelay $0xe  }
0x41a: {  	s1 =	sadd.s32 $0xFFFFFFFF, s1;
	s0 =	spop (v2sf)  }
0x41b: {  	p2 =	sne.s32 s1, $0x0;
	p1 =	sgt.u32 s0, $0x1869FE  }
.Ltmp48:
0x41c: {  	s5 =	sand.u32 @!p1 $0x1FFFF8, s0;
	(pc) =	sbr.rel @!p2 .LBB3_51-.Ltmp48, $4  }
0x41d: {  	s4 =	simm.s32 $0x3678;
	s0 =	sand.u32 @!p1 $0x7, s0;
	s5 =	sadd.s32 @!p1 s3, s5  }
0x41e: {  	[hbm4b:s5+s0] =	stream.linear.scatter @!p1 [tilespmem:s4], [sflag:$0x7], $0x10, $0x38;
	[tilespmem:$0x1F0F8] =	vst v63  }
0x41f: {  	s0 =	simm.s32 $0x0  }
0x420: {  	s5 =	simm.s32 $0x3659;
	s0 =	simm.s32 @!p1 $0x40  }
.LBB3_50:
0x421: {  	v0 =	vld.msk [tilespmem:s5+$0x0], $0x1;
	s1 =	sadd.s32 $0xFFFFFFFF, s1;
	s2 =	sadd.s32 s2, s0  }
0x422: {  	p1 =	sne.s32 s1, $0x0;
	_ =	sdelay $0x3  }
0x423: {  	(v2sf) =	vpush v0, $0x0;
	_ =	sdelay $0xe  }
.Ltmp49:
0x424: {  	s6 =	spop (v2sf);
	(pc) =	sbr.rel @p1 .LBB3_50-.Ltmp49, $4  }
0x425: {  	s0 =	simm.s32 $0x0;
	p2 =	sgt.u32 s6, $0x1869FE  }
0x426: {  	s4 =	sadd.s32 $0x10, s4;
	s0 =	simm.s32 @!p2 $0x40;
	s7 =	sand.u32 @!p2 $0x1FFFF8, s6  }
0x427: {  	s5 =	sadd.s32 $0x1, s5;
	s6 =	sand.u32 @!p2 $0x7, s6;
	s7 =	sadd.s32 @!p2 s3, s7  }
0x428: {  	[hbm4b:s7+s6] =	stream.linear.scatter @!p2 [tilespmem:s4], [sflag:$0x7], $0x10, $0x38;
	[tilespmem:$0x1F0F8] =	vst v63  }
.LBB3_51:
0x429: {  	s0 =	sadd.s32 s2, s0  }
0x42a: {  	s2 =	sshrl.u32 s0, $0x2  }
.LBB3_52:
0x42b: {  	s0 =	simm.s32 $0x7  }
0x42c: {  	_ =	swait.ge [sflag:s0], s2  }
0x42d: {  	s1 =	ssub.s32 $0x0, s2;
	[sflag:s0] =	ssyncset.done $0x0  }
0x42e: {  	[sflag:s0] =	ssyncadd.s32 s1  }
0x42f: {  	[sflag:s0] =	ssyncpa.u1 $0x1  }
.LBB3_53:
0x430: {  	_ =	sfence;
	s0 =	simm.s32 $0x1  }
0x431: {  	[sflag:s0] =	ssyncpa.u1 $0x1  }
0x432: {  	_ =	strace $0x90000050  }
0x433: {  	[bflag:$0x2] =	sbarrier.arrive $0xFFFF  }
0x434: {  	s0 =	rddreg [dreg:$0x3]  }
0x435: {  	s0 =	sadd.s32 @!p0 $0x100000, s0  }
0x436: {  	[sflag:s0] =	ssyncadd.tile.s32 @!p0 $0x1;
	_ =	shalt  }
.Lfunc_end3:
_tile_overlayer_lowered:
.L_overlay_start_3:
0x437: {  	(tag) =	ssettag $0x3  }
0x438: {  	s0 =	rddreg [dreg:$0x0];
	s2 =	stileid.u32  }
0x439: {  	s1 =	rddreg [dreg:$0x1];
	p0 =	sne.s32 s2, $0x0  }
0x43a: {  	s3 =	rddreg [dreg:$0x2];
	[bflag:$0x3] =	sbarrier.arrive $0xFFFF;
	s2 =	simm.s32 @!p0 $0x1C01  }
0x43b: {  	[timem:s3], [sflag:s2] =	dma.local @!p0 [hbm:s0], s1  }
0x43c: {  	s0 =	simm.s32 @!p0 $0x1  }
0x43d: {  	_ =	swait.ge @!p0 [sflag:s0], s1  }
0x43e: {  	s1 =	ssub.s32 @!p0 $0x0, s1;
	[sflag:s0] =	ssyncset.done @!p0 $0x0  }
0x43f: {  	[sflag:s0] =	ssyncadd.s32 @!p0 s1  }
0x440: {  	[bflag:$0x3] =	sbarrier.arrive $0xFFFF  }
0x441: {  	_ =	shalt  }

// kernel: scatter_offload_async_start.2
scs
__scs_entry_jumppad:
0x0: {  	(pc) =	sbr.rel $0x88, $3  }
0x1: {  	(tag) =	ssettag $0x0;
	lr =	simm.s32 $0x1  }
0x2: {  	[smem:$0x3F86] =	sst lr;
	_ =	strace $0xD0000000  }
0x3: {  	_ = 	snop  }
0x4: {  	_ = 	snop  }
0x5: {  	_ = 	snop  }
0x6: {  	_ = 	snop  }
0x7: {  	_ = 	snop  }
__scs_overlays_trampoline_lowered:
0x8: {  	[smem:$0x3F95] =	sst s0  }
0x9: {  	[smem:$0x3F96] =	sst s1  }
0xa: {  	[smem:$0x3F97] =	sst s2  }
0xb: {  	[smem:$0x3F98] =	sst s3  }
0xc: {  	[smem:$0x3F99] =	sst s4  }
0xd: {  	[smem:$0x3F9A] =	sst s5  }
0xe: {  	[smem:$0x3F9B] =	sst s6  }
0xf: {  	[smem:$0x3F9C] =	sst s7  }
0x10: {  	[smem:$0x3F9D] =	sst s8  }
0x11: {  	[smem:$0x3F9E] =	sst s9;
	s0 =	simm.s32 @!p0 $0x0  }
0x12: {  	s1 =	sld [smem:$0x3F84];
	s0 =	simm.s32 @p0 $0x1  }
0x13: {  	[smem:$0x3F9F] =	sst s0;
	s0 =	simm.s32 @!p1 $0x0  }
0x14: {  	s2 =	sld [smem:$0x3F83];
	s0 =	simm.s32 @p1 $0x1  }
0x15: {  	[smem:$0x3FA0] =	sst s0;
	s0 =	simm.s32 @!p2 $0x0  }
0x16: {  	s3 =	sld [smem:$0x3FDB];
	s0 =	simm.s32 @p2 $0x1  }
0x17: {  	s4 =	simm.s32 $0x1BF5;
	[smem:$0x3FA2] =	sst s0  }
0x18: {  	s0 =	sld [smem:$0x3F85];
	_ =	swait.ge [sflag:s4], $0x0  }
0x19: {  	s7 =	sld [smem:$0x3F86]  }
0x1a: {  	s8 =	sadd.s32 $0xFFFFE003, lr  }
0x1b: {  	s9 =	sadd.s32 $0xFFFFFEF7, lr;
	s5 =	simm.s32 $0xFFFFFFFF;
	p2 =	slt.u32 s8, $0xFFFFF086  }
0x1c: {  	p1 =	slt.u32 s9, $0xF7A;
	s5 =	simm.s32 @!p2 $0x0  }
0x1d: {  	s5 =	simm.s32 @p1 $0x1;
	p0 =	seq.s32 s7, s2  }
0x1e: {  	s7 =	smul.u32 @!p0 $0xF7A, s2;
	p2 =	seq.s32 @!p0 s5, $0x0  }
0x1f: {  	s9 =	smul.u32 $0xF7A, s1;
	s8 =	simm.s32 @!p0 $0x1BF5;
	p2 =	por !p2, p0  }
0x20: {  	[sflag:s8] =	ssyncset.s32 @!p0 $0xFFFFF086;
	s6 =	sadd.s32 @!p0 s3, s7;
	s7 =	simm.s32 @!p0 $0x108  }
0x21: {  	s3 =	sadd.s32 s3, s9;
	s6 =	sadd.s32 @!p0 $0x88, s6;
	s7 =	simm.s32 @p2 $0x1082  }
0x22: {  	[simem:s7], [sflag:s8] =	dma.local @!p0 [hbm:s6], $0xF7A  }
0x23: {  	s9 =	sor.u32 $0xD0000000, s2;
	s6 =	simm.s32 $0x108;
	_ =	swait.ge @!p0 [sflag:s8], $0x0  }
0x24: {  	s3 =	sadd.s32 $0x88, s3;
	s6 =	simm.s32 @!p1 $0x1082;
	[sflag:s4] =	ssyncset.s32 $0xFFFFF086  }
0x25: {  	[simem:s6], [sflag:s4] =	dma.local [hbm:s3], $0xF7A  }
0x26: {  	[smem:$0x3F86] =	sst s1;
	(tag) =	ssettag s2;
	_ =	strace s9  }
0x27: {  	s1 =	sld [smem:$0x3F96]  }
0x28: {  	s2 =	sld [smem:$0x3F97]  }
0x29: {  	s4 =	sld [smem:$0x3F99]  }
0x2a: {  	p0 =	seq.s32 s5, $0x0;
	s5 =	sld [smem:$0x3F9A]  }
0x2b: {  	s6 =	sld [smem:$0x3F9B]  }
0x2c: {  	s7 =	sld [smem:$0x3F9C]  }
0x2d: {  	s3 =	simm.s32 $0x108;
	s8 =	sld [smem:$0x3F9D]  }
0x2e: {  	s3 =	simm.s32 @!p0 $0x1082;
	s9 =	sld [smem:$0x3F9E]  }
0x2f: {  	lr =	sadd.s32 s0, s3;
	s0 =	sld [smem:$0x3F95]  }
0x30: {  	s3 =	sld [smem:$0x3F98]  }
0x31: {  	[smem:$0x3FA1] =	sst s10  }
0x32: {  	s10 =	sld [smem:$0x3F9F];
	_ =	sdelay $0x3  }
0x33: {  	p0 =	seq.s32 s10, $0x1;
	s10 =	sld [smem:$0x3FA1];
	_ =	sdelay $0x3  }
0x34: {  	[smem:$0x3FA1] =	sst s10  }
0x35: {  	s10 =	sld [smem:$0x3FA0];
	_ =	sdelay $0x3  }
0x36: {  	p1 =	seq.s32 s10, $0x1;
	s10 =	sld [smem:$0x3FA1];
	_ =	sdelay $0x3  }
0x37: {  	[smem:$0x3FA1] =	sst s10  }
0x38: {  	s10 =	sld [smem:$0x3FA2]  }
0x39: {  	_ = 	snop;
	(pc) =	sbr.ind lr, $3  }
0x3a: {  	_ = 	snop  }
0x3b: {  	_ = 	snop  }
0x3c: {  	p2 =	seq.s32 s10, $0x1;
	s10 =	sld [smem:$0x3FA1]  }
0x3d: {  	_ =	shalt  }
0x3e: {  	_ =	shalt  }
0x3f: {  	_ =	shalt  }
0x40: {  	_ =	shalt  }
0x41: {  	_ =	shalt  }
0x42: {  	_ =	shalt  }
0x43: {  	_ =	shalt  }
0x44: {  	_ =	shalt  }
0x45: {  	_ =	shalt  }
0x46: {  	_ =	shalt  }
0x47: {  	_ =	shalt  }
0x48: {  	_ =	shalt  }
0x49: {  	_ =	shalt  }
0x4a: {  	_ =	shalt  }
0x4b: {  	_ =	shalt  }
0x4c: {  	_ =	shalt  }
0x4d: {  	_ =	shalt  }
0x4e: {  	_ =	shalt  }
0x4f: {  	_ =	shalt  }
0x50: {  	_ =	shalt  }
0x51: {  	_ =	shalt  }
0x52: {  	_ =	shalt  }
0x53: {  	_ =	shalt  }
0x54: {  	_ =	shalt  }
0x55: {  	_ =	shalt  }
0x56: {  	_ =	shalt  }
0x57: {  	_ =	shalt  }
0x58: {  	_ =	shalt  }
0x59: {  	_ =	shalt  }
0x5a: {  	_ =	shalt  }
0x5b: {  	_ =	shalt  }
0x5c: {  	_ =	shalt  }
0x5d: {  	_ =	shalt  }
0x5e: {  	_ =	shalt  }
0x5f: {  	_ =	shalt  }
0x60: {  	_ =	shalt  }
0x61: {  	_ =	shalt  }
0x62: {  	_ =	shalt  }
0x63: {  	_ =	shalt  }
0x64: {  	_ =	shalt  }
0x65: {  	_ =	shalt  }
0x66: {  	_ =	shalt  }
0x67: {  	_ =	shalt  }
0x68: {  	_ =	shalt  }
0x69: {  	_ =	shalt  }
0x6a: {  	_ =	shalt  }
0x6b: {  	_ =	shalt  }
0x6c: {  	_ =	shalt  }
0x6d: {  	_ =	shalt  }
0x6e: {  	_ =	shalt  }
0x6f: {  	_ =	shalt  }
0x70: {  	_ =	shalt  }
0x71: {  	_ =	shalt  }
0x72: {  	_ =	shalt  }
0x73: {  	_ =	shalt  }
0x74: {  	_ =	shalt  }
0x75: {  	_ =	shalt  }
0x76: {  	_ =	shalt  }
0x77: {  	_ =	shalt  }
0x78: {  	_ =	shalt  }
0x79: {  	_ =	shalt  }
0x7a: {  	_ =	shalt  }
0x7b: {  	_ =	shalt  }
0x7c: {  	_ =	shalt  }
0x7d: {  	_ =	shalt  }
0x7e: {  	_ =	shalt  }
0x7f: {  	_ =	shalt  }
0x80: {  	_ =	shalt  }
0x81: {  	_ =	shalt  }
0x82: {  	_ =	shalt  }
0x83: {  	_ =	shalt  }
0x84: {  	_ =	shalt  }
0x85: {  	_ =	shalt  }
0x86: {  	_ =	shalt  }
0x87: {  	_ =	shalt  }
.Lfunc_end0:
.L_simem_size_0:
called_computation.2_lowered:
.L_overlay_start_0:
0x88: {  	s0 =	sld [smem:$0x3FD9]  }
0x89: {  	s1 =	sld [smem:$0x3FFE];
	_ =	sdelay $0x3  }
0x8a: {  	s0 =	sadd.s32 s1, s0  }
0x8b: {  	[smem:$0x3FAD] =	sst s0  }
0x8c: {  	_ = 	snop  }
0x8d: {  	s0 =	sld [smem:$0x3FD0];
	_ =	sdelay $0x2  }
0x8e: {  	s13 =	simm.s32 $0xB;
	s2 =	simm.s32 $0x10  }
0x8f: {  	[smem:s2], [sflag:s13] =	dma.local [hbm:s0], $0x1  }
0x90: {  	_ =	swait.eq [sflag:s13], $0x1  }
0x91: {  	[sflag:s13] =	ssyncset.done $0x0  }
0x92: {  	[sflag:s13] =	ssyncadd.s32 $0xFFFFFFFF  }
0x93: {  	s14 =	sld [smem:$0x11];
	(tm) =	ssettm $0x1  }
0x94: {  	s15 =	sld [smem:$0x3FFB];
	_ =	sdelay $0x3  }
0x95: {  	_ =	strace s15  }
0x96: {  	s1 =	sld [smem:$0x3FFC];
	_ =	sdelay $0x3  }
0x97: {  	_ =	strace s1  }
0x98: {  	s1 =	sld [smem:$0x3FFD];
	_ =	sdelay $0x3  }
0x99: {  	_ =	strace s1  }
0x9a: {  	_ =	strace $0x8FFFFFFF  }
0x9b: {  	s16 =	sld [smem:$0x3FDB];
	_ =	sdelay $0x1  }
0x9c: {  	s17 =	simm.s32 $_scs_section_size  }
0x9d: {  	s3 =	simm.s32 $_size__tile_overlayer_lowered;
	s4 =	simm.s32 $_tile_overlayer_lowered  }
0x9e: {  	s20 =	simm.s32 $0x1BFF;
	s19 =	sshll.u32 s4, $0x1;
	s1 =	sadd.s32 s17, s16  }
0x9f: {  	s5 =	simm.s32 $0x0;
	s18 =	sshll.u32 s3, $0x1;
	s3 =	sadd.s32 s19, s1  }
0xa0: {  	[timem:s5], [sflag:s20] =	dma.local [hbm:s3], s18  }
0xa1: {  	_ =	swait.ge [sflag:s20], s18  }
0xa2: {  	s2 =	ssub.s32 $0x0, s18;
	[sflag:s20] =	ssyncset.done $0x0  }
0xa3: {  	[sflag:s20] =	ssyncadd.s32 s2;
	_ =	sdelay $0x1  }
0xa4: {  	s21 =	simm.s32 $0x1B8B  }
0xa5: {  	_ =	swait.ge [sflag:s21], $0x1  }
0xa6: {  	[sflag:s21] =	ssyncset.done $0x0  }
0xa7: {  	s23 =	simm.s32 $0x1B8E;
	s22 =	sld [smem:$0x3FFE];
	[sflag:s21] =	ssyncadd.s32 $0xFFFFFFFF  }
0xa8: {  	s24 =	simm.s32 $execute0_lowered;
	[smem:$0x3FD2] =	sst s23  }
0xa9: {  	s3 =	sshll.u32 s24, $0x1;
	_ =	strace $0x80000052;
	[dreg:$0x1] =	wrdreg $0xFFFFFFFF  }
0xaa: {  	s25 =	simm.s32 $_size_execute0_lowered;
	s1 =	sadd.s32 s1, s3;
	[dreg:$0x0] =	wrdreg $0x0  }
0xab: {  	s3 =	sshll.u32 s25, $0x1;
	[dreg:$0x2] =	wrdreg s1  }
0xac: {  	[dreg:$0x3] =	wrdreg s3  }
0xad: {  	[dreg:$0x4] =	wrdreg $0xC0  }
0xae: {  	_ =	task [dreg:s5], $0x5FFFF  }
0xaf: {  	[dreg:$0x1] =	wrdreg $0xFFFFFFFF  }
0xb0: {  	[dreg:$0x0] =	wrdreg $0x60  }
0xb1: {  	[dreg:$0x2] =	wrdreg s22  }
0xb2: {  	[dreg:$0x3] =	wrdreg s14  }
0xb3: {  	[dreg:$0x4] =	wrdreg $0x9  }
0xb4: {  	_ =	task.clear_ibuf [dreg:s5], $0x5FFFF;
	_ =	strace $0x90000052  }
0xb5: {  	s26 =	simm.s32 $0x9;
	_ =	strace $0x80000054  }
0xb6: {  	_ =	swait.ge [sflag:s26], $0x1  }
0xb7: {  	[sflag:s26] =	ssyncadd.s32 $0xFFFFFFFF  }
0xb8: {  	_ =	strace $0x90000054  }
0xb9: {  	_ =	sfence  }
0xba: {  	s28 =	sld [smem:$0x0];
	_ =	sdelay $0x1  }
0xbb: {  	s29 =	srdreg.scid  }
0xbc: {  	s30 =	sshll.u32 s29, $0xD;
	s31 =	sshrl.u32 s29, $0x2  }
0xbd: {  	s2 =	sand.u32 $0x4000, s30;
	s1 =	sand.u32 $0x1, s29;
	s0 =	sadd.s32 s31, s28  }
0xbe: {  	s1 =	sor.u32 s2, s1;
	s0 =	sshll.u32 s0, $0x11  }
0xbf: {  	s0 =	sor.u32 s0, s1  }
0xc0: {  	s0 =	sadd.s32 $0x8F2B, s0  }
0xc1: {  	[sflag:s0] =	ssyncadd.remote.s32 $0x1  }
0xc2: {  	_ =	sfence.sel $0xFFFF  }
0xc3: {  	[dreg:$0x0] =	wrdreg $0xFFFFFFFF;
	(pc) =	sbr.abs _section_cstart, $3  }
0xc4: {  	[dreg:$0x1] =	wrdreg $0xFFFFFFFF  }
0xc5: {  	_ =	task.clear_ibuf [dreg:s5], $0x2FFFF;
	_ =	strace $0x9FFFFFFF  }
0xc6: {  	(tm) =	ssettm $0x7FFFFFFF  }
0xc7: {  	_ =	shalt  }
tec
execute0_lowered:
.L_overlay_start_1:
0x0: {  	(tag) =	ssettag $0x1  }
0x1: {  	s8 =	rddreg [dreg:$0x0]  }
0x2: {  	s2 =	rddreg [dreg:$0x1]  }
0x3: {  	s0 =	rddreg [dreg:$0x2];
	_ =	strace $0x80000053;
	s3 =	simm.s32 $0x1  }
0x4: {  	v1 =	vimm.s32 $0xFFFFFFFF;
	[sflag:s3] =	ssyncpa.u1 $0x0  }
0x5: {  	[tilespmem:$0x10] =	vst v1  }
0x6: {  	v0 =	vimm.f32 $0.0e+00;
	[tilespmem:$0x20] =	vst v1  }
0x7: {  	[tilespmem:$0x30] =	vst v0  }
0x8: {  	[tilespmem:$0x40] =	vst v0  }
0x9: {  	[tilespmem:$0x50] =	vst v0  }
0xa: {  	s4 =	simm.s32 $0x2;
	[tilespmem:$0x60] =	vst v1  }
0xb: {  	s5 =	simm.s32 $0x7;
	s7 =	simm.s32 $0x8;
	s10 =	simm.s32 $0x9;
	[tilespmem:$0x70] =	vst v1  }
0xc: {  	s14 =	simm.s32 $0x0;
	s15 =	simm.s32 $0xFF;
	p0 =	por $0x0, $0x0;
	[tilespmem:$0x80] =	vst v1  }
0xd: {  	s16 =	simm.s32 $0xFFFFC280;
	s17 =	simm.s32 $0xFFFFFFFE;
	s18 =	simm.s32 $0xF;
	v1 =	vimm.s32 $0x0;
	[tilespmem:$0xB0] =	vst v0  }
0xe: {  	s19 =	simm.s32 $0x30;
	s22 =	simm.s32 $0x0;
	s20 =	simm.s32 $0x0;
	[tilespmem:$0x90] =	vst v1  }
.Ltmp0:
0xf: {  	[tilespmem:$0xA0] =	vst v1;
	[sflag:s4] =	ssyncpa.u1 $0x0;
	s4 =	stileid.u32;
	(pc) =	sbr.rel .LBB2_1-.Ltmp0, $4  }
0x10: {  	s1 =	sadd.s32 $0x36F5200, s8;
	s6 =	smul.u32 $0x30D40, s4;
	[sflag:s5] =	ssyncpa.u1 $0x0  }
0x11: {  	s8 =	sadd.s32 $0x3693600, s8;
	s12 =	sshllo.u32 s4, $0x1;
	[sflag:s7] =	ssyncpa.u1 $0x0  }
0x12: {  	vm0 =	vmmov $0xffff;
	v2 =	vlaneseq.u32;
	s9 =	sadd.s32 $0x30D40, s6;
	[sflag:s10] =	ssyncpa.u1 $0x0;
	s10 =	sshll.u32 s4, $0x1  }
0x13: {  	vm1 =	vmxor vm1, vm1;
	vm2 =	vmmov $0x1;
	vm3 =	vcmask $0x3F3C;
	s21 =	smov.u32 s6;
	s11 =	sor.u32 $0x81, s10;
	s13 =	sor.u32 $0x80, s10  }
.LBB2_10:
0x14: {  	p1 =	slt.u32 s20, $0x3  }
0x15: {  	s22 =	simm.s32 @!p1 $0x2  }
0x16: {  	_ =	swait.ge @!p1 [sflag:s22], $0x1F40  }
0x17: {  	[sflag:s22] =	ssyncset.done @!p1 $0x0  }
0x18: {  	[sflag:s22] =	ssyncadd.s32 @!p1 $0xFFFFE0C0;
	s22 =	simm.s32 @!p1 $0x9  }
0x19: {  	_ =	swait.ge @!p1 [sflag:s22], $0x10  }
0x1a: {  	s23 =	sadd.s32 $0x1F40, s21;
	s24 =	smov.u32 s6;
	[sflag:s22] =	ssyncset.done @!p1 $0x0  }
0x1b: {  	s20 =	sadd.s32 $0x1, s20;
	[sflag:s22] =	ssyncadd.s32 @!p1 $0xFFFFFFF0;
	p1 =	slt.s32 s23, s9  }
0x1c: {  	s24 =	smov.u32 @p1 s23;
	p1 =	sne.s32 s20, $0x1C  }
.Ltmp1:
0x1d: {  	_ = 	snop;
	(pc) =	sbr.rel @!p1 .LBB2_11-.Ltmp1, $3  }
0x1e: {  	_ =	sdelay $0x1  }
0x1f: {  	s15 =	sadd.s32 $0x1, s15;
	p0 =	por !p0, !p0;
	s16 =	sadd.s32 $0x1F40, s16  }
0x20: {  	s17 =	sadd.s32 $0x1, s17;
	s22 =	smov.u32 s21;
	s21 =	smov.u32 s24  }
.LBB2_1:
0x21: {  	p1 =	sgt.u32 s20, $0x18  }
0x22: {  	s23 =	smul.u32 @!p1 $0xAB, s20;
	_ =	sdelay $0x1  }
0x23: {  	s23 =	sshrl.u32 @!p1 s23, $0x9  }
0x24: {  	s23 =	sand.u32 @!p1 $0x7F, s23  }
0x25: {  	s23 =	smul.u32 @!p1 $0x3, s23;
	_ =	sdelay $0x1  }
0x26: {  	s23 =	ssub.s32 @!p1 s20, s23  }
0x27: {  	s23 =	sand.u32 @!p1 $0xFF, s23  }
0x28: {  	s23 =	smul.u32 @!p1 $0x7D00, s23;
	_ =	sdelay $0x1  }
0x29: {  	s24 =	sshrl.u32 @!p1 s21, $0x3;
	s23 =	sshrl.u32 @!p1 s23, $0x2  }
0x2a: {  	s25 =	sand.u32 @!p1 $0x7, s21;
	s24 =	sadd.s32 @!p1 s2, s24;
	s23 =	sadd.s32 @!p1 $0x100, s23  }
0x2b: {  	[tilespmem:s23], [sflag:$0x7] =	stream.linear.gather @!p1 [hbm4b:s24+s25], $0x1F40, $0x38;
	[tilespmem:$0x11A60] =	vst v63  }
0x2c: {  	s23 =	sadd.s32 $0xFFFFFFFF, s20  }
0x2d: {  	p1 =	sgt.u32 s23, $0x18  }
.Ltmp2:
0x2e: {  	_ = 	snop;
	(pc) =	sbr.rel @p1 .LBB2_5-.Ltmp2, $1  }
0x2f: {  	_ =	sdelay $0x3  }
0x30: {  	s24 =	smul.u32 $0xAB, s23;
	_ =	sdelay $0x1  }
0x31: {  	s24 =	sshrl.u32 s24, $0x9  }
0x32: {  	s24 =	sand.u32 $0x7F, s24  }
0x33: {  	s24 =	smul.u32 $0x3, s24;
	_ =	sdelay $0x1  }
0x34: {  	s24 =	ssub.s32 s23, s24  }
0x35: {  	s24 =	sand.u32 $0xFF, s24  }
0x36: {  	s24 =	smul.u32 $0x7D00, s24  }
0x37: {  	_ =	swait.ge [sflag:s5], $0x1F40  }
0x38: {  	[sflag:s5] =	ssyncset.done $0x0;
	s24 =	sshrl.u32 s24, $0x2  }
0x39: {  	[sflag:s5] =	ssyncadd.s32 $0xFFFFE0C0;
	(ifvalue) =	ssetifvalue $0xFFFFFFFF;
	v3 =	vld.msk [tilespmem:s24+$0x100 ss:$0x1], $0xffff  }
0x3a: {  	s29 =	sand.u32 $0xFF, s15  }
0x3b: {  	s25 =	smulhi.u32 $0x55555556, s29  }
0x3c: {  	p1 =	sne.s32 s20, $0x1  }
0x3d: {  	v4 =	vimm.s32 @!p1 $0x0;
	s25 =	smul.u32 $0x17700, s25  }
0x3e: {  	s24 =	smul.u32 $0x7D00, s29;
	v4 =	vperm.xlane @!p1 v3, v4  }
0x3f: {  	s26 =	sshll.u32 s20, $0x4;
	vm4 =	vlt.u32 v3, $0x18800  }
0x40: {  	s30 =	sand.u32 $0x10, s26;
	s24 =	ssub.s32 s24, s25;
	v3 =	vnsel vm4, $0xFFFFFFFE, v3;
	vm4 =	vlt.u32 @!p1 v4, $0x18800  }
0x41: {  	s24 =	sshra.s32 s24, $0x2;
	[tilespmem:s30+$0x60] =	vst v3;
	v3 =	vnsel @!p1 vm4, $0xFFFFFFFE, v4  }
0x42: {  	s28 =	sadd.s32 $0x2030, s24;
	[tilespmem:$0x80] =	vst @!p1 v3  }
0x43: {  	v3 =	vld.msk [tilespmem:s28+$0x0 ss:$0x1], $0xffff;
	_ =	sdelay $0x4  }
0x44: {  	(xrf1) =	vunique.msk.u32 $0xffff, v3;
	_ =	sdelay $0xd  }
0x45: {  	v4 =	vimm.s32 $0xFFFFFFFF;
	v5, _, _ =	vpop (xrf1)  }
0x46: {  	vm5 =	vne.s32 v3, v4;
	vm4 =	veq.s32 v5, v2  }
0x47: {  	vm6 =	vlt.u32 v3, $0x18800;
	vm4 =	vmand vm5, vm4  }
0x48: {  	vm4 =	vmand vm6, vm4  }
0x49: {  	v4 =	vnsel vm4, $0xFFFFFFFF, v3  }
0x4a: {  	s31 =	sand.u32 $0x1, s23  }
0x4b: {  	s23 =	simm.s32 $0x1F40;
	p1 =	seq.s32 s31, $0x1  }
0x4c: {  	s23 =	simm.s32 @!p1 $0x0  }
0x4d: {  	s24 =	sadd.s32 $0x7DF0, s23;
	(ifvalue) =	ssetifvalue $0xFFFFFFFF  }
0x4e: {  	v3 =	vperm.xlane v3, v1;
	[tilespmem:s24], [sflag:$0x8] =	stream.indirect_vreg.gather [hbm4b:s1+s14], $0x1, v4, vm0, $0x4038;
	v4 =	vnsel vm6, $0xFFFFFFFE, v4;
	[tilespmem:$0x11A60] =	vst v63  }
0x4f: {  	s25 =	simm.s32 $0x0;
	s26 =	sadd.s32 $0xFFFFFFF0, s28;
	[tilespmem:s28+$0x0] =	vst v4  }
.LBB2_3:
0x50: {  	v4 =	vld.msk [tilespmem:s26+$0x0 ss:$0x1], $0xffff;
	s25 =	sadd.s32 $0x10, s25;
	v5 =	vmov v3;
	s28 =	smov.u32 s26  }
0x51: {  	p1 =	slt.u32 s25, $0x1F30;
	_ =	sdelay $0x4  }
0x52: {  	v3 =	vperm.xlane v4, v1;
	(xrf1) =	vunique.msk.u32 $0xffff, v4;
	_ =	sdelay $0xd  }
0x53: {  	v6, _, _ =	vpop (xrf1)  }
0x54: {  	vm5 =	vne.s32 v4, v5;
	vm4 =	veq.s32 v6, v2  }
0x55: {  	vm6 =	vlt.u32 v4, $0x18800;
	vm4 =	vmand vm5, vm4  }
0x56: {  	vm4 =	vmand vm6, vm4  }
0x57: {  	v4 =	vnsel vm4, $0xFFFFFFFF, v4  }
.Ltmp3:
0x58: {  	v5 =	vnsel vm6, $0xFFFFFFFE, v4;
	(pc) =	sbr.rel @p1 .LBB2_3-.Ltmp3, $3  }
0x59: {  	_ =	sdelay $0x1  }
0x5a: {  	s26 =	sadd.s32 $0xFFFFFFF0, s26;
	s24 =	sadd.s32 $0xFFFFFFF0, s24;
	(ifvalue) =	ssetifvalue $0xFFFFFFFF  }
0x5b: {  	[tilespmem:s24], [sflag:$0x8] =	stream.indirect_vreg.gather [hbm4b:s1+s14], $0x1, v4, vm0, $0x4038;
	[tilespmem:s28+$0x0] =	vst v5  }
0x5c: {  	s22 =	sshrl.u32 s22, $0x3  }
0x5d: {  	s23 =	sadd.s32 $0x9D40, s23;
	s22 =	sadd.s32 s8, s22  }
0x5e: {  	[tilespmem:s23], [sflag:$0x8] =	stream.linear.gather [hbm:s22], $0x1F40, $0x38;
	[tilespmem:$0x11A60] =	vst v63  }
.LBB2_5:
0x5f: {  	p1 =	sgt.u32 s20, $0x1B  }
.Ltmp4:
0x60: {  	_ = 	snop;
	(pc) =	sbr.rel @p1 .LBB2_7-.Ltmp4, $1  }
0x61: {  	_ =	sdelay $0x3  }
0x62: {  	s22 =	sshll.u32 s3, s20  }
0x63: {  	s22 =	sand.u32 $0x8000003, s22  }
0x64: {  	p1 =	sne.s32 s22, $0x0  }
.Ltmp5:
0x65: {  	_ = 	snop;
	(pc) =	sbr.rel @p1 .LBB2_10-.Ltmp5, $1  }
0x66: {  	_ =	sdelay $0x3  }
.LBB2_7:
0x67: {  	s22 =	sadd.s32 $0xFFFFFFFE, s20  }
0x68: {  	s23 =	smulhi.u32 $0xAAAAAAAB, s22;
	_ =	sdelay $0x1  }
0x69: {  	s23 =	sshrl.u32 s23, $0x1  }
0x6a: {  	s23 =	smul.u32 $0x3, s23;
	_ =	sdelay $0x1  }
0x6b: {  	s22 =	ssub.s32 s22, s23  }
0x6c: {  	_ =	swait.ge [sflag:s7], $0x3E80;
	s26 =	smul.u32 $0x1F40, s22  }
0x6d: {  	p1 =	sne.s32 s20, $0x1A;
	[sflag:s7] =	ssyncset.done $0x0  }
0x6e: {  	[sflag:s7] =	ssyncadd.s32 $0xFFFFC180;
	s22 =	sadd.s32 @!p1 $0x203F, s26  }
0x6f: {  	[spmem:s11] =	stream.linear.scatter @!p1 [tilespmem:s22], [sflag:$0x1], $0x1, $0x38;
	[tilespmem:$0x11A60] =	vst v63  }
0x70: {  	s22 =	simm.s32 @!p1 $0x1  }
0x71: {  	_ =	swait.ge @!p1 [sflag:s22], $0x1  }
0x72: {  	s25 =	sshll.u32 s20, $0x4;
	[sflag:s22] =	ssyncset.done @!p1 $0x0  }
0x73: {  	[sflag:s22] =	ssyncadd.s32 @!p1 $0xFFFFFFFF;
	s22 =	sand.u32 $0x10, s25  }
0x74: {  	v4 =	vld [tilespmem:s22+$0x10];
	s28 =	sxor.u32 $0x10, s22  }
0x75: {  	v5 =	vld [tilespmem:s28+$0x60]  }
0x76: {  	v3 =	vld [tilespmem:$0x80];
	_ =	sdelay $0x2  }
0x77: {  	(v2sf) =	vpush v4, $0x0  }
0x78: {  	(v2sf) =	vpush v5, $0x0  }
0x79: {  	(v2sf) =	vpush v3, $0x0;
	_ =	sdelay $0xc  }
0x7a: {  	s23 =	spop (v2sf)  }
0x7b: {  	s25 =	spop (v2sf)  }
0x7c: {  	s24 =	spop (v2sf)  }
0x7d: {  	p2 =	seq.s32 s23, s25;
	p3 =	seq.s32 s24, s23  }
0x7e: {  	p3 =	por p2, p3  }
0x7f: {  	s23 =	sand.u32 $0x1, s20;
	v4 =	vpsel p3, $0xFFFFFFFF, v4  }
0x80: {  	s25 =	smul.u32 $0x1F40, s23;
	[tilespmem:s22+$0x10] =	vst.msk $0x1, v4  }
0x81: {  	v4 =	vld [tilespmem:$0x30]  }
0x82: {  	v5 =	vld [tilespmem:s25+$0x9D40]  }
0x83: {  	v6 =	vld [tilespmem:s22+$0x40];
	_ =	sdelay $0x3  }
0x84: {  	vm4 =	vmmov vm1;
	v5 =	vadd.f32 v5, v4  }
0x85: {  	vm5 =	vmmov vm2;
	vm4 =	vmmov @p2 vm2;
	s23 =	sshll.u32 s23, $0x4;
	v4 =	vadd.f32 v6, v4  }
0x86: {  	vm5 =	vmmov @p3 vm1;
	s23 =	sor.u32 $0x11A40, s23;
	[tilespmem:s25+$0x9D40] =	vst.msk vm4, v5  }
0x87: {  	[tilespmem:s23+$0x0] =	vst.msk vm5, v4  }
0x88: {  	v4 =	vld [tilespmem:s25+$0x7DF0];
	_ =	sdelay $0x3  }
0x89: {  	v5 =	vimm.f32 $0.0e+00  }
0x8a: {  	v4 =	vshift.insert v4, v5, s18  }
0x8b: {  	s29 =	sor.u32 $0x40, s28  }
0x8c: {  	[tilespmem:s29+$0x0] =	vst.msk $0x1, v4  }
0x8d: {  	[tilespmem:s25+$0x7DFF] =	vst.msk $0x1, v5  }
0x8e: {  	v4 =	vld [tilespmem:s26+$0x2030];
	_ =	sdelay $0x1  }
0x8f: {  	s29 =	smulhi.u32 $0xAAAAAAAB, s17;
	s26 =	simm.s32 $0x1  }
0x90: {  	s26 =	simm.s32 @!p0 $0x0  }
0x91: {  	s29 =	sshrl.u32 s29, $0x1;
	s26 =	smul.u32 $0x7D00, s26  }
0x92: {  	s29 =	smul.u32 $0xFFFE8900, s29;
	v4 =	vshift.insert v4, v1, s18  }
0x93: {  	s30 =	sshrl.u32 s26, $0x2  }
0x94: {  	s29 =	sshra.s32 s29, $0x2;
	s26 =	sadd.s32 $0x9D40, s30;
	[tilespmem:s28+$0x10] =	vst.msk $0x1, v4  }
0x95: {  	s31 =	sadd.s32 s29, s16;
	v6 =	vld [tilespmem:s26+$0x0]  }
0x96: {  	v7 =	vld [tilespmem:s31+$0x0];
	_ =	sdelay $0x3  }
0x97: {  	v5 =	vadd.f32 v6, v5  }
0x98: {  	vm4 =	vne.s32 v7, $0xFFFFFFFF  }
0x99: {  	(xrf2) =	vadd.seg.scan.f32 vm4, v5;
	_ =	sdelay $0x3  }
0x9a: {  	s28 =	sadd.s32 $0x5EC0, s30;
	v5 =	vperm.xlane v4, v1  }
0x9b: {  	v6 =	vld [tilespmem:s28+$0x0]  }
0x9c: {  	vm5 =	veq.s32 v7, v3;
	vm6 =	veq.s32 v7, v5  }
0x9d: {  	vm7 =	vgt.u32 v7, $0xFFFFFFFD;
	vm6 =	vmor vm6, vm5  }
0x9e: {  	vm6 =	vmor vm6, vm7  }
0x9f: {  	v9 =	vld [tilespmem:$0xA0];
	v7 =	vsel vm6, $0xFFFFFFFF, v7  }
0xa0: {  	v10 =	vld [tilespmem:$0x90];
	v6 =	vsel vm5, $0x0, v6;
	v8, _, _ =	vpop (xrf2)  }
0xa1: {  	v6 =	vadd.f32 v8, v6  }
0xa2: {  	s29 =	sadd.s32 $0xDBC0, s30  }
0xa3: {  	vm4 =	vmand vm4, vm3;
	[tilespmem:s29+$0x0] =	vst v6;
	(ifvalue) =	ssetifvalue $0xFFFFFFFF  }
0xa4: {  	vm6 =	veq.s32 v9, $0x1;
	[hbm4b:s1+s14] =	stream.indirect_vreg.scatter [tilespmem:s29], [sflag:$0x2], $0x1, v7, vm0, $0x4038;
	v7 =	vsel vm4, $0x0, v8;
	[tilespmem:$0x11A60] =	vst v63  }
0xa5: {  	s30 =	simm.s32 $0x0;
	s31 =	sadd.s32 $0x10, s31;
	vm4 =	vmor vm6, vm5;
	v6 =	vsel vm5, v8, v10;
	v7 =	vshift.insert v7, v0, s18  }
.LBB2_8:
0xa6: {  	v8 =	vld [tilespmem:s31+$0x0];
	s26 =	sadd.s32 $0x10, s26  }
0xa7: {  	s28 =	sadd.s32 $0x10, s28;
	v9 =	vld [tilespmem:s26+$0x0]  }
0xa8: {  	s30 =	sadd.s32 $0x10, s30;
	v10 =	vld [tilespmem:s28+$0x0]  }
0xa9: {  	p2 =	slt.u32 s30, $0x1F30;
	_ =	sdelay $0x2  }
0xaa: {  	v7 =	vadd.f32 v9, v7  }
0xab: {  	vm5 =	vne.s32 v8, $0xFFFFFFFF  }
0xac: {  	vm6 =	vmand vm5, vm3;
	(xrf2) =	vadd.seg.scan.f32 vm5, v7;
	_ =	sdelay $0x5  }
0xad: {  	vm7 =	veq.s32 v8, v5;
	vm5 =	veq.s32 v8, v3  }
0xae: {  	vm8 =	vgt.u32 v8, $0xFFFFFFFD;
	vm4 =	vmor vm4, vm5;
	vm7 =	vmor vm7, vm5  }
0xaf: {  	vm7 =	vmor vm7, vm8  }
0xb0: {  	v8 =	vsel vm7, $0xFFFFFFFF, v8  }
.Ltmp6:
0xb1: {  	v7 =	vsel vm5, $0x0, v10;
	v9, _, _ =	vpop (xrf2);
	(pc) =	sbr.rel @p2 .LBB2_8-.Ltmp6, $4  }
0xb2: {  	v6 =	vsel vm5, v9, v6;
	v10 =	vadd.f32 v9, v7;
	v7 =	vsel vm6, $0x0, v9  }
0xb3: {  	s29 =	sadd.s32 $0x10, s29;
	v7 =	vshift.insert v7, v0, s18  }
0xb4: {  	s31 =	sadd.s32 $0x10, s31;
	[tilespmem:s29+$0x0] =	vst v10;
	(ifvalue) =	ssetifvalue $0xFFFFFFFF  }
0xb5: {  	[hbm4b:s1+s14] =	stream.indirect_vreg.scatter [tilespmem:s29], [sflag:$0x2], $0x1, v8, vm0, $0x4038;
	[tilespmem:$0x11A60] =	vst v63  }
0xb6: {  	v3 =	vld [tilespmem:s25+$0xFAF0];
	_ =	sdelay $0x4  }
0xb7: {  	v3 =	vshift.insert v3, v0, s18;
	_ =	sdelay $0x1  }
0xb8: {  	[tilespmem:s19+$0x0] =	vst.msk $0x1, v3  }
0xb9: {  	v3 =	vsel vm4, $0x1, v1;
	[tilespmem:$0x90] =	vst v6  }
0xba: {  	s25 =	sadd.s32 @!p1 $0xFAFF, s25;
	[tilespmem:$0xA0] =	vst v3  }
0xbb: {  	[spmem:s12] =	stream.linear.scatter @!p1 [tilespmem:s25], [sflag:$0x1], $0x1, $0x38;
	[tilespmem:$0x11A60] =	vst v63  }
0xbc: {  	s25 =	simm.s32 @!p1 $0x1  }
0xbd: {  	v3 =	vmctz.xlane @!p1 vm4;
	_ =	swait.ge @!p1 [sflag:s25], $0x1  }
0xbe: {  	(v2sf) =	vpush @!p1 v4, $0x0  }
0xbf: {  	(v2sf) =	vpush @!p1 v3, $0x0;
	_ =	sdelay $0xd  }
0xc0: {  	s26 =	spop @!p1 (v2sf)  }
0xc1: {  	s28 =	spop @!p1 (v2sf)  }
0xc2: {  	p2 =	sne.s32 @!p1 s24, s26;
	p3 =	slt.s32 @!p1 s28, $0xF  }
0xc3: {  	[sflag:s25] =	ssyncset.done @!p1 $0x0;
	p2 =	por p2, p1;
	p3 =	por !p3, p1  }
0xc4: {  	[sflag:s25] =	ssyncadd.s32 @!p1 $0xFFFFFFFF;
	v3 =	vimm.s32 @!p2 $0xFFFFFFFF;
	s28 =	simm.s32 @p3 $0xF  }
0xc5: {  	[tilespmem:$0x80] =	vst @!p2 v3;
	s24 =	sadd.s32 @!p1 $0x90, s28  }
0xc6: {  	[spmem:s10] =	stream.linear.scatter @!p1 [tilespmem:s24], [sflag:$0x1], $0x1, $0x38;
	[tilespmem:$0x11A60] =	vst v63  }
0xc7: {  	_ =	swait.ge @!p1 [sflag:s25], $0x1  }
0xc8: {  	[sflag:s25] =	ssyncset.done @!p1 $0x0  }
0xc9: {  	s24 =	simm.s32 @!p1 $0x80;
	[sflag:s25] =	ssyncadd.s32 @!p1 $0xFFFFFFFF  }
0xca: {  	[spmem:s13] =	stream.linear.scatter @!p1 [tilespmem:s24], [sflag:$0x1], $0x1, $0x38;
	[tilespmem:$0x11A60] =	vst v63  }
0xcb: {  	_ =	swait.ge @!p1 [sflag:s25], $0x1  }
0xcc: {  	[sflag:s25] =	ssyncset.done @!p1 $0x0  }
0xcd: {  	[sflag:s25] =	ssyncadd.s32 @!p1 $0xFFFFFFFF;
	(ifvalue) =	ssetifvalue $0xFFFFFFFF;
	v3 =	vld [tilespmem:s22+$0x10];
	_ =	sdelay $0x3  }
.Ltmp7:
0xce: {  	_ = 	snop;
	(pc) =	sbr.rel .LBB2_10-.Ltmp7, $3  }
0xcf: {  	_ =	sdelay $0x1  }
0xd0: {  	(ifvalue) =	ssetifvalue $0xFFFFFFFF  }
0xd1: {  	[hbm4b:s1+s14] =	stream.indirect_vreg.scatter [tilespmem:s23], [sflag:$0x9], $0x1, v3, vm0, $0x4038;
	[tilespmem:$0x11A60] =	vst v63  }
.LBB2_11:
0xd2: {  	_ =	sfence.sel $0x180000  }
0xd3: {  	s2 =	simm.s32 $0x7;
	[bflag:$0x0] =	sbarrier.arrive $0xFFFF  }
0xd4: {  	s26 =	simm.s32 $0x8;
	[sflag:s2] =	ssyncpa.u1 $0x1  }
0xd5: {  	s28 =	simm.s32 $0x9;
	[sflag:s26] =	ssyncpa.u1 $0x1  }
0xd6: {  	[sflag:s28] =	ssyncpa.u1 $0x1  }
0xd7: {  	_ =	sfence.stream.spmem  }
0xd8: {  	s29 =	simm.s32 $0x3;
	[bflag:$0x0] =	sbarrier.arrive $0xFFFF  }
0xd9: {  	s30 =	simm.s32 $0x4;
	[sflag:s29] =	ssyncpa.u1 $0x1  }
0xda: {  	s31 =	simm.s32 $0x3C;
	[sflag:s30] =	ssyncpa.u1 $0x1  }
0xdb: {  	p0 =	sne.s32 s4, $0x0;
	[sflag:s31] =	ssyncpa.u1 $0x1  }
0xdc: {  	s0 =	simm.s32 @p0 $0x1;
	_ =	sfence @p0  }
0xdd: {  	[sflag:s0] =	ssyncpa.u1 @p0 $0x1;
	s0 =	simm.s32 @p0 $0x2  }
0xde: {  	[sflag:s0] =	ssyncpa.u1 @p0 $0x1  }
0xdf: {  	_ =	strace @p0 $0x90000053  }
0xe0: {  	[bflag:$0x2] =	sbarrier.arrive @p0 $0xFFFF  }
0xe1: {  	_ =	shalt @p0  }
.LBB2_12:
0xe2: {  	_ =	sfence.stream.spmem;
	s4 =	simm.s32 $0x5  }
0xe3: {  	s2 =	simm.s32 $0x80;
	s3 =	simm.s32 $0xC0;
	[sflag:s4] =	ssyncpa.u1 $0x0  }
0xe4: {  	[tilespmem:s3], [sflag:$0x5] =	stream.linear.gather [spmem:s2], $0x20, $0x38;
	[tilespmem:$0x11A60] =	vst v63  }
0xe5: {  	s2 =	simm.s32 $0x0;
	s3 =	simm.s32 $0xE0  }
0xe6: {  	[tilespmem:s3], [sflag:$0x5] =	stream.linear.gather [spmem:s2], $0x20, $0x38;
	[tilespmem:$0x11A60] =	vst v63  }
.Ltmp8:
0xe7: {  	_ = 	snop;
	(pc) =	sbr.rel .LBB2_13-.Ltmp8, $4  }
0xe8: {  	_ =	swait.ge [sflag:s4], $0x40  }
0xe9: {  	[sflag:s4] =	ssyncset.done $0x0  }
0xea: {  	s31 =	simm.s32 $0x6;
	[sflag:s4] =	ssyncadd.s32 $0xFFFFFFC0  }
0xeb: {  	s4 =	simm.s32 $0x0;
	[sflag:s31] =	ssyncpa.u1 $0x0  }
.LBB2_18:
0xec: {  	p0 =	sgt.u32 s5, $0x187FF  }
0xed: {  	s6 =	sshrl.u32 @!p0 s5, $0x3  }
0xee: {  	s5 =	sand.u32 @!p0 $0x7, s5;
	s7 =	simm.s32 @!p0 $0xB0;
	s6 =	sadd.s32 @!p0 s1, s6  }
0xef: {  	[tilespmem:s7], [sflag:$0x6] =	stream.linear.gather @!p0 [hbm4b:s6+s5], $0x1, $0x38;
	[tilespmem:$0x11A60] =	vst v63  }
0xf0: {  	s5 =	simm.s32 @!p0 $0x6  }
0xf1: {  	_ =	swait.ge @!p0 [sflag:s5], $0x1  }
0xf2: {  	[sflag:s5] =	ssyncset.done @!p0 $0x0  }
0xf3: {  	[sflag:s5] =	ssyncadd.s32 @!p0 $0xFFFFFFFF  }
0xf4: {  	v2 =	vmov @!p0 s4;
	v1 =	vld.msk @!p0 [tilespmem:$0xB0], $0x1;
	_ =	sdelay $0x3  }
0xf5: {  	s5 =	simm.s32 @!p0 $0xE0  }
0xf6: {  	[tilespmem:v2+s5+$0x0], v1 =	vst.idx.ret.add.f32.msk @!p0 $0x1, v1  }
0xf7: {  	[tilespmem:s2+$0xC0] =	vst.msk $0x1, v0  }
0xf8: {  	v0 =	vld.msk [tilespmem:s4+$0xE0], $0x1;
	_ =	sdelay $0x4  }
0xf9: {  	[tilespmem:s2+$0xE0] =	vst.msk $0x1, v0;
	s2 =	sadd.s32 $0x1, s2  }
.LBB2_20:
0xfa: {  	s4 =	sadd.s32 $0x1, s4  }
0xfb: {  	p0 =	sne.s32 s4, $0x20  }
.Ltmp9:
0xfc: {  	_ = 	snop;
	(pc) =	sbr.rel @!p0 .LBB2_21-.Ltmp9, $1  }
0xfd: {  	_ =	sdelay $0x3  }
.LBB2_13:
0xfe: {  	v0 =	vld.msk [tilespmem:s4+$0xC0], $0x1;
	_ =	sdelay $0x4  }
0xff: {  	(v2sf) =	vpush v0, $0x0;
	_ =	sdelay $0xe  }
0x100: {  	s5 =	spop (v2sf)  }
0x101: {  	p0 =	seq.s32 s5, $0xFFFFFFFF  }
.Ltmp10:
0x102: {  	_ = 	snop;
	(pc) =	sbr.rel @p0 .LBB2_20-.Ltmp10, $1  }
0x103: {  	_ =	sdelay $0x3  }
0x104: {  	p0 =	slt.s32 s2, $0x1  }
.Ltmp11:
0x105: {  	_ = 	snop;
	(pc) =	sbr.rel @p0 .LBB2_18-.Ltmp11, $1  }
0x106: {  	_ =	sdelay $0x3  }
0x107: {  	s6 =	simm.s32 $0xC0;
	p0 =	por $0x0, $0x0  }
0x108: {  	v1 =	vld.msk @!p0 [tilespmem:s6+$0x0], $0x1;
	_ =	sdelay $0x4  }
0x109: {  	(v2sf) =	vpush @!p0 v1, $0x0;
	_ =	sdelay $0xd  }
0x10a: {  	p2 =	sne.s32 s2, $0x1  }
.Ltmp12:
0x10b: {  	s7 =	spop @!p0 (v2sf);
	(pc) =	sbr.rel @!p2 .LBB2_17-.Ltmp12, $4  }
0x10c: {  	p1 =	seq.s32 @!p0 s5, s7  }
0x10d: {  	s7 =	simm.s32 $0x0;
	p1 =	por !p1, p0  }
0x10e: {  	s9 =	simm.s32 $0xFFFFFFFF;
	s7 =	simm.s32 @p1 $0xFFFFFFFF  }
0x10f: {  	s8 =	simm.s32 $0x1;
	s7 =	smov.u32 @p0 s9  }
.LBB2_16:
0x110: {  	s9 =	smov.u32 s7;
	p0 =	sne.s32 s7, $0xFFFFFFFF  }
0x111: {  	s6 =	sadd.s32 $0x1, s6;
	s7 =	smov.u32 s8;
	s8 =	sadd.s32 $0x1, s8  }
0x112: {  	p1 =	sne.s32 s2, s8;
	v1 =	vld.msk @!p0 [tilespmem:s6+$0x0], $0x1;
	_ =	sdelay $0x4  }
0x113: {  	(v2sf) =	vpush @!p0 v1, $0x0;
	_ =	sdelay $0xe  }
.Ltmp13:
0x114: {  	s10 =	spop @!p0 (v2sf);
	(pc) =	sbr.rel @p1 .LBB2_16-.Ltmp13, $4  }
0x115: {  	p2 =	seq.s32 @!p0 s5, s10  }
0x116: {  	p2 =	por !p2, p0  }
0x117: {  	s7 =	simm.s32 @p2 $0xFFFFFFFF  }
0x118: {  	s7 =	smov.u32 @p0 s9  }
.LBB2_17:
0x119: {  	p0 =	sne.s32 s7, $0xFFFFFFFF  }
.Ltmp14:
0x11a: {  	_ = 	snop;
	(pc) =	sbr.rel @!p0 .LBB2_18-.Ltmp14, $1  }
0x11b: {  	_ =	sdelay $0x3  }
0x11c: {  	v0 =	vld.msk [tilespmem:s4+$0xE0], $0x1;
	v1 =	vmov s7  }
.Ltmp15:
0x11d: {  	_ = 	snop;
	(pc) =	sbr.rel .LBB2_20-.Ltmp15, $2  }
0x11e: {  	_ =	sdelay $0x2  }
0x11f: {  	[tilespmem:v1+s3+$0x0], v0 =	vst.idx.ret.add.f32.msk $0x1, v0  }
.LBB2_21:
0x120: {  	p0 =	slt.s32 s2, $0x1  }
.Ltmp16:
0x121: {  	_ = 	snop;
	(pc) =	sbr.rel @p0 .LBB2_25-.Ltmp16, $3  }
0x122: {  	_ =	sdelay $0x1  }
0x123: {  	s3 =	simm.s32 $0x6  }
0x124: {  	[sflag:s3] =	ssyncpa.u1 $0x1;
	s3 =	simm.s32 $0x0  }
0x125: {  	s4 =	simm.s32 $0xC0  }
0x126: {  	v0 =	vld.msk [tilespmem:s4+$0x0], $0x1;
	_ =	sdelay $0x4  }
0x127: {  	(v2sf) =	vpush v0, $0x0;
	_ =	sdelay $0xe  }
0x128: {  	s2 =	sadd.s32 $0xFFFFFFFF, s2;
	s5 =	spop (v2sf)  }
0x129: {  	p1 =	sne.s32 s2, $0x0;
	p0 =	sgt.u32 s5, $0x187FF  }
.Ltmp17:
0x12a: {  	s6 =	sshrl.u32 @!p0 s5, $0x3;
	(pc) =	sbr.rel @!p1 .LBB2_24-.Ltmp17, $4  }
0x12b: {  	s4 =	simm.s32 $0xE0;
	s5 =	sand.u32 @!p0 $0x7, s5;
	s6 =	sadd.s32 @!p0 s1, s6  }
0x12c: {  	[hbm4b:s6+s5] =	stream.linear.scatter @!p0 [tilespmem:s4], [sflag:$0x5], $0x1, $0x38;
	[tilespmem:$0x11A60] =	vst v63  }
0x12d: {  	s6 =	simm.s32 $0x0  }
0x12e: {  	s5 =	simm.s32 $0xC1;
	s6 =	simm.s32 @!p0 $0x4  }
.LBB2_23:
0x12f: {  	v0 =	vld.msk [tilespmem:s5+$0x0], $0x1;
	s2 =	sadd.s32 $0xFFFFFFFF, s2;
	s3 =	sadd.s32 s3, s6  }
0x130: {  	p0 =	sne.s32 s2, $0x0;
	_ =	sdelay $0x3  }
0x131: {  	(v2sf) =	vpush v0, $0x0;
	_ =	sdelay $0xe  }
.Ltmp18:
0x132: {  	s7 =	spop (v2sf);
	(pc) =	sbr.rel @p0 .LBB2_23-.Ltmp18, $4  }
0x133: {  	s6 =	simm.s32 $0x0;
	p1 =	sgt.u32 s7, $0x187FF  }
0x134: {  	s4 =	sadd.s32 $0x1, s4;
	s6 =	simm.s32 @!p1 $0x4;
	s8 =	sshrl.u32 @!p1 s7, $0x3  }
0x135: {  	s5 =	sadd.s32 $0x1, s5;
	s7 =	sand.u32 @!p1 $0x7, s7;
	s8 =	sadd.s32 @!p1 s1, s8  }
0x136: {  	[hbm4b:s8+s7] =	stream.linear.scatter @!p1 [tilespmem:s4], [sflag:$0x5], $0x1, $0x38;
	[tilespmem:$0x11A60] =	vst v63  }
.LBB2_24:
0x137: {  	s1 =	sadd.s32 s3, s6  }
0x138: {  	s3 =	sshrl.u32 s1, $0x2  }
.LBB2_25:
0x139: {  	s1 =	simm.s32 $0x5  }
0x13a: {  	_ =	swait.ge [sflag:s1], s3  }
0x13b: {  	s2 =	ssub.s32 $0x0, s3;
	[sflag:s1] =	ssyncset.done $0x0  }
0x13c: {  	[sflag:s1] =	ssyncadd.s32 s2  }
0x13d: {  	[sflag:s1] =	ssyncpa.u1 $0x1  }
0x13e: {  	s30 =	simm.s32 $0x1;
	_ =	sfence  }
0x13f: {  	s31 =	simm.s32 $0x2;
	[sflag:s30] =	ssyncpa.u1 $0x1  }
0x140: {  	[sflag:s31] =	ssyncpa.u1 $0x1  }
0x141: {  	_ =	strace $0x90000053  }
0x142: {  	s0 =	sadd.s32 $0x100000, s0;
	[bflag:$0x2] =	sbarrier.arrive $0xFFFF  }
0x143: {  	[sflag:s0] =	ssyncadd.tile.s32 $0x1;
	_ =	shalt  }
.Lfunc_end2:
_tile_overlayer_lowered:
.L_overlay_start_2:
0x144: {  	(tag) =	ssettag $0x2  }
0x145: {  	s0 =	rddreg [dreg:$0x0];
	s2 =	stileid.u32  }
0x146: {  	s1 =	rddreg [dreg:$0x1];
	p0 =	sne.s32 s2, $0x0  }
0x147: {  	s3 =	rddreg [dreg:$0x2];
	[bflag:$0x3] =	sbarrier.arrive $0xFFFF;
	s2 =	simm.s32 @!p0 $0x1C01  }
0x148: {  	[timem:s3], [sflag:s2] =	dma.local @!p0 [hbm:s0], s1  }
0x149: {  	s0 =	simm.s32 @!p0 $0x1  }
0x14a: {  	_ =	swait.ge @!p0 [sflag:s0], s1  }
0x14b: {  	s1 =	ssub.s32 @!p0 $0x0, s1;
	[sflag:s0] =	ssyncset.done @!p0 $0x0  }
0x14c: {  	[sflag:s0] =	ssyncadd.s32 @!p0 s1  }
0x14d: {  	[bflag:$0x3] =	sbarrier.arrive $0xFFFF  }
0x14e: {  	_ =	shalt  }

// kernel: scatter_offload_async_start.3
scs
__scs_entry_jumppad:
0x0: {  	(pc) =	sbr.rel $0x88, $3  }
0x1: {  	(tag) =	ssettag $0x0;
	lr =	simm.s32 $0x1  }
0x2: {  	[smem:$0x3F86] =	sst lr;
	_ =	strace $0xD0000000  }
0x3: {  	_ = 	snop  }
0x4: {  	_ = 	snop  }
0x5: {  	_ = 	snop  }
0x6: {  	_ = 	snop  }
0x7: {  	_ = 	snop  }
__scs_overlays_trampoline_lowered:
0x8: {  	[smem:$0x3F95] =	sst s0  }
0x9: {  	[smem:$0x3F96] =	sst s1  }
0xa: {  	[smem:$0x3F97] =	sst s2  }
0xb: {  	[smem:$0x3F98] =	sst s3  }
0xc: {  	[smem:$0x3F99] =	sst s4  }
0xd: {  	[smem:$0x3F9A] =	sst s5  }
0xe: {  	[smem:$0x3F9B] =	sst s6  }
0xf: {  	[smem:$0x3F9C] =	sst s7  }
0x10: {  	[smem:$0x3F9D] =	sst s8  }
0x11: {  	[smem:$0x3F9E] =	sst s9;
	s0 =	simm.s32 @!p0 $0x0  }
0x12: {  	s1 =	sld [smem:$0x3F84];
	s0 =	simm.s32 @p0 $0x1  }
0x13: {  	[smem:$0x3F9F] =	sst s0;
	s0 =	simm.s32 @!p1 $0x0  }
0x14: {  	s2 =	sld [smem:$0x3F83];
	s0 =	simm.s32 @p1 $0x1  }
0x15: {  	[smem:$0x3FA0] =	sst s0;
	s0 =	simm.s32 @!p2 $0x0  }
0x16: {  	s3 =	sld [smem:$0x3FDB];
	s0 =	simm.s32 @p2 $0x1  }
0x17: {  	s4 =	simm.s32 $0x1BF5;
	[smem:$0x3FA2] =	sst s0  }
0x18: {  	s0 =	sld [smem:$0x3F85];
	_ =	swait.ge [sflag:s4], $0x0  }
0x19: {  	s7 =	sld [smem:$0x3F86]  }
0x1a: {  	s8 =	sadd.s32 $0xFFFFE003, lr  }
0x1b: {  	s9 =	sadd.s32 $0xFFFFFEF7, lr;
	s5 =	simm.s32 $0xFFFFFFFF;
	p2 =	slt.u32 s8, $0xFFFFF086  }
0x1c: {  	p1 =	slt.u32 s9, $0xF7A;
	s5 =	simm.s32 @!p2 $0x0  }
0x1d: {  	s5 =	simm.s32 @p1 $0x1;
	p0 =	seq.s32 s7, s2  }
0x1e: {  	s7 =	smul.u32 @!p0 $0xF7A, s2;
	p2 =	seq.s32 @!p0 s5, $0x0  }
0x1f: {  	s9 =	smul.u32 $0xF7A, s1;
	s8 =	simm.s32 @!p0 $0x1BF5;
	p2 =	por !p2, p0  }
0x20: {  	[sflag:s8] =	ssyncset.s32 @!p0 $0xFFFFF086;
	s6 =	sadd.s32 @!p0 s3, s7;
	s7 =	simm.s32 @!p0 $0x108  }
0x21: {  	s3 =	sadd.s32 s3, s9;
	s6 =	sadd.s32 @!p0 $0x88, s6;
	s7 =	simm.s32 @p2 $0x1082  }
0x22: {  	[simem:s7], [sflag:s8] =	dma.local @!p0 [hbm:s6], $0xF7A  }
0x23: {  	s9 =	sor.u32 $0xD0000000, s2;
	s6 =	simm.s32 $0x108;
	_ =	swait.ge @!p0 [sflag:s8], $0x0  }
0x24: {  	s3 =	sadd.s32 $0x88, s3;
	s6 =	simm.s32 @!p1 $0x1082;
	[sflag:s4] =	ssyncset.s32 $0xFFFFF086  }
0x25: {  	[simem:s6], [sflag:s4] =	dma.local [hbm:s3], $0xF7A  }
0x26: {  	[smem:$0x3F86] =	sst s1;
	(tag) =	ssettag s2;
	_ =	strace s9  }
0x27: {  	s1 =	sld [smem:$0x3F96]  }
0x28: {  	s2 =	sld [smem:$0x3F97]  }
0x29: {  	s4 =	sld [smem:$0x3F99]  }
0x2a: {  	p0 =	seq.s32 s5, $0x0;
	s5 =	sld [smem:$0x3F9A]  }
0x2b: {  	s6 =	sld [smem:$0x3F9B]  }
0x2c: {  	s7 =	sld [smem:$0x3F9C]  }
0x2d: {  	s3 =	simm.s32 $0x108;
	s8 =	sld [smem:$0x3F9D]  }
0x2e: {  	s3 =	simm.s32 @!p0 $0x1082;
	s9 =	sld [smem:$0x3F9E]  }
0x2f: {  	lr =	sadd.s32 s0, s3;
	s0 =	sld [smem:$0x3F95]  }
0x30: {  	s3 =	sld [smem:$0x3F98]  }
0x31: {  	[smem:$0x3FA1] =	sst s10  }
0x32: {  	s10 =	sld [smem:$0x3F9F];
	_ =	sdelay $0x3  }
0x33: {  	p0 =	seq.s32 s10, $0x1;
	s10 =	sld [smem:$0x3FA1];
	_ =	sdelay $0x3  }
0x34: {  	[smem:$0x3FA1] =	sst s10  }
0x35: {  	s10 =	sld [smem:$0x3FA0];
	_ =	sdelay $0x3  }
0x36: {  	p1 =	seq.s32 s10, $0x1;
	s10 =	sld [smem:$0x3FA1];
	_ =	sdelay $0x3  }
0x37: {  	[smem:$0x3FA1] =	sst s10  }
0x38: {  	s10 =	sld [smem:$0x3FA2]  }
0x39: {  	_ = 	snop;
	(pc) =	sbr.ind lr, $3  }
0x3a: {  	_ = 	snop  }
0x3b: {  	_ = 	snop  }
0x3c: {  	p2 =	seq.s32 s10, $0x1;
	s10 =	sld [smem:$0x3FA1]  }
0x3d: {  	_ =	shalt  }
0x3e: {  	_ =	shalt  }
0x3f: {  	_ =	shalt  }
0x40: {  	_ =	shalt  }
0x41: {  	_ =	shalt  }
0x42: {  	_ =	shalt  }
0x43: {  	_ =	shalt  }
0x44: {  	_ =	shalt  }
0x45: {  	_ =	shalt  }
0x46: {  	_ =	shalt  }
0x47: {  	_ =	shalt  }
0x48: {  	_ =	shalt  }
0x49: {  	_ =	shalt  }
0x4a: {  	_ =	shalt  }
0x4b: {  	_ =	shalt  }
0x4c: {  	_ =	shalt  }
0x4d: {  	_ =	shalt  }
0x4e: {  	_ =	shalt  }
0x4f: {  	_ =	shalt  }
0x50: {  	_ =	shalt  }
0x51: {  	_ =	shalt  }
0x52: {  	_ =	shalt  }
0x53: {  	_ =	shalt  }
0x54: {  	_ =	shalt  }
0x55: {  	_ =	shalt  }
0x56: {  	_ =	shalt  }
0x57: {  	_ =	shalt  }
0x58: {  	_ =	shalt  }
0x59: {  	_ =	shalt  }
0x5a: {  	_ =	shalt  }
0x5b: {  	_ =	shalt  }
0x5c: {  	_ =	shalt  }
0x5d: {  	_ =	shalt  }
0x5e: {  	_ =	shalt  }
0x5f: {  	_ =	shalt  }
0x60: {  	_ =	shalt  }
0x61: {  	_ =	shalt  }
0x62: {  	_ =	shalt  }
0x63: {  	_ =	shalt  }
0x64: {  	_ =	shalt  }
0x65: {  	_ =	shalt  }
0x66: {  	_ =	shalt  }
0x67: {  	_ =	shalt  }
0x68: {  	_ =	shalt  }
0x69: {  	_ =	shalt  }
0x6a: {  	_ =	shalt  }
0x6b: {  	_ =	shalt  }
0x6c: {  	_ =	shalt  }
0x6d: {  	_ =	shalt  }
0x6e: {  	_ =	shalt  }
0x6f: {  	_ =	shalt  }
0x70: {  	_ =	shalt  }
0x71: {  	_ =	shalt  }
0x72: {  	_ =	shalt  }
0x73: {  	_ =	shalt  }
0x74: {  	_ =	shalt  }
0x75: {  	_ =	shalt  }
0x76: {  	_ =	shalt  }
0x77: {  	_ =	shalt  }
0x78: {  	_ =	shalt  }
0x79: {  	_ =	shalt  }
0x7a: {  	_ =	shalt  }
0x7b: {  	_ =	shalt  }
0x7c: {  	_ =	shalt  }
0x7d: {  	_ =	shalt  }
0x7e: {  	_ =	shalt  }
0x7f: {  	_ =	shalt  }
0x80: {  	_ =	shalt  }
0x81: {  	_ =	shalt  }
0x82: {  	_ =	shalt  }
0x83: {  	_ =	shalt  }
0x84: {  	_ =	shalt  }
0x85: {  	_ =	shalt  }
0x86: {  	_ =	shalt  }
0x87: {  	_ =	shalt  }
.Lfunc_end0:
.L_simem_size_0:
called_computation.3_lowered:
.L_overlay_start_0:
0x88: {  	s2 =	sld [smem:$0x3FD9]  }
0x89: {  	s3 =	sld [smem:$0x3FFE];
	_ =	sdelay $0x1  }
0x8a: {  	s1 =	srdreg.scid  }
0x8b: {  	s0 =	sand.u32 $0x1, s1  }
0x8c: {  	s15 =	sshll.u32 s0, $0xA;
	s2 =	sadd.s32 s3, s2  }
0x8d: {  	s2 =	sadd.s32 s2, s15  }
0x8e: {  	[smem:$0x3FAD] =	sst s2  }
0x8f: {  	_ = 	snop  }
0x90: {  	(tm) =	ssettm $0x1  }
0x91: {  	s16 =	sld [smem:$0x3FFB];
	_ =	sdelay $0x3  }
0x92: {  	_ =	strace s16  }
0x93: {  	s2 =	sld [smem:$0x3FFC];
	_ =	sdelay $0x3  }
0x94: {  	_ =	strace s2  }
0x95: {  	s2 =	sld [smem:$0x3FFD];
	_ =	sdelay $0x3  }
0x96: {  	_ =	strace s2  }
0x97: {  	_ =	strace $0x8FFFFFFF  }
0x98: {  	s17 =	sld [smem:$0x3FDB];
	_ =	sdelay $0x1  }
0x99: {  	s18 =	simm.s32 $_scs_section_size  }
0x9a: {  	s4 =	simm.s32 $_size__tile_overlayer_lowered;
	s5 =	simm.s32 $_tile_overlayer_lowered  }
0x9b: {  	s21 =	simm.s32 $0x1BFF;
	s20 =	sshll.u32 s5, $0x1;
	s2 =	sadd.s32 s18, s17  }
0x9c: {  	s6 =	simm.s32 $0x0;
	s19 =	sshll.u32 s4, $0x1;
	s4 =	sadd.s32 s20, s2  }
0x9d: {  	[timem:s6], [sflag:s21] =	dma.local [hbm:s4], s19  }
0x9e: {  	_ =	swait.ge [sflag:s21], s19  }
0x9f: {  	s3 =	ssub.s32 $0x0, s19;
	[sflag:s21] =	ssyncset.done $0x0  }
0xa0: {  	[sflag:s21] =	ssyncadd.s32 s3;
	_ =	sdelay $0x1  }
0xa1: {  	s22 =	simm.s32 $0x1B8B  }
0xa2: {  	_ =	swait.ge [sflag:s22], $0x1  }
0xa3: {  	[sflag:s22] =	ssyncset.done $0x0  }
0xa4: {  	s23 =	sld [smem:$0x3FFE];
	[sflag:s22] =	ssyncadd.s32 $0xFFFFFFFF  }
0xa5: {  	s25 =	simm.s32 $0x1B8E;
	s24 =	sld [smem:$0x0]  }
0xa6: {  	s26 =	simm.s32 $execute0_lowered;
	[smem:$0x3FD2] =	sst s25  }
0xa7: {  	s5 =	sshll.u32 s26, $0x1;
	_ =	strace $0x80000055;
	[dreg:$0x1] =	wrdreg $0xFFFFFFFF  }
0xa8: {  	s28 =	simm.s32 $_size_execute0_lowered;
	s2 =	sadd.s32 s2, s5;
	[dreg:$0x0] =	wrdreg $0x0  }
0xa9: {  	s5 =	sshll.u32 s28, $0x1;
	[dreg:$0x2] =	wrdreg s2  }
0xaa: {  	[dreg:$0x3] =	wrdreg s5  }
0xab: {  	[dreg:$0x4] =	wrdreg $0xC0  }
0xac: {  	_ =	task [dreg:s6], $0x5FFFF  }
0xad: {  	[dreg:$0x1] =	wrdreg $0xFFFFFFFF  }
0xae: {  	[dreg:$0x0] =	wrdreg $0x60  }
0xaf: {  	[dreg:$0x2] =	wrdreg s23  }
0xb0: {  	[dreg:$0x3] =	wrdreg s1  }
0xb1: {  	[dreg:$0x4] =	wrdreg s24  }
0xb2: {  	[dreg:$0x5] =	wrdreg $0x9  }
0xb3: {  	_ =	task.clear_ibuf [dreg:s6], $0x6FFFF;
	_ =	strace $0x90000055  }
0xb4: {  	s29 =	simm.s32 $0x9;
	_ =	strace $0x80000057  }
0xb5: {  	_ =	swait.ge [sflag:s29], $0x1  }
0xb6: {  	[sflag:s29] =	ssyncadd.s32 $0xFFFFFFFF  }
0xb7: {  	_ =	strace $0x90000057  }
0xb8: {  	_ =	sfence  }
0xb9: {  	s30 =	sld [smem:$0x0];
	_ =	sdelay $0x2  }
0xba: {  	s31 =	sshll.u32 s1, $0xD;
	s1 =	sshrl.u32 s1, $0x2  }
0xbb: {  	s3 =	sand.u32 $0x4000, s31;
	s1 =	sadd.s32 s1, s30  }
0xbc: {  	s0 =	sor.u32 s3, s0;
	s1 =	sshll.u32 s1, $0x11  }
0xbd: {  	s0 =	sor.u32 s1, s0  }
0xbe: {  	s0 =	sadd.s32 $0x8F2B, s0  }
0xbf: {  	[sflag:s0] =	ssyncadd.remote.s32 $0x1  }
0xc0: {  	_ =	sfence.sel $0xFFFF  }
0xc1: {  	[dreg:$0x0] =	wrdreg $0xFFFFFFFF;
	(pc) =	sbr.abs _section_cstart, $3  }
0xc2: {  	[dreg:$0x1] =	wrdreg $0xFFFFFFFF  }
0xc3: {  	_ =	task.clear_ibuf [dreg:s6], $0x2FFFF;
	_ =	strace $0x9FFFFFFF  }
0xc4: {  	(tm) =	ssettm $0x7FFFFFFF  }
0xc5: {  	_ =	shalt  }
tec
execute0_lowered:
.L_overlay_start_1:
0x0: {  	(tag) =	ssettag $0x1  }
0x1: {  	s11 =	rddreg [dreg:$0x0]  }
0x2: {  	s2 =	rddreg [dreg:$0x1];
	_ =	strace $0x80000056;
	s12 =	simm.s32 $0x1  }
0x3: {  	v0 =	vimm.s32 $0x0;
	[sflag:s12] =	ssyncpa.u1 $0x0  }
0x4: {  	[tilespmem:$0x28] =	vst v0  }
0x5: {  	[tilespmem:$0x38] =	vst v0  }
0x6: {  	[tilespmem:$0x48] =	vst v0  }
0x7: {  	[tilespmem:$0x58] =	vst v0  }
0x8: {  	[tilespmem:$0x68] =	vst v0  }
0x9: {  	[tilespmem:$0x78] =	vst v0  }
0xa: {  	[tilespmem:$0x88] =	vst v0  }
0xb: {  	[tilespmem:$0x98] =	vst v0  }
0xc: {  	[tilespmem:$0xA8] =	vst v0  }
0xd: {  	[tilespmem:$0xB8] =	vst v0  }
0xe: {  	[tilespmem:$0xC8] =	vst v0  }
0xf: {  	[tilespmem:$0xD8] =	vst v0  }
0x10: {  	[tilespmem:$0xE8] =	vst v0  }
0x11: {  	[tilespmem:$0xF8] =	vst v0  }
0x12: {  	[tilespmem:$0x108] =	vst v0  }
0x13: {  	[tilespmem:$0x118] =	vst v0  }
0x14: {  	[tilespmem:$0x128] =	vst v0  }
0x15: {  	[tilespmem:$0x138] =	vst v0  }
0x16: {  	[tilespmem:$0x148] =	vst v0  }
0x17: {  	[tilespmem:$0x158] =	vst v0  }
0x18: {  	[tilespmem:$0x168] =	vst v0  }
0x19: {  	[tilespmem:$0x178] =	vst v0  }
0x1a: {  	[tilespmem:$0x188] =	vst v0  }
0x1b: {  	[tilespmem:$0x198] =	vst v0  }
0x1c: {  	[tilespmem:$0x1A8] =	vst v0  }
0x1d: {  	[tilespmem:$0x1B8] =	vst v0  }
0x1e: {  	[tilespmem:$0x1C8] =	vst v0  }
0x1f: {  	[tilespmem:$0x1D8] =	vst v0  }
0x20: {  	[tilespmem:$0x1E8] =	vst v0  }
0x21: {  	[tilespmem:$0x1F8] =	vst v0  }
0x22: {  	[tilespmem:$0x208] =	vst v0  }
0x23: {  	[tilespmem:$0x218] =	vst v0  }
0x24: {  	[tilespmem:$0x228] =	vst v0  }
0x25: {  	[tilespmem:$0x238] =	vst v0  }
0x26: {  	[tilespmem:$0x248] =	vst v0  }
0x27: {  	[tilespmem:$0x258] =	vst v0  }
0x28: {  	[tilespmem:$0x268] =	vst v0  }
0x29: {  	[tilespmem:$0x278] =	vst v0  }
0x2a: {  	[tilespmem:$0x288] =	vst v0  }
0x2b: {  	[tilespmem:$0x298] =	vst v0  }
0x2c: {  	[tilespmem:$0x2A8] =	vst v0  }
0x2d: {  	[tilespmem:$0x2B8] =	vst v0  }
0x2e: {  	[tilespmem:$0x2C8] =	vst v0  }
0x2f: {  	[tilespmem:$0x2D8] =	vst v0  }
0x30: {  	[tilespmem:$0x2E8] =	vst v0  }
0x31: {  	[tilespmem:$0x2F8] =	vst v0  }
0x32: {  	[tilespmem:$0x308] =	vst v0  }
0x33: {  	[tilespmem:$0x318] =	vst v0  }
0x34: {  	[tilespmem:$0x328] =	vst v0  }
0x35: {  	[tilespmem:$0x338] =	vst v0  }
0x36: {  	[tilespmem:$0x348] =	vst v0  }
0x37: {  	[tilespmem:$0x358] =	vst v0  }
0x38: {  	[tilespmem:$0x368] =	vst v0  }
0x39: {  	[tilespmem:$0x378] =	vst v0  }
0x3a: {  	[tilespmem:$0x388] =	vst v0  }
0x3b: {  	[tilespmem:$0x398] =	vst v0  }
0x3c: {  	[tilespmem:$0x3A8] =	vst v0  }
0x3d: {  	[tilespmem:$0x3B8] =	vst v0  }
0x3e: {  	[tilespmem:$0x3C8] =	vst v0  }
0x3f: {  	[tilespmem:$0x3D8] =	vst v0  }
0x40: {  	[tilespmem:$0x3E8] =	vst v0  }
0x41: {  	[tilespmem:$0x3F8] =	vst v0  }
0x42: {  	[tilespmem:$0x408] =	vst v0  }
0x43: {  	[tilespmem:$0x418] =	vst v0  }
0x44: {  	[tilespmem:$0x428] =	vst v0  }
0x45: {  	[tilespmem:$0x438] =	vst v0  }
0x46: {  	[tilespmem:$0x448] =	vst v0  }
0x47: {  	[tilespmem:$0x458] =	vst v0  }
0x48: {  	[tilespmem:$0x468] =	vst v0  }
0x49: {  	[tilespmem:$0x478] =	vst v0  }
0x4a: {  	[tilespmem:$0x488] =	vst v0  }
0x4b: {  	[tilespmem:$0x498] =	vst v0  }
0x4c: {  	[tilespmem:$0x4A8] =	vst v0  }
0x4d: {  	[tilespmem:$0x4B8] =	vst v0  }
0x4e: {  	[tilespmem:$0x4C8] =	vst v0  }
0x4f: {  	[tilespmem:$0x4D8] =	vst v0  }
0x50: {  	[tilespmem:$0x4E8] =	vst v0  }
0x51: {  	[tilespmem:$0x4F8] =	vst v0  }
0x52: {  	[tilespmem:$0x508] =	vst v0  }
0x53: {  	[tilespmem:$0x518] =	vst v0  }
0x54: {  	[tilespmem:$0x528] =	vst v0  }
0x55: {  	[tilespmem:$0x538] =	vst v0  }
0x56: {  	[tilespmem:$0x548] =	vst v0  }
0x57: {  	[tilespmem:$0x558] =	vst v0  }
0x58: {  	[tilespmem:$0x568] =	vst v0  }
0x59: {  	[tilespmem:$0x578] =	vst v0  }
0x5a: {  	[tilespmem:$0x588] =	vst v0  }
0x5b: {  	[tilespmem:$0x598] =	vst v0  }
0x5c: {  	[tilespmem:$0x5A8] =	vst v0  }
0x5d: {  	[tilespmem:$0x5B8] =	vst v0  }
0x5e: {  	[tilespmem:$0x5C8] =	vst v0  }
0x5f: {  	[tilespmem:$0x5D8] =	vst v0  }
0x60: {  	[tilespmem:$0x5E8] =	vst v0  }
0x61: {  	[tilespmem:$0x5F8] =	vst v0  }
0x62: {  	[tilespmem:$0x608] =	vst v0  }
0x63: {  	[tilespmem:$0x618] =	vst v0  }
0x64: {  	[tilespmem:$0x628] =	vst v0  }
0x65: {  	[tilespmem:$0x638] =	vst v0  }
0x66: {  	[tilespmem:$0x648] =	vst v0  }
0x67: {  	[tilespmem:$0x658] =	vst v0  }
0x68: {  	[tilespmem:$0x668] =	vst v0  }
0x69: {  	[tilespmem:$0x678] =	vst v0  }
0x6a: {  	[tilespmem:$0x688] =	vst v0  }
0x6b: {  	[tilespmem:$0x698] =	vst v0  }
0x6c: {  	[tilespmem:$0x6A8] =	vst v0  }
0x6d: {  	[tilespmem:$0x6B8] =	vst v0  }
0x6e: {  	[tilespmem:$0x6C8] =	vst v0  }
0x6f: {  	[tilespmem:$0x6D8] =	vst v0  }
0x70: {  	[tilespmem:$0x6E8] =	vst v0  }
0x71: {  	[tilespmem:$0x6F8] =	vst v0  }
0x72: {  	[tilespmem:$0x708] =	vst v0  }
0x73: {  	[tilespmem:$0x718] =	vst v0  }
0x74: {  	[tilespmem:$0x728] =	vst v0  }
0x75: {  	[tilespmem:$0x738] =	vst v0  }
0x76: {  	[tilespmem:$0x748] =	vst v0  }
0x77: {  	[tilespmem:$0x758] =	vst v0  }
0x78: {  	[tilespmem:$0x768] =	vst v0  }
0x79: {  	[tilespmem:$0x778] =	vst v0  }
0x7a: {  	[tilespmem:$0x788] =	vst v0  }
0x7b: {  	[tilespmem:$0x798] =	vst v0  }
0x7c: {  	[tilespmem:$0x7A8] =	vst v0  }
0x7d: {  	[tilespmem:$0x7B8] =	vst v0  }
0x7e: {  	[tilespmem:$0x7C8] =	vst v0  }
0x7f: {  	[tilespmem:$0x7D8] =	vst v0  }
0x80: {  	[tilespmem:$0x7E8] =	vst v0  }
0x81: {  	[tilespmem:$0x7F8] =	vst v0  }
0x82: {  	[tilespmem:$0x808] =	vst v0  }
0x83: {  	[tilespmem:$0x818] =	vst v0  }
0x84: {  	[tilespmem:$0x828] =	vst v0  }
0x85: {  	[tilespmem:$0x838] =	vst v0  }
0x86: {  	[tilespmem:$0x848] =	vst v0  }
0x87: {  	[tilespmem:$0x858] =	vst v0  }
0x88: {  	[tilespmem:$0x868] =	vst v0  }
0x89: {  	[tilespmem:$0x878] =	vst v0  }
0x8a: {  	[tilespmem:$0x888] =	vst v0  }
0x8b: {  	[tilespmem:$0x898] =	vst v0  }
0x8c: {  	[tilespmem:$0x8A8] =	vst v0  }
0x8d: {  	[tilespmem:$0x8B8] =	vst v0  }
0x8e: {  	[tilespmem:$0x8C8] =	vst v0  }
0x8f: {  	[tilespmem:$0x8D8] =	vst v0  }
0x90: {  	[tilespmem:$0x8E8] =	vst v0  }
0x91: {  	[tilespmem:$0x8F8] =	vst v0  }
0x92: {  	[tilespmem:$0x908] =	vst v0  }
0x93: {  	[tilespmem:$0x918] =	vst v0  }
0x94: {  	[tilespmem:$0x928] =	vst v0  }
0x95: {  	[tilespmem:$0x938] =	vst v0  }
0x96: {  	[tilespmem:$0x948] =	vst v0  }
0x97: {  	[tilespmem:$0x958] =	vst v0  }
0x98: {  	[tilespmem:$0x968] =	vst v0  }
0x99: {  	[tilespmem:$0x978] =	vst v0  }
0x9a: {  	[tilespmem:$0x988] =	vst v0  }
0x9b: {  	[tilespmem:$0x998] =	vst v0  }
0x9c: {  	[tilespmem:$0x9A8] =	vst v0  }
0x9d: {  	[tilespmem:$0x9B8] =	vst v0  }
0x9e: {  	[tilespmem:$0x9C8] =	vst v0  }
0x9f: {  	[tilespmem:$0x9D8] =	vst v0  }
0xa0: {  	[tilespmem:$0x9E8] =	vst v0  }
0xa1: {  	[tilespmem:$0x9F8] =	vst v0  }
0xa2: {  	[tilespmem:$0xA08] =	vst v0  }
0xa3: {  	[tilespmem:$0xA18] =	vst v0  }
0xa4: {  	[tilespmem:$0xA28] =	vst v0  }
0xa5: {  	[tilespmem:$0xA38] =	vst v0  }
0xa6: {  	[tilespmem:$0xA48] =	vst v0  }
0xa7: {  	[tilespmem:$0xA58] =	vst v0  }
0xa8: {  	[tilespmem:$0xA68] =	vst v0  }
0xa9: {  	[tilespmem:$0xA78] =	vst v0  }
0xaa: {  	[tilespmem:$0xA88] =	vst v0  }
0xab: {  	[tilespmem:$0xA98] =	vst v0  }
0xac: {  	[tilespmem:$0xAA8] =	vst v0  }
0xad: {  	[tilespmem:$0xAB8] =	vst v0  }
0xae: {  	[tilespmem:$0xAC8] =	vst v0  }
0xaf: {  	[tilespmem:$0xAD8] =	vst v0  }
0xb0: {  	[tilespmem:$0xAE8] =	vst v0  }
0xb1: {  	[tilespmem:$0xAF8] =	vst v0  }
0xb2: {  	[tilespmem:$0xB08] =	vst v0  }
0xb3: {  	[tilespmem:$0xB18] =	vst v0  }
0xb4: {  	[tilespmem:$0xB28] =	vst v0  }
0xb5: {  	[tilespmem:$0xB38] =	vst v0  }
0xb6: {  	[tilespmem:$0xB48] =	vst v0  }
0xb7: {  	[tilespmem:$0xB58] =	vst v0  }
0xb8: {  	[tilespmem:$0xB68] =	vst v0  }
0xb9: {  	[tilespmem:$0xB78] =	vst v0  }
0xba: {  	[tilespmem:$0xB88] =	vst v0  }
0xbb: {  	[tilespmem:$0xB98] =	vst v0  }
0xbc: {  	[tilespmem:$0xBA8] =	vst v0  }
0xbd: {  	[tilespmem:$0xBB8] =	vst v0  }
0xbe: {  	[tilespmem:$0xBC8] =	vst v0  }
0xbf: {  	[tilespmem:$0xBD8] =	vst v0  }
0xc0: {  	[tilespmem:$0xBE8] =	vst v0  }
0xc1: {  	[tilespmem:$0xBF8] =	vst v0  }
0xc2: {  	[tilespmem:$0xC08] =	vst v0  }
0xc3: {  	[tilespmem:$0xC18] =	vst v0  }
0xc4: {  	[tilespmem:$0xC28] =	vst v0  }
0xc5: {  	[tilespmem:$0xC38] =	vst v0  }
0xc6: {  	[tilespmem:$0xC48] =	vst v0  }
0xc7: {  	[tilespmem:$0xC58] =	vst v0  }
0xc8: {  	[tilespmem:$0xC68] =	vst v0  }
0xc9: {  	[tilespmem:$0xC78] =	vst v0  }
0xca: {  	[tilespmem:$0xC88] =	vst v0  }
0xcb: {  	[tilespmem:$0xC98] =	vst v0  }
0xcc: {  	[tilespmem:$0xCA8] =	vst v0  }
0xcd: {  	[tilespmem:$0xCB8] =	vst v0  }
0xce: {  	[tilespmem:$0xCC8] =	vst v0  }
0xcf: {  	[tilespmem:$0xCD8] =	vst v0  }
0xd0: {  	[tilespmem:$0xCE8] =	vst v0  }
0xd1: {  	[tilespmem:$0xCF8] =	vst v0  }
0xd2: {  	[tilespmem:$0xD08] =	vst v0  }
0xd3: {  	[tilespmem:$0xD18] =	vst v0  }
0xd4: {  	[tilespmem:$0xD28] =	vst v0  }
0xd5: {  	[tilespmem:$0xD38] =	vst v0  }
0xd6: {  	[tilespmem:$0xD48] =	vst v0  }
0xd7: {  	[tilespmem:$0xD58] =	vst v0  }
0xd8: {  	[tilespmem:$0xD68] =	vst v0  }
0xd9: {  	[tilespmem:$0xD78] =	vst v0  }
0xda: {  	[tilespmem:$0xD88] =	vst v0  }
0xdb: {  	[tilespmem:$0xD98] =	vst v0  }
0xdc: {  	[tilespmem:$0xDA8] =	vst v0  }
0xdd: {  	[tilespmem:$0xDB8] =	vst v0  }
0xde: {  	[tilespmem:$0xDC8] =	vst v0  }
0xdf: {  	[tilespmem:$0xDD8] =	vst v0  }
0xe0: {  	[tilespmem:$0xDE8] =	vst v0  }
0xe1: {  	[tilespmem:$0xDF8] =	vst v0  }
0xe2: {  	[tilespmem:$0xE08] =	vst v0  }
0xe3: {  	[tilespmem:$0xE18] =	vst v0  }
0xe4: {  	[tilespmem:$0xE28] =	vst v0  }
0xe5: {  	[tilespmem:$0xE38] =	vst v0  }
0xe6: {  	[tilespmem:$0xE48] =	vst v0  }
0xe7: {  	[tilespmem:$0xE58] =	vst v0  }
0xe8: {  	[tilespmem:$0xE68] =	vst v0  }
0xe9: {  	[tilespmem:$0xE78] =	vst v0  }
0xea: {  	[tilespmem:$0xE88] =	vst v0  }
0xeb: {  	[tilespmem:$0xE98] =	vst v0  }
0xec: {  	[tilespmem:$0xEA8] =	vst v0  }
0xed: {  	[tilespmem:$0xEB8] =	vst v0  }
0xee: {  	[tilespmem:$0xEC8] =	vst v0  }
0xef: {  	[tilespmem:$0xED8] =	vst v0  }
0xf0: {  	[tilespmem:$0xEE8] =	vst v0  }
0xf1: {  	[tilespmem:$0xEF8] =	vst v0  }
0xf2: {  	[tilespmem:$0xF08] =	vst v0  }
0xf3: {  	[tilespmem:$0xF18] =	vst v0  }
0xf4: {  	[tilespmem:$0xF28] =	vst v0  }
0xf5: {  	[tilespmem:$0xF38] =	vst v0  }
0xf6: {  	[tilespmem:$0xF48] =	vst v0  }
0xf7: {  	[tilespmem:$0xF58] =	vst v0  }
0xf8: {  	[tilespmem:$0xF68] =	vst v0  }
0xf9: {  	[tilespmem:$0xF78] =	vst v0  }
0xfa: {  	[tilespmem:$0xF88] =	vst v0  }
0xfb: {  	[tilespmem:$0xF98] =	vst v0  }
0xfc: {  	[tilespmem:$0xFA8] =	vst v0  }
0xfd: {  	[tilespmem:$0xFB8] =	vst v0  }
0xfe: {  	[tilespmem:$0xFC8] =	vst v0  }
0xff: {  	[tilespmem:$0xFD8] =	vst v0  }
0x100: {  	[tilespmem:$0xFE8] =	vst v0  }
0x101: {  	[tilespmem:$0xFF8] =	vst v0  }
0x102: {  	[tilespmem:$0x1028] =	vst v0  }
0x103: {  	[tilespmem:$0x10E8] =	vst v0  }
0x104: {  	[tilespmem:$0x1068] =	vst v0  }
0x105: {  	[tilespmem:$0x1B28] =	vst v0  }
0x106: {  	[tilespmem:$0x1B18] =	vst v0  }
0x107: {  	[tilespmem:$0x1B08] =	vst v0  }
0x108: {  	[tilespmem:$0x1AF8] =	vst v0  }
0x109: {  	[tilespmem:$0x1AE8] =	vst v0  }
0x10a: {  	[tilespmem:$0x1AD8] =	vst v0  }
0x10b: {  	[tilespmem:$0x1AC8] =	vst v0  }
0x10c: {  	[tilespmem:$0x1AB8] =	vst v0  }
0x10d: {  	[tilespmem:$0x1AA8] =	vst v0  }
0x10e: {  	[tilespmem:$0x1A98] =	vst v0  }
0x10f: {  	[tilespmem:$0x1A88] =	vst v0  }
0x110: {  	[tilespmem:$0x1A78] =	vst v0  }
0x111: {  	[tilespmem:$0x1A68] =	vst v0  }
0x112: {  	[tilespmem:$0x1A58] =	vst v0  }
0x113: {  	[tilespmem:$0x1A48] =	vst v0  }
0x114: {  	[tilespmem:$0x1A38] =	vst v0  }
0x115: {  	[tilespmem:$0x1A28] =	vst v0  }
0x116: {  	[tilespmem:$0x1A18] =	vst v0  }
0x117: {  	[tilespmem:$0x1A08] =	vst v0  }
0x118: {  	[tilespmem:$0x19F8] =	vst v0  }
0x119: {  	[tilespmem:$0x19E8] =	vst v0  }
0x11a: {  	[tilespmem:$0x19D8] =	vst v0  }
0x11b: {  	[tilespmem:$0x19C8] =	vst v0  }
0x11c: {  	[tilespmem:$0x19B8] =	vst v0  }
0x11d: {  	[tilespmem:$0x19A8] =	vst v0  }
0x11e: {  	[tilespmem:$0x1998] =	vst v0  }
0x11f: {  	[tilespmem:$0x1988] =	vst v0  }
0x120: {  	[tilespmem:$0x1978] =	vst v0  }
0x121: {  	[tilespmem:$0x1968] =	vst v0  }
0x122: {  	[tilespmem:$0x1958] =	vst v0  }
0x123: {  	[tilespmem:$0x1948] =	vst v0  }
0x124: {  	[tilespmem:$0x1938] =	vst v0  }
0x125: {  	[tilespmem:$0x1928] =	vst v0  }
0x126: {  	[tilespmem:$0x1918] =	vst v0  }
0x127: {  	[tilespmem:$0x1908] =	vst v0  }
0x128: {  	[tilespmem:$0x18F8] =	vst v0  }
0x129: {  	[tilespmem:$0x18E8] =	vst v0  }
0x12a: {  	[tilespmem:$0x18D8] =	vst v0  }
0x12b: {  	[tilespmem:$0x18C8] =	vst v0  }
0x12c: {  	[tilespmem:$0x18B8] =	vst v0  }
0x12d: {  	[tilespmem:$0x18A8] =	vst v0  }
0x12e: {  	[tilespmem:$0x1898] =	vst v0  }
0x12f: {  	[tilespmem:$0x1888] =	vst v0  }
0x130: {  	[tilespmem:$0x1878] =	vst v0  }
0x131: {  	[tilespmem:$0x1868] =	vst v0  }
0x132: {  	[tilespmem:$0x1858] =	vst v0  }
0x133: {  	[tilespmem:$0x1848] =	vst v0  }
0x134: {  	[tilespmem:$0x1838] =	vst v0  }
0x135: {  	[tilespmem:$0x1828] =	vst v0  }
0x136: {  	[tilespmem:$0x1818] =	vst v0  }
0x137: {  	[tilespmem:$0x1808] =	vst v0  }
0x138: {  	[tilespmem:$0x17F8] =	vst v0  }
0x139: {  	[tilespmem:$0x17E8] =	vst v0  }
0x13a: {  	[tilespmem:$0x17D8] =	vst v0  }
0x13b: {  	[tilespmem:$0x17C8] =	vst v0  }
0x13c: {  	[tilespmem:$0x17B8] =	vst v0  }
0x13d: {  	[tilespmem:$0x17A8] =	vst v0  }
0x13e: {  	[tilespmem:$0x1798] =	vst v0  }
0x13f: {  	[tilespmem:$0x1788] =	vst v0  }
0x140: {  	[tilespmem:$0x1778] =	vst v0  }
0x141: {  	[tilespmem:$0x1768] =	vst v0  }
0x142: {  	[tilespmem:$0x1758] =	vst v0  }
0x143: {  	[tilespmem:$0x1748] =	vst v0  }
0x144: {  	[tilespmem:$0x1738] =	vst v0  }
0x145: {  	[tilespmem:$0x1728] =	vst v0  }
0x146: {  	[tilespmem:$0x1718] =	vst v0  }
0x147: {  	[tilespmem:$0x1708] =	vst v0  }
0x148: {  	[tilespmem:$0x16F8] =	vst v0  }
0x149: {  	[tilespmem:$0x16E8] =	vst v0  }
0x14a: {  	[tilespmem:$0x16D8] =	vst v0  }
0x14b: {  	[tilespmem:$0x16C8] =	vst v0  }
0x14c: {  	[tilespmem:$0x16B8] =	vst v0  }
0x14d: {  	[tilespmem:$0x16A8] =	vst v0  }
0x14e: {  	[tilespmem:$0x1698] =	vst v0  }
0x14f: {  	[tilespmem:$0x1688] =	vst v0  }
0x150: {  	[tilespmem:$0x1678] =	vst v0  }
0x151: {  	[tilespmem:$0x1668] =	vst v0  }
0x152: {  	[tilespmem:$0x1658] =	vst v0  }
0x153: {  	[tilespmem:$0x1648] =	vst v0  }
0x154: {  	[tilespmem:$0x1638] =	vst v0  }
0x155: {  	[tilespmem:$0x1628] =	vst v0  }
0x156: {  	[tilespmem:$0x1618] =	vst v0  }
0x157: {  	[tilespmem:$0x1608] =	vst v0  }
0x158: {  	[tilespmem:$0x15F8] =	vst v0  }
0x159: {  	[tilespmem:$0x15E8] =	vst v0  }
0x15a: {  	[tilespmem:$0x15D8] =	vst v0  }
0x15b: {  	[tilespmem:$0x15C8] =	vst v0  }
0x15c: {  	[tilespmem:$0x15B8] =	vst v0  }
0x15d: {  	[tilespmem:$0x15A8] =	vst v0  }
0x15e: {  	[tilespmem:$0x1598] =	vst v0  }
0x15f: {  	[tilespmem:$0x1588] =	vst v0  }
0x160: {  	[tilespmem:$0x1578] =	vst v0  }
0x161: {  	[tilespmem:$0x1568] =	vst v0  }
0x162: {  	[tilespmem:$0x1558] =	vst v0  }
0x163: {  	[tilespmem:$0x1548] =	vst v0  }
0x164: {  	[tilespmem:$0x1538] =	vst v0  }
0x165: {  	[tilespmem:$0x1528] =	vst v0  }
0x166: {  	[tilespmem:$0x1518] =	vst v0  }
0x167: {  	[tilespmem:$0x1508] =	vst v0  }
0x168: {  	[tilespmem:$0x14F8] =	vst v0  }
0x169: {  	[tilespmem:$0x14E8] =	vst v0  }
0x16a: {  	[tilespmem:$0x14D8] =	vst v0  }
0x16b: {  	[tilespmem:$0x14C8] =	vst v0  }
0x16c: {  	[tilespmem:$0x14B8] =	vst v0  }
0x16d: {  	[tilespmem:$0x14A8] =	vst v0  }
0x16e: {  	[tilespmem:$0x1498] =	vst v0  }
0x16f: {  	[tilespmem:$0x1488] =	vst v0  }
0x170: {  	[tilespmem:$0x1478] =	vst v0  }
0x171: {  	[tilespmem:$0x1468] =	vst v0  }
0x172: {  	[tilespmem:$0x1458] =	vst v0  }
0x173: {  	[tilespmem:$0x1448] =	vst v0  }
0x174: {  	[tilespmem:$0x1438] =	vst v0  }
0x175: {  	[tilespmem:$0x1428] =	vst v0  }
0x176: {  	[tilespmem:$0x1418] =	vst v0  }
0x177: {  	[tilespmem:$0x1408] =	vst v0  }
0x178: {  	[tilespmem:$0x13F8] =	vst v0  }
0x179: {  	[tilespmem:$0x13E8] =	vst v0  }
0x17a: {  	[tilespmem:$0x13D8] =	vst v0  }
0x17b: {  	[tilespmem:$0x13C8] =	vst v0  }
0x17c: {  	[tilespmem:$0x13B8] =	vst v0  }
0x17d: {  	[tilespmem:$0x13A8] =	vst v0  }
0x17e: {  	[tilespmem:$0x1398] =	vst v0  }
0x17f: {  	[tilespmem:$0x1388] =	vst v0  }
0x180: {  	[tilespmem:$0x1378] =	vst v0  }
0x181: {  	[tilespmem:$0x1368] =	vst v0  }
0x182: {  	[tilespmem:$0x1358] =	vst v0  }
0x183: {  	[tilespmem:$0x1348] =	vst v0  }
0x184: {  	[tilespmem:$0x1338] =	vst v0  }
0x185: {  	[tilespmem:$0x1328] =	vst v0  }
0x186: {  	[tilespmem:$0x1318] =	vst v0  }
0x187: {  	[tilespmem:$0x1308] =	vst v0  }
0x188: {  	[tilespmem:$0x12F8] =	vst v0  }
0x189: {  	[tilespmem:$0x12E8] =	vst v0  }
0x18a: {  	[tilespmem:$0x12D8] =	vst v0  }
0x18b: {  	[tilespmem:$0x12C8] =	vst v0  }
0x18c: {  	[tilespmem:$0x12B8] =	vst v0  }
0x18d: {  	[tilespmem:$0x12A8] =	vst v0  }
0x18e: {  	[tilespmem:$0x1298] =	vst v0  }
0x18f: {  	[tilespmem:$0x1288] =	vst v0  }
0x190: {  	[tilespmem:$0x1278] =	vst v0  }
0x191: {  	[tilespmem:$0x1268] =	vst v0  }
0x192: {  	[tilespmem:$0x1258] =	vst v0  }
0x193: {  	[tilespmem:$0x1248] =	vst v0  }
0x194: {  	[tilespmem:$0x1238] =	vst v0  }
0x195: {  	[tilespmem:$0x1228] =	vst v0  }
0x196: {  	[tilespmem:$0x1218] =	vst v0  }
0x197: {  	[tilespmem:$0x1208] =	vst v0  }
0x198: {  	[tilespmem:$0x11F8] =	vst v0  }
0x199: {  	[tilespmem:$0x11E8] =	vst v0  }
0x19a: {  	[tilespmem:$0x11D8] =	vst v0  }
0x19b: {  	[tilespmem:$0x11C8] =	vst v0  }
0x19c: {  	[tilespmem:$0x11B8] =	vst v0  }
0x19d: {  	[tilespmem:$0x11A8] =	vst v0  }
0x19e: {  	[tilespmem:$0x1198] =	vst v0  }
0x19f: {  	[tilespmem:$0x1188] =	vst v0  }
0x1a0: {  	[tilespmem:$0x1178] =	vst v0  }
0x1a1: {  	[tilespmem:$0x1168] =	vst v0  }
0x1a2: {  	[tilespmem:$0x1158] =	vst v0  }
0x1a3: {  	[tilespmem:$0x1148] =	vst v0  }
0x1a4: {  	[tilespmem:$0x1138] =	vst v0  }
0x1a5: {  	[tilespmem:$0x1128] =	vst v0  }
0x1a6: {  	[tilespmem:$0x1118] =	vst v0  }
0x1a7: {  	s4 =	stileid.u32;
	[tilespmem:$0x1108] =	vst v0  }
0x1a8: {  	s0 =	smul.u32 $0xE7, s4;
	[tilespmem:$0x10F8] =	vst v0  }
0x1a9: {  	s1 =	smin.u32 s4, $0x8;
	[tilespmem:$0x10C8] =	vst v0  }
0x1aa: {  	[tilespmem:$0x10D8] =	vst v0;
	s0 =	sadd.s32 s1, s0  }
0x1ab: {  	p0 =	slt.u32 s4, $0x8;
	[tilespmem:$0x10B8] =	vst v0;
	s1 =	simm.s32 $0x18780;
	s6 =	smul.u32 $0x1B0, s0  }
0x1ac: {  	s1 =	simm.s32 @!p0 $0x185D0;
	[tilespmem:$0x1038] =	vst v0  }
0x1ad: {  	[tilespmem:$0x10A8] =	vst v0;
	s0 =	sadd.s32 s1, s6  }
0x1ae: {  	s3 =	simm.s32 $0x2;
	s8 =	simm.s32 $0x9;
	[tilespmem:$0x1098] =	vst v0;
	s7 =	smin.u32 s0, $0x186A00  }
0x1af: {  	s10 =	simm.s32 $0xA;
	s30 =	simm.s32 $0xB;
	[tilespmem:$0x1088] =	vst v0;
	s0 =	ssub.s32 s7, s6  }
0x1b0: {  	s16 =	simm.s32 $0x0;
	p4 =	por $0x0, $0x0;
	[tilespmem:$0x1078] =	vst v0;
	p0 =	sgt.s32 s0, $0x0  }
0x1b1: {  	s17 =	simm.s32 $0xC;
	s21 =	simm.s32 $0x0;
	[tilespmem:$0x1058] =	vst v0;
	s0 =	simm.s32 @!p0 $0x0  }
0x1b2: {  	s18 =	simm.s32 $0x0;
	s2 =	sand.u32 $0x1, s2;
	[tilespmem:$0x1048] =	vst v0;
	s29 =	smulhi.u32 $0x4BDA12F7, s0  }
0x1b3: {  	s20 =	simm.s32 $0x0;
	s31 =	sshll.u32 s4, $0x5;
	[tilespmem:$0x1018] =	vst v0;
	[dreg:$0x5] =	wrdreg s2  }
0x1b4: {  	s2 =	smul.u32 $0x30D40, s2;
	[tilespmem:$0x1008] =	vst v0;
	[sflag:s3] =	ssyncpa.u1 $0x0;
	s1 =	sshrl.u32 s29, $0x7  }
0x1b5: {  	v0 =	vimm.s32 $0xFFFFFFFF;
	s3 =	sadd.s32 $0x37BF000, s11;
	[dreg:$0x4] =	wrdreg s31;
	s5 =	smul.u32 $0x1B0, s1  }
.Ltmp0:
0x1b6: {  	[tilespmem:$0x3648] =	vst v0;
	[sflag:s8] =	ssyncpa.u1 $0x0;
	s2 =	sadd.s32 s2, s11;
	(pc) =	sbr.rel .LBB2_1-.Ltmp0, $4  }
0x1b7: {  	[sflag:s10] =	ssyncpa.u1 $0x0;
	s11 =	sadd.s32 $0x6400, s11;
	p0 =	sne.s32 s0, s5  }
0x1b8: {  	[sflag:s30] =	ssyncpa.u1 $0x0;
	s14 =	sadd.s32 $0x375D400, s2;
	s12 =	simm.s32 @!p0 $0x0  }
0x1b9: {  	s15 =	sadd.s32 $0x36FB800, s2;
	s19 =	smov.u32 s6;
	s12 =	sadd.s32 s12, s1  }
0x1ba: {  	v0 =	vlaneseq.u32;
	[dreg:$0x6] =	wrdreg s6;
	p0 =	por $0x1, $0x1;
	s4 =	sadd.s32 $0x1, s12  }
.LBB2_18:
0x1bb: {  	s0 =	simm.s32 $0x2  }
0x1bc: {  	_ =	swait.ge [sflag:s0], $0x0  }
0x1bd: {  	[sflag:s0] =	ssyncset.done $0x0;
	s0 =	simm.s32 $0x0  }
.LBB2_19:
0x1be: {  	_ =	swait.ge [sflag:s17], s0  }
0x1bf: {  	s31 =	ssub.s32 $0x0, s0;
	v1 =	vmov s23;
	vm0 =	veq.s32 v0, $0x0;
	[sflag:s17] =	ssyncset.done $0x0  }
0x1c0: {  	vm15 =	veq.s32 v0, $0x2;
	v1 =	vsel vm0, s28, v1;
	[sflag:s17] =	ssyncadd.s32 s31  }
0x1c1: {  	v1 =	vsel vm15, s21, v1;
	[sflag:s17] =	ssyncpa.u1 $0x1  }
0x1c2: {  	[tilespmem:$0x3648] =	vst v1  }
.LBB2_20:
0x1c3: {  	s0 =	sadd.s32 $0x1B0, s19  }
0x1c4: {  	s1 =	smov.u32 s6;
	p1 =	slt.s32 s0, s7  }
0x1c5: {  	s1 =	smov.u32 @p1 s0;
	p1 =	sne.s32 s20, s4  }
.Ltmp1:
0x1c6: {  	_ = 	snop;
	(pc) =	sbr.rel @!p1 .LBB2_21-.Ltmp1, $4  }
0x1c7: {  	_ = 	snop  }
0x1c8: {  	s21 =	smov.u32 s18  }
0x1c9: {  	s31 =	sadd.s32 $0x1, s20;
	s18 =	smov.u32 s19;
	p0 =	por !p0, !p0  }
0x1ca: {  	p4 =	por !p4, !p4;
	s20 =	smov.u32 s31;
	s19 =	smov.u32 s1  }
.LBB2_1:
0x1cb: {  	p2 =	sge.u32 s20, s12  }
0x1cc: {  	s0 =	smulhi.u32 @!p2 $0xAAAAAAAB, s20  }
0x1cd: {  	s1 =	smov.u32 s19;
	p3 =	sgt.s32 @!p2 s19, $0x186850  }
0x1ce: {  	s2 =	sshra.s32 @!p2 s19, $0x1F;
	p3 =	por !p3, p2;
	s0 =	sshrl.u32 @!p2 s0, $0x1  }
0x1cf: {  	s2 =	sand.u32 @!p2 s2, s19;
	s1 =	simm.s32 @p3 $0x186850;
	s0 =	smul.u32 @!p2 $0x3, s0  }
0x1d0: {  	s1 =	ssub.s32 @!p2 s1, s2  }
0x1d1: {  	s23 =	sadd.s32 $0xFFFFFFFF, s20;
	s1 =	sadd.s32 @!p2 $0xFFE797B0, s1;
	s0 =	ssub.s32 @!p2 s20, s0  }
0x1d2: {  	s2 =	sshll.u32 @!p2 s1, $0x2;
	p3 =	sgt.s32 @!p2 s1, $0x1AF;
	s0 =	smul.u32 @!p2 $0x6C0, s0  }
0x1d3: {  	s5 =	sand.u32 @!p2 $0x7, s19;
	s1 =	ssub.s32 @!p2 $0x6C0, s2;
	p3 =	por !p3, p2  }
0x1d4: {  	s2 =	sshrl.u32 @!p2 s19, $0x3;
	s1 =	sshrl.u32 @!p2 s1, $0x2;
	s0 =	sshrl.u32 @!p2 s0, $0x2  }
0x1d5: {  	s2 =	sadd.s32 @!p2 s2, s14;
	s1 =	simm.s32 @!p3 $0x0;
	s0 =	sadd.s32 @!p2 $0x3888, s0  }
0x1d6: {  	[tilespmem:s0], [sflag:$0xA] =	stream.linear.gather @!p2 [hbm4b:s2+s5], s1, $0x38;
	[tilespmem:$0x1F0F8] =	vst v63  }
0x1d7: {  	p2 =	sge.u32 s23, s12  }
0x1d8: {  	p3 =	sgt.s32 @!p2 s18, $0x186850  }
0x1d9: {  	s0 =	smov.u32 s18;
	s1 =	sshra.s32 @!p2 s18, $0x1F;
	p3 =	por !p3, p2  }
0x1da: {  	s1 =	sand.u32 @!p2 s1, s18;
	s0 =	simm.s32 @p3 $0x186850  }
0x1db: {  	s0 =	ssub.s32 @!p2 s0, s1  }
0x1dc: {  	s0 =	sadd.s32 @!p2 $0xFFE797B0, s0  }
0x1dd: {  	s1 =	sshll.u32 @!p2 s0, $0x2  }
0x1de: {  	p3 =	sgt.s32 @!p2 s0, $0x1AF;
	s0 =	ssub.s32 @!p2 $0x6C0, s1  }
0x1df: {  	s22 =	ssub.s32 @!p2 $0x186A00, s18;
	p3 =	por !p3, p2;
	s0 =	sshrl.u32 @!p2 s0, $0x2  }
0x1e0: {  	s1 =	sand.u32 @!p2 $0x1, s23;
	s0 =	simm.s32 @!p3 $0x0;
	p3 =	slt.s32 @!p2 s22, $0x1  }
0x1e1: {  	s2 =	simm.s32 @!p2 $0xA;
	s1 =	smul.u32 @!p2 $0x6C0, s1;
	p3 =	por p2, p3  }
.Ltmp2:
0x1e2: {  	_ =	swait.ge @!p2 [sflag:s2], s0;
	(pc) =	sbr.rel @p3 .LBB2_7-.Ltmp2, $4  }
0x1e3: {  	s5 =	ssub.s32 @!p2 $0x0, s0;
	[sflag:s2] =	ssyncset.done @!p2 $0x0  }
0x1e4: {  	s1 =	sshrl.u32 @!p2 s1, $0x2;
	[sflag:s2] =	ssyncadd.s32 @!p2 s5;
	s2 =	sshrl.u32 @!p2 s18, $0x3  }
0x1e5: {  	s1 =	sadd.s32 @!p2 $0x3D98, s1;
	s5 =	sand.u32 @!p2 $0x7, s18;
	s2 =	sadd.s32 @!p2 s2, s15  }
0x1e6: {  	[tilespmem:s1], [sflag:$0xB] =	stream.linear.gather @!p2 [hbm4b:s2+s5], s0, $0x38;
	[tilespmem:$0x1F0F8] =	vst v63  }
0x1e7: {  	s0 =	smulhi.u32 $0xAAAAAAAB, s23;
	_ =	sdelay $0x1  }
0x1e8: {  	s0 =	sshrl.u32 s0, $0x1  }
0x1e9: {  	s0 =	smul.u32 $0x3, s0;
	_ =	sdelay $0x1  }
0x1ea: {  	s0 =	ssub.s32 s23, s0  }
0x1eb: {  	s1 =	simm.s32 $0x1;
	s0 =	smul.u32 $0x6C0, s0  }
.Ltmp3:
0x1ec: {  	s1 =	simm.s32 @!p0 $0x0;
	(pc) =	sbr.rel .LBB2_4-.Ltmp3, $4  }
0x1ed: {  	s1 =	smul.u32 $0x36000, s1  }
0x1ee: {  	p3 =	slt.s32 @!p2 s22, $0x1B0;
	s0 =	sshrl.u32 s0, $0x2  }
0x1ef: {  	p2 =	por !p3, p2;
	s1 =	sshrl.u32 s1, $0x2;
	s0 =	sadd.s32 $0x3888, s0  }
0x1f0: {  	s24 =	simm.s32 $0x0;
	s22 =	simm.s32 @p2 $0x1B0;
	s23 =	sadd.s32 $0x40F8, s1;
	v1 =	vmov s0  }
.LBB2_3:
0x1f1: {  	p2 =	sge.s32 s24, s22  }
.Ltmp4:
0x1f2: {  	_ = 	snop;
	(pc) =	sbr.rel @p2 .LBB2_7-.Ltmp4, $2  }
0x1f3: {  	_ =	sdelay $0x2  }
0x1f4: {  	s23 =	sadd.s32 $0x800, s23  }
.LBB2_4:
0x1f5: {  	p2 =	sle.s32 s22, s24  }
.Ltmp5:
0x1f6: {  	_ = 	snop;
	(pc) =	sbr.rel @p2 .LBB2_3-.Ltmp5, $2  }
0x1f7: {  	_ =	sdelay $0x2  }
0x1f8: {  	s0 =	smov.u32 s24;
	s24 =	sadd.s32 $0x10, s24  }
0x1f9: {  	s1 =	ssub.s32 s22, s0  }
0x1fa: {  	p2 =	slt.s32 s1, $0x10  }
0x1fb: {  	s1 =	simm.s32 @!p2 $0x10  }
0x1fc: {  	v2 =	vmov s1  }
0x1fd: {  	vm0 =	vgt.s32 v2, v0;
	_ =	sdelay $0x5  }
0x1fe: {  	v2 =	vld.idx.msk [tilespmem:v1+s0+$0x0 ss:$0x1], vm0;
	_ =	sdelay $0x2  }
0x1ff: {  	p2 =	slt.s32 s24, s22;
	s1 =	smov.u32 s22  }
0x200: {  	s2 =	smov.u32 s23;
	s25 =	simm.s32 $0x0;
	s1 =	smov.u32 @p2 s24  }
.LBB2_6:
0x201: {  	(v2sf) =	vpush v2, s25;
	_ =	sdelay $0xc  }
0x202: {  	s25 =	sadd.s32 $0x1, s25  }
0x203: {  	s31 =	sadd.s32 s25, s0  }
0x204: {  	p2 =	slt.s32 s31, s1;
	s5 =	spop (v2sf)  }
.Ltmp6:
0x205: {  	s5 =	sshll.u32 s5, $0x4;
	(pc) =	sbr.rel @p2 .LBB2_6-.Ltmp6, $4  }
0x206: {  	s5 =	sand.u32 $0x1FFFFFF0, s5  }
0x207: {  	s5 =	sadd.s32 s11, s5  }
0x208: {  	[tilespmem:s2], [sflag:$0x9] =	stream.linear.gather [hbm4b:s5+s16], $0x10, $0x38;
	[tilespmem:$0x1F0F8] =	vst v63  }
0x209: {  	s2 =	sadd.s32 $0x80, s2  }
.Ltmp7:
0x20a: {  	_ = 	snop;
	(pc) =	sbr.rel .LBB2_3-.Ltmp7, $1  }
0x20b: {  	_ =	sdelay $0x3  }
.LBB2_7:
0x20c: {  	p2 =	slt.u32 s20, $0x2  }
.Ltmp8:
0x20d: {  	_ = 	snop;
	(pc) =	sbr.rel @p2 .LBB2_20-.Ltmp8, $1  }
0x20e: {  	_ =	sdelay $0x3  }
0x20f: {  	p2 =	sgt.s32 s21, $0x186850  }
0x210: {  	s0 =	smov.u32 s21;
	s1 =	sshra.s32 s21, $0x1F;
	s2 =	ssub.s32 $0x186A00, s21  }
0x211: {  	s0 =	simm.s32 @!p2 $0x186850;
	s1 =	sand.u32 s1, s21;
	p2 =	slt.s32 s2, $0x1B0  }
0x212: {  	s0 =	ssub.s32 s0, s1;
	s2 =	simm.s32 @!p2 $0x1B0  }
0x213: {  	s0 =	sadd.s32 $0xFFE797B0, s0;
	s24 =	sshll.u32 s2, $0x4  }
0x214: {  	s28 =	simm.s32 $0x9;
	s25 =	sshll.u32 s0, $0x2;
	s1 =	sand.u32 $0x3FFFFFF0, s24  }
0x215: {  	p2 =	sgt.s32 s0, $0x1AF;
	s26 =	ssub.s32 $0x6C0, s25;
	_ =	swait.ge [sflag:s28], s1  }
0x216: {  	s1 =	ssub.s32 $0x0, s1;
	[sflag:s28] =	ssyncset.done $0x0;
	s0 =	sshrl.u32 s26, $0x2  }
0x217: {  	s30 =	simm.s32 $0xB;
	[sflag:s28] =	ssyncadd.s32 s1;
	s0 =	simm.s32 @p2 $0x0  }
0x218: {  	_ =	swait.ge [sflag:s30], s0  }
0x219: {  	s0 =	ssub.s32 $0x0, s0;
	[sflag:s30] =	ssyncset.done $0x0  }
0x21a: {  	[sflag:s30] =	ssyncadd.s32 s0  }
0x21b: {  	v1 =	vld [tilespmem:$0x3648];
	_ =	sdelay $0x4  }
0x21c: {  	(v2sf) =	vpush v1, $0x0  }
0x21d: {  	(v2sf) =	vpush v1, $0x1  }
0x21e: {  	(v2sf) =	vpush v1, $0x2;
	_ =	sdelay $0x3  }
0x21f: {  	s0 =	sadd.s32 $0x1B0, s21  }
0x220: {  	s1 =	ssub.s32 $0x30D400, s21;
	p2 =	slt.s32 s7, s0  }
0x221: {  	s0 =	smov.u32 @p2 s7;
	p2 =	sgt.s32 s1, $0x0  }
0x222: {  	s25 =	ssub.s32 s0, s21;
	s1 =	simm.s32 @!p2 $0x0  }
0x223: {  	p2 =	slt.s32 s1, s25  }
0x224: {  	s25 =	smov.u32 @p2 s1  }
0x225: {  	s24 =	simm.s32 $0x1;
	p2 =	slt.s32 s25, $0x1  }
.Ltmp9:
0x226: {  	s24 =	simm.s32 @!p4 $0x0;
	(pc) =	sbr.rel @p2 .LBB2_12-.Ltmp9, $4  }
0x227: {  	s31 =	smul.u32 $0x6C0, s24  }
0x228: {  	s26 =	spop (v2sf)  }
0x229: {  	s0 =	sshrl.u32 s31, $0x2;
	s29 =	spop (v2sf)  }
0x22a: {  	s22 =	sadd.s32 $0x3D98, s0;
	s21 =	spop (v2sf)  }
0x22b: {  	s0 =	smin.u32 s25, $0x10  }
0x22c: {  	v1 =	vmov s0  }
0x22d: {  	p3 =	sgt.s32 s25, $0x10;
	vm1 =	vgt.u32 v1, v0  }
.Ltmp10:
0x22e: {  	_ = 	snop;
	(pc) =	sbr.rel @!p3 .LBB2_11-.Ltmp10, $2  }
0x22f: {  	_ =	sdelay $0x2  }
0x230: {  	s23 =	simm.s32 $0x10;
	s28 =	sadd.s32 $0xFFFFFFF0, s25;
	s0 =	smov.u32 s22;
	vm0 =	vmmov vm1  }
.LBB2_10:
0x231: {  	s1 =	smin.u32 s28, $0x10;
	s23 =	sadd.s32 $0x10, s23;
	v1 =	vld.msk [tilespmem:s0+$0x0 ss:$0x1], vm1  }
0x232: {  	v2 =	vmov s1;
	p3 =	slt.s32 s23, s25  }
0x233: {  	vm1 =	vgt.u32 v2, v0  }
.Ltmp11:
0x234: {  	(pc) =	sbr.rel @p3 .LBB2_10-.Ltmp11, $3  }
0x235: {  	_ =	sdelay $0x1  }
0x236: {  	v1 =	vshll.u32 v1, $0x4  }
0x237: {  	s28 =	sadd.s32 $0xFFFFFFF0, s28;
	[tilespmem:s0+$0x0] =	vst.msk vm0, v1;
	s0 =	sadd.s32 $0x10, s0;
	vm0 =	vmmov vm1  }
.LBB2_11:
0x238: {  	_ =	sdelay $0x4  }
0x239: {  	v1 =	vld.msk [tilespmem:s0+$0x0 ss:$0x1], vm1;
	_ =	sdelay $0x4  }
0x23a: {  	v1 =	vshll.u32 v1, $0x4  }
0x23b: {  	[tilespmem:s0+$0x0] =	vst.msk vm0, v1  }
.LBB2_12:
0x23c: {  	s0 =	sand.u32 $0x1, s20  }
0x23d: {  	s0 =	smul.u32 $0x1B0, s0  }
0x23e: {  	p3 =	sne.s32 s29, $0xFFFFFFFF  }
0x23f: {  	v1 =	vld.msk @!p3 [tilespmem:s0+$0x3D98], $0x1;
	_ =	sdelay $0x4  }
0x240: {  	(v2sf) =	vpush @!p3 v1, $0x0;
	_ =	sdelay $0xc  }
.Ltmp12:
0x241: {  	_ = 	snop;
	(pc) =	sbr.rel @p2 .LBB2_18-.Ltmp12, $4  }
0x242: {  	_ = 	snop  }
0x243: {  	s28 =	spop @!p3 (v2sf)  }
0x244: {  	s21 =	simm.s32 @!p3 $0x0;
	s23 =	smov.u32 s28  }
0x245: {  	[sflag:s17] =	ssyncpa.u1 $0x0;
	s28 =	smov.u32 @p3 s26;
	s23 =	smov.u32 @p3 s29  }
0x246: {  	v1 =	vld.msk [tilespmem:s22+$0x0], $0x1;
	_ =	sdelay $0x4  }
0x247: {  	(v2sf) =	vpush v1, $0x0;
	_ =	sdelay $0xe  }
0x248: {  	s0 =	simm.s32 @!p4 $0x0;
	s26 =	smul.u32 $0x36000, s24;
	s31 =	spop (v2sf)  }
0x249: {  	s29 =	ssub.s32 $0x0, s25;
	s0 =	simm.s32 @p4 $0x1;
	p2 =	seq.s32 s28, s31  }
0x24a: {  	s1 =	smov.u32 s28;
	[smem:$0x7FD] =	sst s0;
	p3 =	sgt.s32 @!p2 s28, $0x0  }
0x24b: {  	s0 =	sshrl.u32 s26, $0x2;
	s26 =	sadd.s32 $0x1, s29;
	p3 =	por !p3, p2  }
0x24c: {  	s1 =	simm.s32 @p3 $0x0;
	p3 =	seq.s32 s26, $0x0  }
.Ltmp13:
0x24d: {  	_ = 	snop;
	(pc) =	sbr.rel @p3 .LBB2_15-.Ltmp13, $4  }
0x24e: {  	s6 =	smov.u32 s4;
	s25 =	simm.s32 $0x0  }
0x24f: {  	s24 =	sadd.s32 $0x40F8, s0;
	s0 =	simm.s32 @!p2 $0x1;
	s2 =	smin.u32 @!p2 s1, $0x1869FE  }
0x250: {  	s30 =	sadd.s32 $0x1, s22;
	s0 =	smov.u32 @p2 s25;
	s5 =	sand.u32 @!p2 $0x1FFFF8, s2  }
0x251: {  	s1 =	simm.s32 @!p2 $0x1B38;
	s2 =	sand.u32 @!p2 $0x7, s2;
	s5 =	sadd.s32 @!p2 s3, s5  }
.LBB2_14:
0x252: {  	s4 =	smov.u32 s0  }
0x253: {  	[tilespmem:s1], [sflag:$0x2] =	stream.linear.gather @!p2 [hbm4b:s5+s2], $0x10, $0x38;
	[tilespmem:$0x1F0F8] =	vst v63  }
0x254: {  	s26 =	sadd.s32 $0x1, s26;
	s2 =	smov.u32 s31;
	v1 =	vld.msk [tilespmem:s30+$0x0], $0x1  }
0x255: {  	p3 =	seq.s32 s26, $0x0;
	_ =	sdelay $0x3  }
0x256: {  	(v2sf) =	vpush v1, $0x0;
	_ =	sdelay $0xe  }
0x257: {  	s31 =	spop (v2sf)  }
0x258: {  	p2 =	seq.s32 s2, s31  }
0x259: {  	p4 =	sgt.s32 @!p2 s2, $0x0;
	s1 =	sshll.u32 @!p2 s0, $0x6;
	s0 =	sadd.s32 @!p2 $0x1, s0  }
.Ltmp14:
0x25a: {  	p4 =	por !p4, p2;
	s1 =	sshra.s32 @!p2 s1, $0x2;
	(pc) =	sbr.rel @!p3 .LBB2_14-.Ltmp14, $4  }
0x25b: {  	s0 =	smov.u32 @p2 s4;
	s2 =	simm.s32 @p4 $0x0;
	s1 =	sadd.s32 @!p2 $0x1B38, s1  }
0x25c: {  	s2 =	smin.u32 @!p2 s2, $0x1869FE  }
0x25d: {  	s4 =	sand.u32 @!p2 $0x1FFFF8, s2;
	s2 =	sand.u32 @!p2 $0x7, s2  }
0x25e: {  	s30 =	sadd.s32 $0x1, s30;
	s5 =	sadd.s32 @!p2 s3, s4  }
.LBB2_15:
0x25f: {  	[tilespmem:s1], [sflag:$0x2] =	stream.linear.gather @!p2 [hbm4b:s5+s2], $0x10, $0x38;
	[tilespmem:$0x1F0F8] =	vst v63  }
0x260: {  	s0 =	sshll.u32 s0, $0x4  }
0x261: {  	s31 =	simm.s32 $0x2;
	s0 =	sand.u32 $0x3FFFFFF0, s0  }
0x262: {  	_ =	swait.ge [sflag:s31], s0  }
0x263: {  	s0 =	ssub.s32 $0x0, s0;
	[sflag:s31] =	ssyncset.done $0x0  }
0x264: {  	[sflag:s31] =	ssyncadd.s32 s0  }
0x265: {  	v1 =	vld.msk [tilespmem:s22+$0x0], $0x1;
	_ =	sdelay $0x4  }
0x266: {  	(v2sf) =	vpush v1, $0x0;
	_ =	sdelay $0xe  }
0x267: {  	s26 =	spop (v2sf)  }
0x268: {  	p2 =	sne.s32 s28, s26  }
0x269: {  	p4 =	sne.s32 @p2 s28, s23  }
0x26a: {  	p3 =	por !p4, !p2  }
0x26b: {  	s0 =	simm.s32 @!p3 $0x0  }
0x26c: {  	v1 =	vld @!p3 [tilespmem:s0+$0x1B38]  }
0x26d: {  	p5 =	sgt.u32 @!p3 s28, $0x1869FE  }
0x26e: {  	s1 =	sshll.u32 @!p3 s21, $0x6;
	p6 =	por @p2 p5, !p4  }
0x26f: {  	s1 =	sshra.s32 @!p3 s1, $0x2;
	p1 =	por p6, !p2;
	p6 =	por p4, !p2  }
0x270: {  	s2 =	sadd.s32 @!p3 $0x28, s1;
	s4 =	sand.u32 @!p1 $0x1FFFF8, s28;
	s5 =	sshll.u32 @!p6 s21, $0x6  }
0x271: {  	s28 =	sand.u32 @!p1 $0x7, s28;
	[tilespmem:s1+$0x28] =	vst.add.f32.msk @!p3 $0xffff, v1;
	s1 =	sadd.s32 @!p1 s3, s4;
	s4 =	sshra.s32 @!p6 s5, $0x2  }
0x272: {  	[hbm4b:s1+s28] =	stream.linear.scatter @!p1 [tilespmem:s2], [sflag:$0xC], $0x10, $0x38;
	[tilespmem:$0x1F0F8] =	vst v63  }
0x273: {  	s0 =	rddreg [dreg:$0x4];
	s1 =	sadd.s32 @!p6 $0x28, s4;
	s2 =	simm.s32 @!p6 $0x1  }
0x274: {  	[spmem:s0] =	stream.linear.scatter @!p6 [tilespmem:s1], [sflag:$0x1], $0x10, $0x38;
	[tilespmem:$0x1F0F8] =	vst v63  }
0x275: {  	s0 =	sadd.s32 @p2 $0x1, s21;
	_ =	swait.ge @!p6 [sflag:s2], $0x10  }
0x276: {  	s1 =	sshrl.u32 @p2 s0, $0x4;
	[sflag:s2] =	ssyncset.done @!p6 $0x0  }
0x277: {  	s1 =	smulhi.u32 @p2 $0x97B425F, s1;
	[sflag:s2] =	ssyncadd.s32 @!p6 $0xFFFFFFF0  }
0x278: {  	s28 =	sadd.s32 $0x1, s29;
	v1 =	vld @p2 [tilespmem:s24+$0x0]  }
0x279: {  	p1 =	por @p2 !p5, !p4;
	p4 =	seq.s32 s28, $0x0;
	s1 =	smul.u32 @p2 $0x1B0, s1  }
.Ltmp15:
0x27a: {  	p1 =	por !p1, !p2;
	s2 =	simm.s32 @!p3 $0x0;
	(pc) =	sbr.rel @p4 .LBB2_17-.Ltmp15, $4  }
0x27b: {  	s4 =	sshll.u32 @!p2 s21, $0x6;
	s2 =	simm.s32 @!p1 $0x40;
	s0 =	ssub.s32 @p2 s0, s1  }
0x27c: {  	s29 =	simm.s32 $0x0;
	s2 =	sadd.s32 @!p3 $0x0, s2;
	s5 =	sshll.u32 @p2 s0, $0x4  }
0x27d: {  	s30 =	sshra.s32 @!p2 s4, $0x2;
	s1 =	simm.s32 @p2 $0x1;
	s2 =	smov.u32 @p3 s25;
	[tilespmem:s5+$0x28] =	vst @p2 v1  }
0x27e: {  	s21 =	smov.u32 @p2 s0;
	s29 =	smov.u32 @p2 s2;
	s25 =	smov.u32 @p2 s1;
	v1 =	vld @!p2 [tilespmem:s24+$0x0]  }
.LBB2_16:
0x27f: {  	_ =	sdelay $0x3  }
0x280: {  	s22 =	sadd.s32 $0x1, s22;
	[tilespmem:s30+$0x28] =	vst.add.f32.msk @!p2 $0xffff, v1  }
0x281: {  	v1 =	vld.msk [tilespmem:s22+$0x0], $0x1;
	_ =	sdelay $0x4  }
0x282: {  	(v2sf) =	vpush v1, $0x0;
	_ =	sdelay $0xe  }
0x283: {  	s0 =	smov.u32 s26;
	s26 =	spop (v2sf)  }
0x284: {  	p2 =	sne.s32 s0, s26  }
0x285: {  	p5 =	sne.s32 @p2 s0, s23  }
0x286: {  	s4 =	sshll.u32 @!p2 s21, $0x6;
	p4 =	por !p5, !p2  }
0x287: {  	s30 =	sshra.s32 @!p2 s4, $0x2;
	s4 =	sshll.u32 @!p4 s25, $0x6  }
0x288: {  	s4 =	sshra.s32 @!p4 s4, $0x2  }
0x289: {  	p1 =	sgt.u32 @!p4 s0, $0x1869FE;
	v1 =	vld @!p4 [tilespmem:s4+$0x1B38]  }
0x28a: {  	s31 =	sshll.u32 @!p4 s21, $0x6;
	p6 =	por @p2 p1, !p5;
	p1 =	por @p2 !p1, !p5  }
0x28b: {  	s8 =	simm.s32 @!p4 $0x0;
	s31 =	sshra.s32 @!p4 s31, $0x2;
	p1 =	por !p1, !p2  }
0x28c: {  	p5 =	por p5, !p2;
	s8 =	simm.s32 @!p1 $0x40;
	p1 =	por p6, !p2  }
0x28d: {  	s4 =	sadd.s32 @!p4 $0x28, s31;
	s13 =	sshll.u32 @!p5 s21, $0x6;
	s10 =	sand.u32 @!p1 $0x1FFFF8, s0  }
0x28e: {  	s13 =	sshra.s32 @!p5 s13, $0x2;
	s0 =	sand.u32 @!p1 $0x7, s0;
	s10 =	sadd.s32 @!p1 s3, s10;
	[tilespmem:s31+$0x28] =	vst.add.f32.msk @!p4 $0xffff, v1  }
0x28f: {  	[hbm4b:s10+s0] =	stream.linear.scatter @!p1 [tilespmem:s4], [sflag:$0xC], $0x10, $0x38;
	[tilespmem:$0x1F0F8] =	vst v63  }
0x290: {  	s1 =	rddreg [dreg:$0x4];
	s0 =	sadd.s32 @!p5 $0x28, s13;
	s4 =	simm.s32 @!p5 $0x1  }
0x291: {  	[spmem:s1] =	stream.linear.scatter @!p5 [tilespmem:s0], [sflag:$0x1], $0x10, $0x38;
	[tilespmem:$0x1F0F8] =	vst v63  }
0x292: {  	s2 =	sadd.s32 @p2 $0x1, s21;
	_ =	swait.ge @!p5 [sflag:s4], $0x10  }
0x293: {  	s5 =	sshrl.u32 @p2 s2, $0x4;
	[sflag:s4] =	ssyncset.done @!p5 $0x0  }
0x294: {  	s24 =	sadd.s32 $0x80, s24;
	s5 =	smulhi.u32 @p2 $0x97B425F, s5;
	[sflag:s4] =	ssyncadd.s32 @!p5 $0xFFFFFFF0  }
0x295: {  	s28 =	sadd.s32 $0x1, s28;
	v1 =	vld @p2 [tilespmem:s24+$0x0]  }
0x296: {  	p3 =	seq.s32 s28, $0x0;
	s5 =	smul.u32 @p2 $0x1B0, s5  }
.Ltmp16:
0x297: {  	_ = 	snop;
	(pc) =	sbr.rel @!p3 .LBB2_16-.Ltmp16, $4  }
0x298: {  	s2 =	ssub.s32 @p2 s2, s5  }
0x299: {  	s8 =	sadd.s32 @!p4 s8, s29;
	s5 =	sshll.u32 @p2 s2, $0x4  }
0x29a: {  	s9 =	sadd.s32 @p2 $0x1, s25;
	s8 =	smov.u32 @p4 s29;
	[tilespmem:s5+$0x28] =	vst @p2 v1  }
0x29b: {  	s25 =	smov.u32 @p2 s9;
	s21 =	smov.u32 @p2 s2;
	s29 =	smov.u32 @p2 s8;
	v1 =	vld @!p2 [tilespmem:s24+$0x0]  }
.LBB2_17:
.Ltmp17:
0x29c: {  	_ = 	snop;
	(pc) =	sbr.rel .LBB2_19-.Ltmp17, $3  }
0x29d: {  	s1 =	sld [smem:$0x7FD];
	_ =	sdelay $0x1  }
0x29e: {  	s0 =	sshrl.u32 s29, $0x2;
	s28 =	smov.u32 s26  }
0x29f: {  	s4 =	smov.u32 s6;
	s6 =	rddreg [dreg:$0x6];
	p4 =	seq.s32 s1, $0x1;
	[tilespmem:s30+$0x28] =	vst.add.f32.msk @!p2 $0xffff, v1  }
.LBB2_21:
0x2a0: {  	_ =	sfence.sel $0x180000  }
0x2a1: {  	s0 =	simm.s32 $0x9;
	[bflag:$0x0] =	sbarrier.arrive $0xFFFF  }
0x2a2: {  	s24 =	simm.s32 $0xA;
	[sflag:s0] =	ssyncpa.u1 $0x1  }
0x2a3: {  	s25 =	simm.s32 $0xB;
	[sflag:s24] =	ssyncpa.u1 $0x1  }
0x2a4: {  	s26 =	simm.s32 $0x2;
	[sflag:s25] =	ssyncpa.u1 $0x1  }
0x2a5: {  	[sflag:s26] =	ssyncpa.u1 $0x1  }
0x2a6: {  	v0 =	vld [tilespmem:$0x3648];
	_ =	sdelay $0x4  }
0x2a7: {  	(v2sf) =	vpush v0, $0x0  }
0x2a8: {  	(v2sf) =	vpush v0, $0x1;
	_ =	sdelay $0x1  }
0x2a9: {  	(v2sf) =	vpush v0, $0x2;
	_ =	sdelay $0xb  }
0x2aa: {  	s0 =	spop (v2sf)  }
0x2ab: {  	s1 =	spop (v2sf)  }
0x2ac: {  	s2 =	smov.u32 s0;
	p0 =	sne.s32 s0, s1  }
0x2ad: {  	s4 =	spop (v2sf);
	s2 =	simm.s32 @!p0 $0xFFFFFFFF  }
0x2ae: {  	v2 =	vimm.s32 $0x1;
	v3 =	vlaneseq.u32;
	p0 =	seq.s32 s4, $0xFFFFFFFF;
	v1 =	vmov s2  }
0x2af: {  	s16 =	stileid.u32;
	v0 =	vperm.xlane v0, v2;
	p1 =	sne.s32 @!p0 s0, s1;
	v1 =	vperm.xlane v1, v3  }
0x2b0: {  	vm0 =	vcmask $0x3F04;
	s6 =	simm.s32 $0x3648;
	s0 =	simm.s32 @!p0 $0x1;
	p1 =	por !p1, p0  }
0x2b1: {  	s2 =	sshll.u32 s16, $0x1;
	s1 =	sshll.u32 @!p0 s4, $0x6;
	s0 =	simm.s32 @p1 $0x0;
	v0 =	vsel vm0, v1, v0  }
0x2b2: {  	s5 =	sor.u32 $0x200, s2;
	s1 =	sshra.s32 @!p0 s1, $0x2;
	s0 =	sor.u32 @!p0 s0, s2;
	[tilespmem:$0x3648] =	vst v0  }
0x2b3: {  	[spmem:s5] =	stream.linear.scatter [tilespmem:s6], [sflag:$0x1], $0x2, $0x38;
	[tilespmem:$0x1F0F8] =	vst v63  }
0x2b4: {  	s1 =	sadd.s32 @!p0 $0x28, s1;
	s0 =	sshll.u32 @!p0 s0, $0x4  }
0x2b5: {  	[spmem:s0] =	stream.linear.scatter @!p0 [tilespmem:s1], [sflag:$0x1], $0x10, $0x38;
	[tilespmem:$0x1F0F8] =	vst v63  }
0x2b6: {  	s0 =	simm.s32 @!p0 $0x12  }
0x2b7: {  	s28 =	simm.s32 $0x1;
	s0 =	simm.s32 @p0 $0x2  }
0x2b8: {  	_ =	swait.ge [sflag:s28], s0  }
0x2b9: {  	s0 =	ssub.s32 $0x0, s0;
	[sflag:s28] =	ssyncset.done $0x0  }
0x2ba: {  	p0 =	sne.s32 s16, $0x0;
	[sflag:s28] =	ssyncadd.s32 s0  }
.Ltmp18:
0x2bb: {  	_ =	sfence.stream.spmem;
	(pc) =	sbr.rel @p0 .LBB2_38-.Ltmp18, $4  }
0x2bc: {  	s29 =	simm.s32 $0x3;
	[bflag:$0x0] =	sbarrier.arrive $0xFFFF  }
0x2bd: {  	s30 =	simm.s32 $0x4;
	[sflag:s29] =	ssyncpa.u1 $0x1  }
0x2be: {  	s31 =	simm.s32 $0x3C;
	[sflag:s30] =	ssyncpa.u1 $0x1  }
0x2bf: {  	s17 =	rddreg [dreg:$0x5];
	[sflag:s31] =	ssyncpa.u1 $0x1  }
0x2c0: {  	_ =	sfence.stream.spmem;
	s0 =	simm.s32 $0x5  }
0x2c1: {  	s1 =	simm.s32 $0x200;
	s2 =	simm.s32 $0x3658;
	[sflag:s0] =	ssyncpa.u1 $0x0  }
0x2c2: {  	[tilespmem:s2], [sflag:$0x5] =	stream.linear.gather [spmem:s1], $0x20, $0x38;
	[tilespmem:$0x1F0F8] =	vst v63  }
0x2c3: {  	s26 =	simm.s32 $0x0;
	s28 =	simm.s32 $0x3678  }
0x2c4: {  	[tilespmem:s28], [sflag:$0x5] =	stream.linear.gather [spmem:s26], $0x200, $0x38;
	[tilespmem:$0x1F0F8] =	vst v63  }
0x2c5: {  	_ =	swait.ge [sflag:s0], $0x220  }
0x2c6: {  	[sflag:s0] =	ssyncset.done $0x0  }
0x2c7: {  	s29 =	simm.s32 $0x0;
	[sflag:s0] =	ssyncadd.s32 $0xFFFFFDE0  }
0x2c8: {  	v0 =	vld.msk [tilespmem:s29+$0x3658], $0x1;
	_ =	sdelay $0x1  }
0x2c9: {  	s30 =	simm.s32 $0x1  }
0x2ca: {  	v1 =	vld.msk [tilespmem:s30+$0x3658], $0x1;
	_ =	sdelay $0x1  }
0x2cb: {  	(v2sf) =	vpush v0, $0x0;
	_ =	sdelay $0x2  }
0x2cc: {  	(v2sf) =	vpush v1, $0x0;
	_ =	sdelay $0x2  }
0x2cd: {  	s31 =	simm.s32 $0x2  }
0x2ce: {  	v0 =	vld.msk [tilespmem:s31+$0x3658], $0x1;
	_ =	sdelay $0x2  }
0x2cf: {  	s6 =	simm.s32 $0xFFFFFFFF;
	s1 =	simm.s32 $0xFFFFFFFF;
	s0 =	simm.s32 $0xC  }
.LBB2_23:
0x2d0: {  	s2 =	smov.u32 s6;
	s4 =	smov.u32 s1  }
0x2d1: {  	s1 =	sshra.s32 s0, $0x2;
	p1 =	sne.s32 s0, $0x7C;
	s0 =	sadd.s32 $0x4, s0;
	(v2sf) =	vpush v0, $0x0  }
0x2d2: {  	v0 =	vld.msk [tilespmem:s1+$0x3658], $0x1  }
.Ltmp19:
0x2d3: {  	(pc) =	sbr.rel @p1 .LBB2_23-.Ltmp19, $4  }
0x2d4: {  	s6 =	spop (v2sf)  }
0x2d5: {  	p2 =	sne.s32 s4, $0xFFFFFFFF;
	s1 =	smov.u32 s6  }
0x2d6: {  	p3 =	seq.s32 s6, $0xFFFFFFFF;
	s1 =	smov.u32 @p2 s4  }
0x2d7: {  	s6 =	smov.u32 @p3 s2;
	s1 =	smov.u32 @p3 s4  }
0x2d8: {  	(v2sf) =	vpush v0, $0x0;
	_ =	sdelay $0x8  }
0x2d9: {  	s0 =	spop (v2sf)  }
0x2da: {  	p1 =	sne.s32 s1, $0xFFFFFFFF;
	s2 =	smov.u32 s0  }
0x2db: {  	s9 =	simm.s32 $0x6;
	p2 =	seq.s32 s0, $0xFFFFFFFF;
	s2 =	smov.u32 @p1 s1  }
0x2dc: {  	s10 =	simm.s32 $0x3638;
	s2 =	smov.u32 @p2 s1;
	s1 =	spop (v2sf)  }
0x2dd: {  	s0 =	smov.u32 @p2 s6;
	p1 =	sne.s32 s2, $0xFFFFFFFF;
	s4 =	smov.u32 s1  }
.Ltmp20:
0x2de: {  	p2 =	seq.s32 s1, $0xFFFFFFFF;
	s4 =	smov.u32 @p1 s2;
	(pc) =	sbr.rel .LBB2_25-.Ltmp20, $4  }
0x2df: {  	s11 =	simm.s32 $0x0;
	s4 =	smov.u32 @p2 s2;
	s7 =	spop (v2sf)  }
0x2e0: {  	[sflag:s9] =	ssyncpa.u1 $0x0;
	p1 =	sne.s32 s4, $0xFFFFFFFF;
	s8 =	smov.u32 s7  }
0x2e1: {  	s1 =	smov.u32 @p2 s0;
	p2 =	seq.s32 s7, $0xFFFFFFFF;
	s8 =	smov.u32 @p1 s4  }
0x2e2: {  	s6 =	simm.s32 $0x0;
	s7 =	smov.u32 @p2 s1;
	s8 =	smov.u32 @p2 s4  }
.LBB2_30:
0x2e3: {  	p1 =	sgt.u32 s12, $0x1869FE  }
0x2e4: {  	p2 =	seq.s32 @!p1 s12, s8  }
0x2e5: {  	p1 =	por p1, p2  }
0x2e6: {  	p2 =	sne.s32 @!p1 s12, s7  }
0x2e7: {  	p1 =	por p1, !p2  }
0x2e8: {  	s0 =	sshll.u32 @p1 s11, $0x6  }
0x2e9: {  	s0 =	sand.u32 @!p1 $0x1FFFF8, s12  }
0x2ea: {  	s1 =	sand.u32 @!p1 $0x7, s12;
	s0 =	sadd.s32 @!p1 s3, s0  }
0x2eb: {  	[tilespmem:s10], [sflag:$0x6] =	stream.linear.gather @!p1 [hbm4b:s0+s1], $0x10, $0x38;
	[tilespmem:$0x1F0F8] =	vst v63  }
0x2ec: {  	_ =	swait.ge @!p1 [sflag:s9], $0x10  }
0x2ed: {  	[sflag:s9] =	ssyncset.done @!p1 $0x0  }
0x2ee: {  	[sflag:s9] =	ssyncadd.s32 @!p1 $0xFFFFFFF0  }
0x2ef: {  	v1 =	vld @!p1 [tilespmem:$0x3638];
	_ =	sdelay $0x2  }
0x2f0: {  	s0 =	sshll.u32 @!p1 s11, $0x6  }
0x2f1: {  	s1 =	sshrl.u32 @!p1 s0, $0x2  }
0x2f2: {  	[tilespmem:s1+$0x3678] =	vst.add.f32.msk @!p1 $0xffff, v1  }
0x2f3: {  	s0 =	sshrl.u32 s0, $0x2;
	[tilespmem:s6+$0x3658] =	vst.msk $0x1, v0  }
0x2f4: {  	v0 =	vld [tilespmem:s0+$0x3678];
	_ =	sdelay $0x2  }
0x2f5: {  	s31 =	sshll.u32 s6, $0x6  }
0x2f6: {  	s0 =	sshra.s32 s31, $0x2  }
0x2f7: {  	s6 =	sadd.s32 $0x1, s6;
	[tilespmem:s0+$0x3678] =	vst v0  }
.LBB2_32:
0x2f8: {  	s11 =	sadd.s32 $0x1, s11  }
0x2f9: {  	p1 =	sne.s32 s11, $0x20  }
.Ltmp21:
0x2fa: {  	_ = 	snop;
	(pc) =	sbr.rel @!p1 .LBB2_33-.Ltmp21, $1  }
0x2fb: {  	_ =	sdelay $0x3  }
.LBB2_25:
0x2fc: {  	v0 =	vld.msk [tilespmem:s11+$0x3658], $0x1;
	_ =	sdelay $0x4  }
0x2fd: {  	(v2sf) =	vpush v0, $0x0;
	_ =	sdelay $0xe  }
0x2fe: {  	s12 =	spop (v2sf)  }
0x2ff: {  	p1 =	seq.s32 s12, $0xFFFFFFFF  }
.Ltmp22:
0x300: {  	_ = 	snop;
	(pc) =	sbr.rel @p1 .LBB2_32-.Ltmp22, $1  }
0x301: {  	_ =	sdelay $0x3  }
0x302: {  	p1 =	slt.s32 s6, $0x1  }
.Ltmp23:
0x303: {  	_ = 	snop;
	(pc) =	sbr.rel @p1 .LBB2_30-.Ltmp23, $1  }
0x304: {  	_ =	sdelay $0x3  }
0x305: {  	s13 =	simm.s32 $0x3658;
	p1 =	por $0x0, $0x0  }
0x306: {  	v1 =	vld.msk @!p1 [tilespmem:s13+$0x0], $0x1;
	_ =	sdelay $0x4  }
0x307: {  	(v2sf) =	vpush @!p1 v1, $0x0;
	_ =	sdelay $0xd  }
0x308: {  	p3 =	sne.s32 s6, $0x1  }
.Ltmp24:
0x309: {  	s0 =	spop @!p1 (v2sf);
	(pc) =	sbr.rel @!p3 .LBB2_29-.Ltmp24, $4  }
0x30a: {  	p2 =	seq.s32 @!p1 s12, s0  }
0x30b: {  	s14 =	simm.s32 $0x0;
	p2 =	por !p2, p1  }
0x30c: {  	s0 =	simm.s32 $0xFFFFFFFF;
	s14 =	simm.s32 @p2 $0xFFFFFFFF  }
0x30d: {  	s15 =	simm.s32 $0x1;
	s14 =	smov.u32 @p1 s0  }
.LBB2_28:
0x30e: {  	s0 =	smov.u32 s14;
	p1 =	sne.s32 s14, $0xFFFFFFFF  }
0x30f: {  	s13 =	sadd.s32 $0x1, s13;
	s14 =	smov.u32 s15;
	s15 =	sadd.s32 $0x1, s15  }
0x310: {  	p2 =	sne.s32 s6, s15;
	v1 =	vld.msk @!p1 [tilespmem:s13+$0x0], $0x1;
	_ =	sdelay $0x4  }
0x311: {  	(v2sf) =	vpush @!p1 v1, $0x0;
	_ =	sdelay $0xe  }
.Ltmp25:
0x312: {  	s1 =	spop @!p1 (v2sf);
	(pc) =	sbr.rel @p2 .LBB2_28-.Ltmp25, $4  }
0x313: {  	p3 =	seq.s32 @!p1 s12, s1  }
0x314: {  	p3 =	por !p3, p1  }
0x315: {  	s14 =	simm.s32 @p3 $0xFFFFFFFF  }
0x316: {  	s14 =	smov.u32 @p1 s0  }
.LBB2_29:
0x317: {  	p1 =	sne.s32 s14, $0xFFFFFFFF  }
.Ltmp26:
0x318: {  	_ = 	snop;
	(pc) =	sbr.rel @!p1 .LBB2_30-.Ltmp26, $1  }
0x319: {  	_ =	sdelay $0x3  }
0x31a: {  	s0 =	sshll.u32 s11, $0x4  }
0x31b: {  	s0 =	sand.u32 $0x3FFFFFF0, s0  }
0x31c: {  	v0 =	vld [tilespmem:s0+$0x3678]  }
.Ltmp27:
0x31d: {  	_ = 	snop;
	(pc) =	sbr.rel .LBB2_32-.Ltmp27, $4  }
0x31e: {  	_ = 	snop  }
0x31f: {  	s31 =	sshll.u32 s14, $0x6  }
0x320: {  	s0 =	sshra.s32 s31, $0x2  }
0x321: {  	[tilespmem:s0+$0x3678] =	vst.add.f32.msk $0xffff, v0  }
.LBB2_33:
0x322: {  	s0 =	simm.s32 $0x6;
	p1 =	seq.s32 s6, $0x0  }
0x323: {  	[sflag:s0] =	ssyncpa.u1 $0x1;
	v0 =	vimm.s32 @p1 $0xFFFFFFFF  }
0x324: {  	s9 =	sadd.s32 $0xFFFFFFFF, s6;
	[tilespmem:$0x3878] =	vst @p1 v0  }
0x325: {  	v0 =	vld.msk @!p1 [tilespmem:s9+$0x3658], $0x1;
	_ =	sdelay $0x1  }
0x326: {  	v1 =	vld.msk @!p1 [tilespmem:$0x3658], $0x1;
	_ =	sdelay $0x2  }
0x327: {  	p2 =	seq.s32 @!p1 s9, $0x0;
	v0 =	vbroadcast @!p1 v0, $0x0  }
0x328: {  	vm0 =	vmmov @!p1 $0x1;
	p2 =	por !p2, p1  }
0x329: {  	v1 =	vnsel @!p1 vm0, $0xFFFFFFFF, v1;
	vm0 =	vcmask @!p1 $0x308;
	v0 =	vpsel !p2, $0xFFFFFFFF, v0  }
0x32a: {  	p2 =	sne.s32 @!p1 s8, s7;
	v0 =	vsel @!p1 vm0, v1, v0  }
0x32b: {  	s0 =	simm.s32 @!p1 $0x3678;
	s1 =	simm.s32 @!p1 $0x0;
	p3 =	por !p2, p1;
	[tilespmem:$0x3878] =	vst @!p1 v0  }
0x32c: {  	[spmem:s1] =	stream.linear.scatter @!p1 [tilespmem:s0], [sflag:$0x1], $0x10, $0x38;
	[tilespmem:$0x1F0F8] =	vst v63  }
0x32d: {  	s0 =	sshll.u32 @!p3 s9, $0x6  }
0x32e: {  	s0 =	sshra.s32 @!p3 s0, $0x2  }
0x32f: {  	s1 =	simm.s32 @!p3 $0x10;
	s0 =	sadd.s32 @!p3 $0x3678, s0  }
0x330: {  	[spmem:s1] =	stream.linear.scatter @!p3 [tilespmem:s0], [sflag:$0x1], $0x10, $0x38;
	[tilespmem:$0x1F0F8] =	vst v63  }
0x331: {  	s0 =	simm.s32 @!p3 $0x1  }
0x332: {  	_ =	swait.ge @!p3 [sflag:s0], $0x20  }
0x333: {  	p1 =	por p2, p1;
	[sflag:s0] =	ssyncset.done @!p3 $0x0  }
0x334: {  	[sflag:s0] =	ssyncadd.s32 @!p3 $0xFFFFFFE0;
	s0 =	simm.s32 @!p1 $0x1  }
0x335: {  	_ =	swait.ge @!p1 [sflag:s0], $0x10  }
0x336: {  	s29 =	simm.s32 $0x3878;
	[sflag:s0] =	ssyncset.done @!p1 $0x0  }
0x337: {  	s30 =	simm.s32 $0x200;
	s31 =	simm.s32 $0x1;
	[sflag:s0] =	ssyncadd.s32 @!p1 $0xFFFFFFF0  }
0x338: {  	[spmem:s30] =	stream.linear.scatter [tilespmem:s29], [sflag:$0x1], $0x10, $0x38;
	[tilespmem:$0x1F0F8] =	vst v63  }
0x339: {  	_ =	swait.ge [sflag:s31], $0x10  }
0x33a: {  	[sflag:s31] =	ssyncset.done $0x0  }
0x33b: {  	p1 =	seq.s32 s17, $0x0;
	s8 =	rddreg [dreg:$0x1];
	[sflag:s31] =	ssyncadd.s32 $0xFFFFFFF0  }
0x33c: {  	s1 =	sshll.u32 @p1 s8, $0xE;
	s7 =	rddreg [dreg:$0x2]  }
0x33d: {  	s0 =	sadd.s32 @p1 $0x15C3C, s1;
	s1 =	sshll.u32 @p1 s7, $0x11  }
0x33e: {  	_ =	sfence.stream.spmem;
	s0 =	sor.u32 @p1 s1, s0  }
0x33f: {  	[sflag:s0] =	ssyncadd.remote.s32 @p1 $0x1;
	s0 =	simm.s32 @p1 $0x4  }
0x340: {  	s2 =	simm.s32 @!p1 $0x3C;
	s1 =	sand.u32 $0xFFFFFFFE, s8;
	_ =	swait.ge @p1 [sflag:s0], $0x6  }
0x341: {  	s4 =	simm.s32 @!p1 $0x0;
	s1 =	sadd.s32 @!p1 $0x4, s1;
	[sflag:s0] =	ssyncset.done @p1 $0x0  }
0x342: {  	s5 =	simm.s32 @!p1 $0x20;
	[sflag:s0] =	ssyncadd.s32 @p1 $0xFFFFFFFA;
	s0 =	sshll.u32 @!p1 s1, $0x1A  }
0x343: {  	s1 =	sshll.u32 @!p1 s1, $0xD;
	s0 =	sor.u32 @!p1 s0, s7;
	_ =	swait.eq @!p1 [sflag:s2], $0x1  }
0x344: {  	s1 =	sor.u32 @!p1 $0x1C04, s1;
	s2 =	simm.s32 @!p1 $0x1C03;
	s0 =	sor.u32 @!p1 $0x80004000, s0  }
0x345: {  	[spmem:s5], [sflag:s1] =	dma.general @!p1 [spmem:s4], [sflag:s2], length:$0x4, [dreg:$0x0], stride_count:$0x0, ici_dest:s0, dma_misc:DstOpCode:WRITE  }
0x346: {  	p2 =	slt.s32 s9, $0x2;
	s4 =	simm.s32 @!p1 $0x40;
	s5 =	simm.s32 @!p1 $0x42  }
0x347: {  	[spmem:s5], [sflag:s1] =	dma.general @!p1 [spmem:s4], [sflag:s2], length:$0x2, [dreg:$0x0], stride_count:$0x0, ici_dest:s0, dma_misc:DstOpCode:WRITE  }
.Ltmp28:
0x348: {  	s0 =	simm.s32 @!p1 $0x3;
	(pc) =	sbr.rel @p2 .LBB2_37-.Ltmp28, $4  }
0x349: {  	s1 =	sshll.u32 @!p1 s8, $0xE;
	_ =	swait.ge @!p1 [sflag:s0], $0x6  }
0x34a: {  	s2 =	sshll.u32 @!p1 s7, $0x11;
	s1 =	sadd.s32 @!p1 $0x11C3C, s1;
	[sflag:s0] =	ssyncset.done @!p1 $0x0  }
0x34b: {  	[sflag:s0] =	ssyncadd.s32 @!p1 $0xFFFFFFFA;
	s0 =	sor.u32 @!p1 s2, s1  }
0x34c: {  	[sflag:s0] =	ssyncadd.remote.s32 @!p1 $0xFFFFFFFF;
	s0 =	simm.s32 $0x0  }
0x34d: {  	s0 =	simm.s32 $0x3659  }
0x34e: {  	v0 =	vld.msk [tilespmem:s0+$0x0], $0x1;
	_ =	sdelay $0x4  }
0x34f: {  	(v2sf) =	vpush v0, $0x0;
	_ =	sdelay $0xd  }
0x350: {  	s2 =	sadd.s32 $0xFFFFFFFE, s6  }
0x351: {  	s2 =	sadd.s32 $0xFFFFFFFF, s2;
	s0 =	spop (v2sf)  }
0x352: {  	p2 =	sne.s32 s2, $0x0;
	p1 =	sgt.u32 s0, $0x1869FE  }
.Ltmp29:
0x353: {  	s4 =	sand.u32 @!p1 $0x1FFFF8, s0;
	(pc) =	sbr.rel @!p2 .LBB2_36-.Ltmp29, $4  }
0x354: {  	s1 =	simm.s32 $0x3688;
	s0 =	sand.u32 @!p1 $0x7, s0;
	s4 =	sadd.s32 @!p1 s3, s4  }
0x355: {  	[hbm4b:s4+s0] =	stream.linear.scatter @!p1 [tilespmem:s1], [sflag:$0x5], $0x10, $0x38;
	[tilespmem:$0x1F0F8] =	vst v63  }
0x356: {  	s0 =	simm.s32 $0x0  }
0x357: {  	s6 =	simm.s32 $0x0;
	s7 =	simm.s32 $0x365A;
	s0 =	simm.s32 @!p1 $0x40  }
.LBB2_35:
0x358: {  	v0 =	vld.msk [tilespmem:s7+$0x0], $0x1;
	s2 =	sadd.s32 $0xFFFFFFFF, s2;
	s6 =	sadd.s32 s6, s0  }
0x359: {  	p1 =	sne.s32 s2, $0x0;
	_ =	sdelay $0x3  }
0x35a: {  	(v2sf) =	vpush v0, $0x0;
	_ =	sdelay $0xe  }
.Ltmp30:
0x35b: {  	s4 =	spop (v2sf);
	(pc) =	sbr.rel @p1 .LBB2_35-.Ltmp30, $4  }
0x35c: {  	s0 =	simm.s32 $0x0;
	p2 =	sgt.u32 s4, $0x1869FE  }
0x35d: {  	s1 =	sadd.s32 $0x10, s1;
	s0 =	simm.s32 @!p2 $0x40;
	s5 =	sand.u32 @!p2 $0x1FFFF8, s4  }
0x35e: {  	s7 =	sadd.s32 $0x1, s7;
	s4 =	sand.u32 @!p2 $0x7, s4;
	s5 =	sadd.s32 @!p2 s3, s5  }
0x35f: {  	[hbm4b:s5+s4] =	stream.linear.scatter @!p2 [tilespmem:s1], [sflag:$0x5], $0x10, $0x38;
	[tilespmem:$0x1F0F8] =	vst v63  }
.LBB2_36:
0x360: {  	s0 =	sadd.s32 s6, s0  }
0x361: {  	s0 =	sshrl.u32 s0, $0x2  }
.LBB2_37:
0x362: {  	s1 =	simm.s32 $0x5  }
0x363: {  	_ =	swait.ge [sflag:s1], s0  }
0x364: {  	s31 =	ssub.s32 $0x0, s0;
	[sflag:s1] =	ssyncset.done $0x0  }
0x365: {  	[sflag:s1] =	ssyncadd.s32 s31  }
0x366: {  	[sflag:s1] =	ssyncpa.u1 $0x1  }
.LBB2_38:
0x367: {  	s0 =	sor.u32 s17, s16  }
0x368: {  	p1 =	sne.s32 s0, $0x0  }
.Ltmp31:
0x369: {  	_ = 	snop;
	(pc) =	sbr.rel @p1 .LBB2_53-.Ltmp31, $3  }
0x36a: {  	_ =	sdelay $0x1  }
0x36b: {  	[bflag:$0x0] =	sbarrier.arrive $0xFFFF  }
0x36c: {  	_ =	sfence  }
0x36d: {  	s0 =	simm.s32 $0x7  }
0x36e: {  	s1 =	simm.s32 $0x200;
	s2 =	simm.s32 $0x3658;
	[sflag:s0] =	ssyncpa.u1 $0x0  }
0x36f: {  	[tilespmem:s2], [sflag:$0x7] =	stream.linear.gather [spmem:s1], $0x20, $0x38;
	[tilespmem:$0x1F0F8] =	vst v63  }
0x370: {  	s30 =	simm.s32 $0x3678;
	s1 =	simm.s32 $0x0  }
0x371: {  	[tilespmem:s30], [sflag:$0x7] =	stream.linear.gather [spmem:s1], $0x200, $0x38;
	[tilespmem:$0x1F0F8] =	vst v63  }
.Ltmp32:
0x372: {  	_ = 	snop;
	(pc) =	sbr.rel .LBB2_40-.Ltmp32, $4  }
0x373: {  	_ =	swait.ge [sflag:s0], $0x220  }
0x374: {  	[sflag:s0] =	ssyncset.done $0x0  }
0x375: {  	s31 =	simm.s32 $0x8;
	[sflag:s0] =	ssyncadd.s32 $0xFFFFFDE0  }
0x376: {  	s2 =	simm.s32 $0x0;
	[sflag:s31] =	ssyncpa.u1 $0x0  }
.LBB2_45:
0x377: {  	p1 =	slt.u32 s4, $0x1869FF  }
0x378: {  	s0 =	sand.u32 @p1 $0x1FFFF8, s4  }
0x379: {  	s4 =	sand.u32 @p1 $0x7, s4;
	s5 =	simm.s32 @p1 $0x3638;
	s0 =	sadd.s32 @p1 s3, s0  }
0x37a: {  	[tilespmem:s5], [sflag:$0x8] =	stream.linear.gather @p1 [hbm4b:s0+s4], $0x10, $0x38;
	[tilespmem:$0x1F0F8] =	vst v63  }
0x37b: {  	s0 =	simm.s32 @p1 $0x8  }
0x37c: {  	_ =	swait.ge @p1 [sflag:s0], $0x10  }
0x37d: {  	[sflag:s0] =	ssyncset.done @p1 $0x0  }
0x37e: {  	[sflag:s0] =	ssyncadd.s32 @p1 $0xFFFFFFF0  }
0x37f: {  	v1 =	vld @p1 [tilespmem:$0x3638];
	_ =	sdelay $0x2  }
0x380: {  	s0 =	sshll.u32 @p1 s2, $0x6  }
0x381: {  	s5 =	sshll.u32 @!p1 s2, $0x6;
	s4 =	sshrl.u32 @p1 s0, $0x2  }
0x382: {  	s5 =	smov.u32 @p1 s0;
	[tilespmem:s4+$0x3678] =	vst.add.f32.msk @p1 $0xffff, v1  }
0x383: {  	s0 =	sshrl.u32 s5, $0x2;
	[tilespmem:s1+$0x3658] =	vst.msk $0x1, v0  }
0x384: {  	v0 =	vld [tilespmem:s0+$0x3678];
	_ =	sdelay $0x2  }
0x385: {  	s31 =	sshll.u32 s1, $0x6  }
0x386: {  	s0 =	sshra.s32 s31, $0x2  }
0x387: {  	s1 =	sadd.s32 $0x1, s1;
	[tilespmem:s0+$0x3678] =	vst v0  }
.LBB2_47:
0x388: {  	s2 =	sadd.s32 $0x1, s2  }
0x389: {  	p1 =	sne.s32 s2, $0x20  }
.Ltmp33:
0x38a: {  	_ = 	snop;
	(pc) =	sbr.rel @!p1 .LBB2_48-.Ltmp33, $1  }
0x38b: {  	_ =	sdelay $0x3  }
.LBB2_40:
0x38c: {  	v0 =	vld.msk [tilespmem:s2+$0x3658], $0x1;
	_ =	sdelay $0x4  }
0x38d: {  	(v2sf) =	vpush v0, $0x0;
	_ =	sdelay $0xe  }
0x38e: {  	s4 =	spop (v2sf)  }
0x38f: {  	p1 =	seq.s32 s4, $0xFFFFFFFF  }
.Ltmp34:
0x390: {  	_ = 	snop;
	(pc) =	sbr.rel @p1 .LBB2_47-.Ltmp34, $1  }
0x391: {  	_ =	sdelay $0x3  }
0x392: {  	p1 =	slt.s32 s1, $0x1  }
.Ltmp35:
0x393: {  	_ = 	snop;
	(pc) =	sbr.rel @p1 .LBB2_45-.Ltmp35, $1  }
0x394: {  	_ =	sdelay $0x3  }
0x395: {  	s5 =	simm.s32 $0x3658;
	p1 =	por $0x0, $0x0  }
0x396: {  	v1 =	vld.msk @!p1 [tilespmem:s5+$0x0], $0x1;
	_ =	sdelay $0x4  }
0x397: {  	(v2sf) =	vpush @!p1 v1, $0x0;
	_ =	sdelay $0xd  }
0x398: {  	p3 =	sne.s32 s1, $0x1  }
.Ltmp36:
0x399: {  	s0 =	spop @!p1 (v2sf);
	(pc) =	sbr.rel @!p3 .LBB2_44-.Ltmp36, $4  }
0x39a: {  	p2 =	seq.s32 @!p1 s4, s0  }
0x39b: {  	s6 =	simm.s32 $0x0;
	p2 =	por !p2, p1  }
0x39c: {  	s0 =	simm.s32 $0xFFFFFFFF;
	s6 =	simm.s32 @p2 $0xFFFFFFFF  }
0x39d: {  	s7 =	simm.s32 $0x1;
	s6 =	smov.u32 @p1 s0  }
.LBB2_43:
0x39e: {  	s0 =	smov.u32 s6;
	p1 =	sne.s32 s6, $0xFFFFFFFF  }
0x39f: {  	s5 =	sadd.s32 $0x1, s5;
	s6 =	smov.u32 s7;
	s7 =	sadd.s32 $0x1, s7  }
0x3a0: {  	p2 =	sne.s32 s1, s7;
	v1 =	vld.msk @!p1 [tilespmem:s5+$0x0], $0x1;
	_ =	sdelay $0x4  }
0x3a1: {  	(v2sf) =	vpush @!p1 v1, $0x0;
	_ =	sdelay $0xe  }
.Ltmp37:
0x3a2: {  	s8 =	spop @!p1 (v2sf);
	(pc) =	sbr.rel @p2 .LBB2_43-.Ltmp37, $4  }
0x3a3: {  	p3 =	seq.s32 @!p1 s4, s8  }
0x3a4: {  	p3 =	por !p3, p1  }
0x3a5: {  	s6 =	simm.s32 @p3 $0xFFFFFFFF  }
0x3a6: {  	s6 =	smov.u32 @p1 s0  }
.LBB2_44:
0x3a7: {  	p1 =	sne.s32 s6, $0xFFFFFFFF  }
.Ltmp38:
0x3a8: {  	_ = 	snop;
	(pc) =	sbr.rel @!p1 .LBB2_45-.Ltmp38, $1  }
0x3a9: {  	_ =	sdelay $0x3  }
0x3aa: {  	s0 =	sshll.u32 s2, $0x4  }
0x3ab: {  	s0 =	sand.u32 $0x3FFFFFF0, s0  }
0x3ac: {  	v0 =	vld [tilespmem:s0+$0x3678]  }
.Ltmp39:
0x3ad: {  	_ = 	snop;
	(pc) =	sbr.rel .LBB2_47-.Ltmp39, $4  }
0x3ae: {  	_ = 	snop  }
0x3af: {  	s31 =	sshll.u32 s6, $0x6  }
0x3b0: {  	s0 =	sshra.s32 s31, $0x2  }
0x3b1: {  	[tilespmem:s0+$0x3678] =	vst.add.f32.msk $0xffff, v0  }
.LBB2_48:
0x3b2: {  	p1 =	slt.s32 s1, $0x1  }
.Ltmp40:
0x3b3: {  	_ = 	snop;
	(pc) =	sbr.rel @p1 .LBB2_52-.Ltmp40, $3  }
0x3b4: {  	_ =	sdelay $0x1  }
0x3b5: {  	s0 =	simm.s32 $0x8  }
0x3b6: {  	s2 =	simm.s32 $0x0;
	[sflag:s0] =	ssyncpa.u1 $0x1  }
0x3b7: {  	s0 =	simm.s32 $0x3658  }
0x3b8: {  	v0 =	vld.msk [tilespmem:s0+$0x0], $0x1;
	_ =	sdelay $0x4  }
0x3b9: {  	(v2sf) =	vpush v0, $0x0;
	_ =	sdelay $0xe  }
0x3ba: {  	s1 =	sadd.s32 $0xFFFFFFFF, s1;
	s0 =	spop (v2sf)  }
0x3bb: {  	p2 =	sne.s32 s1, $0x0;
	p1 =	sgt.u32 s0, $0x1869FE  }
.Ltmp41:
0x3bc: {  	s5 =	sand.u32 @!p1 $0x1FFFF8, s0;
	(pc) =	sbr.rel @!p2 .LBB2_51-.Ltmp41, $4  }
0x3bd: {  	s4 =	simm.s32 $0x3678;
	s0 =	sand.u32 @!p1 $0x7, s0;
	s5 =	sadd.s32 @!p1 s3, s5  }
0x3be: {  	[hbm4b:s5+s0] =	stream.linear.scatter @!p1 [tilespmem:s4], [sflag:$0x7], $0x10, $0x38;
	[tilespmem:$0x1F0F8] =	vst v63  }
0x3bf: {  	s0 =	simm.s32 $0x0  }
0x3c0: {  	s5 =	simm.s32 $0x3659;
	s0 =	simm.s32 @!p1 $0x40  }
.LBB2_50:
0x3c1: {  	v0 =	vld.msk [tilespmem:s5+$0x0], $0x1;
	s1 =	sadd.s32 $0xFFFFFFFF, s1;
	s2 =	sadd.s32 s2, s0  }
0x3c2: {  	p1 =	sne.s32 s1, $0x0;
	_ =	sdelay $0x3  }
0x3c3: {  	(v2sf) =	vpush v0, $0x0;
	_ =	sdelay $0xe  }
.Ltmp42:
0x3c4: {  	s6 =	spop (v2sf);
	(pc) =	sbr.rel @p1 .LBB2_50-.Ltmp42, $4  }
0x3c5: {  	s0 =	simm.s32 $0x0;
	p2 =	sgt.u32 s6, $0x1869FE  }
0x3c6: {  	s4 =	sadd.s32 $0x10, s4;
	s0 =	simm.s32 @!p2 $0x40;
	s7 =	sand.u32 @!p2 $0x1FFFF8, s6  }
0x3c7: {  	s5 =	sadd.s32 $0x1, s5;
	s6 =	sand.u32 @!p2 $0x7, s6;
	s7 =	sadd.s32 @!p2 s3, s7  }
0x3c8: {  	[hbm4b:s7+s6] =	stream.linear.scatter @!p2 [tilespmem:s4], [sflag:$0x7], $0x10, $0x38;
	[tilespmem:$0x1F0F8] =	vst v63  }
.LBB2_51:
0x3c9: {  	s0 =	sadd.s32 s2, s0  }
0x3ca: {  	s2 =	sshrl.u32 s0, $0x2  }
.LBB2_52:
0x3cb: {  	s0 =	simm.s32 $0x7  }
0x3cc: {  	_ =	swait.ge [sflag:s0], s2  }
0x3cd: {  	s1 =	ssub.s32 $0x0, s2;
	[sflag:s0] =	ssyncset.done $0x0  }
0x3ce: {  	[sflag:s0] =	ssyncadd.s32 s1  }
0x3cf: {  	[sflag:s0] =	ssyncpa.u1 $0x1  }
.LBB2_53:
0x3d0: {  	_ =	sfence;
	s0 =	simm.s32 $0x1  }
0x3d1: {  	[sflag:s0] =	ssyncpa.u1 $0x1  }
0x3d2: {  	_ =	strace $0x90000056  }
0x3d3: {  	[bflag:$0x2] =	sbarrier.arrive $0xFFFF  }
0x3d4: {  	s0 =	rddreg [dreg:$0x3]  }
0x3d5: {  	s0 =	sadd.s32 @!p0 $0x100000, s0  }
0x3d6: {  	[sflag:s0] =	ssyncadd.tile.s32 @!p0 $0x1;
	_ =	shalt  }
.Lfunc_end2:
_tile_overlayer_lowered:
.L_overlay_start_2:
0x3d7: {  	(tag) =	ssettag $0x2  }
0x3d8: {  	s0 =	rddreg [dreg:$0x0];
	s2 =	stileid.u32  }
0x3d9: {  	s1 =	rddreg [dreg:$0x1];
	p0 =	sne.s32 s2, $0x0  }
0x3da: {  	s3 =	rddreg [dreg:$0x2];
	[bflag:$0x3] =	sbarrier.arrive $0xFFFF;
	s2 =	simm.s32 @!p0 $0x1C01  }
0x3db: {  	[timem:s3], [sflag:s2] =	dma.local @!p0 [hbm:s0], s1  }
0x3dc: {  	s0 =	simm.s32 @!p0 $0x1  }
0x3dd: {  	_ =	swait.ge @!p0 [sflag:s0], s1  }
0x3de: {  	s1 =	ssub.s32 @!p0 $0x0, s1;
	[sflag:s0] =	ssyncset.done @!p0 $0x0  }
0x3df: {  	[sflag:s0] =	ssyncadd.s32 @!p0 s1  }
0x3e0: {  	[bflag:$0x3] =	sbarrier.arrive $0xFFFF  }
0x3e1: {  	_ =	shalt  }

// kernel: scatter_offload_async_start
scs
__scs_entry_jumppad:
0x0: {  	(pc) =	sbr.rel $0x88, $3  }
0x1: {  	(tag) =	ssettag $0x0;
	lr =	simm.s32 $0x1  }
0x2: {  	[smem:$0x3F86] =	sst lr;
	_ =	strace $0xD0000000  }
0x3: {  	_ = 	snop  }
0x4: {  	_ = 	snop  }
0x5: {  	_ = 	snop  }
0x6: {  	_ = 	snop  }
0x7: {  	_ = 	snop  }
__scs_overlays_trampoline_lowered:
0x8: {  	[smem:$0x3F95] =	sst s0  }
0x9: {  	[smem:$0x3F96] =	sst s1  }
0xa: {  	[smem:$0x3F97] =	sst s2  }
0xb: {  	[smem:$0x3F98] =	sst s3  }
0xc: {  	[smem:$0x3F99] =	sst s4  }
0xd: {  	[smem:$0x3F9A] =	sst s5  }
0xe: {  	[smem:$0x3F9B] =	sst s6  }
0xf: {  	[smem:$0x3F9C] =	sst s7  }
0x10: {  	[smem:$0x3F9D] =	sst s8  }
0x11: {  	[smem:$0x3F9E] =	sst s9;
	s0 =	simm.s32 @!p0 $0x0  }
0x12: {  	s1 =	sld [smem:$0x3F84];
	s0 =	simm.s32 @p0 $0x1  }
0x13: {  	[smem:$0x3F9F] =	sst s0;
	s0 =	simm.s32 @!p1 $0x0  }
0x14: {  	s2 =	sld [smem:$0x3F83];
	s0 =	simm.s32 @p1 $0x1  }
0x15: {  	[smem:$0x3FA0] =	sst s0;
	s0 =	simm.s32 @!p2 $0x0  }
0x16: {  	s3 =	sld [smem:$0x3FDB];
	s0 =	simm.s32 @p2 $0x1  }
0x17: {  	s4 =	simm.s32 $0x1BF5;
	[smem:$0x3FA2] =	sst s0  }
0x18: {  	s0 =	sld [smem:$0x3F85];
	_ =	swait.ge [sflag:s4], $0x0  }
0x19: {  	s7 =	sld [smem:$0x3F86]  }
0x1a: {  	s8 =	sadd.s32 $0xFFFFE003, lr  }
0x1b: {  	s9 =	sadd.s32 $0xFFFFFEF7, lr;
	s5 =	simm.s32 $0xFFFFFFFF;
	p2 =	slt.u32 s8, $0xFFFFF086  }
0x1c: {  	p1 =	slt.u32 s9, $0xF7A;
	s5 =	simm.s32 @!p2 $0x0  }
0x1d: {  	s5 =	simm.s32 @p1 $0x1;
	p0 =	seq.s32 s7, s2  }
0x1e: {  	s7 =	smul.u32 @!p0 $0xF7A, s2;
	p2 =	seq.s32 @!p0 s5, $0x0  }
0x1f: {  	s9 =	smul.u32 $0xF7A, s1;
	s8 =	simm.s32 @!p0 $0x1BF5;
	p2 =	por !p2, p0  }
0x20: {  	[sflag:s8] =	ssyncset.s32 @!p0 $0xFFFFF086;
	s6 =	sadd.s32 @!p0 s3, s7;
	s7 =	simm.s32 @!p0 $0x108  }
0x21: {  	s3 =	sadd.s32 s3, s9;
	s6 =	sadd.s32 @!p0 $0x88, s6;
	s7 =	simm.s32 @p2 $0x1082  }
0x22: {  	[simem:s7], [sflag:s8] =	dma.local @!p0 [hbm:s6], $0xF7A  }
0x23: {  	s9 =	sor.u32 $0xD0000000, s2;
	s6 =	simm.s32 $0x108;
	_ =	swait.ge @!p0 [sflag:s8], $0x0  }
0x24: {  	s3 =	sadd.s32 $0x88, s3;
	s6 =	simm.s32 @!p1 $0x1082;
	[sflag:s4] =	ssyncset.s32 $0xFFFFF086  }
0x25: {  	[simem:s6], [sflag:s4] =	dma.local [hbm:s3], $0xF7A  }
0x26: {  	[smem:$0x3F86] =	sst s1;
	(tag) =	ssettag s2;
	_ =	strace s9  }
0x27: {  	s1 =	sld [smem:$0x3F96]  }
0x28: {  	s2 =	sld [smem:$0x3F97]  }
0x29: {  	s4 =	sld [smem:$0x3F99]  }
0x2a: {  	p0 =	seq.s32 s5, $0x0;
	s5 =	sld [smem:$0x3F9A]  }
0x2b: {  	s6 =	sld [smem:$0x3F9B]  }
0x2c: {  	s7 =	sld [smem:$0x3F9C]  }
0x2d: {  	s3 =	simm.s32 $0x108;
	s8 =	sld [smem:$0x3F9D]  }
0x2e: {  	s3 =	simm.s32 @!p0 $0x1082;
	s9 =	sld [smem:$0x3F9E]  }
0x2f: {  	lr =	sadd.s32 s0, s3;
	s0 =	sld [smem:$0x3F95]  }
0x30: {  	s3 =	sld [smem:$0x3F98]  }
0x31: {  	[smem:$0x3FA1] =	sst s10  }
0x32: {  	s10 =	sld [smem:$0x3F9F];
	_ =	sdelay $0x3  }
0x33: {  	p0 =	seq.s32 s10, $0x1;
	s10 =	sld [smem:$0x3FA1];
	_ =	sdelay $0x3  }
0x34: {  	[smem:$0x3FA1] =	sst s10  }
0x35: {  	s10 =	sld [smem:$0x3FA0];
	_ =	sdelay $0x3  }
0x36: {  	p1 =	seq.s32 s10, $0x1;
	s10 =	sld [smem:$0x3FA1];
	_ =	sdelay $0x3  }
0x37: {  	[smem:$0x3FA1] =	sst s10  }
0x38: {  	s10 =	sld [smem:$0x3FA2]  }
0x39: {  	_ = 	snop;
	(pc) =	sbr.ind lr, $3  }
0x3a: {  	_ = 	snop  }
0x3b: {  	_ = 	snop  }
0x3c: {  	p2 =	seq.s32 s10, $0x1;
	s10 =	sld [smem:$0x3FA1]  }
0x3d: {  	_ =	shalt  }
0x3e: {  	_ =	shalt  }
0x3f: {  	_ =	shalt  }
0x40: {  	_ =	shalt  }
0x41: {  	_ =	shalt  }
0x42: {  	_ =	shalt  }
0x43: {  	_ =	shalt  }
0x44: {  	_ =	shalt  }
0x45: {  	_ =	shalt  }
0x46: {  	_ =	shalt  }
0x47: {  	_ =	shalt  }
0x48: {  	_ =	shalt  }
0x49: {  	_ =	shalt  }
0x4a: {  	_ =	shalt  }
0x4b: {  	_ =	shalt  }
0x4c: {  	_ =	shalt  }
0x4d: {  	_ =	shalt  }
0x4e: {  	_ =	shalt  }
0x4f: {  	_ =	shalt  }
0x50: {  	_ =	shalt  }
0x51: {  	_ =	shalt  }
0x52: {  	_ =	shalt  }
0x53: {  	_ =	shalt  }
0x54: {  	_ =	shalt  }
0x55: {  	_ =	shalt  }
0x56: {  	_ =	shalt  }
0x57: {  	_ =	shalt  }
0x58: {  	_ =	shalt  }
0x59: {  	_ =	shalt  }
0x5a: {  	_ =	shalt  }
0x5b: {  	_ =	shalt  }
0x5c: {  	_ =	shalt  }
0x5d: {  	_ =	shalt  }
0x5e: {  	_ =	shalt  }
0x5f: {  	_ =	shalt  }
0x60: {  	_ =	shalt  }
0x61: {  	_ =	shalt  }
0x62: {  	_ =	shalt  }
0x63: {  	_ =	shalt  }
0x64: {  	_ =	shalt  }
0x65: {  	_ =	shalt  }
0x66: {  	_ =	shalt  }
0x67: {  	_ =	shalt  }
0x68: {  	_ =	shalt  }
0x69: {  	_ =	shalt  }
0x6a: {  	_ =	shalt  }
0x6b: {  	_ =	shalt  }
0x6c: {  	_ =	shalt  }
0x6d: {  	_ =	shalt  }
0x6e: {  	_ =	shalt  }
0x6f: {  	_ =	shalt  }
0x70: {  	_ =	shalt  }
0x71: {  	_ =	shalt  }
0x72: {  	_ =	shalt  }
0x73: {  	_ =	shalt  }
0x74: {  	_ =	shalt  }
0x75: {  	_ =	shalt  }
0x76: {  	_ =	shalt  }
0x77: {  	_ =	shalt  }
0x78: {  	_ =	shalt  }
0x79: {  	_ =	shalt  }
0x7a: {  	_ =	shalt  }
0x7b: {  	_ =	shalt  }
0x7c: {  	_ =	shalt  }
0x7d: {  	_ =	shalt  }
0x7e: {  	_ =	shalt  }
0x7f: {  	_ =	shalt  }
0x80: {  	_ =	shalt  }
0x81: {  	_ =	shalt  }
0x82: {  	_ =	shalt  }
0x83: {  	_ =	shalt  }
0x84: {  	_ =	shalt  }
0x85: {  	_ =	shalt  }
0x86: {  	_ =	shalt  }
0x87: {  	_ =	shalt  }
.Lfunc_end0:
.L_simem_size_0:
called_computation_lowered:
.L_overlay_start_0:
0x88: {  	s0 =	sld [smem:$0x3FD9]  }
0x89: {  	s1 =	sld [smem:$0x3FFE];
	_ =	sdelay $0x3  }
0x8a: {  	s0 =	sadd.s32 s1, s0  }
0x8b: {  	[smem:$0x3FAD] =	sst s0  }
0x8c: {  	_ = 	snop  }
0x8d: {  	(tm) =	ssettm $0x1  }
0x8e: {  	s14 =	sld [smem:$0x3FFB];
	_ =	sdelay $0x3  }
0x8f: {  	_ =	strace s14  }
0x90: {  	s0 =	sld [smem:$0x3FFC];
	_ =	sdelay $0x3  }
0x91: {  	_ =	strace s0  }
0x92: {  	s0 =	sld [smem:$0x3FFD];
	_ =	sdelay $0x3  }
0x93: {  	_ =	strace s0  }
0x94: {  	_ =	strace $0x8FFFFFFF  }
0x95: {  	s15 =	sld [smem:$0x3FDB];
	_ =	sdelay $0x1  }
0x96: {  	s16 =	simm.s32 $_scs_section_size  }
0x97: {  	s2 =	simm.s32 $_size__tile_overlayer_lowered;
	s3 =	simm.s32 $_tile_overlayer_lowered  }
0x98: {  	s4 =	simm.s32 $0x1BFF;
	s17 =	sshll.u32 s3, $0x1;
	s1 =	sadd.s32 s16, s15  }
0x99: {  	s18 =	simm.s32 $0x0;
	s2 =	sshll.u32 s2, $0x1;
	s3 =	sadd.s32 s17, s1  }
0x9a: {  	[timem:s18], [sflag:s4] =	dma.local [hbm:s3], s2  }
0x9b: {  	_ =	swait.ge [sflag:s4], s2  }
0x9c: {  	s2 =	ssub.s32 $0x0, s2;
	[sflag:s4] =	ssyncset.done $0x0  }
0x9d: {  	[sflag:s4] =	ssyncadd.s32 s2;
	_ =	sdelay $0x1  }
0x9e: {  	s19 =	simm.s32 $0x1B8B  }
0x9f: {  	_ =	swait.ge [sflag:s19], $0x1  }
0xa0: {  	[sflag:s19] =	ssyncset.done $0x0  }
0xa1: {  	s21 =	simm.s32 $0x1B8E;
	s20 =	sld [smem:$0x3FFE];
	[sflag:s19] =	ssyncadd.s32 $0xFFFFFFFF  }
0xa2: {  	s22 =	simm.s32 $execute0_lowered;
	[smem:$0x3FD2] =	sst s21  }
0xa3: {  	s3 =	sshll.u32 s22, $0x1;
	_ =	strace $0x80000046;
	[dreg:$0x1] =	wrdreg $0xFFFFFFFF  }
0xa4: {  	s23 =	simm.s32 $_size_execute0_lowered;
	s3 =	sadd.s32 s1, s3;
	[dreg:$0x0] =	wrdreg $0x0  }
0xa5: {  	s4 =	sshll.u32 s23, $0x1;
	[dreg:$0x2] =	wrdreg s3  }
0xa6: {  	[dreg:$0x3] =	wrdreg s4  }
0xa7: {  	[dreg:$0x4] =	wrdreg $0xC0  }
0xa8: {  	s24 =	simm.s32 $execute1_lowered;
	_ =	task [dreg:s18], $0x5FFFF  }
0xa9: {  	s3 =	sshll.u32 s24, $0x1;
	[dreg:$0x1] =	wrdreg $0xFFFFFFFF  }
0xaa: {  	s1 =	sadd.s32 s1, s3;
	[dreg:$0x0] =	wrdreg $0x60  }
0xab: {  	[dreg:$0x2] =	wrdreg s1  }
0xac: {  	[dreg:$0x3] =	wrdreg s20  }
0xad: {  	[dreg:$0x4] =	wrdreg $0x9  }
0xae: {  	_ =	task.clear_ibuf [dreg:s18], $0x5FFFF;
	_ =	strace $0x90000046  }
0xaf: {  	s25 =	simm.s32 $0x9;
	_ =	strace $0x80000048  }
0xb0: {  	_ =	swait.ge [sflag:s25], $0x1  }
0xb1: {  	[sflag:s25] =	ssyncadd.s32 $0xFFFFFFFF  }
0xb2: {  	_ =	strace $0x90000048  }
0xb3: {  	_ =	strace $0x80000049;
	[dreg:$0x1] =	wrdreg $0xFFFFFFFF  }
0xb4: {  	[dreg:$0x0] =	wrdreg $0x2030  }
0xb5: {  	[dreg:$0x2] =	wrdreg s20  }
0xb6: {  	[dreg:$0x3] =	wrdreg $0xA  }
0xb7: {  	_ =	task.clear_ibuf [dreg:s18], $0x4FFFF;
	_ =	strace $0x90000049  }
0xb8: {  	s26 =	simm.s32 $0xA;
	_ =	strace $0x8000004B  }
0xb9: {  	_ =	swait.ge [sflag:s26], $0x1  }
0xba: {  	[sflag:s26] =	ssyncadd.s32 $0xFFFFFFFF  }
0xbb: {  	_ =	strace $0x9000004B  }
0xbc: {  	_ =	sfence  }
0xbd: {  	s28 =	sld [smem:$0x0];
	_ =	sdelay $0x1  }
0xbe: {  	s29 =	srdreg.scid  }
0xbf: {  	s30 =	sshll.u32 s29, $0xD;
	s31 =	sshrl.u32 s29, $0x2  }
0xc0: {  	s2 =	sand.u32 $0x1, s29;
	s3 =	sand.u32 $0x4000, s30;
	s1 =	sadd.s32 s31, s28  }
0xc1: {  	s2 =	sor.u32 s3, s2;
	s1 =	sshll.u32 s1, $0x11  }
0xc2: {  	s1 =	sor.u32 s1, s2  }
0xc3: {  	s1 =	sadd.s32 $0x8F2B, s1  }
0xc4: {  	[sflag:s1] =	ssyncadd.remote.s32 $0x1  }
0xc5: {  	_ =	sfence.sel $0xFFFF  }
0xc6: {  	[dreg:$0x0] =	wrdreg $0xFFFFFFFF;
	(pc) =	sbr.abs _section_cstart, $3  }
0xc7: {  	[dreg:$0x1] =	wrdreg $0xFFFFFFFF  }
0xc8: {  	_ =	task.clear_ibuf [dreg:s18], $0x2FFFF;
	_ =	strace $0x9FFFFFFF  }
0xc9: {  	(tm) =	ssettm $0x7FFFFFFF  }
tec
execute0_lowered:
.L_overlay_start_1:
0x0: {  	(tag) =	ssettag $0x1  }
0x1: {  	s2 =	rddreg [dreg:$0x0]  }
0x2: {  	s5 =	rddreg [dreg:$0x1]  }
0x3: {  	s0 =	rddreg [dreg:$0x2];
	s3 =	stileid.u32  }
0x4: {  	[bflag:$0x3] =	sbarrier.arrive $0xFFFF;
	s1 =	simm.s32 $_size_execute1_lowered;
	s31 =	simm.s32 $0x2  }
0x5: {  	s8 =	simm.s32 $0x0;
	p0 =	sne.s32 s3, $0x0;
	s1 =	sshll.u32 s1, $0x1  }
.Ltmp0:
0x6: {  	s4 =	simm.s32 @!p0 $0x1C3F;
	s6 =	simm.s32 @!p0 $0x4060;
	(pc) =	sbr.rel .LBB2_1-.Ltmp0, $4  }
0x7: {  	[timem:s6], [sflag:s4] =	dma.local @!p0 [hbm:s2], s1  }
0x8: {  	s3 =	smul.u32 $0xC40, s3;
	s4 =	simm.s32 $0x1;
	_ =	strace $0x80000047  }
0x9: {  	s2 =	sadd.s32 $0x36F5200, s5;
	s5 =	sadd.s32 $0x36F8400, s5;
	[sflag:s4] =	ssyncpa.u1 $0x0  }
0xa: {  	s7 =	smov.u32 s3;
	s6 =	simm.s32 $0x0;
	[sflag:s31] =	ssyncpa.u1 $0x0  }
.LBB2_7:
0xb: {  	s10 =	sadd.s32 $0xC400, s7  }
0xc: {  	p1 =	slt.u32 s6, $0x2;
	s6 =	sadd.s32 $0x1, s6;
	p2 =	sgt.s32 s10, $0x1869F  }
0xd: {  	s10 =	smov.u32 @p2 s3;
	p2 =	sne.s32 s6, $0x4  }
.Ltmp1:
0xe: {  	_ = 	snop;
	(pc) =	sbr.rel @!p2 .LBB2_8-.Ltmp1, $4  }
0xf: {  	s9 =	simm.s32 @!p1 $0x2  }
0x10: {  	_ =	swait.ge @!p1 [sflag:s9], $0xC40  }
0x11: {  	[sflag:s9] =	ssyncset.done @!p1 $0x0  }
0x12: {  	s8 =	smov.u32 s7;
	s7 =	smov.u32 s10;
	[sflag:s9] =	ssyncadd.s32 @!p1 $0xFFFFF3C0  }
.LBB2_1:
0x13: {  	p1 =	sgt.u32 s6, $0x1  }
0x14: {  	s9 =	sxor.u32 @!p1 $0x1, s6  }
0x15: {  	s9 =	smul.u32 @!p1 $0x3100, s9  }
0x16: {  	s10 =	sshrl.u32 @!p1 s7, $0x3  }
0x17: {  	s11 =	sand.u32 @!p1 $0x7, s7;
	s10 =	sadd.s32 @!p1 s2, s10;
	s9 =	sshra.s32 @!p1 s9, $0x2  }
0x18: {  	[tilespmem:s9], [sflag:$0x1] =	stream.linear.gather @!p1 [hbm4b:s10+s11], $0xC40, $0x38;
	[tilespmem:$0x3100] =	vst v63  }
0x19: {  	p1 =	seq.s32 s6, $0x0  }
0x1a: {  	p2 =	seq.s32 @!p1 s6, $0x3  }
0x1b: {  	p1 =	por p1, p2  }
.Ltmp2:
0x1c: {  	_ = 	snop;
	(pc) =	sbr.rel @p1 .LBB2_7-.Ltmp2, $1  }
0x1d: {  	_ =	sdelay $0x3  }
0x1e: {  	s9 =	sand.u32 $0x1, s6  }
0x1f: {  	_ =	swait.ge [sflag:s4], $0xC40;
	s11 =	simm.s32 $0xC40;
	p1 =	seq.s32 s9, $0x1  }
0x20: {  	[sflag:s4] =	ssyncset.done $0x0;
	s11 =	simm.s32 @!p1 $0x0  }
0x21: {  	[sflag:s4] =	ssyncadd.s32 $0xFFFFF3C0;
	s13 =	sor.u32 $0x80, s11  }
0x22: {  	v0 =	vld [tilespmem:s13+$0x70]  }
0x23: {  	v1 =	vld [tilespmem:s13+$0xFFFFFF90]  }
0x24: {  	v2 =	vld [tilespmem:s13+$0xFFFFFFA0]  }
0x25: {  	v3 =	vld [tilespmem:s13+$0xFFFFFFB0]  }
0x26: {  	s9 =	sadd.s32 $0x1900, s11;
	v4 =	vld [tilespmem:s13+$0xFFFFFFC0]  }
0x27: {  	v5 =	vld [tilespmem:s13+$0xFFFFFFD0];
	[tilespmem:s9+$0x70] =	vst v0  }
0x28: {  	[tilespmem:s9+$0xFFFFFF90] =	vst v1;
	v0 =	vld [tilespmem:s13+$0xFFFFFFE0]  }
0x29: {  	[tilespmem:s9+$0xFFFFFFA0] =	vst v2;
	v1 =	vld [tilespmem:s13+$0xFFFFFFF0]  }
0x2a: {  	[tilespmem:s9+$0xFFFFFFB0] =	vst v3;
	v2 =	vld [tilespmem:s13+$0x0]  }
0x2b: {  	[tilespmem:s9+$0xFFFFFFC0] =	vst v4;
	v3 =	vld [tilespmem:s13+$0x10]  }
0x2c: {  	[tilespmem:s9+$0xFFFFFFD0] =	vst v5;
	v5 =	vld [tilespmem:s13+$0x20]  }
0x2d: {  	[tilespmem:s9+$0xFFFFFFE0] =	vst v0;
	v0 =	vld [tilespmem:s13+$0x30]  }
0x2e: {  	[tilespmem:s9+$0xFFFFFFF0] =	vst v1;
	v1 =	vld [tilespmem:s13+$0x40]  }
0x2f: {  	[tilespmem:s9+$0x0] =	vst v2;
	v2 =	vld [tilespmem:s13+$0x50]  }
0x30: {  	s12 =	simm.s32 $0x0;
	[tilespmem:s9+$0x10] =	vst v3;
	v3 =	vld [tilespmem:s13+$0x60]  }
0x31: {  	s10 =	sadd.s32 $0x1880, s11;
	s11 =	sshll.u32 s11, $0x2;
	v4 =	vld [tilespmem:s13+$0xFFFFFF80];
	[tilespmem:s9+$0x20] =	vst v5;
	s13 =	sadd.s32 $0x100, s13  }
.LBB2_3:
0x32: {  	v5 =	vld [tilespmem:s13+$0x70];
	s12 =	sadd.s32 $0x100, s12;
	[tilespmem:s9+$0x30] =	vst v0  }
0x33: {  	v0 =	vld [tilespmem:s13+$0xFFFFFF90];
	p1 =	slt.u32 s12, $0xB00;
	[tilespmem:s9+$0x40] =	vst v1  }
0x34: {  	v1 =	vld [tilespmem:s13+$0xFFFFFFA0];
	[tilespmem:s9+$0x50] =	vst v2  }
0x35: {  	v2 =	vld [tilespmem:s13+$0xFFFFFFB0];
	[tilespmem:s9+$0x60] =	vst v3  }
0x36: {  	v3 =	vld [tilespmem:s13+$0xFFFFFFC0];
	[tilespmem:s9+$0xFFFFFF80] =	vst v4;
	s9 =	sadd.s32 $0x100, s9  }
0x37: {  	v4 =	vld [tilespmem:s13+$0xFFFFFFD0];
	[tilespmem:s9+$0x70] =	vst v5  }
0x38: {  	[tilespmem:s9+$0xFFFFFF90] =	vst v0;
	v0 =	vld [tilespmem:s13+$0xFFFFFFE0]  }
0x39: {  	[tilespmem:s9+$0xFFFFFFA0] =	vst v1;
	v1 =	vld [tilespmem:s13+$0xFFFFFFF0]  }
0x3a: {  	[tilespmem:s9+$0xFFFFFFB0] =	vst v2;
	v2 =	vld [tilespmem:s13+$0x0]  }
0x3b: {  	[tilespmem:s9+$0xFFFFFFC0] =	vst v3;
	v3 =	vld [tilespmem:s13+$0x10]  }
0x3c: {  	[tilespmem:s9+$0xFFFFFFD0] =	vst v4;
	v5 =	vld [tilespmem:s13+$0x20]  }
.Ltmp3:
0x3d: {  	[tilespmem:s9+$0xFFFFFFE0] =	vst v0;
	v0 =	vld [tilespmem:s13+$0x30];
	(pc) =	sbr.rel @p1 .LBB2_3-.Ltmp3, $4  }
0x3e: {  	[tilespmem:s9+$0xFFFFFFF0] =	vst v1;
	v1 =	vld [tilespmem:s13+$0x40]  }
0x3f: {  	[tilespmem:s9+$0x0] =	vst v2;
	v2 =	vld [tilespmem:s13+$0x50]  }
0x40: {  	[tilespmem:s9+$0x10] =	vst v3;
	v3 =	vld [tilespmem:s13+$0x60]  }
0x41: {  	v4 =	vld [tilespmem:s13+$0xFFFFFF80];
	[tilespmem:s9+$0x20] =	vst v5;
	s13 =	sadd.s32 $0x100, s13  }
0x42: {  	[tilespmem:s9+$0x30] =	vst v0  }
0x43: {  	[tilespmem:s9+$0x40] =	vst v1  }
0x44: {  	[tilespmem:s9+$0x50] =	vst v2  }
0x45: {  	s11 =	sshrl.u32 s11, $0x2;
	[tilespmem:s9+$0x60] =	vst v3  }
0x46: {  	s12 =	simm.s32 $0xBF0;
	[tilespmem:s9+$0xFFFFFF80] =	vst v4;
	s9 =	sadd.s32 $0x2480, s11;
	s11 =	sadd.s32 $0xC00, s11  }
.LBB2_5:
0x47: {  	s12 =	sadd.s32 $0x10, s12  }
0x48: {  	v0 =	vld [tilespmem:s11+$0x0];
	p1 =	slt.u32 s12, $0xC30  }
.Ltmp4:
0x49: {  	_ = 	snop;
	(pc) =	sbr.rel @p1 .LBB2_5-.Ltmp4, $2  }
0x4a: {  	_ =	sdelay $0x2  }
0x4b: {  	s11 =	sadd.s32 $0x10, s11;
	[tilespmem:s9+$0x0] =	vst v0;
	s9 =	sadd.s32 $0x10, s9  }
.Ltmp5:
0x4c: {  	(pc) =	sbr.rel .LBB2_7-.Ltmp5, $4  }
0x4d: {  	_ = 	snop  }
0x4e: {  	s9 =	sshrl.u32 s8, $0x3  }
0x4f: {  	s31 =	sand.u32 $0x7, s8;
	s9 =	sadd.s32 s5, s9  }
0x50: {  	[hbm4b:s9+s31] =	stream.linear.scatter [tilespmem:s10], [sflag:$0x2], $0xC40, $0x38;
	[tilespmem:$0x3100] =	vst v63  }
.LBB2_8:
0x51: {  	_ =	sfence.sel $0x180000  }
0x52: {  	s2 =	simm.s32 $0x1;
	[bflag:$0x0] =	sbarrier.arrive $0xFFFF  }
0x53: {  	s31 =	simm.s32 $0x2;
	[sflag:s2] =	ssyncpa.u1 $0x1  }
0x54: {  	[sflag:s31] =	ssyncpa.u1 $0x1  }
0x55: {  	_ =	strace $0x90000047  }
0x56: {  	s0 =	sadd.s32 @!p0 $0x100000, s0;
	[bflag:$0x2] =	sbarrier.arrive $0xFFFF  }
0x57: {  	[sflag:s0] =	ssyncadd.tile.s32 @!p0 $0x1;
	s0 =	simm.s32 @!p0 $0x3F  }
0x58: {  	_ =	swait.ge @!p0 [sflag:s0], s1  }
0x59: {  	s1 =	ssub.s32 @!p0 $0x0, s1;
	[sflag:s0] =	ssyncset.done @!p0 $0x0  }
0x5a: {  	[sflag:s0] =	ssyncadd.s32 @!p0 s1  }
0x5b: {  	[bflag:$0x3] =	sbarrier.arrive $0xFFFF  }
0x5c: {  	_ =	shalt  }
.Lfunc_end2:
execute1_lowered:
.L_overlay_start_2:
0x5d: {  	(tag) =	ssettag $0x2  }
0x5e: {  	s8 =	rddreg [dreg:$0x0]  }
0x5f: {  	s0 =	rddreg [dreg:$0x1];
	_ =	strace $0x8000004A;
	s2 =	simm.s32 $0x1  }
0x60: {  	v1 =	vimm.s32 $0xFFFFFFFF;
	[sflag:s2] =	ssyncpa.u1 $0x0  }
0x61: {  	[tilespmem:$0x10] =	vst v1  }
0x62: {  	v0 =	vimm.f32 $0.0e+00;
	[tilespmem:$0x20] =	vst v1  }
0x63: {  	[tilespmem:$0x30] =	vst v0  }
0x64: {  	[tilespmem:$0x40] =	vst v0  }
0x65: {  	[tilespmem:$0x50] =	vst v0  }
0x66: {  	s3 =	simm.s32 $0x2;
	s5 =	simm.s32 $0x7;
	[tilespmem:$0x60] =	vst v1  }
0x67: {  	s7 =	simm.s32 $0x8;
	s10 =	simm.s32 $0x9;
	s14 =	simm.s32 $0x0;
	[tilespmem:$0x70] =	vst v1  }
0x68: {  	s15 =	simm.s32 $0xFF;
	p0 =	por $0x0, $0x0;
	s16 =	simm.s32 $0xFFFFC280;
	[tilespmem:$0x80] =	vst v1  }
0x69: {  	s17 =	simm.s32 $0xFFFFFFFE;
	s18 =	simm.s32 $0xF;
	s19 =	simm.s32 $0x30;
	v1 =	vimm.s32 $0x0;
	[tilespmem:$0xB0] =	vst v0  }
0x6a: {  	s22 =	simm.s32 $0x0;
	s20 =	simm.s32 $0x0;
	s1 =	sadd.s32 $0x36F8400, s8;
	[tilespmem:$0x90] =	vst v1  }
.Ltmp6:
0x6b: {  	[tilespmem:$0xA0] =	vst v1;
	[sflag:s3] =	ssyncpa.u1 $0x0;
	s3 =	stileid.u32;
	(pc) =	sbr.rel .LBB3_1-.Ltmp6, $4  }
0x6c: {  	s4 =	sadd.s32 $0x68000, s8;
	s6 =	smul.u32 $0x30D40, s3;
	[sflag:s5] =	ssyncpa.u1 $0x0  }
0x6d: {  	s8 =	sadd.s32 $0x3693600, s8;
	s12 =	sshllo.u32 s3, $0x1;
	[sflag:s7] =	ssyncpa.u1 $0x0  }
0x6e: {  	vm0 =	vmmov $0xffff;
	v2 =	vlaneseq.u32;
	s9 =	sadd.s32 $0x30D40, s6;
	[sflag:s10] =	ssyncpa.u1 $0x0;
	s10 =	sshll.u32 s3, $0x1  }
0x6f: {  	vm1 =	vmxor vm1, vm1;
	vm2 =	vmmov $0x1;
	vm3 =	vcmask $0x3F3C;
	s21 =	smov.u32 s6;
	s11 =	sor.u32 $0x81, s10;
	s13 =	sor.u32 $0x80, s10  }
.LBB3_10:
0x70: {  	p1 =	slt.u32 s20, $0x3  }
0x71: {  	s22 =	simm.s32 @!p1 $0x2  }
0x72: {  	_ =	swait.ge @!p1 [sflag:s22], $0x1F40  }
0x73: {  	[sflag:s22] =	ssyncset.done @!p1 $0x0  }
0x74: {  	[sflag:s22] =	ssyncadd.s32 @!p1 $0xFFFFE0C0;
	s22 =	simm.s32 @!p1 $0x9  }
0x75: {  	_ =	swait.ge @!p1 [sflag:s22], $0x10  }
0x76: {  	s23 =	sadd.s32 $0x1F40, s21;
	s24 =	smov.u32 s6;
	[sflag:s22] =	ssyncset.done @!p1 $0x0  }
0x77: {  	s20 =	sadd.s32 $0x1, s20;
	[sflag:s22] =	ssyncadd.s32 @!p1 $0xFFFFFFF0;
	p1 =	slt.s32 s23, s9  }
0x78: {  	s24 =	smov.u32 @p1 s23;
	p1 =	sne.s32 s20, $0x1C  }
.Ltmp7:
0x79: {  	_ = 	snop;
	(pc) =	sbr.rel @!p1 .LBB3_11-.Ltmp7, $3  }
0x7a: {  	_ =	sdelay $0x1  }
0x7b: {  	s15 =	sadd.s32 $0x1, s15;
	p0 =	por !p0, !p0;
	s16 =	sadd.s32 $0x1F40, s16  }
0x7c: {  	s17 =	sadd.s32 $0x1, s17;
	s22 =	smov.u32 s21;
	s21 =	smov.u32 s24  }
.LBB3_1:
0x7d: {  	p1 =	sgt.u32 s20, $0x18  }
0x7e: {  	s23 =	smul.u32 @!p1 $0xAB, s20;
	_ =	sdelay $0x1  }
0x7f: {  	s23 =	sshrl.u32 @!p1 s23, $0x9  }
0x80: {  	s23 =	sand.u32 @!p1 $0x7F, s23  }
0x81: {  	s23 =	smul.u32 @!p1 $0x3, s23;
	_ =	sdelay $0x1  }
0x82: {  	s23 =	ssub.s32 @!p1 s20, s23  }
0x83: {  	s23 =	sand.u32 @!p1 $0xFF, s23  }
0x84: {  	s23 =	smul.u32 @!p1 $0x7D00, s23;
	_ =	sdelay $0x1  }
0x85: {  	s24 =	sshrl.u32 @!p1 s21, $0x3;
	s23 =	sshrl.u32 @!p1 s23, $0x2  }
0x86: {  	s25 =	sand.u32 @!p1 $0x7, s21;
	s24 =	sadd.s32 @!p1 s4, s24;
	s23 =	sadd.s32 @!p1 $0x100, s23  }
0x87: {  	[tilespmem:s23], [sflag:$0x7] =	stream.linear.gather @!p1 [hbm4b:s24+s25], $0x1F40, $0x38;
	[tilespmem:$0x11A60] =	vst v63  }
0x88: {  	s23 =	sadd.s32 $0xFFFFFFFF, s20  }
0x89: {  	p1 =	sgt.u32 s23, $0x18  }
.Ltmp8:
0x8a: {  	_ = 	snop;
	(pc) =	sbr.rel @p1 .LBB3_5-.Ltmp8, $1  }
0x8b: {  	_ =	sdelay $0x3  }
0x8c: {  	s24 =	smul.u32 $0xAB, s23;
	_ =	sdelay $0x1  }
0x8d: {  	s24 =	sshrl.u32 s24, $0x9  }
0x8e: {  	s24 =	sand.u32 $0x7F, s24  }
0x8f: {  	s24 =	smul.u32 $0x3, s24;
	_ =	sdelay $0x1  }
0x90: {  	s24 =	ssub.s32 s23, s24  }
0x91: {  	s24 =	sand.u32 $0xFF, s24  }
0x92: {  	s24 =	smul.u32 $0x7D00, s24  }
0x93: {  	_ =	swait.ge [sflag:s5], $0x1F40  }
0x94: {  	[sflag:s5] =	ssyncset.done $0x0;
	s24 =	sshrl.u32 s24, $0x2  }
0x95: {  	[sflag:s5] =	ssyncadd.s32 $0xFFFFE0C0;
	(ifvalue) =	ssetifvalue $0xFFFFFFFF;
	v3 =	vld.msk [tilespmem:s24+$0x100 ss:$0x1], $0xffff  }
0x96: {  	s29 =	sand.u32 $0xFF, s15  }
0x97: {  	s25 =	smulhi.u32 $0x55555556, s29  }
0x98: {  	p1 =	sne.s32 s20, $0x1  }
0x99: {  	v4 =	vimm.s32 @!p1 $0x0;
	s25 =	smul.u32 $0x17700, s25  }
0x9a: {  	s24 =	smul.u32 $0x7D00, s29;
	v4 =	vperm.xlane @!p1 v3, v4  }
0x9b: {  	s26 =	sshll.u32 s20, $0x4;
	vm4 =	vlt.u32 v3, $0x18800  }
0x9c: {  	s30 =	sand.u32 $0x10, s26;
	s24 =	ssub.s32 s24, s25;
	v3 =	vnsel vm4, $0xFFFFFFFE, v3;
	vm4 =	vlt.u32 @!p1 v4, $0x18800  }
0x9d: {  	s24 =	sshra.s32 s24, $0x2;
	[tilespmem:s30+$0x60] =	vst v3;
	v3 =	vnsel @!p1 vm4, $0xFFFFFFFE, v4  }
0x9e: {  	s28 =	sadd.s32 $0x2030, s24;
	[tilespmem:$0x80] =	vst @!p1 v3  }
0x9f: {  	v3 =	vld.msk [tilespmem:s28+$0x0 ss:$0x1], $0xffff;
	_ =	sdelay $0x4  }
0xa0: {  	(xrf1) =	vunique.msk.u32 $0xffff, v3;
	_ =	sdelay $0xd  }
0xa1: {  	v4 =	vimm.s32 $0xFFFFFFFF;
	v5, _, _ =	vpop (xrf1)  }
0xa2: {  	vm5 =	vne.s32 v3, v4;
	vm4 =	veq.s32 v5, v2  }
0xa3: {  	vm6 =	vlt.u32 v3, $0x18800;
	vm4 =	vmand vm5, vm4  }
0xa4: {  	vm4 =	vmand vm6, vm4  }
0xa5: {  	v4 =	vnsel vm4, $0xFFFFFFFF, v3  }
0xa6: {  	s31 =	sand.u32 $0x1, s23  }
0xa7: {  	s23 =	simm.s32 $0x1F40;
	p1 =	seq.s32 s31, $0x1  }
0xa8: {  	s23 =	simm.s32 @!p1 $0x0  }
0xa9: {  	s24 =	sadd.s32 $0x7DF0, s23;
	(ifvalue) =	ssetifvalue $0xFFFFFFFF  }
0xaa: {  	v3 =	vperm.xlane v3, v1;
	[tilespmem:s24], [sflag:$0x8] =	stream.indirect_vreg.gather [hbm4b:s1+s14], $0x1, v4, vm0, $0x4038;
	v4 =	vnsel vm6, $0xFFFFFFFE, v4;
	[tilespmem:$0x11A60] =	vst v63  }
0xab: {  	s25 =	simm.s32 $0x0;
	s26 =	sadd.s32 $0xFFFFFFF0, s28;
	[tilespmem:s28+$0x0] =	vst v4  }
.LBB3_3:
0xac: {  	v4 =	vld.msk [tilespmem:s26+$0x0 ss:$0x1], $0xffff;
	s25 =	sadd.s32 $0x10, s25;
	v5 =	vmov v3;
	s28 =	smov.u32 s26  }
0xad: {  	p1 =	slt.u32 s25, $0x1F30;
	_ =	sdelay $0x4  }
0xae: {  	v3 =	vperm.xlane v4, v1;
	(xrf1) =	vunique.msk.u32 $0xffff, v4;
	_ =	sdelay $0xd  }
0xaf: {  	v6, _, _ =	vpop (xrf1)  }
0xb0: {  	vm5 =	vne.s32 v4, v5;
	vm4 =	veq.s32 v6, v2  }
0xb1: {  	vm6 =	vlt.u32 v4, $0x18800;
	vm4 =	vmand vm5, vm4  }
0xb2: {  	vm4 =	vmand vm6, vm4  }
0xb3: {  	v4 =	vnsel vm4, $0xFFFFFFFF, v4  }
.Ltmp9:
0xb4: {  	v5 =	vnsel vm6, $0xFFFFFFFE, v4;
	(pc) =	sbr.rel @p1 .LBB3_3-.Ltmp9, $3  }
0xb5: {  	_ =	sdelay $0x1  }
0xb6: {  	s26 =	sadd.s32 $0xFFFFFFF0, s26;
	s24 =	sadd.s32 $0xFFFFFFF0, s24;
	(ifvalue) =	ssetifvalue $0xFFFFFFFF  }
0xb7: {  	[tilespmem:s24], [sflag:$0x8] =	stream.indirect_vreg.gather [hbm4b:s1+s14], $0x1, v4, vm0, $0x4038;
	[tilespmem:s28+$0x0] =	vst v5  }
0xb8: {  	s22 =	sshrl.u32 s22, $0x3  }
0xb9: {  	s23 =	sadd.s32 $0x9D40, s23;
	s22 =	sadd.s32 s8, s22  }
0xba: {  	[tilespmem:s23], [sflag:$0x8] =	stream.linear.gather [hbm:s22], $0x1F40, $0x38;
	[tilespmem:$0x11A60] =	vst v63  }
.LBB3_5:
0xbb: {  	p1 =	sgt.u32 s20, $0x1B  }
.Ltmp10:
0xbc: {  	_ = 	snop;
	(pc) =	sbr.rel @p1 .LBB3_7-.Ltmp10, $1  }
0xbd: {  	_ =	sdelay $0x3  }
0xbe: {  	s22 =	sshll.u32 s2, s20  }
0xbf: {  	s22 =	sand.u32 $0x8000003, s22  }
0xc0: {  	p1 =	sne.s32 s22, $0x0  }
.Ltmp11:
0xc1: {  	_ = 	snop;
	(pc) =	sbr.rel @p1 .LBB3_10-.Ltmp11, $1  }
0xc2: {  	_ =	sdelay $0x3  }
.LBB3_7:
0xc3: {  	s22 =	sadd.s32 $0xFFFFFFFE, s20  }
0xc4: {  	s23 =	smulhi.u32 $0xAAAAAAAB, s22;
	_ =	sdelay $0x1  }
0xc5: {  	s23 =	sshrl.u32 s23, $0x1  }
0xc6: {  	s23 =	smul.u32 $0x3, s23;
	_ =	sdelay $0x1  }
0xc7: {  	s22 =	ssub.s32 s22, s23  }
0xc8: {  	_ =	swait.ge [sflag:s7], $0x3E80;
	s26 =	smul.u32 $0x1F40, s22  }
0xc9: {  	p1 =	sne.s32 s20, $0x1A;
	[sflag:s7] =	ssyncset.done $0x0  }
0xca: {  	[sflag:s7] =	ssyncadd.s32 $0xFFFFC180;
	s22 =	sadd.s32 @!p1 $0x203F, s26  }
0xcb: {  	[spmem:s11] =	stream.linear.scatter @!p1 [tilespmem:s22], [sflag:$0x1], $0x1, $0x38;
	[tilespmem:$0x11A60] =	vst v63  }
0xcc: {  	s22 =	simm.s32 @!p1 $0x1  }
0xcd: {  	_ =	swait.ge @!p1 [sflag:s22], $0x1  }
0xce: {  	s25 =	sshll.u32 s20, $0x4;
	[sflag:s22] =	ssyncset.done @!p1 $0x0  }
0xcf: {  	[sflag:s22] =	ssyncadd.s32 @!p1 $0xFFFFFFFF;
	s22 =	sand.u32 $0x10, s25  }
0xd0: {  	v4 =	vld [tilespmem:s22+$0x10];
	s28 =	sxor.u32 $0x10, s22  }
0xd1: {  	v5 =	vld [tilespmem:s28+$0x60]  }
0xd2: {  	v3 =	vld [tilespmem:$0x80];
	_ =	sdelay $0x2  }
0xd3: {  	(v2sf) =	vpush v4, $0x0  }
0xd4: {  	(v2sf) =	vpush v5, $0x0  }
0xd5: {  	(v2sf) =	vpush v3, $0x0;
	_ =	sdelay $0xc  }
0xd6: {  	s23 =	spop (v2sf)  }
0xd7: {  	s25 =	spop (v2sf)  }
0xd8: {  	s24 =	spop (v2sf)  }
0xd9: {  	p2 =	seq.s32 s23, s25;
	p3 =	seq.s32 s24, s23  }
0xda: {  	p3 =	por p2, p3  }
0xdb: {  	s23 =	sand.u32 $0x1, s20;
	v4 =	vpsel p3, $0xFFFFFFFF, v4  }
0xdc: {  	s25 =	smul.u32 $0x1F40, s23;
	[tilespmem:s22+$0x10] =	vst.msk $0x1, v4  }
0xdd: {  	v4 =	vld [tilespmem:$0x30]  }
0xde: {  	v5 =	vld [tilespmem:s25+$0x9D40]  }
0xdf: {  	v6 =	vld [tilespmem:s22+$0x40];
	_ =	sdelay $0x3  }
0xe0: {  	vm4 =	vmmov vm1;
	v5 =	vadd.f32 v5, v4  }
0xe1: {  	vm5 =	vmmov vm2;
	vm4 =	vmmov @p2 vm2;
	s23 =	sshll.u32 s23, $0x4;
	v4 =	vadd.f32 v6, v4  }
0xe2: {  	vm5 =	vmmov @p3 vm1;
	s23 =	sor.u32 $0x11A40, s23;
	[tilespmem:s25+$0x9D40] =	vst.msk vm4, v5  }
0xe3: {  	[tilespmem:s23+$0x0] =	vst.msk vm5, v4  }
0xe4: {  	v4 =	vld [tilespmem:s25+$0x7DF0];
	_ =	sdelay $0x3  }
0xe5: {  	v5 =	vimm.f32 $0.0e+00  }
0xe6: {  	v4 =	vshift.insert v4, v5, s18  }
0xe7: {  	s29 =	sor.u32 $0x40, s28  }
0xe8: {  	[tilespmem:s29+$0x0] =	vst.msk $0x1, v4  }
0xe9: {  	[tilespmem:s25+$0x7DFF] =	vst.msk $0x1, v5  }
0xea: {  	v4 =	vld [tilespmem:s26+$0x2030];
	_ =	sdelay $0x1  }
0xeb: {  	s29 =	smulhi.u32 $0xAAAAAAAB, s17;
	s26 =	simm.s32 $0x1  }
0xec: {  	s26 =	simm.s32 @!p0 $0x0  }
0xed: {  	s29 =	sshrl.u32 s29, $0x1;
	s26 =	smul.u32 $0x7D00, s26  }
0xee: {  	s29 =	smul.u32 $0xFFFE8900, s29;
	v4 =	vshift.insert v4, v1, s18  }
0xef: {  	s30 =	sshrl.u32 s26, $0x2  }
0xf0: {  	s29 =	sshra.s32 s29, $0x2;
	s26 =	sadd.s32 $0x9D40, s30;
	[tilespmem:s28+$0x10] =	vst.msk $0x1, v4  }
0xf1: {  	s31 =	sadd.s32 s29, s16;
	v6 =	vld [tilespmem:s26+$0x0]  }
0xf2: {  	v7 =	vld [tilespmem:s31+$0x0];
	_ =	sdelay $0x3  }
0xf3: {  	v5 =	vadd.f32 v6, v5  }
0xf4: {  	vm4 =	vne.s32 v7, $0xFFFFFFFF  }
0xf5: {  	(xrf2) =	vadd.seg.scan.f32 vm4, v5;
	_ =	sdelay $0x3  }
0xf6: {  	s28 =	sadd.s32 $0x5EC0, s30;
	v5 =	vperm.xlane v4, v1  }
0xf7: {  	v6 =	vld [tilespmem:s28+$0x0]  }
0xf8: {  	vm5 =	veq.s32 v7, v3;
	vm6 =	veq.s32 v7, v5  }
0xf9: {  	vm7 =	vgt.u32 v7, $0xFFFFFFFD;
	vm6 =	vmor vm6, vm5  }
0xfa: {  	vm6 =	vmor vm6, vm7  }
0xfb: {  	v9 =	vld [tilespmem:$0xA0];
	v7 =	vsel vm6, $0xFFFFFFFF, v7  }
0xfc: {  	v10 =	vld [tilespmem:$0x90];
	v6 =	vsel vm5, $0x0, v6;
	v8, _, _ =	vpop (xrf2)  }
0xfd: {  	v6 =	vadd.f32 v8, v6  }
0xfe: {  	s29 =	sadd.s32 $0xDBC0, s30  }
0xff: {  	vm4 =	vmand vm4, vm3;
	[tilespmem:s29+$0x0] =	vst v6;
	(ifvalue) =	ssetifvalue $0xFFFFFFFF  }
0x100: {  	vm6 =	veq.s32 v9, $0x1;
	[hbm4b:s1+s14] =	stream.indirect_vreg.scatter [tilespmem:s29], [sflag:$0x2], $0x1, v7, vm0, $0x4038;
	v7 =	vsel vm4, $0x0, v8;
	[tilespmem:$0x11A60] =	vst v63  }
0x101: {  	s30 =	simm.s32 $0x0;
	s31 =	sadd.s32 $0x10, s31;
	vm4 =	vmor vm6, vm5;
	v6 =	vsel vm5, v8, v10;
	v7 =	vshift.insert v7, v0, s18  }
.LBB3_8:
0x102: {  	v8 =	vld [tilespmem:s31+$0x0];
	s26 =	sadd.s32 $0x10, s26  }
0x103: {  	s28 =	sadd.s32 $0x10, s28;
	v9 =	vld [tilespmem:s26+$0x0]  }
0x104: {  	s30 =	sadd.s32 $0x10, s30;
	v10 =	vld [tilespmem:s28+$0x0]  }
0x105: {  	p2 =	slt.u32 s30, $0x1F30;
	_ =	sdelay $0x2  }
0x106: {  	v7 =	vadd.f32 v9, v7  }
0x107: {  	vm5 =	vne.s32 v8, $0xFFFFFFFF  }
0x108: {  	vm6 =	vmand vm5, vm3;
	(xrf2) =	vadd.seg.scan.f32 vm5, v7;
	_ =	sdelay $0x5  }
0x109: {  	vm7 =	veq.s32 v8, v5;
	vm5 =	veq.s32 v8, v3  }
0x10a: {  	vm8 =	vgt.u32 v8, $0xFFFFFFFD;
	vm4 =	vmor vm4, vm5;
	vm7 =	vmor vm7, vm5  }
0x10b: {  	vm7 =	vmor vm7, vm8  }
0x10c: {  	v8 =	vsel vm7, $0xFFFFFFFF, v8  }
.Ltmp12:
0x10d: {  	v7 =	vsel vm5, $0x0, v10;
	v9, _, _ =	vpop (xrf2);
	(pc) =	sbr.rel @p2 .LBB3_8-.Ltmp12, $4  }
0x10e: {  	v6 =	vsel vm5, v9, v6;
	v10 =	vadd.f32 v9, v7;
	v7 =	vsel vm6, $0x0, v9  }
0x10f: {  	s29 =	sadd.s32 $0x10, s29;
	v7 =	vshift.insert v7, v0, s18  }
0x110: {  	s31 =	sadd.s32 $0x10, s31;
	[tilespmem:s29+$0x0] =	vst v10;
	(ifvalue) =	ssetifvalue $0xFFFFFFFF  }
0x111: {  	[hbm4b:s1+s14] =	stream.indirect_vreg.scatter [tilespmem:s29], [sflag:$0x2], $0x1, v8, vm0, $0x4038;
	[tilespmem:$0x11A60] =	vst v63  }
0x112: {  	v3 =	vld [tilespmem:s25+$0xFAF0];
	_ =	sdelay $0x4  }
0x113: {  	v3 =	vshift.insert v3, v0, s18;
	_ =	sdelay $0x1  }
0x114: {  	[tilespmem:s19+$0x0] =	vst.msk $0x1, v3  }
0x115: {  	v3 =	vsel vm4, $0x1, v1;
	[tilespmem:$0x90] =	vst v6  }
0x116: {  	s25 =	sadd.s32 @!p1 $0xFAFF, s25;
	[tilespmem:$0xA0] =	vst v3  }
0x117: {  	[spmem:s12] =	stream.linear.scatter @!p1 [tilespmem:s25], [sflag:$0x1], $0x1, $0x38;
	[tilespmem:$0x11A60] =	vst v63  }
0x118: {  	s25 =	simm.s32 @!p1 $0x1  }
0x119: {  	v3 =	vmctz.xlane @!p1 vm4;
	_ =	swait.ge @!p1 [sflag:s25], $0x1  }
0x11a: {  	(v2sf) =	vpush @!p1 v4, $0x0  }
0x11b: {  	(v2sf) =	vpush @!p1 v3, $0x0;
	_ =	sdelay $0xd  }
0x11c: {  	s26 =	spop @!p1 (v2sf)  }
0x11d: {  	s28 =	spop @!p1 (v2sf)  }
0x11e: {  	p2 =	sne.s32 @!p1 s24, s26;
	p3 =	slt.s32 @!p1 s28, $0xF  }
0x11f: {  	[sflag:s25] =	ssyncset.done @!p1 $0x0;
	p2 =	por p2, p1;
	p3 =	por !p3, p1  }
0x120: {  	[sflag:s25] =	ssyncadd.s32 @!p1 $0xFFFFFFFF;
	v3 =	vimm.s32 @!p2 $0xFFFFFFFF;
	s28 =	simm.s32 @p3 $0xF  }
0x121: {  	[tilespmem:$0x80] =	vst @!p2 v3;
	s24 =	sadd.s32 @!p1 $0x90, s28  }
0x122: {  	[spmem:s10] =	stream.linear.scatter @!p1 [tilespmem:s24], [sflag:$0x1], $0x1, $0x38;
	[tilespmem:$0x11A60] =	vst v63  }
0x123: {  	_ =	swait.ge @!p1 [sflag:s25], $0x1  }
0x124: {  	[sflag:s25] =	ssyncset.done @!p1 $0x0  }
0x125: {  	s24 =	simm.s32 @!p1 $0x80;
	[sflag:s25] =	ssyncadd.s32 @!p1 $0xFFFFFFFF  }
0x126: {  	[spmem:s13] =	stream.linear.scatter @!p1 [tilespmem:s24], [sflag:$0x1], $0x1, $0x38;
	[tilespmem:$0x11A60] =	vst v63  }
0x127: {  	_ =	swait.ge @!p1 [sflag:s25], $0x1  }
0x128: {  	[sflag:s25] =	ssyncset.done @!p1 $0x0  }
0x129: {  	[sflag:s25] =	ssyncadd.s32 @!p1 $0xFFFFFFFF;
	(ifvalue) =	ssetifvalue $0xFFFFFFFF;
	v3 =	vld [tilespmem:s22+$0x10];
	_ =	sdelay $0x3  }
.Ltmp13:
0x12a: {  	_ = 	snop;
	(pc) =	sbr.rel .LBB3_10-.Ltmp13, $3  }
0x12b: {  	_ =	sdelay $0x1  }
0x12c: {  	(ifvalue) =	ssetifvalue $0xFFFFFFFF  }
0x12d: {  	[hbm4b:s1+s14] =	stream.indirect_vreg.scatter [tilespmem:s23], [sflag:$0x9], $0x1, v3, vm0, $0x4038;
	[tilespmem:$0x11A60] =	vst v63  }
.LBB3_11:
0x12e: {  	_ =	sfence.sel $0x180000  }
0x12f: {  	s2 =	simm.s32 $0x7;
	[bflag:$0x0] =	sbarrier.arrive $0xFFFF  }
0x130: {  	s26 =	simm.s32 $0x8;
	[sflag:s2] =	ssyncpa.u1 $0x1  }
0x131: {  	s28 =	simm.s32 $0x9;
	[sflag:s26] =	ssyncpa.u1 $0x1  }
0x132: {  	[sflag:s28] =	ssyncpa.u1 $0x1  }
0x133: {  	_ =	sfence.stream.spmem  }
0x134: {  	s29 =	simm.s32 $0x3;
	[bflag:$0x0] =	sbarrier.arrive $0xFFFF  }
0x135: {  	s30 =	simm.s32 $0x4;
	[sflag:s29] =	ssyncpa.u1 $0x1  }
0x136: {  	s31 =	simm.s32 $0x3C;
	[sflag:s30] =	ssyncpa.u1 $0x1  }
0x137: {  	p0 =	sne.s32 s3, $0x0;
	[sflag:s31] =	ssyncpa.u1 $0x1  }
0x138: {  	s0 =	simm.s32 @p0 $0x1;
	_ =	sfence @p0  }
0x139: {  	[sflag:s0] =	ssyncpa.u1 @p0 $0x1;
	s0 =	simm.s32 @p0 $0x2  }
0x13a: {  	[sflag:s0] =	ssyncpa.u1 @p0 $0x1  }
0x13b: {  	_ =	strace @p0 $0x9000004A  }
0x13c: {  	[bflag:$0x2] =	sbarrier.arrive @p0 $0xFFFF  }
0x13d: {  	_ =	shalt @p0  }
.LBB3_12:
0x13e: {  	_ =	sfence.stream.spmem;
	s4 =	simm.s32 $0x5  }
0x13f: {  	s2 =	simm.s32 $0x80;
	s3 =	simm.s32 $0xC0;
	[sflag:s4] =	ssyncpa.u1 $0x0  }
0x140: {  	[tilespmem:s3], [sflag:$0x5] =	stream.linear.gather [spmem:s2], $0x20, $0x38;
	[tilespmem:$0x11A60] =	vst v63  }
0x141: {  	s2 =	simm.s32 $0x0;
	s3 =	simm.s32 $0xE0  }
0x142: {  	[tilespmem:s3], [sflag:$0x5] =	stream.linear.gather [spmem:s2], $0x20, $0x38;
	[tilespmem:$0x11A60] =	vst v63  }
.Ltmp14:
0x143: {  	_ = 	snop;
	(pc) =	sbr.rel .LBB3_13-.Ltmp14, $4  }
0x144: {  	_ =	swait.ge [sflag:s4], $0x40  }
0x145: {  	[sflag:s4] =	ssyncset.done $0x0  }
0x146: {  	s31 =	simm.s32 $0x6;
	[sflag:s4] =	ssyncadd.s32 $0xFFFFFFC0  }
0x147: {  	s4 =	simm.s32 $0x0;
	[sflag:s31] =	ssyncpa.u1 $0x0  }
.LBB3_18:
0x148: {  	p0 =	sgt.u32 s5, $0x187FF  }
0x149: {  	s6 =	sshrl.u32 @!p0 s5, $0x3  }
0x14a: {  	s5 =	sand.u32 @!p0 $0x7, s5;
	s7 =	simm.s32 @!p0 $0xB0;
	s6 =	sadd.s32 @!p0 s1, s6  }
0x14b: {  	[tilespmem:s7], [sflag:$0x6] =	stream.linear.gather @!p0 [hbm4b:s6+s5], $0x1, $0x38;
	[tilespmem:$0x11A60] =	vst v63  }
0x14c: {  	s5 =	simm.s32 @!p0 $0x6  }
0x14d: {  	_ =	swait.ge @!p0 [sflag:s5], $0x1  }
0x14e: {  	[sflag:s5] =	ssyncset.done @!p0 $0x0  }
0x14f: {  	[sflag:s5] =	ssyncadd.s32 @!p0 $0xFFFFFFFF  }
0x150: {  	v2 =	vmov @!p0 s4;
	v1 =	vld.msk @!p0 [tilespmem:$0xB0], $0x1;
	_ =	sdelay $0x3  }
0x151: {  	s5 =	simm.s32 @!p0 $0xE0  }
0x152: {  	[tilespmem:v2+s5+$0x0], v1 =	vst.idx.ret.add.f32.msk @!p0 $0x1, v1  }
0x153: {  	[tilespmem:s2+$0xC0] =	vst.msk $0x1, v0  }
0x154: {  	v0 =	vld.msk [tilespmem:s4+$0xE0], $0x1;
	_ =	sdelay $0x4  }
0x155: {  	[tilespmem:s2+$0xE0] =	vst.msk $0x1, v0;
	s2 =	sadd.s32 $0x1, s2  }
.LBB3_20:
0x156: {  	s4 =	sadd.s32 $0x1, s4  }
0x157: {  	p0 =	sne.s32 s4, $0x20  }
.Ltmp15:
0x158: {  	_ = 	snop;
	(pc) =	sbr.rel @!p0 .LBB3_21-.Ltmp15, $1  }
0x159: {  	_ =	sdelay $0x3  }
.LBB3_13:
0x15a: {  	v0 =	vld.msk [tilespmem:s4+$0xC0], $0x1;
	_ =	sdelay $0x4  }
0x15b: {  	(v2sf) =	vpush v0, $0x0;
	_ =	sdelay $0xe  }
0x15c: {  	s5 =	spop (v2sf)  }
0x15d: {  	p0 =	seq.s32 s5, $0xFFFFFFFF  }
.Ltmp16:
0x15e: {  	_ = 	snop;
	(pc) =	sbr.rel @p0 .LBB3_20-.Ltmp16, $1  }
0x15f: {  	_ =	sdelay $0x3  }
0x160: {  	p0 =	slt.s32 s2, $0x1  }
.Ltmp17:
0x161: {  	_ = 	snop;
	(pc) =	sbr.rel @p0 .LBB3_18-.Ltmp17, $1  }
0x162: {  	_ =	sdelay $0x3  }
0x163: {  	s6 =	simm.s32 $0xC0;
	p0 =	por $0x0, $0x0  }
0x164: {  	v1 =	vld.msk @!p0 [tilespmem:s6+$0x0], $0x1;
	_ =	sdelay $0x4  }
0x165: {  	(v2sf) =	vpush @!p0 v1, $0x0;
	_ =	sdelay $0xd  }
0x166: {  	p2 =	sne.s32 s2, $0x1  }
.Ltmp18:
0x167: {  	s7 =	spop @!p0 (v2sf);
	(pc) =	sbr.rel @!p2 .LBB3_17-.Ltmp18, $4  }
0x168: {  	p1 =	seq.s32 @!p0 s5, s7  }
0x169: {  	s7 =	simm.s32 $0x0;
	p1 =	por !p1, p0  }
0x16a: {  	s9 =	simm.s32 $0xFFFFFFFF;
	s7 =	simm.s32 @p1 $0xFFFFFFFF  }
0x16b: {  	s8 =	simm.s32 $0x1;
	s7 =	smov.u32 @p0 s9  }
.LBB3_16:
0x16c: {  	s9 =	smov.u32 s7;
	p0 =	sne.s32 s7, $0xFFFFFFFF  }
0x16d: {  	s6 =	sadd.s32 $0x1, s6;
	s7 =	smov.u32 s8;
	s8 =	sadd.s32 $0x1, s8  }
0x16e: {  	p1 =	sne.s32 s2, s8;
	v1 =	vld.msk @!p0 [tilespmem:s6+$0x0], $0x1;
	_ =	sdelay $0x4  }
0x16f: {  	(v2sf) =	vpush @!p0 v1, $0x0;
	_ =	sdelay $0xe  }
.Ltmp19:
0x170: {  	s10 =	spop @!p0 (v2sf);
	(pc) =	sbr.rel @p1 .LBB3_16-.Ltmp19, $4  }
0x171: {  	p2 =	seq.s32 @!p0 s5, s10  }
0x172: {  	p2 =	por !p2, p0  }
0x173: {  	s7 =	simm.s32 @p2 $0xFFFFFFFF  }
0x174: {  	s7 =	smov.u32 @p0 s9  }
.LBB3_17:
0x175: {  	p0 =	sne.s32 s7, $0xFFFFFFFF  }
.Ltmp20:
0x176: {  	_ = 	snop;
	(pc) =	sbr.rel @!p0 .LBB3_18-.Ltmp20, $1  }
0x177: {  	_ =	sdelay $0x3  }
0x178: {  	v0 =	vld.msk [tilespmem:s4+$0xE0], $0x1;
	v1 =	vmov s7  }
.Ltmp21:
0x179: {  	_ = 	snop;
	(pc) =	sbr.rel .LBB3_20-.Ltmp21, $2  }
0x17a: {  	_ =	sdelay $0x2  }
0x17b: {  	[tilespmem:v1+s3+$0x0], v0 =	vst.idx.ret.add.f32.msk $0x1, v0  }
.LBB3_21:
0x17c: {  	p0 =	slt.s32 s2, $0x1  }
.Ltmp22:
0x17d: {  	_ = 	snop;
	(pc) =	sbr.rel @p0 .LBB3_25-.Ltmp22, $3  }
0x17e: {  	_ =	sdelay $0x1  }
0x17f: {  	s3 =	simm.s32 $0x6  }
0x180: {  	[sflag:s3] =	ssyncpa.u1 $0x1;
	s3 =	simm.s32 $0x0  }
0x181: {  	s4 =	simm.s32 $0xC0  }
0x182: {  	v0 =	vld.msk [tilespmem:s4+$0x0], $0x1;
	_ =	sdelay $0x4  }
0x183: {  	(v2sf) =	vpush v0, $0x0;
	_ =	sdelay $0xe  }
0x184: {  	s2 =	sadd.s32 $0xFFFFFFFF, s2;
	s5 =	spop (v2sf)  }
0x185: {  	p1 =	sne.s32 s2, $0x0;
	p0 =	sgt.u32 s5, $0x187FF  }
.Ltmp23:
0x186: {  	s6 =	sshrl.u32 @!p0 s5, $0x3;
	(pc) =	sbr.rel @!p1 .LBB3_24-.Ltmp23, $4  }
0x187: {  	s4 =	simm.s32 $0xE0;
	s5 =	sand.u32 @!p0 $0x7, s5;
	s6 =	sadd.s32 @!p0 s1, s6  }
0x188: {  	[hbm4b:s6+s5] =	stream.linear.scatter @!p0 [tilespmem:s4], [sflag:$0x5], $0x1, $0x38;
	[tilespmem:$0x11A60] =	vst v63  }
0x189: {  	s6 =	simm.s32 $0x0  }
0x18a: {  	s5 =	simm.s32 $0xC1;
	s6 =	simm.s32 @!p0 $0x4  }
.LBB3_23:
0x18b: {  	v0 =	vld.msk [tilespmem:s5+$0x0], $0x1;
	s2 =	sadd.s32 $0xFFFFFFFF, s2;
	s3 =	sadd.s32 s3, s6  }
0x18c: {  	p0 =	sne.s32 s2, $0x0;
	_ =	sdelay $0x3  }
0x18d: {  	(v2sf) =	vpush v0, $0x0;
	_ =	sdelay $0xe  }
.Ltmp24:
0x18e: {  	s7 =	spop (v2sf);
	(pc) =	sbr.rel @p0 .LBB3_23-.Ltmp24, $4  }
0x18f: {  	s6 =	simm.s32 $0x0;
	p1 =	sgt.u32 s7, $0x187FF  }
0x190: {  	s4 =	sadd.s32 $0x1, s4;
	s6 =	simm.s32 @!p1 $0x4;
	s8 =	sshrl.u32 @!p1 s7, $0x3  }
0x191: {  	s5 =	sadd.s32 $0x1, s5;
	s7 =	sand.u32 @!p1 $0x7, s7;
	s8 =	sadd.s32 @!p1 s1, s8  }
0x192: {  	[hbm4b:s8+s7] =	stream.linear.scatter @!p1 [tilespmem:s4], [sflag:$0x5], $0x1, $0x38;
	[tilespmem:$0x11A60] =	vst v63  }
.LBB3_24:
0x193: {  	s1 =	sadd.s32 s3, s6  }
0x194: {  	s3 =	sshrl.u32 s1, $0x2  }
.LBB3_25:
0x195: {  	s1 =	simm.s32 $0x5  }
0x196: {  	_ =	swait.ge [sflag:s1], s3  }
0x197: {  	s2 =	ssub.s32 $0x0, s3;
	[sflag:s1] =	ssyncset.done $0x0  }
0x198: {  	[sflag:s1] =	ssyncadd.s32 s2  }
0x199: {  	[sflag:s1] =	ssyncpa.u1 $0x1  }
0x19a: {  	s30 =	simm.s32 $0x1;
	_ =	sfence  }
0x19b: {  	s31 =	simm.s32 $0x2;
	[sflag:s30] =	ssyncpa.u1 $0x1  }
0x19c: {  	[sflag:s31] =	ssyncpa.u1 $0x1  }
0x19d: {  	_ =	strace $0x9000004A  }
0x19e: {  	s0 =	sadd.s32 $0x100000, s0;
	[bflag:$0x2] =	sbarrier.arrive $0xFFFF  }
0x19f: {  	[sflag:s0] =	ssyncadd.tile.s32 $0x1;
	_ =	shalt  }
.Lfunc_end3:
_tile_overlayer_lowered:
.L_overlay_start_3:
0x1a0: {  	(tag) =	ssettag $0x3  }
0x1a1: {  	s0 =	rddreg [dreg:$0x0];
	s2 =	stileid.u32  }
0x1a2: {  	s1 =	rddreg [dreg:$0x1];
	p0 =	sne.s32 s2, $0x0  }
0x1a3: {  	s3 =	rddreg [dreg:$0x2];
	[bflag:$0x3] =	sbarrier.arrive $0xFFFF;
	s2 =	simm.s32 @!p0 $0x1C01  }
0x1a4: {  	[timem:s3], [sflag:s2] =	dma.local @!p0 [hbm:s0], s1  }
0x1a5: {  	s0 =	simm.s32 @!p0 $0x1  }
0x1a6: {  	_ =	swait.ge @!p0 [sflag:s0], s1  }
0x1a7: {  	s1 =	ssub.s32 @!p0 $0x0, s1;
	[sflag:s0] =	ssyncset.done @!p0 $0x0  }
0x1a8: {  	[sflag:s0] =	ssyncadd.s32 @!p0 s1  }
0x1a9: {  	[bflag:$0x3] =	sbarrier.arrive $0xFFFF  }
0x1aa: {  	_ =	shalt  }

</sc_bundles>
